<compile_context>
chip_gen: v7x
topology: tpu7x:2x2x1
jax: 0.10.2.dev20260603
libtpu: 0.0.44.dev20260713+nightly
codegen_flags: <defaults>
</compile_context>

<pallas_src>
import functools

import jax
import jax.numpy as jnp
from jax import lax
from jax.experimental import pallas as pl
from jax.experimental.pallas import tpu as pltpu
from jax.experimental.pallas import tpu_sc as plsc

N = 10000
E = 320000
NP = 10240
CHUNK = 80
NW = 32
EW = 125
EPAD = NW * EW * CHUNK
STRIPE = NP // 16


D = 128


@functools.lru_cache(maxsize=None)
def _make_agg(with_deg):
    mesh = plsc.VectorSubcoreMesh(
        core_axis_name="c", subcore_axis_name="s", num_cores=2, num_subcores=16)

    ntab = 1
    out_type = [jax.ShapeDtypeStruct((2, NP, D), jnp.float32)
                for _ in range(ntab)]
    scratch = [
        pltpu.VMEM((EW, CHUNK), jnp.int32),
        pltpu.VMEM((CHUNK, D), jnp.float32),
        pltpu.VMEM((CHUNK, D), jnp.float32),
        pltpu.VMEM((CHUNK,), jnp.int32),
        pltpu.VMEM((CHUNK,), jnp.int32),
        pltpu.VMEM((CHUNK,), jnp.int32),
        pltpu.VMEM((CHUNK,), jnp.int32),
        pltpu.VMEM_SHARED((NP, D), jnp.float32),
        pltpu.SemaphoreType.DMA,
        pltpu.SemaphoreType.DMA,
        pltpu.SemaphoreType.DMA,
        pltpu.SemaphoreType.DMA,
    ]
    if with_deg:
        out_type.append(jax.ShapeDtypeStruct((NW, NP), jnp.float32))
        scratch.append(pltpu.VMEM((NP,), jnp.float32))

    def body(tables, outs, deg_out, idx_v, buf0, buf1, src0, src1,
             dst0, dst1, acc, gsem0, gsem1, ssem0, ssem1, degtab):
        c = lax.axis_index("c")
        s = lax.axis_index("s")
        wid = c * 16 + s
        packed = tables[-1]
        tables = tables[:-1]

        zero = jnp.zeros((16,), jnp.float32)

        def zrow(i, carry):
            for k in range(D // 16):
                buf0[i, k * 16:(k + 1) * 16] = zero
            return carry

        lax.fori_loop(0, CHUNK, zrow, 0)

        pltpu.sync_copy(packed.at[wid], idx_v)

        if with_deg:
            def dzero(i, carry):
                degtab[pl.ds(i * 16, 16)] = zero
                return carry

            lax.fori_loop(0, NP // 16, dzero, 0)

        ones16 = jnp.ones((16,), jnp.float32)
        mask16 = jnp.int32(0xFFFF)

        def run_pass(table, out, fold_deg):
            def prep(j, srow, drow):
                for k in range(CHUNK // 16):
                    v = idx_v[j, k * 16:(k + 1) * 16]
                    dvec = lax.shift_right_logical(v, 16)
                    srow[k * 16:(k + 1) * 16] = v & mask16
                    drow[k * 16:(k + 1) * 16] = dvec
                    if fold_deg:
                        plsc.addupdate_scatter(degtab, [dvec], ones16)

            def gather(buf, srow, gsem):
                pltpu.async_copy(table.at[srow], buf, gsem)

            def gwait(buf, gsem):
                pltpu.make_async_copy(table.at[src0], buf, gsem).wait()

            def scatter(buf, drow, ssem):
                pltpu.async_copy(buf, acc.at[drow], ssem, add=True)

            def swait(buf, ssem):
                pltpu.make_async_copy(buf, acc.at[dst0], ssem).wait()

            prep(0, src0, dst0)
            gather(buf0, src0, gsem0)
            gwait(buf0, gsem0)
            scatter(buf0, dst0, ssem0)
            prep(1, src1, dst1)
            gather(buf1, src1, gsem1)

            def pair(jj, carry):
                jo = 2 * jj + 1
                gwait(buf1, gsem1)
                scatter(buf1, dst1, ssem1)
                swait(buf0, ssem0)
                prep(jo + 1, src0, dst0)
                gather(buf0, src0, gsem0)
                gwait(buf0, gsem0)
                scatter(buf0, dst0, ssem0)
                swait(buf1, ssem1)
                prep(jo + 2, src1, dst1)
                gather(buf1, src1, gsem1)
                return carry

            if EW % 2 == 0:
                lax.fori_loop(0, (EW - 2) // 2, pair, 0)
                gwait(buf1, gsem1)
                scatter(buf1, dst1, ssem1)
                swait(buf0, ssem0)
                swait(buf1, ssem1)
            else:
                lax.fori_loop(0, (EW - 3) // 2, pair, 0)
                gwait(buf1, gsem1)
                scatter(buf1, dst1, ssem1)
                swait(buf0, ssem0)
                prep(EW - 1, src0, dst0)
                gather(buf0, src0, gsem0)
                gwait(buf0, gsem0)
                scatter(buf0, dst0, ssem0)
                swait(buf1, ssem1)
                swait(buf0, ssem0)
            plsc.subcore_barrier()

            for t in range(STRIPE // CHUNK):
                sl = pl.ds(s * STRIPE + t * CHUNK, CHUNK)
                pltpu.sync_copy(acc.at[sl], out.at[c, sl])

        for p, (table, out) in enumerate(zip(tables, outs)):
            if p > 0:
                lax.fori_loop(0, CHUNK, zrow, 0)
            for t in range(STRIPE // CHUNK):
                pltpu.sync_copy(
                    buf0, acc.at[pl.ds(s * STRIPE + t * CHUNK, CHUNK)])
            plsc.subcore_barrier()
            run_pass(table, out, with_deg and p == 0)

        if with_deg:
            pltpu.sync_copy(degtab, deg_out.at[wid])

    if with_deg:
        def agg_body(table, packed, out, deg_out, idx_v, buf0, buf1, src0,
                     src1, dst0, dst1, acc, gsem0, gsem1, ssem0, ssem1,
                     degtab):
            body((table, packed), (out,), deg_out, idx_v, buf0, buf1, src0,
                 src1, dst0, dst1, acc, gsem0, gsem1, ssem0, ssem1, degtab)
    else:
        def agg_body(table, packed, out, idx_v, buf0, buf1,
                     src0, src1, dst0, dst1, acc, gsem0, gsem1, ssem0,
                     ssem1):
            body((table, packed), (out,), None, idx_v, buf0,
                 buf1, src0, src1, dst0, dst1, acc, gsem0, gsem1, ssem0,
                 ssem1, None)

    return functools.partial(
        pl.kernel, mesh=mesh, out_type=out_type, scratch_types=scratch,
        compiler_params=pltpu.CompilerParams(needs_layout_passes=False),
    )(agg_body)


def _mlp1_body(x_ref, agg_ref, degp_ref, wa, ba, wb, bb, wc, bc,
               ha_ref, hb_ref, inv_ref):
    deg = lax.dot_general(degp_ref[...], jnp.ones((NW, 1), jnp.float32),
                          (((0,), (0,)), ((), ())),
                          preferred_element_type=jnp.float32)
    inv = 1.0 / jnp.maximum(deg, 1.0)
    agg = agg_ref[0] + agg_ref[1]
    z = x_ref[...] + agg * inv
    z = jax.nn.relu(jnp.dot(z, wa[...], preferred_element_type=jnp.float32) + ba[...])
    z = jax.nn.relu(jnp.dot(z, wb[...], preferred_element_type=jnp.float32) + bb[...])
    h = jax.nn.relu(jnp.dot(z, wc[...], preferred_element_type=jnp.float32) + bc[...])
    ha_ref[...] = h[:, :128]
    hb_ref[...] = h[:, 128:]
    inv_ref[...] = jnp.broadcast_to(inv, (128, 8))


def _mlp1(x_pad, agg1, degp, wa, ba, wb, bb, wc, bc):
    full = lambda shape: pl.BlockSpec(shape, lambda i: (0,) * len(shape))
    return pl.pallas_call(
        _mlp1_body,
        grid=(NP // 128,),
        in_specs=[
            pl.BlockSpec((128, 128), lambda i: (i, 0)),
            pl.BlockSpec((2, 128, 128), lambda i: (0, i, 0)),
            pl.BlockSpec((NW, 128), lambda i: (0, i)),
            full((128, 128)), full((1, 128)),
            full((128, 256)), full((1, 256)),
            full((256, 256)), full((1, 256)),
        ],
        out_specs=[
            pl.BlockSpec((128, 128), lambda i: (i, 0)),
            pl.BlockSpec((128, 128), lambda i: (i, 0)),
            pl.BlockSpec((128, 8), lambda i: (i, 0)),
        ],
        out_shape=[
            jax.ShapeDtypeStruct((NP, 128), jnp.float32),
            jax.ShapeDtypeStruct((NP, 128), jnp.float32),
            jax.ShapeDtypeStruct((NP, 8), jnp.float32),
        ],
    )(x_pad, agg1, degp, wa, ba, wb, bb, wc, bc)


def _mlp2_body(ha_ref, hb_ref, aggA_ref, aggB_ref, inv_ref,
               wa, ba, wb, bb, wc, bc, wo, bo, out_ref):
    inv = inv_ref[...][:, 0:1]
    ma = (aggA_ref[0] + aggA_ref[1]) * inv
    mb = (aggB_ref[0] + aggB_ref[1]) * inv
    z = jnp.concatenate([ha_ref[...] + ma, hb_ref[...] + mb], axis=1)
    z = jax.nn.relu(jnp.dot(z, wa[...], preferred_element_type=jnp.float32) + ba[...])
    z = jax.nn.relu(jnp.dot(z, wb[...], preferred_element_type=jnp.float32) + bb[...])
    z = jnp.dot(z, wc[...], preferred_element_type=jnp.float32) + bc[...]
    h2 = jax.nn.relu(z)
    out_ref[...] = jnp.dot(h2, wo[...], preferred_element_type=jnp.float32) + bo[...]


def _mlp2(ha, hb, aggA, aggB, invd, wa, ba, wb, bb, wc, bc, wo, bo):
    full = lambda shape: pl.BlockSpec(shape, lambda i: (0,) * len(shape))
    return pl.pallas_call(
        _mlp2_body,
        grid=(NP // 128,),
        in_specs=[
            pl.BlockSpec((128, 128), lambda i: (i, 0)),
            pl.BlockSpec((128, 128), lambda i: (i, 0)),
            pl.BlockSpec((2, 128, 128), lambda i: (0, i, 0)),
            pl.BlockSpec((2, 128, 128), lambda i: (0, i, 0)),
            pl.BlockSpec((128, 8), lambda i: (i, 0)),
            full((256, 256)), full((1, 256)),
            full((256, 256)), full((1, 256)),
            full((256, 256)), full((1, 256)),
            full((256, 64)), full((1, 64)),
        ],
        out_specs=pl.BlockSpec((128, 64), lambda i: (i, 0)),
        out_shape=jax.ShapeDtypeStruct((NP, 64), jnp.float32),
    )(ha, hb, aggA, aggB, invd, wa, ba, wb, bb, wc, bc, wo, bo)


def kernel(x, edge_index, W1a, b1a, W1b, b1b, W1c, b1c,
           W2a, b2a, W2b, b2b, W2c, b2c, Wo, bo):
    src = edge_index[0]
    dst = edge_index[1]
    pad = jnp.full((EPAD - E,), N, jnp.int32)
    packed = (jnp.concatenate([src, pad])
              | (jnp.concatenate([dst, pad]) << 16)).reshape(NW, EW, CHUNK)

    x_pad = jnp.pad(x, ((0, NP - N), (0, 0)))

    agg1, degp = _make_agg(True)(x_pad, packed)
    ha, hb, invd = _mlp1(
        x_pad, agg1, degp,
        W1a, b1a.reshape(1, -1), W1b, b1b.reshape(1, -1), W1c, b1c.reshape(1, -1))

    aggA, = _make_agg(False)(ha, packed)
    aggB, = _make_agg(False)(hb, packed)
    out = _mlp2(
        ha, hb, aggA, aggB, invd,
        W2a, b2a.reshape(1, -1), W2b, b2b.reshape(1, -1),
        W2c, b2c.reshape(1, -1), Wo, bo.reshape(1, -1))
    return out[:N]

# --- scband reference (transcript-rebuilt; emitter-appended) ---
"""Pipeline reference for scband-ginnet-72507637891555 (READ-ONLY COPY).

The authoritative reference and input builder live on the scoring server;
editing this copy changes nothing except your own understanding.
"""

import jax, jax.numpy as jnp
import numpy as np

N = 10000
E = 320000
DIN = 128
H = 128
H2 = 256
DOUT = 64


def setup_inputs(seed: int = 0) -> dict:
    key = jax.random.key(seed)
    ks = jax.random.split(key, 20)
    x = jax.random.normal(ks[0], (N, DIN), dtype=jnp.float32)
    edge_index = jax.random.randint(ks[1], (2, E), 0, N, dtype=jnp.int32)
    def lin(k, fan_in, fan_out):
        kw, kb = jax.random.split(k)
        s = 1.0 / np.sqrt(fan_in)
        W = jax.random.uniform(kw, (fan_in, fan_out), minval=-s, maxval=s, dtype=jnp.float32)
        b = jax.random.uniform(kb, (fan_out,), minval=-s, maxval=s, dtype=jnp.float32)
        return W, b
    W1a, b1a = lin(ks[2], DIN, H)
    W1b, b1b = lin(ks[3], H, H2)
    W1c, b1c = lin(ks[4], H2, H2)
    W2a, b2a = lin(ks[5], H2, H2)
    W2b, b2b = lin(ks[6], H2, H2)
    W2c, b2c = lin(ks[7], H2, H2)
    Wo, bo = lin(ks[8], H2, DOUT)
    return {"x": x, "edge_index": edge_index,
            "W1a": W1a, "b1a": b1a, "W1b": W1b, "b1b": b1b, "W1c": W1c, "b1c": b1c,
            "W2a": W2a, "b2a": b2a, "W2b": W2b, "b2b": b2b, "W2c": W2c, "b2c": b2c,
            "Wo": Wo, "bo": bo}


def reference(x, edge_index, W1a, b1a, W1b, b1b, W1c, b1c, W2a, b2a, W2b, b2b, W2c, b2c, Wo, bo):
    # GINNet with DGL GINConv(aggregator='mean', eps=0): h' = MLP(h + mean_{j in N(i)} h_j)
    # dropout=0.0 -> identity
    src = edge_index[0]
    dst = edge_index[1]
    deg = jax.ops.segment_sum(jnp.ones((E,), dtype=jnp.float32), dst, num_segments=N)
    inv_deg = 1.0 / jnp.maximum(deg, 1.0)

    def gin_conv(h, Wa, ba, Wb, bb, Wc, bc):
        msg = h[src]
        agg = jax.ops.segment_sum(msg, dst, num_segments=N)
        mean = agg * inv_deg[:, None]
        z = h + mean
        z = jax.nn.relu(z @ Wa + ba)
        z = jax.nn.relu(z @ Wb + bb)
        return z @ Wc + bc

    h = gin_conv(x, W1a, b1a, W1b, b1b, W1c, b1c)
    h = jax.nn.relu(h)
    h = gin_conv(h, W2a, b2a, W2b, b2b, W2c, b2c)
    h = jax.nn.relu(h)
    return h @ Wo + bo

if __name__ == "__main__":
    import jax
    _d = setup_inputs()
    print(jax.jit(kernel)(*tuple(_d.values())))

</pallas_src>

<mosaic_0001>
#map = affine_map<(d0, d1) -> (0, 0)>
#map1 = affine_map<(d0, d1) -> (0, 0, 0)>
module attributes {stable_mosaic.version = 14 : i64} {
  func.func @agg_body(%arg0: i32, %arg1: i32, %arg2: memref<10240x128xf32, #tpu.memory_space<hbm>>, %arg3: memref<32x125x80xi32, #tpu.memory_space<hbm>>, %arg4: memref<2x10240x128xf32, #tpu.memory_space<hbm>>, %arg5: memref<32x10240xf32, #tpu.memory_space<hbm>>, %arg6: memref<125x80xi32, #tpu.memory_space<vmem>>, %arg7: memref<80x128xf32, #tpu.memory_space<vmem>>, %arg8: memref<80x128xf32, #tpu.memory_space<vmem>>, %arg9: memref<80xi32, #tpu.memory_space<vmem>>, %arg10: memref<80xi32, #tpu.memory_space<vmem>>, %arg11: memref<80xi32, #tpu.memory_space<vmem>>, %arg12: memref<80xi32, #tpu.memory_space<vmem>>, %arg13: memref<10240x128xf32, #tpu.memory_space<vmem_shared>>, %arg14: memref<!tpu.dma_semaphore, #tpu.memory_space<semaphore_mem>>, %arg15: memref<!tpu.dma_semaphore, #tpu.memory_space<semaphore_mem>>, %arg16: memref<!tpu.dma_semaphore, #tpu.memory_space<semaphore_mem>>, %arg17: memref<!tpu.dma_semaphore, #tpu.memory_space<semaphore_mem>>, %arg18: memref<10240xf32, #tpu.memory_space<vmem>>) attributes {dimension_semantics = [#tpu.dimension_semantics<core_parallel>, #tpu.dimension_semantics<subcore_parallel>], iteration_bounds = array<i64: 2, 16>, scalar_prefetch = 0 : i64, scratch_operands = 13 : i64, tpu.core_type = #tpu.core_type<sc_vector_subcore>, window_params = [{transform_indices = #map}, {transform_indices = #map1}, {transform_indices = #map1}, {transform_indices = #map}]} {
    %mul3A = arith.constant 16 : i32
    %mul3A_0 = arith.muli %arg0, %mul3A : i32
    %add3A = arith.addi %mul3A_0, %arg1 : i32
    %broadcast_in_dim3A = arith.constant 0.000000e+00 : f32
    %broadcast_in_dim3A_1 = vector.broadcast %broadcast_in_dim3A : f32 to vector<16xf32>
    %scan3A = arith.constant 0 : i32
    %scan3A_2 = arith.constant 0 : i32
    %scan3A_3 = arith.constant 80 : i32
    %scan3A_4 = arith.addi %scan3A_2, %scan3A_3 : i32
    %scan3A_5 = arith.constant 1 : i32
    scf.for %scan3A_327 = %scan3A_2 to %scan3A_4 step %scan3A_5  : i32 {
      %swap3A_328 = arith.index_cast %scan3A_327 : i32 to index
      %swap3A_329 = arith.constant 0 : index
      %swap3A_330 = tpu.vector_load %arg7[%swap3A_328, %swap3A_329] {strides = array<i32>} : memref<80x128xf32, #tpu.memory_space<vmem>>, vector<16xf32>,
      tpu.vector_store %arg7[%swap3A_328, %swap3A_329], %broadcast_in_dim3A_1 {strides = array<i32>} : memref<80x128xf32, #tpu.memory_space<vmem>>, vector<16xf32>,
      %swap3A_331 = arith.index_cast %scan3A_327 : i32 to index
      %swap3A_332 = arith.constant 16 : index
      %swap3A_333 = tpu.vector_load %arg7[%swap3A_331, %swap3A_332] {strides = array<i32>} : memref<80x128xf32, #tpu.memory_space<vmem>>, vector<16xf32>,
      tpu.vector_store %arg7[%swap3A_331, %swap3A_332], %broadcast_in_dim3A_1 {strides = array<i32>} : memref<80x128xf32, #tpu.memory_space<vmem>>, vector<16xf32>,
      %swap3A_334 = arith.index_cast %scan3A_327 : i32 to index
      %swap3A_335 = arith.constant 32 : index
      %swap3A_336 = tpu.vector_load %arg7[%swap3A_334, %swap3A_335] {strides = array<i32>} : memref<80x128xf32, #tpu.memory_space<vmem>>, vector<16xf32>,
      tpu.vector_store %arg7[%swap3A_334, %swap3A_335], %broadcast_in_dim3A_1 {strides = array<i32>} : memref<80x128xf32, #tpu.memory_space<vmem>>, vector<16xf32>,
      %swap3A_337 = arith.index_cast %scan3A_327 : i32 to index
      %swap3A_338 = arith.constant 48 : index
      %swap3A_339 = tpu.vector_load %arg7[%swap3A_337, %swap3A_338] {strides = array<i32>} : memref<80x128xf32, #tpu.memory_space<vmem>>, vector<16xf32>,
      tpu.vector_store %arg7[%swap3A_337, %swap3A_338], %broadcast_in_dim3A_1 {strides = array<i32>} : memref<80x128xf32, #tpu.memory_space<vmem>>, vector<16xf32>,
      %swap3A_340 = arith.index_cast %scan3A_327 : i32 to index
      %swap3A_341 = arith.constant 64 : index
      %swap3A_342 = tpu.vector_load %arg7[%swap3A_340, %swap3A_341] {strides = array<i32>} : memref<80x128xf32, #tpu.memory_space<vmem>>, vector<16xf32>,
      tpu.vector_store %arg7[%swap3A_340, %swap3A_341], %broadcast_in_dim3A_1 {strides = array<i32>} : memref<80x128xf32, #tpu.memory_space<vmem>>, vector<16xf32>,
      %swap3A_343 = arith.index_cast %scan3A_327 : i32 to index
      %swap3A_344 = arith.constant 80 : index
      %swap3A_345 = tpu.vector_load %arg7[%swap3A_343, %swap3A_344] {strides = array<i32>} : memref<80x128xf32, #tpu.memory_space<vmem>>, vector<16xf32>,
      tpu.vector_store %arg7[%swap3A_343, %swap3A_344], %broadcast_in_dim3A_1 {strides = array<i32>} : memref<80x128xf32, #tpu.memory_space<vmem>>, vector<16xf32>,
      %swap3A_346 = arith.index_cast %scan3A_327 : i32 to index
      %swap3A_347 = arith.constant 96 : index
      %swap3A_348 = tpu.vector_load %arg7[%swap3A_346, %swap3A_347] {strides = array<i32>} : memref<80x128xf32, #tpu.memory_space<vmem>>, vector<16xf32>,
      tpu.vector_store %arg7[%swap3A_346, %swap3A_347], %broadcast_in_dim3A_1 {strides = array<i32>} : memref<80x128xf32, #tpu.memory_space<vmem>>, vector<16xf32>,
      %swap3A_349 = arith.index_cast %scan3A_327 : i32 to index
      %swap3A_350 = arith.constant 112 : index
      %swap3A_351 = tpu.vector_load %arg7[%swap3A_349, %swap3A_350] {strides = array<i32>} : memref<80x128xf32, #tpu.memory_space<vmem>>, vector<16xf32>,
      tpu.vector_store %arg7[%swap3A_349, %swap3A_350], %broadcast_in_dim3A_1 {strides = array<i32>} : memref<80x128xf32, #tpu.memory_space<vmem>>, vector<16xf32>,
    }
    %scan3A_6 = arith.constant 80 : i32
    "tpu.region"() ({
      %run_scoped3A = tpu.sem_alloc : memref<!tpu.dma_semaphore, #tpu.memory_space<semaphore_mem>>
      %dma_start3A_327 = arith.constant 0 : i32
      %dma_start3A_328 = arith.constant 0 : i32
      %dma_start3A_329 = tpu.memref_slice %arg3[%add3A, %dma_start3A_327, %dma_start3A_328] : memref<32x125x80xi32, #tpu.memory_space<hbm>> -> memref<1x125x80xi32, #tpu.memory_space<hbm>>
      %dma_start3A_330 = tpu.memref_squeeze %dma_start3A_329 : memref<1x125x80xi32, #tpu.memory_space<hbm>> -> memref<125x80xi32, #tpu.memory_space<hbm>>
      %dma_start3A_331 = arith.constant 0 : i32
      %dma_start3A_332 = arith.constant 0 : i32
      %dma_start3A_333 = tpu.memref_slice %arg3[%add3A, %dma_start3A_331, %dma_start3A_332] : memref<32x125x80xi32, #tpu.memory_space<hbm>> -> memref<1x125x80xi32, #tpu.memory_space<hbm>>
      %dma_start3A_334 = tpu.memref_squeeze %dma_start3A_333 : memref<1x125x80xi32, #tpu.memory_space<hbm>> -> memref<125x80xi32, #tpu.memory_space<hbm>>
      tpu.enqueue_dma source(%dma_start3A_334 : memref<125x80xi32, #tpu.memory_space<hbm>>) target(%arg6 : memref<125x80xi32, #tpu.memory_space<vmem>>) target_semaphore(%run_scoped3A : memref<!tpu.dma_semaphore, #tpu.memory_space<semaphore_mem>>)
      %dma_wait3A_335 = arith.constant 0 : i32
      %dma_wait3A_336 = arith.constant 0 : i32
      %dma_wait3A_337 = tpu.memref_slice %arg3[%add3A, %dma_wait3A_335, %dma_wait3A_336] : memref<32x125x80xi32, #tpu.memory_space<hbm>> -> memref<1x125x80xi32, #tpu.memory_space<hbm>>
      %dma_wait3A_338 = tpu.memref_squeeze %dma_wait3A_337 : memref<1x125x80xi32, #tpu.memory_space<hbm>> -> memref<125x80xi32, #tpu.memory_space<hbm>>
      %dma_wait3A_339 = arith.constant 0 : i32
      %dma_wait3A_340 = arith.constant 0 : i32
      %dma_wait3A_341 = tpu.memref_slice %arg3[%add3A, %dma_wait3A_339, %dma_wait3A_340] : memref<32x125x80xi32, #tpu.memory_space<hbm>> -> memref<1x125x80xi32, #tpu.memory_space<hbm>>
      %dma_wait3A_342 = tpu.memref_squeeze %dma_wait3A_341 : memref<1x125x80xi32, #tpu.memory_space<hbm>> -> memref<125x80xi32, #tpu.memory_space<hbm>>
      tpu.wait_dma2 semaphore(%run_scoped3A : memref<!tpu.dma_semaphore, #tpu.memory_space<semaphore_mem>>) src(%dma_wait3A_342 : memref<125x80xi32, #tpu.memory_space<hbm>>) dst(%arg6 : memref<125x80xi32, #tpu.memory_space<vmem>>)
      tpu.yield
    }) : () -> ()
    %scan3A_7 = arith.constant 0 : i32
    %scan3A_8 = arith.constant 0 : i32
    %scan3A_9 = arith.constant 640 : i32
    %scan3A_10 = arith.addi %scan3A_8, %scan3A_9 : i32
    %scan3A_11 = arith.constant 1 : i32
    scf.for %scan3A_327 = %scan3A_8 to %scan3A_10 step %scan3A_11  : i32 {
      %mul3A_328 = arith.constant 16 : i32
      %mul3A_329 = arith.muli %scan3A_327, %mul3A_328 : i32
      %swap3A_330 = arith.index_cast %mul3A_329 : i32 to index
      %swap3A_331 = tpu.vector_load %arg18[%swap3A_330] {strides = array<i32>} : memref<10240xf32, #tpu.memory_space<vmem>>, vector<16xf32>,
      tpu.vector_store %arg18[%swap3A_330], %broadcast_in_dim3A_1 {strides = array<i32>} : memref<10240xf32, #tpu.memory_space<vmem>>, vector<16xf32>,
    }
    %scan3A_12 = arith.constant 640 : i32
    %broadcast_in_dim3A_13 = arith.constant 1.000000e+00 : f32
    %broadcast_in_dim3A_14 = vector.broadcast %broadcast_in_dim3A_13 : f32 to vector<16xf32>
    %mul3A_15 = arith.constant 640 : i32
    %mul3A_16 = arith.muli %arg1, %mul3A_15 : i32
    %add3A_17 = arith.constant 0 : i32
    %add3A_18 = arith.addi %mul3A_16, %add3A_17 : i32
    "tpu.region"() ({
      %run_scoped3A = tpu.sem_alloc : memref<!tpu.dma_semaphore, #tpu.memory_space<semaphore_mem>>
      %dma_start3A_327 = arith.constant 0 : i32
      %dma_start3A_328 = tpu.memref_slice %arg13[%add3A_18, %dma_start3A_327] : memref<10240x128xf32, #tpu.memory_space<vmem_shared>> -> memref<80x128xf32, #tpu.memory_space<vmem_shared>>
      %dma_start3A_329 = arith.constant 0 : i32
      %dma_start3A_330 = tpu.memref_slice %arg13[%add3A_18, %dma_start3A_329] : memref<10240x128xf32, #tpu.memory_space<vmem_shared>> -> memref<80x128xf32, #tpu.memory_space<vmem_shared>>
      tpu.enqueue_dma source(%arg7 : memref<80x128xf32, #tpu.memory_space<vmem>>) target(%dma_start3A_330 : memref<80x128xf32, #tpu.memory_space<vmem_shared>>) target_semaphore(%run_scoped3A : memref<!tpu.dma_semaphore, #tpu.memory_space<semaphore_mem>>)
      %dma_wait3A_331 = arith.constant 0 : i32
      %dma_wait3A_332 = tpu.memref_slice %arg13[%add3A_18, %dma_wait3A_331] : memref<10240x128xf32, #tpu.memory_space<vmem_shared>> -> memref<80x128xf32, #tpu.memory_space<vmem_shared>>
      %dma_wait3A_333 = arith.constant 0 : i32
      %dma_wait3A_334 = tpu.memref_slice %arg13[%add3A_18, %dma_wait3A_333] : memref<10240x128xf32, #tpu.memory_space<vmem_shared>> -> memref<80x128xf32, #tpu.memory_space<vmem_shared>>
      tpu.wait_dma2 semaphore(%run_scoped3A : memref<!tpu.dma_semaphore, #tpu.memory_space<semaphore_mem>>) src(%arg7 : memref<80x128xf32, #tpu.memory_space<vmem>>) dst(%dma_wait3A_334 : memref<80x128xf32, #tpu.memory_space<vmem_shared>>)
      tpu.yield
    }) : () -> ()
    %mul3A_19 = arith.constant 640 : i32
    %mul3A_20 = arith.muli %arg1, %mul3A_19 : i32
    %add3A_21 = arith.constant 80 : i32
    %add3A_22 = arith.addi %mul3A_20, %add3A_21 : i32
    "tpu.region"() ({
      %run_scoped3A = tpu.sem_alloc : memref<!tpu.dma_semaphore, #tpu.memory_space<semaphore_mem>>
      %dma_start3A_327 = arith.constant 0 : i32
      %dma_start3A_328 = tpu.memref_slice %arg13[%add3A_22, %dma_start3A_327] : memref<10240x128xf32, #tpu.memory_space<vmem_shared>> -> memref<80x128xf32, #tpu.memory_space<vmem_shared>>
      %dma_start3A_329 = arith.constant 0 : i32
      %dma_start3A_330 = tpu.memref_slice %arg13[%add3A_22, %dma_start3A_329] : memref<10240x128xf32, #tpu.memory_space<vmem_shared>> -> memref<80x128xf32, #tpu.memory_space<vmem_shared>>
      tpu.enqueue_dma source(%arg7 : memref<80x128xf32, #tpu.memory_space<vmem>>) target(%dma_start3A_330 : memref<80x128xf32, #tpu.memory_space<vmem_shared>>) target_semaphore(%run_scoped3A : memref<!tpu.dma_semaphore, #tpu.memory_space<semaphore_mem>>)
      %dma_wait3A_331 = arith.constant 0 : i32
      %dma_wait3A_332 = tpu.memref_slice %arg13[%add3A_22, %dma_wait3A_331] : memref<10240x128xf32, #tpu.memory_space<vmem_shared>> -> memref<80x128xf32, #tpu.memory_space<vmem_shared>>
      %dma_wait3A_333 = arith.constant 0 : i32
      %dma_wait3A_334 = tpu.memref_slice %arg13[%add3A_22, %dma_wait3A_333] : memref<10240x128xf32, #tpu.memory_space<vmem_shared>> -> memref<80x128xf32, #tpu.memory_space<vmem_shared>>
      tpu.wait_dma2 semaphore(%run_scoped3A : memref<!tpu.dma_semaphore, #tpu.memory_space<semaphore_mem>>) src(%arg7 : memref<80x128xf32, #tpu.memory_space<vmem>>) dst(%dma_wait3A_334 : memref<80x128xf32, #tpu.memory_space<vmem_shared>>)
      tpu.yield
    }) : () -> ()
    %mul3A_23 = arith.constant 640 : i32
    %mul3A_24 = arith.muli %arg1, %mul3A_23 : i32
    %add3A_25 = arith.constant 160 : i32
    %add3A_26 = arith.addi %mul3A_24, %add3A_25 : i32
    "tpu.region"() ({
      %run_scoped3A = tpu.sem_alloc : memref<!tpu.dma_semaphore, #tpu.memory_space<semaphore_mem>>
      %dma_start3A_327 = arith.constant 0 : i32
      %dma_start3A_328 = tpu.memref_slice %arg13[%add3A_26, %dma_start3A_327] : memref<10240x128xf32, #tpu.memory_space<vmem_shared>> -> memref<80x128xf32, #tpu.memory_space<vmem_shared>>
      %dma_start3A_329 = arith.constant 0 : i32
      %dma_start3A_330 = tpu.memref_slice %arg13[%add3A_26, %dma_start3A_329] : memref<10240x128xf32, #tpu.memory_space<vmem_shared>> -> memref<80x128xf32, #tpu.memory_space<vmem_shared>>
      tpu.enqueue_dma source(%arg7 : memref<80x128xf32, #tpu.memory_space<vmem>>) target(%dma_start3A_330 : memref<80x128xf32, #tpu.memory_space<vmem_shared>>) target_semaphore(%run_scoped3A : memref<!tpu.dma_semaphore, #tpu.memory_space<semaphore_mem>>)
      %dma_wait3A_331 = arith.constant 0 : i32
      %dma_wait3A_332 = tpu.memref_slice %arg13[%add3A_26, %dma_wait3A_331] : memref<10240x128xf32, #tpu.memory_space<vmem_shared>> -> memref<80x128xf32, #tpu.memory_space<vmem_shared>>
      %dma_wait3A_333 = arith.constant 0 : i32
      %dma_wait3A_334 = tpu.memref_slice %arg13[%add3A_26, %dma_wait3A_333] : memref<10240x128xf32, #tpu.memory_space<vmem_shared>> -> memref<80x128xf32, #tpu.memory_space<vmem_shared>>
      tpu.wait_dma2 semaphore(%run_scoped3A : memref<!tpu.dma_semaphore, #tpu.memory_space<semaphore_mem>>) src(%arg7 : memref<80x128xf32, #tpu.memory_space<vmem>>) dst(%dma_wait3A_334 : memref<80x128xf32, #tpu.memory_space<vmem_shared>>)
      tpu.yield
    }) : () -> ()
    %mul3A_27 = arith.constant 640 : i32
    %mul3A_28 = arith.muli %arg1, %mul3A_27 : i32
    %add3A_29 = arith.constant 240 : i32
    %add3A_30 = arith.addi %mul3A_28, %add3A_29 : i32
    "tpu.region"() ({
      %run_scoped3A = tpu.sem_alloc : memref<!tpu.dma_semaphore, #tpu.memory_space<semaphore_mem>>
      %dma_start3A_327 = arith.constant 0 : i32
      %dma_start3A_328 = tpu.memref_slice %arg13[%add3A_30, %dma_start3A_327] : memref<10240x128xf32, #tpu.memory_space<vmem_shared>> -> memref<80x128xf32, #tpu.memory_space<vmem_shared>>
      %dma_start3A_329 = arith.constant 0 : i32
      %dma_start3A_330 = tpu.memref_slice %arg13[%add3A_30, %dma_start3A_329] : memref<10240x128xf32, #tpu.memory_space<vmem_shared>> -> memref<80x128xf32, #tpu.memory_space<vmem_shared>>
      tpu.enqueue_dma source(%arg7 : memref<80x128xf32, #tpu.memory_space<vmem>>) target(%dma_start3A_330 : memref<80x128xf32, #tpu.memory_space<vmem_shared>>) target_semaphore(%run_scoped3A : memref<!tpu.dma_semaphore, #tpu.memory_space<semaphore_mem>>)
      %dma_wait3A_331 = arith.constant 0 : i32
      %dma_wait3A_332 = tpu.memref_slice %arg13[%add3A_30, %dma_wait3A_331] : memref<10240x128xf32, #tpu.memory_space<vmem_shared>> -> memref<80x128xf32, #tpu.memory_space<vmem_shared>>
      %dma_wait3A_333 = arith.constant 0 : i32
      %dma_wait3A_334 = tpu.memref_slice %arg13[%add3A_30, %dma_wait3A_333] : memref<10240x128xf32, #tpu.memory_space<vmem_shared>> -> memref<80x128xf32, #tpu.memory_space<vmem_shared>>
      tpu.wait_dma2 semaphore(%run_scoped3A : memref<!tpu.dma_semaphore, #tpu.memory_space<semaphore_mem>>) src(%arg7 : memref<80x128xf32, #tpu.memory_space<vmem>>) dst(%dma_wait3A_334 : memref<80x128xf32, #tpu.memory_space<vmem_shared>>)
      tpu.yield
    }) : () -> ()
    %mul3A_31 = arith.constant 640 : i32
    %mul3A_32 = arith.muli %arg1, %mul3A_31 : i32
    %add3A_33 = arith.constant 320 : i32
    %add3A_34 = arith.addi %mul3A_32, %add3A_33 : i32
    "tpu.region"() ({
      %run_scoped3A = tpu.sem_alloc : memref<!tpu.dma_semaphore, #tpu.memory_space<semaphore_mem>>
      %dma_start3A_327 = arith.constant 0 : i32
      %dma_start3A_328 = tpu.memref_slice %arg13[%add3A_34, %dma_start3A_327] : memref<10240x128xf32, #tpu.memory_space<vmem_shared>> -> memref<80x128xf32, #tpu.memory_space<vmem_shared>>
      %dma_start3A_329 = arith.constant 0 : i32
      %dma_start3A_330 = tpu.memref_slice %arg13[%add3A_34, %dma_start3A_329] : memref<10240x128xf32, #tpu.memory_space<vmem_shared>> -> memref<80x128xf32, #tpu.memory_space<vmem_shared>>
      tpu.enqueue_dma source(%arg7 : memref<80x128xf32, #tpu.memory_space<vmem>>) target(%dma_start3A_330 : memref<80x128xf32, #tpu.memory_space<vmem_shared>>) target_semaphore(%run_scoped3A : memref<!tpu.dma_semaphore, #tpu.memory_space<semaphore_mem>>)
      %dma_wait3A_331 = arith.constant 0 : i32
      %dma_wait3A_332 = tpu.memref_slice %arg13[%add3A_34, %dma_wait3A_331] : memref<10240x128xf32, #tpu.memory_space<vmem_shared>> -> memref<80x128xf32, #tpu.memory_space<vmem_shared>>
      %dma_wait3A_333 = arith.constant 0 : i32
      %dma_wait3A_334 = tpu.memref_slice %arg13[%add3A_34, %dma_wait3A_333] : memref<10240x128xf32, #tpu.memory_space<vmem_shared>> -> memref<80x128xf32, #tpu.memory_space<vmem_shared>>
      tpu.wait_dma2 semaphore(%run_scoped3A : memref<!tpu.dma_semaphore, #tpu.memory_space<semaphore_mem>>) src(%arg7 : memref<80x128xf32, #tpu.memory_space<vmem>>) dst(%dma_wait3A_334 : memref<80x128xf32, #tpu.memory_space<vmem_shared>>)
      tpu.yield
    }) : () -> ()
    %mul3A_35 = arith.constant 640 : i32
    %mul3A_36 = arith.muli %arg1, %mul3A_35 : i32
    %add3A_37 = arith.constant 400 : i32
    %add3A_38 = arith.addi %mul3A_36, %add3A_37 : i32
    "tpu.region"() ({
      %run_scoped3A = tpu.sem_alloc : memref<!tpu.dma_semaphore, #tpu.memory_space<semaphore_mem>>
      %dma_start3A_327 = arith.constant 0 : i32
      %dma_start3A_328 = tpu.memref_slice %arg13[%add3A_38, %dma_start3A_327] : memref<10240x128xf32, #tpu.memory_space<vmem_shared>> -> memref<80x128xf32, #tpu.memory_space<vmem_shared>>
      %dma_start3A_329 = arith.constant 0 : i32
      %dma_start3A_330 = tpu.memref_slice %arg13[%add3A_38, %dma_start3A_329] : memref<10240x128xf32, #tpu.memory_space<vmem_shared>> -> memref<80x128xf32, #tpu.memory_space<vmem_shared>>
      tpu.enqueue_dma source(%arg7 : memref<80x128xf32, #tpu.memory_space<vmem>>) target(%dma_start3A_330 : memref<80x128xf32, #tpu.memory_space<vmem_shared>>) target_semaphore(%run_scoped3A : memref<!tpu.dma_semaphore, #tpu.memory_space<semaphore_mem>>)
      %dma_wait3A_331 = arith.constant 0 : i32
      %dma_wait3A_332 = tpu.memref_slice %arg13[%add3A_38, %dma_wait3A_331] : memref<10240x128xf32, #tpu.memory_space<vmem_shared>> -> memref<80x128xf32, #tpu.memory_space<vmem_shared>>
      %dma_wait3A_333 = arith.constant 0 : i32
      %dma_wait3A_334 = tpu.memref_slice %arg13[%add3A_38, %dma_wait3A_333] : memref<10240x128xf32, #tpu.memory_space<vmem_shared>> -> memref<80x128xf32, #tpu.memory_space<vmem_shared>>
      tpu.wait_dma2 semaphore(%run_scoped3A : memref<!tpu.dma_semaphore, #tpu.memory_space<semaphore_mem>>) src(%arg7 : memref<80x128xf32, #tpu.memory_space<vmem>>) dst(%dma_wait3A_334 : memref<80x128xf32, #tpu.memory_space<vmem_shared>>)
      tpu.yield
    }) : () -> ()
    %mul3A_39 = arith.constant 640 : i32
    %mul3A_40 = arith.muli %arg1, %mul3A_39 : i32
    %add3A_41 = arith.constant 480 : i32
    %add3A_42 = arith.addi %mul3A_40, %add3A_41 : i32
    "tpu.region"() ({
      %run_scoped3A = tpu.sem_alloc : memref<!tpu.dma_semaphore, #tpu.memory_space<semaphore_mem>>
      %dma_start3A_327 = arith.constant 0 : i32
      %dma_start3A_328 = tpu.memref_slice %arg13[%add3A_42, %dma_start3A_327] : memref<10240x128xf32, #tpu.memory_space<vmem_shared>> -> memref<80x128xf32, #tpu.memory_space<vmem_shared>>
      %dma_start3A_329 = arith.constant 0 : i32
      %dma_start3A_330 = tpu.memref_slice %arg13[%add3A_42, %dma_start3A_329] : memref<10240x128xf32, #tpu.memory_space<vmem_shared>> -> memref<80x128xf32, #tpu.memory_space<vmem_shared>>
      tpu.enqueue_dma source(%arg7 : memref<80x128xf32, #tpu.memory_space<vmem>>) target(%dma_start3A_330 : memref<80x128xf32, #tpu.memory_space<vmem_shared>>) target_semaphore(%run_scoped3A : memref<!tpu.dma_semaphore, #tpu.memory_space<semaphore_mem>>)
      %dma_wait3A_331 = arith.constant 0 : i32
      %dma_wait3A_332 = tpu.memref_slice %arg13[%add3A_42, %dma_wait3A_331] : memref<10240x128xf32, #tpu.memory_space<vmem_shared>> -> memref<80x128xf32, #tpu.memory_space<vmem_shared>>
      %dma_wait3A_333 = arith.constant 0 : i32
      %dma_wait3A_334 = tpu.memref_slice %arg13[%add3A_42, %dma_wait3A_333] : memref<10240x128xf32, #tpu.memory_space<vmem_shared>> -> memref<80x128xf32, #tpu.memory_space<vmem_shared>>
      tpu.wait_dma2 semaphore(%run_scoped3A : memref<!tpu.dma_semaphore, #tpu.memory_space<semaphore_mem>>) src(%arg7 : memref<80x128xf32, #tpu.memory_space<vmem>>) dst(%dma_wait3A_334 : memref<80x128xf32, #tpu.memory_space<vmem_shared>>)
      tpu.yield
    }) : () -> ()
    %mul3A_43 = arith.constant 640 : i32
    %mul3A_44 = arith.muli %arg1, %mul3A_43 : i32
    %add3A_45 = arith.constant 560 : i32
    %add3A_46 = arith.addi %mul3A_44, %add3A_45 : i32
    "tpu.region"() ({
      %run_scoped3A = tpu.sem_alloc : memref<!tpu.dma_semaphore, #tpu.memory_space<semaphore_mem>>
      %dma_start3A_327 = arith.constant 0 : i32
      %dma_start3A_328 = tpu.memref_slice %arg13[%add3A_46, %dma_start3A_327] : memref<10240x128xf32, #tpu.memory_space<vmem_shared>> -> memref<80x128xf32, #tpu.memory_space<vmem_shared>>
      %dma_start3A_329 = arith.constant 0 : i32
      %dma_start3A_330 = tpu.memref_slice %arg13[%add3A_46, %dma_start3A_329] : memref<10240x128xf32, #tpu.memory_space<vmem_shared>> -> memref<80x128xf32, #tpu.memory_space<vmem_shared>>
      tpu.enqueue_dma source(%arg7 : memref<80x128xf32, #tpu.memory_space<vmem>>) target(%dma_start3A_330 : memref<80x128xf32, #tpu.memory_space<vmem_shared>>) target_semaphore(%run_scoped3A : memref<!tpu.dma_semaphore, #tpu.memory_space<semaphore_mem>>)
      %dma_wait3A_331 = arith.constant 0 : i32
      %dma_wait3A_332 = tpu.memref_slice %arg13[%add3A_46, %dma_wait3A_331] : memref<10240x128xf32, #tpu.memory_space<vmem_shared>> -> memref<80x128xf32, #tpu.memory_space<vmem_shared>>
      %dma_wait3A_333 = arith.constant 0 : i32
      %dma_wait3A_334 = tpu.memref_slice %arg13[%add3A_46, %dma_wait3A_333] : memref<10240x128xf32, #tpu.memory_space<vmem_shared>> -> memref<80x128xf32, #tpu.memory_space<vmem_shared>>
      tpu.wait_dma2 semaphore(%run_scoped3A : memref<!tpu.dma_semaphore, #tpu.memory_space<semaphore_mem>>) src(%arg7 : memref<80x128xf32, #tpu.memory_space<vmem>>) dst(%dma_wait3A_334 : memref<80x128xf32, #tpu.memory_space<vmem_shared>>)
      tpu.yield
    }) : () -> ()
    %barrier3A = arith.constant 0 : index
    tpu.barrier barrier_id(%barrier3A)
    %get3A = arith.constant 0 : i32
    %get3A_47 = arith.index_cast %get3A : i32 to index
    %get3A_48 = arith.constant 0 : index
    %get3A_49 = tpu.vector_load %arg6[%get3A_47, %get3A_48] {strides = array<i32>} : memref<125x80xi32, #tpu.memory_space<vmem>>, vector<16xi32>,
    %shift_right_logical3A = arith.constant 16 : i32
    %shift_right_logical3A_50 = vector.broadcast %shift_right_logical3A : i32 to vector<16xi32>
    %shift_right_logical3A_51 = arith.shrui %get3A_49, %shift_right_logical3A_50 : vector<16xi32>
    %and3A = arith.constant 65535 : i32
    %and3A_52 = vector.broadcast %and3A : i32 to vector<16xi32>
    %and3A_53 = arith.andi %get3A_49, %and3A_52 : vector<16xi32>
    %swap3A = arith.constant 0 : index
    %swap3A_54 = tpu.vector_load %arg9[%swap3A] {strides = array<i32>} : memref<80xi32, #tpu.memory_space<vmem>>, vector<16xi32>,
    tpu.vector_store %arg9[%swap3A], %and3A_53 {strides = array<i32>} : memref<80xi32, #tpu.memory_space<vmem>>, vector<16xi32>,
    %swap3A_55 = arith.constant 0 : index
    %swap3A_56 = tpu.vector_load %arg11[%swap3A_55] {strides = array<i32>} : memref<80xi32, #tpu.memory_space<vmem>>, vector<16xi32>,
    tpu.vector_store %arg11[%swap3A_55], %shift_right_logical3A_51 {strides = array<i32>} : memref<80xi32, #tpu.memory_space<vmem>>, vector<16xi32>,
    tpu.vector_store_idx %arg18[%shift_right_logical3A_51], %broadcast_in_dim3A_14 {add = true} : memref<10240xf32, #tpu.memory_space<vmem>>[vector<16xi32>], vector<16xf32>,
    %get3A_57 = arith.constant 0 : i32
    %get3A_58 = arith.index_cast %get3A_57 : i32 to index
    %get3A_59 = arith.constant 16 : index
    %get3A_60 = tpu.vector_load %arg6[%get3A_58, %get3A_59] {strides = array<i32>} : memref<125x80xi32, #tpu.memory_space<vmem>>, vector<16xi32>,
    %shift_right_logical3A_61 = arith.constant 16 : i32
    %shift_right_logical3A_62 = vector.broadcast %shift_right_logical3A_61 : i32 to vector<16xi32>
    %shift_right_logical3A_63 = arith.shrui %get3A_60, %shift_right_logical3A_62 : vector<16xi32>
    %and3A_64 = arith.constant 65535 : i32
    %and3A_65 = vector.broadcast %and3A_64 : i32 to vector<16xi32>
    %and3A_66 = arith.andi %get3A_60, %and3A_65 : vector<16xi32>
    %swap3A_67 = arith.constant 16 : index
    %swap3A_68 = tpu.vector_load %arg9[%swap3A_67] {strides = array<i32>} : memref<80xi32, #tpu.memory_space<vmem>>, vector<16xi32>,
    tpu.vector_store %arg9[%swap3A_67], %and3A_66 {strides = array<i32>} : memref<80xi32, #tpu.memory_space<vmem>>, vector<16xi32>,
    %swap3A_69 = arith.constant 16 : index
    %swap3A_70 = tpu.vector_load %arg11[%swap3A_69] {strides = array<i32>} : memref<80xi32, #tpu.memory_space<vmem>>, vector<16xi32>,
    tpu.vector_store %arg11[%swap3A_69], %shift_right_logical3A_63 {strides = array<i32>} : memref<80xi32, #tpu.memory_space<vmem>>, vector<16xi32>,
    tpu.vector_store_idx %arg18[%shift_right_logical3A_63], %broadcast_in_dim3A_14 {add = true} : memref<10240xf32, #tpu.memory_space<vmem>>[vector<16xi32>], vector<16xf32>,
    %get3A_71 = arith.constant 0 : i32
    %get3A_72 = arith.index_cast %get3A_71 : i32 to index
    %get3A_73 = arith.constant 32 : index
    %get3A_74 = tpu.vector_load %arg6[%get3A_72, %get3A_73] {strides = array<i32>} : memref<125x80xi32, #tpu.memory_space<vmem>>, vector<16xi32>,
    %shift_right_logical3A_75 = arith.constant 16 : i32
    %shift_right_logical3A_76 = vector.broadcast %shift_right_logical3A_75 : i32 to vector<16xi32>
    %shift_right_logical3A_77 = arith.shrui %get3A_74, %shift_right_logical3A_76 : vector<16xi32>
    %and3A_78 = arith.constant 65535 : i32
    %and3A_79 = vector.broadcast %and3A_78 : i32 to vector<16xi32>
    %and3A_80 = arith.andi %get3A_74, %and3A_79 : vector<16xi32>
    %swap3A_81 = arith.constant 32 : index
    %swap3A_82 = tpu.vector_load %arg9[%swap3A_81] {strides = array<i32>} : memref<80xi32, #tpu.memory_space<vmem>>, vector<16xi32>,
    tpu.vector_store %arg9[%swap3A_81], %and3A_80 {strides = array<i32>} : memref<80xi32, #tpu.memory_space<vmem>>, vector<16xi32>,
    %swap3A_83 = arith.constant 32 : index
    %swap3A_84 = tpu.vector_load %arg11[%swap3A_83] {strides = array<i32>} : memref<80xi32, #tpu.memory_space<vmem>>, vector<16xi32>,
    tpu.vector_store %arg11[%swap3A_83], %shift_right_logical3A_77 {strides = array<i32>} : memref<80xi32, #tpu.memory_space<vmem>>, vector<16xi32>,
    tpu.vector_store_idx %arg18[%shift_right_logical3A_77], %broadcast_in_dim3A_14 {add = true} : memref<10240xf32, #tpu.memory_space<vmem>>[vector<16xi32>], vector<16xf32>,
    %get3A_85 = arith.constant 0 : i32
    %get3A_86 = arith.index_cast %get3A_85 : i32 to index
    %get3A_87 = arith.constant 48 : index
    %get3A_88 = tpu.vector_load %arg6[%get3A_86, %get3A_87] {strides = array<i32>} : memref<125x80xi32, #tpu.memory_space<vmem>>, vector<16xi32>,
    %shift_right_logical3A_89 = arith.constant 16 : i32
    %shift_right_logical3A_90 = vector.broadcast %shift_right_logical3A_89 : i32 to vector<16xi32>
    %shift_right_logical3A_91 = arith.shrui %get3A_88, %shift_right_logical3A_90 : vector<16xi32>
    %and3A_92 = arith.constant 65535 : i32
    %and3A_93 = vector.broadcast %and3A_92 : i32 to vector<16xi32>
    %and3A_94 = arith.andi %get3A_88, %and3A_93 : vector<16xi32>
    %swap3A_95 = arith.constant 48 : index
    %swap3A_96 = tpu.vector_load %arg9[%swap3A_95] {strides = array<i32>} : memref<80xi32, #tpu.memory_space<vmem>>, vector<16xi32>,
    tpu.vector_store %arg9[%swap3A_95], %and3A_94 {strides = array<i32>} : memref<80xi32, #tpu.memory_space<vmem>>, vector<16xi32>,
    %swap3A_97 = arith.constant 48 : index
    %swap3A_98 = tpu.vector_load %arg11[%swap3A_97] {strides = array<i32>} : memref<80xi32, #tpu.memory_space<vmem>>, vector<16xi32>,
    tpu.vector_store %arg11[%swap3A_97], %shift_right_logical3A_91 {strides = array<i32>} : memref<80xi32, #tpu.memory_space<vmem>>, vector<16xi32>,
    tpu.vector_store_idx %arg18[%shift_right_logical3A_91], %broadcast_in_dim3A_14 {add = true} : memref<10240xf32, #tpu.memory_space<vmem>>[vector<16xi32>], vector<16xf32>,
    %get3A_99 = arith.constant 0 : i32
    %get3A_100 = arith.index_cast %get3A_99 : i32 to index
    %get3A_101 = arith.constant 64 : index
    %get3A_102 = tpu.vector_load %arg6[%get3A_100, %get3A_101] {strides = array<i32>} : memref<125x80xi32, #tpu.memory_space<vmem>>, vector<16xi32>,
    %shift_right_logical3A_103 = arith.constant 16 : i32
    %shift_right_logical3A_104 = vector.broadcast %shift_right_logical3A_103 : i32 to vector<16xi32>
    %shift_right_logical3A_105 = arith.shrui %get3A_102, %shift_right_logical3A_104 : vector<16xi32>
    %and3A_106 = arith.constant 65535 : i32
    %and3A_107 = vector.broadcast %and3A_106 : i32 to vector<16xi32>
    %and3A_108 = arith.andi %get3A_102, %and3A_107 : vector<16xi32>
    %swap3A_109 = arith.constant 64 : index
    %swap3A_110 = tpu.vector_load %arg9[%swap3A_109] {strides = array<i32>} : memref<80xi32, #tpu.memory_space<vmem>>, vector<16xi32>,
    tpu.vector_store %arg9[%swap3A_109], %and3A_108 {strides = array<i32>} : memref<80xi32, #tpu.memory_space<vmem>>, vector<16xi32>,
    %swap3A_111 = arith.constant 64 : index
    %swap3A_112 = tpu.vector_load %arg11[%swap3A_111] {strides = array<i32>} : memref<80xi32, #tpu.memory_space<vmem>>, vector<16xi32>,
    tpu.vector_store %arg11[%swap3A_111], %shift_right_logical3A_105 {strides = array<i32>} : memref<80xi32, #tpu.memory_space<vmem>>, vector<16xi32>,
    tpu.vector_store_idx %arg18[%shift_right_logical3A_105], %broadcast_in_dim3A_14 {add = true} : memref<10240xf32, #tpu.memory_space<vmem>>[vector<16xi32>], vector<16xf32>,
    %dma_start3A = arith.constant 0 : i32
    %dma_start3A_113 = arith.constant 0 : i32
    %dma_start3A_114 = tpu.memref_slice %arg2[%dma_start3A, %dma_start3A_113] : memref<10240x128xf32, #tpu.memory_space<hbm>> -> memref<10240x128xf32, #tpu.memory_space<hbm>>
    tpu.enqueue_indirect_dma source(%dma_start3A_114 : memref<10240x128xf32, #tpu.memory_space<hbm>>) target(%arg7 : memref<80x128xf32, #tpu.memory_space<vmem>>) offsets(%arg9 : memref<80xi32, #tpu.memory_space<vmem>>) semaphore(%arg14 : memref<!tpu.dma_semaphore, #tpu.memory_space<semaphore_mem>>)
    %dma_wait3A = arith.constant 0 : i32
    %dma_wait3A_115 = arith.constant 0 : i32
    %dma_wait3A_116 = tpu.memref_slice %arg2[%dma_wait3A, %dma_wait3A_115] : memref<10240x128xf32, #tpu.memory_space<hbm>> -> memref<10240x128xf32, #tpu.memory_space<hbm>>
    tpu.wait_indirect_dma semaphore(%arg14 : memref<!tpu.dma_semaphore, #tpu.memory_space<semaphore_mem>>) src(%dma_wait3A_116 : memref<10240x128xf32, #tpu.memory_space<hbm>>) dst(%arg7 : memref<80x128xf32, #tpu.memory_space<vmem>>)
    %dma_start3A_117 = arith.constant 0 : i32
    %dma_start3A_118 = arith.constant 0 : i32
    %dma_start3A_119 = tpu.memref_slice %arg13[%dma_start3A_117, %dma_start3A_118] : memref<10240x128xf32, #tpu.memory_space<vmem_shared>> -> memref<10240x128xf32, #tpu.memory_space<vmem_shared>>
    tpu.enqueue_indirect_dma source(%arg7 : memref<80x128xf32, #tpu.memory_space<vmem>>) target(%dma_start3A_119 : memref<10240x128xf32, #tpu.memory_space<vmem_shared>>) offsets(%arg11 : memref<80xi32, #tpu.memory_space<vmem>>) semaphore(%arg16 : memref<!tpu.dma_semaphore, #tpu.memory_space<semaphore_mem>>) {add = true}
    %get3A_120 = arith.constant 1 : i32
    %get3A_121 = arith.index_cast %get3A_120 : i32 to index
    %get3A_122 = arith.constant 0 : index
    %get3A_123 = tpu.vector_load %arg6[%get3A_121, %get3A_122] {strides = array<i32>} : memref<125x80xi32, #tpu.memory_space<vmem>>, vector<16xi32>,
    %shift_right_logical3A_124 = arith.constant 16 : i32
    %shift_right_logical3A_125 = vector.broadcast %shift_right_logical3A_124 : i32 to vector<16xi32>
    %shift_right_logical3A_126 = arith.shrui %get3A_123, %shift_right_logical3A_125 : vector<16xi32>
    %and3A_127 = arith.constant 65535 : i32
    %and3A_128 = vector.broadcast %and3A_127 : i32 to vector<16xi32>
    %and3A_129 = arith.andi %get3A_123, %and3A_128 : vector<16xi32>
    %swap3A_130 = arith.constant 0 : index
    %swap3A_131 = tpu.vector_load %arg10[%swap3A_130] {strides = array<i32>} : memref<80xi32, #tpu.memory_space<vmem>>, vector<16xi32>,
    tpu.vector_store %arg10[%swap3A_130], %and3A_129 {strides = array<i32>} : memref<80xi32, #tpu.memory_space<vmem>>, vector<16xi32>,
    %swap3A_132 = arith.constant 0 : index
    %swap3A_133 = tpu.vector_load %arg12[%swap3A_132] {strides = array<i32>} : memref<80xi32, #tpu.memory_space<vmem>>, vector<16xi32>,
    tpu.vector_store %arg12[%swap3A_132], %shift_right_logical3A_126 {strides = array<i32>} : memref<80xi32, #tpu.memory_space<vmem>>, vector<16xi32>,
    tpu.vector_store_idx %arg18[%shift_right_logical3A_126], %broadcast_in_dim3A_14 {add = true} : memref<10240xf32, #tpu.memory_space<vmem>>[vector<16xi32>], vector<16xf32>,
    %get3A_134 = arith.constant 1 : i32
    %get3A_135 = arith.index_cast %get3A_134 : i32 to index
    %get3A_136 = arith.constant 16 : index
    %get3A_137 = tpu.vector_load %arg6[%get3A_135, %get3A_136] {strides = array<i32>} : memref<125x80xi32, #tpu.memory_space<vmem>>, vector<16xi32>,
    %shift_right_logical3A_138 = arith.constant 16 : i32
    %shift_right_logical3A_139 = vector.broadcast %shift_right_logical3A_138 : i32 to vector<16xi32>
    %shift_right_logical3A_140 = arith.shrui %get3A_137, %shift_right_logical3A_139 : vector<16xi32>
    %and3A_141 = arith.constant 65535 : i32
    %and3A_142 = vector.broadcast %and3A_141 : i32 to vector<16xi32>
    %and3A_143 = arith.andi %get3A_137, %and3A_142 : vector<16xi32>
    %swap3A_144 = arith.constant 16 : index
    %swap3A_145 = tpu.vector_load %arg10[%swap3A_144] {strides = array<i32>} : memref<80xi32, #tpu.memory_space<vmem>>, vector<16xi32>,
    tpu.vector_store %arg10[%swap3A_144], %and3A_143 {strides = array<i32>} : memref<80xi32, #tpu.memory_space<vmem>>, vector<16xi32>,
    %swap3A_146 = arith.constant 16 : index
    %swap3A_147 = tpu.vector_load %arg12[%swap3A_146] {strides = array<i32>} : memref<80xi32, #tpu.memory_space<vmem>>, vector<16xi32>,
    tpu.vector_store %arg12[%swap3A_146], %shift_right_logical3A_140 {strides = array<i32>} : memref<80xi32, #tpu.memory_space<vmem>>, vector<16xi32>,
    tpu.vector_store_idx %arg18[%shift_right_logical3A_140], %broadcast_in_dim3A_14 {add = true} : memref<10240xf32, #tpu.memory_space<vmem>>[vector<16xi32>], vector<16xf32>,
    %get3A_148 = arith.constant 1 : i32
    %get3A_149 = arith.index_cast %get3A_148 : i32 to index
    %get3A_150 = arith.constant 32 : index
    %get3A_151 = tpu.vector_load %arg6[%get3A_149, %get3A_150] {strides = array<i32>} : memref<125x80xi32, #tpu.memory_space<vmem>>, vector<16xi32>,
    %shift_right_logical3A_152 = arith.constant 16 : i32
    %shift_right_logical3A_153 = vector.broadcast %shift_right_logical3A_152 : i32 to vector<16xi32>
    %shift_right_logical3A_154 = arith.shrui %get3A_151, %shift_right_logical3A_153 : vector<16xi32>
    %and3A_155 = arith.constant 65535 : i32
    %and3A_156 = vector.broadcast %and3A_155 : i32 to vector<16xi32>
    %and3A_157 = arith.andi %get3A_151, %and3A_156 : vector<16xi32>
    %swap3A_158 = arith.constant 32 : index
    %swap3A_159 = tpu.vector_load %arg10[%swap3A_158] {strides = array<i32>} : memref<80xi32, #tpu.memory_space<vmem>>, vector<16xi32>,
    tpu.vector_store %arg10[%swap3A_158], %and3A_157 {strides = array<i32>} : memref<80xi32, #tpu.memory_space<vmem>>, vector<16xi32>,
    %swap3A_160 = arith.constant 32 : index
    %swap3A_161 = tpu.vector_load %arg12[%swap3A_160] {strides = array<i32>} : memref<80xi32, #tpu.memory_space<vmem>>, vector<16xi32>,
    tpu.vector_store %arg12[%swap3A_160], %shift_right_logical3A_154 {strides = array<i32>} : memref<80xi32, #tpu.memory_space<vmem>>, vector<16xi32>,
    tpu.vector_store_idx %arg18[%shift_right_logical3A_154], %broadcast_in_dim3A_14 {add = true} : memref<10240xf32, #tpu.memory_space<vmem>>[vector<16xi32>], vector<16xf32>,
    %get3A_162 = arith.constant 1 : i32
    %get3A_163 = arith.index_cast %get3A_162 : i32 to index
    %get3A_164 = arith.constant 48 : index
    %get3A_165 = tpu.vector_load %arg6[%get3A_163, %get3A_164] {strides = array<i32>} : memref<125x80xi32, #tpu.memory_space<vmem>>, vector<16xi32>,
    %shift_right_logical3A_166 = arith.constant 16 : i32
    %shift_right_logical3A_167 = vector.broadcast %shift_right_logical3A_166 : i32 to vector<16xi32>
    %shift_right_logical3A_168 = arith.shrui %get3A_165, %shift_right_logical3A_167 : vector<16xi32>
    %and3A_169 = arith.constant 65535 : i32
    %and3A_170 = vector.broadcast %and3A_169 : i32 to vector<16xi32>
    %and3A_171 = arith.andi %get3A_165, %and3A_170 : vector<16xi32>
    %swap3A_172 = arith.constant 48 : index
    %swap3A_173 = tpu.vector_load %arg10[%swap3A_172] {strides = array<i32>} : memref<80xi32, #tpu.memory_space<vmem>>, vector<16xi32>,
    tpu.vector_store %arg10[%swap3A_172], %and3A_171 {strides = array<i32>} : memref<80xi32, #tpu.memory_space<vmem>>, vector<16xi32>,
    %swap3A_174 = arith.constant 48 : index
    %swap3A_175 = tpu.vector_load %arg12[%swap3A_174] {strides = array<i32>} : memref<80xi32, #tpu.memory_space<vmem>>, vector<16xi32>,
    tpu.vector_store %arg12[%swap3A_174], %shift_right_logical3A_168 {strides = array<i32>} : memref<80xi32, #tpu.memory_space<vmem>>, vector<16xi32>,
    tpu.vector_store_idx %arg18[%shift_right_logical3A_168], %broadcast_in_dim3A_14 {add = true} : memref<10240xf32, #tpu.memory_space<vmem>>[vector<16xi32>], vector<16xf32>,
    %get3A_176 = arith.constant 1 : i32
    %get3A_177 = arith.index_cast %get3A_176 : i32 to index
    %get3A_178 = arith.constant 64 : index
    %get3A_179 = tpu.vector_load %arg6[%get3A_177, %get3A_178] {strides = array<i32>} : memref<125x80xi32, #tpu.memory_space<vmem>>, vector<16xi32>,
    %shift_right_logical3A_180 = arith.constant 16 : i32
    %shift_right_logical3A_181 = vector.broadcast %shift_right_logical3A_180 : i32 to vector<16xi32>
    %shift_right_logical3A_182 = arith.shrui %get3A_179, %shift_right_logical3A_181 : vector<16xi32>
    %and3A_183 = arith.constant 65535 : i32
    %and3A_184 = vector.broadcast %and3A_183 : i32 to vector<16xi32>
    %and3A_185 = arith.andi %get3A_179, %and3A_184 : vector<16xi32>
    %swap3A_186 = arith.constant 64 : index
    %swap3A_187 = tpu.vector_load %arg10[%swap3A_186] {strides = array<i32>} : memref<80xi32, #tpu.memory_space<vmem>>, vector<16xi32>,
    tpu.vector_store %arg10[%swap3A_186], %and3A_185 {strides = array<i32>} : memref<80xi32, #tpu.memory_space<vmem>>, vector<16xi32>,
    %swap3A_188 = arith.constant 64 : index
    %swap3A_189 = tpu.vector_load %arg12[%swap3A_188] {strides = array<i32>} : memref<80xi32, #tpu.memory_space<vmem>>, vector<16xi32>,
    tpu.vector_store %arg12[%swap3A_188], %shift_right_logical3A_182 {strides = array<i32>} : memref<80xi32, #tpu.memory_space<vmem>>, vector<16xi32>,
    tpu.vector_store_idx %arg18[%shift_right_logical3A_182], %broadcast_in_dim3A_14 {add = true} : memref<10240xf32, #tpu.memory_space<vmem>>[vector<16xi32>], vector<16xf32>,
    %dma_start3A_190 = arith.constant 0 : i32
    %dma_start3A_191 = arith.constant 0 : i32
    %dma_start3A_192 = tpu.memref_slice %arg2[%dma_start3A_190, %dma_start3A_191] : memref<10240x128xf32, #tpu.memory_space<hbm>> -> memref<10240x128xf32, #tpu.memory_space<hbm>>
    tpu.enqueue_indirect_dma source(%dma_start3A_192 : memref<10240x128xf32, #tpu.memory_space<hbm>>) target(%arg8 : memref<80x128xf32, #tpu.memory_space<vmem>>) offsets(%arg10 : memref<80xi32, #tpu.memory_space<vmem>>) semaphore(%arg15 : memref<!tpu.dma_semaphore, #tpu.memory_space<semaphore_mem>>)
    %scan3A_193 = arith.constant 0 : i32
    %scan3A_194 = arith.constant 65535 : i32
    %scan3A_195 = arith.constant 0 : i32
    %scan3A_196 = arith.constant 61 : i32
    %scan3A_197 = arith.addi %scan3A_195, %scan3A_196 : i32
    %scan3A_198 = arith.constant 1 : i32
    scf.for %scan3A_327 = %scan3A_195 to %scan3A_197 step %scan3A_198  : i32 {
      %mul3A_328 = arith.constant 2 : i32
      %mul3A_329 = arith.muli %mul3A_328, %scan3A_327 : i32
      %add3A_330 = arith.constant 1 : i32
      %add3A_331 = arith.addi %mul3A_329, %add3A_330 : i32
      %dma_wait3A_332 = arith.constant 0 : i32
      %dma_wait3A_333 = arith.constant 0 : i32
      %dma_wait3A_334 = tpu.memref_slice %arg2[%dma_wait3A_332, %dma_wait3A_333] : memref<10240x128xf32, #tpu.memory_space<hbm>> -> memref<10240x128xf32, #tpu.memory_space<hbm>>
      tpu.wait_indirect_dma semaphore(%arg15 : memref<!tpu.dma_semaphore, #tpu.memory_space<semaphore_mem>>) src(%dma_wait3A_334 : memref<10240x128xf32, #tpu.memory_space<hbm>>) dst(%arg8 : memref<80x128xf32, #tpu.memory_space<vmem>>)
      %dma_start3A_335 = arith.constant 0 : i32
      %dma_start3A_336 = arith.constant 0 : i32
      %dma_start3A_337 = tpu.memref_slice %arg13[%dma_start3A_335, %dma_start3A_336] : memref<10240x128xf32, #tpu.memory_space<vmem_shared>> -> memref<10240x128xf32, #tpu.memory_space<vmem_shared>>
      tpu.enqueue_indirect_dma source(%arg8 : memref<80x128xf32, #tpu.memory_space<vmem>>) target(%dma_start3A_337 : memref<10240x128xf32, #tpu.memory_space<vmem_shared>>) offsets(%arg12 : memref<80xi32, #tpu.memory_space<vmem>>) semaphore(%arg17 : memref<!tpu.dma_semaphore, #tpu.memory_space<semaphore_mem>>) {add = true}
      %dma_wait3A_338 = arith.constant 0 : i32
      %dma_wait3A_339 = arith.constant 0 : i32
      %dma_wait3A_340 = tpu.memref_slice %arg13[%dma_wait3A_338, %dma_wait3A_339] : memref<10240x128xf32, #tpu.memory_space<vmem_shared>> -> memref<10240x128xf32, #tpu.memory_space<vmem_shared>>
      tpu.wait_indirect_dma semaphore(%arg16 : memref<!tpu.dma_semaphore, #tpu.memory_space<semaphore_mem>>) src(%arg7 : memref<80x128xf32, #tpu.memory_space<vmem>>) dst(%dma_wait3A_340 : memref<10240x128xf32, #tpu.memory_space<vmem_shared>>)
      %add3A_341 = arith.constant 1 : i32
      %add3A_342 = arith.addi %add3A_331, %add3A_341 : i32
      %get3A_343 = arith.index_cast %add3A_342 : i32 to index
      %get3A_344 = arith.constant 0 : index
      %get3A_345 = tpu.vector_load %arg6[%get3A_343, %get3A_344] {strides = array<i32>} : memref<125x80xi32, #tpu.memory_space<vmem>>, vector<16xi32>,
      %shift_right_logical3A_346 = arith.constant 16 : i32
      %shift_right_logical3A_347 = vector.broadcast %shift_right_logical3A_346 : i32 to vector<16xi32>
      %shift_right_logical3A_348 = arith.shrui %get3A_345, %shift_right_logical3A_347 : vector<16xi32>
      %and3A_349 = vector.broadcast %scan3A_194 : i32 to vector<16xi32>
      %and3A_350 = arith.andi %get3A_345, %and3A_349 : vector<16xi32>
      %swap3A_351 = arith.constant 0 : index
      %swap3A_352 = tpu.vector_load %arg9[%swap3A_351] {strides = array<i32>} : memref<80xi32, #tpu.memory_space<vmem>>, vector<16xi32>,
      tpu.vector_store %arg9[%swap3A_351], %and3A_350 {strides = array<i32>} : memref<80xi32, #tpu.memory_space<vmem>>, vector<16xi32>,
      %swap3A_353 = arith.constant 0 : index
      %swap3A_354 = tpu.vector_load %arg11[%swap3A_353] {strides = array<i32>} : memref<80xi32, #tpu.memory_space<vmem>>, vector<16xi32>,
      tpu.vector_store %arg11[%swap3A_353], %shift_right_logical3A_348 {strides = array<i32>} : memref<80xi32, #tpu.memory_space<vmem>>, vector<16xi32>,
      tpu.vector_store_idx %arg18[%shift_right_logical3A_348], %broadcast_in_dim3A_14 {add = true} : memref<10240xf32, #tpu.memory_space<vmem>>[vector<16xi32>], vector<16xf32>,
      %get3A_355 = arith.index_cast %add3A_342 : i32 to index
      %get3A_356 = arith.constant 16 : index
      %get3A_357 = tpu.vector_load %arg6[%get3A_355, %get3A_356] {strides = array<i32>} : memref<125x80xi32, #tpu.memory_space<vmem>>, vector<16xi32>,
      %shift_right_logical3A_358 = arith.constant 16 : i32
      %shift_right_logical3A_359 = vector.broadcast %shift_right_logical3A_358 : i32 to vector<16xi32>
      %shift_right_logical3A_360 = arith.shrui %get3A_357, %shift_right_logical3A_359 : vector<16xi32>
      %and3A_361 = vector.broadcast %scan3A_194 : i32 to vector<16xi32>
      %and3A_362 = arith.andi %get3A_357, %and3A_361 : vector<16xi32>
      %swap3A_363 = arith.constant 16 : index
      %swap3A_364 = tpu.vector_load %arg9[%swap3A_363] {strides = array<i32>} : memref<80xi32, #tpu.memory_space<vmem>>, vector<16xi32>,
      tpu.vector_store %arg9[%swap3A_363], %and3A_362 {strides = array<i32>} : memref<80xi32, #tpu.memory_space<vmem>>, vector<16xi32>,
      %swap3A_365 = arith.constant 16 : index
      %swap3A_366 = tpu.vector_load %arg11[%swap3A_365] {strides = array<i32>} : memref<80xi32, #tpu.memory_space<vmem>>, vector<16xi32>,
      tpu.vector_store %arg11[%swap3A_365], %shift_right_logical3A_360 {strides = array<i32>} : memref<80xi32, #tpu.memory_space<vmem>>, vector<16xi32>,
      tpu.vector_store_idx %arg18[%shift_right_logical3A_360], %broadcast_in_dim3A_14 {add = true} : memref<10240xf32, #tpu.memory_space<vmem>>[vector<16xi32>], vector<16xf32>,
      %get3A_367 = arith.index_cast %add3A_342 : i32 to index
      %get3A_368 = arith.constant 32 : index
      %get3A_369 = tpu.vector_load %arg6[%get3A_367, %get3A_368] {strides = array<i32>} : memref<125x80xi32, #tpu.memory_space<vmem>>, vector<16xi32>,
      %shift_right_logical3A_370 = arith.constant 16 : i32
      %shift_right_logical3A_371 = vector.broadcast %shift_right_logical3A_370 : i32 to vector<16xi32>
      %shift_right_logical3A_372 = arith.shrui %get3A_369, %shift_right_logical3A_371 : vector<16xi32>
      %and3A_373 = vector.broadcast %scan3A_194 : i32 to vector<16xi32>
      %and3A_374 = arith.andi %get3A_369, %and3A_373 : vector<16xi32>
      %swap3A_375 = arith.constant 32 : index
      %swap3A_376 = tpu.vector_load %arg9[%swap3A_375] {strides = array<i32>} : memref<80xi32, #tpu.memory_space<vmem>>, vector<16xi32>,
      tpu.vector_store %arg9[%swap3A_375], %and3A_374 {strides = array<i32>} : memref<80xi32, #tpu.memory_space<vmem>>, vector<16xi32>,
      %swap3A_377 = arith.constant 32 : index
      %swap3A_378 = tpu.vector_load %arg11[%swap3A_377] {strides = array<i32>} : memref<80xi32, #tpu.memory_space<vmem>>, vector<16xi32>,
      tpu.vector_store %arg11[%swap3A_377], %shift_right_logical3A_372 {strides = array<i32>} : memref<80xi32, #tpu.memory_space<vmem>>, vector<16xi32>,
      tpu.vector_store_idx %arg18[%shift_right_logical3A_372], %broadcast_in_dim3A_14 {add = true} : memref<10240xf32, #tpu.memory_space<vmem>>[vector<16xi32>], vector<16xf32>,
      %get3A_379 = arith.index_cast %add3A_342 : i32 to index
      %get3A_380 = arith.constant 48 : index
      %get3A_381 = tpu.vector_load %arg6[%get3A_379, %get3A_380] {strides = array<i32>} : memref<125x80xi32, #tpu.memory_space<vmem>>, vector<16xi32>,
      %shift_right_logical3A_382 = arith.constant 16 : i32
      %shift_right_logical3A_383 = vector.broadcast %shift_right_logical3A_382 : i32 to vector<16xi32>
      %shift_right_logical3A_384 = arith.shrui %get3A_381, %shift_right_logical3A_383 : vector<16xi32>
      %and3A_385 = vector.broadcast %scan3A_194 : i32 to vector<16xi32>
      %and3A_386 = arith.andi %get3A_381, %and3A_385 : vector<16xi32>
      %swap3A_387 = arith.constant 48 : index
      %swap3A_388 = tpu.vector_load %arg9[%swap3A_387] {strides = array<i32>} : memref<80xi32, #tpu.memory_space<vmem>>, vector<16xi32>,
      tpu.vector_store %arg9[%swap3A_387], %and3A_386 {strides = array<i32>} : memref<80xi32, #tpu.memory_space<vmem>>, vector<16xi32>,
      %swap3A_389 = arith.constant 48 : index
      %swap3A_390 = tpu.vector_load %arg11[%swap3A_389] {strides = array<i32>} : memref<80xi32, #tpu.memory_space<vmem>>, vector<16xi32>,
      tpu.vector_store %arg11[%swap3A_389], %shift_right_logical3A_384 {strides = array<i32>} : memref<80xi32, #tpu.memory_space<vmem>>, vector<16xi32>,
      tpu.vector_store_idx %arg18[%shift_right_logical3A_384], %broadcast_in_dim3A_14 {add = true} : memref<10240xf32, #tpu.memory_space<vmem>>[vector<16xi32>], vector<16xf32>,
      %get3A_391 = arith.index_cast %add3A_342 : i32 to index
      %get3A_392 = arith.constant 64 : index
      %get3A_393 = tpu.vector_load %arg6[%get3A_391, %get3A_392] {strides = array<i32>} : memref<125x80xi32, #tpu.memory_space<vmem>>, vector<16xi32>,
      %shift_right_logical3A_394 = arith.constant 16 : i32
      %shift_right_logical3A_395 = vector.broadcast %shift_right_logical3A_394 : i32 to vector<16xi32>
      %shift_right_logical3A_396 = arith.shrui %get3A_393, %shift_right_logical3A_395 : vector<16xi32>
      %and3A_397 = vector.broadcast %scan3A_194 : i32 to vector<16xi32>
      %and3A_398 = arith.andi %get3A_393, %and3A_397 : vector<16xi32>
      %swap3A_399 = arith.constant 64 : index
      %swap3A_400 = tpu.vector_load %arg9[%swap3A_399] {strides = array<i32>} : memref<80xi32, #tpu.memory_space<vmem>>, vector<16xi32>,
      tpu.vector_store %arg9[%swap3A_399], %and3A_398 {strides = array<i32>} : memref<80xi32, #tpu.memory_space<vmem>>, vector<16xi32>,
      %swap3A_401 = arith.constant 64 : index
      %swap3A_402 = tpu.vector_load %arg11[%swap3A_401] {strides = array<i32>} : memref<80xi32, #tpu.memory_space<vmem>>, vector<16xi32>,
      tpu.vector_store %arg11[%swap3A_401], %shift_right_logical3A_396 {strides = array<i32>} : memref<80xi32, #tpu.memory_space<vmem>>, vector<16xi32>,
      tpu.vector_store_idx %arg18[%shift_right_logical3A_396], %broadcast_in_dim3A_14 {add = true} : memref<10240xf32, #tpu.memory_space<vmem>>[vector<16xi32>], vector<16xf32>,
      %dma_start3A_403 = arith.constant 0 : i32
      %dma_start3A_404 = arith.constant 0 : i32
      %dma_start3A_405 = tpu.memref_slice %arg2[%dma_start3A_403, %dma_start3A_404] : memref<10240x128xf32, #tpu.memory_space<hbm>> -> memref<10240x128xf32, #tpu.memory_space<hbm>>
      tpu.enqueue_indirect_dma source(%dma_start3A_405 : memref<10240x128xf32, #tpu.memory_space<hbm>>) target(%arg7 : memref<80x128xf32, #tpu.memory_space<vmem>>) offsets(%arg9 : memref<80xi32, #tpu.memory_space<vmem>>) semaphore(%arg14 : memref<!tpu.dma_semaphore, #tpu.memory_space<semaphore_mem>>)
      %dma_wait3A_406 = arith.constant 0 : i32
      %dma_wait3A_407 = arith.constant 0 : i32
      %dma_wait3A_408 = tpu.memref_slice %arg2[%dma_wait3A_406, %dma_wait3A_407] : memref<10240x128xf32, #tpu.memory_space<hbm>> -> memref<10240x128xf32, #tpu.memory_space<hbm>>
      tpu.wait_indirect_dma semaphore(%arg14 : memref<!tpu.dma_semaphore, #tpu.memory_space<semaphore_mem>>) src(%dma_wait3A_408 : memref<10240x128xf32, #tpu.memory_space<hbm>>) dst(%arg7 : memref<80x128xf32, #tpu.memory_space<vmem>>)
      %dma_start3A_409 = arith.constant 0 : i32
      %dma_start3A_410 = arith.constant 0 : i32
      %dma_start3A_411 = tpu.memref_slice %arg13[%dma_start3A_409, %dma_start3A_410] : memref<10240x128xf32, #tpu.memory_space<vmem_shared>> -> memref<10240x128xf32, #tpu.memory_space<vmem_shared>>
      tpu.enqueue_indirect_dma source(%arg7 : memref<80x128xf32, #tpu.memory_space<vmem>>) target(%dma_start3A_411 : memref<10240x128xf32, #tpu.memory_space<vmem_shared>>) offsets(%arg11 : memref<80xi32, #tpu.memory_space<vmem>>) semaphore(%arg16 : memref<!tpu.dma_semaphore, #tpu.memory_space<semaphore_mem>>) {add = true}
      %dma_wait3A_412 = arith.constant 0 : i32
      %dma_wait3A_413 = arith.constant 0 : i32
      %dma_wait3A_414 = tpu.memref_slice %arg13[%dma_wait3A_412, %dma_wait3A_413] : memref<10240x128xf32, #tpu.memory_space<vmem_shared>> -> memref<10240x128xf32, #tpu.memory_space<vmem_shared>>
      tpu.wait_indirect_dma semaphore(%arg17 : memref<!tpu.dma_semaphore, #tpu.memory_space<semaphore_mem>>) src(%arg8 : memref<80x128xf32, #tpu.memory_space<vmem>>) dst(%dma_wait3A_414 : memref<10240x128xf32, #tpu.memory_space<vmem_shared>>)
      %add3A_415 = arith.constant 2 : i32
      %add3A_416 = arith.addi %add3A_331, %add3A_415 : i32
      %get3A_417 = arith.index_cast %add3A_416 : i32 to index
      %get3A_418 = arith.constant 0 : index
      %get3A_419 = tpu.vector_load %arg6[%get3A_417, %get3A_418] {strides = array<i32>} : memref<125x80xi32, #tpu.memory_space<vmem>>, vector<16xi32>,
      %shift_right_logical3A_420 = arith.constant 16 : i32
      %shift_right_logical3A_421 = vector.broadcast %shift_right_logical3A_420 : i32 to vector<16xi32>
      %shift_right_logical3A_422 = arith.shrui %get3A_419, %shift_right_logical3A_421 : vector<16xi32>
      %and3A_423 = vector.broadcast %scan3A_194 : i32 to vector<16xi32>
      %and3A_424 = arith.andi %get3A_419, %and3A_423 : vector<16xi32>
      %swap3A_425 = arith.constant 0 : index
      %swap3A_426 = tpu.vector_load %arg10[%swap3A_425] {strides = array<i32>} : memref<80xi32, #tpu.memory_space<vmem>>, vector<16xi32>,
      tpu.vector_store %arg10[%swap3A_425], %and3A_424 {strides = array<i32>} : memref<80xi32, #tpu.memory_space<vmem>>, vector<16xi32>,
      %swap3A_427 = arith.constant 0 : index
      %swap3A_428 = tpu.vector_load %arg12[%swap3A_427] {strides = array<i32>} : memref<80xi32, #tpu.memory_space<vmem>>, vector<16xi32>,
      tpu.vector_store %arg12[%swap3A_427], %shift_right_logical3A_422 {strides = array<i32>} : memref<80xi32, #tpu.memory_space<vmem>>, vector<16xi32>,
      tpu.vector_store_idx %arg18[%shift_right_logical3A_422], %broadcast_in_dim3A_14 {add = true} : memref<10240xf32, #tpu.memory_space<vmem>>[vector<16xi32>], vector<16xf32>,
      %get3A_429 = arith.index_cast %add3A_416 : i32 to index
      %get3A_430 = arith.constant 16 : index
      %get3A_431 = tpu.vector_load %arg6[%get3A_429, %get3A_430] {strides = array<i32>} : memref<125x80xi32, #tpu.memory_space<vmem>>, vector<16xi32>,
      %shift_right_logical3A_432 = arith.constant 16 : i32
      %shift_right_logical3A_433 = vector.broadcast %shift_right_logical3A_432 : i32 to vector<16xi32>
      %shift_right_logical3A_434 = arith.shrui %get3A_431, %shift_right_logical3A_433 : vector<16xi32>
      %and3A_435 = vector.broadcast %scan3A_194 : i32 to vector<16xi32>
      %and3A_436 = arith.andi %get3A_431, %and3A_435 : vector<16xi32>
      %swap3A_437 = arith.constant 16 : index
      %swap3A_438 = tpu.vector_load %arg10[%swap3A_437] {strides = array<i32>} : memref<80xi32, #tpu.memory_space<vmem>>, vector<16xi32>,
      tpu.vector_store %arg10[%swap3A_437], %and3A_436 {strides = array<i32>} : memref<80xi32, #tpu.memory_space<vmem>>, vector<16xi32>,
      %swap3A_439 = arith.constant 16 : index
      %swap3A_440 = tpu.vector_load %arg12[%swap3A_439] {strides = array<i32>} : memref<80xi32, #tpu.memory_space<vmem>>, vector<16xi32>,
      tpu.vector_store %arg12[%swap3A_439], %shift_right_logical3A_434 {strides = array<i32>} : memref<80xi32, #tpu.memory_space<vmem>>, vector<16xi32>,
      tpu.vector_store_idx %arg18[%shift_right_logical3A_434], %broadcast_in_dim3A_14 {add = true} : memref<10240xf32, #tpu.memory_space<vmem>>[vector<16xi32>], vector<16xf32>,
      %get3A_441 = arith.index_cast %add3A_416 : i32 to index
      %get3A_442 = arith.constant 32 : index
      %get3A_443 = tpu.vector_load %arg6[%get3A_441, %get3A_442] {strides = array<i32>} : memref<125x80xi32, #tpu.memory_space<vmem>>, vector<16xi32>,
      %shift_right_logical3A_444 = arith.constant 16 : i32
      %shift_right_logical3A_445 = vector.broadcast %shift_right_logical3A_444 : i32 to vector<16xi32>
      %shift_right_logical3A_446 = arith.shrui %get3A_443, %shift_right_logical3A_445 : vector<16xi32>
      %and3A_447 = vector.broadcast %scan3A_194 : i32 to vector<16xi32>
      %and3A_448 = arith.andi %get3A_443, %and3A_447 : vector<16xi32>
      %swap3A_449 = arith.constant 32 : index
      %swap3A_450 = tpu.vector_load %arg10[%swap3A_449] {strides = array<i32>} : memref<80xi32, #tpu.memory_space<vmem>>, vector<16xi32>,
      tpu.vector_store %arg10[%swap3A_449], %and3A_448 {strides = array<i32>} : memref<80xi32, #tpu.memory_space<vmem>>, vector<16xi32>,
      %swap3A_451 = arith.constant 32 : index
      %swap3A_452 = tpu.vector_load %arg12[%swap3A_451] {strides = array<i32>} : memref<80xi32, #tpu.memory_space<vmem>>, vector<16xi32>,
      tpu.vector_store %arg12[%swap3A_451], %shift_right_logical3A_446 {strides = array<i32>} : memref<80xi32, #tpu.memory_space<vmem>>, vector<16xi32>,
      tpu.vector_store_idx %arg18[%shift_right_logical3A_446], %broadcast_in_dim3A_14 {add = true} : memref<10240xf32, #tpu.memory_space<vmem>>[vector<16xi32>], vector<16xf32>,
      %get3A_453 = arith.index_cast %add3A_416 : i32 to index
      %get3A_454 = arith.constant 48 : index
      %get3A_455 = tpu.vector_load %arg6[%get3A_453, %get3A_454] {strides = array<i32>} : memref<125x80xi32, #tpu.memory_space<vmem>>, vector<16xi32>,
      %shift_right_logical3A_456 = arith.constant 16 : i32
      %shift_right_logical3A_457 = vector.broadcast %shift_right_logical3A_456 : i32 to vector<16xi32>
      %shift_right_logical3A_458 = arith.shrui %get3A_455, %shift_right_logical3A_457 : vector<16xi32>
      %and3A_459 = vector.broadcast %scan3A_194 : i32 to vector<16xi32>
      %and3A_460 = arith.andi %get3A_455, %and3A_459 : vector<16xi32>
      %swap3A_461 = arith.constant 48 : index
      %swap3A_462 = tpu.vector_load %arg10[%swap3A_461] {strides = array<i32>} : memref<80xi32, #tpu.memory_space<vmem>>, vector<16xi32>,
      tpu.vector_store %arg10[%swap3A_461], %and3A_460 {strides = array<i32>} : memref<80xi32, #tpu.memory_space<vmem>>, vector<16xi32>,
      %swap3A_463 = arith.constant 48 : index
      %swap3A_464 = tpu.vector_load %arg12[%swap3A_463] {strides = array<i32>} : memref<80xi32, #tpu.memory_space<vmem>>, vector<16xi32>,
      tpu.vector_store %arg12[%swap3A_463], %shift_right_logical3A_458 {strides = array<i32>} : memref<80xi32, #tpu.memory_space<vmem>>, vector<16xi32>,
      tpu.vector_store_idx %arg18[%shift_right_logical3A_458], %broadcast_in_dim3A_14 {add = true} : memref<10240xf32, #tpu.memory_space<vmem>>[vector<16xi32>], vector<16xf32>,
      %get3A_465 = arith.index_cast %add3A_416 : i32 to index
      %get3A_466 = arith.constant 64 : index
      %get3A_467 = tpu.vector_load %arg6[%get3A_465, %get3A_466] {strides = array<i32>} : memref<125x80xi32, #tpu.memory_space<vmem>>, vector<16xi32>,
      %shift_right_logical3A_468 = arith.constant 16 : i32
      %shift_right_logical3A_469 = vector.broadcast %shift_right_logical3A_468 : i32 to vector<16xi32>
      %shift_right_logical3A_470 = arith.shrui %get3A_467, %shift_right_logical3A_469 : vector<16xi32>
      %and3A_471 = vector.broadcast %scan3A_194 : i32 to vector<16xi32>
      %and3A_472 = arith.andi %get3A_467, %and3A_471 : vector<16xi32>
      %swap3A_473 = arith.constant 64 : index
      %swap3A_474 = tpu.vector_load %arg10[%swap3A_473] {strides = array<i32>} : memref<80xi32, #tpu.memory_space<vmem>>, vector<16xi32>,
      tpu.vector_store %arg10[%swap3A_473], %and3A_472 {strides = array<i32>} : memref<80xi32, #tpu.memory_space<vmem>>, vector<16xi32>,
      %swap3A_475 = arith.constant 64 : index
      %swap3A_476 = tpu.vector_load %arg12[%swap3A_475] {strides = array<i32>} : memref<80xi32, #tpu.memory_space<vmem>>, vector<16xi32>,
      tpu.vector_store %arg12[%swap3A_475], %shift_right_logical3A_470 {strides = array<i32>} : memref<80xi32, #tpu.memory_space<vmem>>, vector<16xi32>,
      tpu.vector_store_idx %arg18[%shift_right_logical3A_470], %broadcast_in_dim3A_14 {add = true} : memref<10240xf32, #tpu.memory_space<vmem>>[vector<16xi32>], vector<16xf32>,
      %dma_start3A_477 = arith.constant 0 : i32
      %dma_start3A_478 = arith.constant 0 : i32
      %dma_start3A_479 = tpu.memref_slice %arg2[%dma_start3A_477, %dma_start3A_478] : memref<10240x128xf32, #tpu.memory_space<hbm>> -> memref<10240x128xf32, #tpu.memory_space<hbm>>
      tpu.enqueue_indirect_dma source(%dma_start3A_479 : memref<10240x128xf32, #tpu.memory_space<hbm>>) target(%arg8 : memref<80x128xf32, #tpu.memory_space<vmem>>) offsets(%arg10 : memref<80xi32, #tpu.memory_space<vmem>>) semaphore(%arg15 : memref<!tpu.dma_semaphore, #tpu.memory_space<semaphore_mem>>)
    }
    %scan3A_199 = arith.constant 61 : i32
    %dma_wait3A_200 = arith.constant 0 : i32
    %dma_wait3A_201 = arith.constant 0 : i32
    %dma_wait3A_202 = tpu.memref_slice %arg2[%dma_wait3A_200, %dma_wait3A_201] : memref<10240x128xf32, #tpu.memory_space<hbm>> -> memref<10240x128xf32, #tpu.memory_space<hbm>>
    tpu.wait_indirect_dma semaphore(%arg15 : memref<!tpu.dma_semaphore, #tpu.memory_space<semaphore_mem>>) src(%dma_wait3A_202 : memref<10240x128xf32, #tpu.memory_space<hbm>>) dst(%arg8 : memref<80x128xf32, #tpu.memory_space<vmem>>)
    %dma_start3A_203 = arith.constant 0 : i32
    %dma_start3A_204 = arith.constant 0 : i32
    %dma_start3A_205 = tpu.memref_slice %arg13[%dma_start3A_203, %dma_start3A_204] : memref<10240x128xf32, #tpu.memory_space<vmem_shared>> -> memref<10240x128xf32, #tpu.memory_space<vmem_shared>>
    tpu.enqueue_indirect_dma source(%arg8 : memref<80x128xf32, #tpu.memory_space<vmem>>) target(%dma_start3A_205 : memref<10240x128xf32, #tpu.memory_space<vmem_shared>>) offsets(%arg12 : memref<80xi32, #tpu.memory_space<vmem>>) semaphore(%arg17 : memref<!tpu.dma_semaphore, #tpu.memory_space<semaphore_mem>>) {add = true}
    %dma_wait3A_206 = arith.constant 0 : i32
    %dma_wait3A_207 = arith.constant 0 : i32
    %dma_wait3A_208 = tpu.memref_slice %arg13[%dma_wait3A_206, %dma_wait3A_207] : memref<10240x128xf32, #tpu.memory_space<vmem_shared>> -> memref<10240x128xf32, #tpu.memory_space<vmem_shared>>
    tpu.wait_indirect_dma semaphore(%arg16 : memref<!tpu.dma_semaphore, #tpu.memory_space<semaphore_mem>>) src(%arg7 : memref<80x128xf32, #tpu.memory_space<vmem>>) dst(%dma_wait3A_208 : memref<10240x128xf32, #tpu.memory_space<vmem_shared>>)
    %get3A_209 = arith.constant 124 : i32
    %get3A_210 = arith.index_cast %get3A_209 : i32 to index
    %get3A_211 = arith.constant 0 : index
    %get3A_212 = tpu.vector_load %arg6[%get3A_210, %get3A_211] {strides = array<i32>} : memref<125x80xi32, #tpu.memory_space<vmem>>, vector<16xi32>,
    %shift_right_logical3A_213 = arith.constant 16 : i32
    %shift_right_logical3A_214 = vector.broadcast %shift_right_logical3A_213 : i32 to vector<16xi32>
    %shift_right_logical3A_215 = arith.shrui %get3A_212, %shift_right_logical3A_214 : vector<16xi32>
    %and3A_216 = arith.constant 65535 : i32
    %and3A_217 = vector.broadcast %and3A_216 : i32 to vector<16xi32>
    %and3A_218 = arith.andi %get3A_212, %and3A_217 : vector<16xi32>
    %swap3A_219 = arith.constant 0 : index
    %swap3A_220 = tpu.vector_load %arg9[%swap3A_219] {strides = array<i32>} : memref<80xi32, #tpu.memory_space<vmem>>, vector<16xi32>,
    tpu.vector_store %arg9[%swap3A_219], %and3A_218 {strides = array<i32>} : memref<80xi32, #tpu.memory_space<vmem>>, vector<16xi32>,
    %swap3A_221 = arith.constant 0 : index
    %swap3A_222 = tpu.vector_load %arg11[%swap3A_221] {strides = array<i32>} : memref<80xi32, #tpu.memory_space<vmem>>, vector<16xi32>,
    tpu.vector_store %arg11[%swap3A_221], %shift_right_logical3A_215 {strides = array<i32>} : memref<80xi32, #tpu.memory_space<vmem>>, vector<16xi32>,
    tpu.vector_store_idx %arg18[%shift_right_logical3A_215], %broadcast_in_dim3A_14 {add = true} : memref<10240xf32, #tpu.memory_space<vmem>>[vector<16xi32>], vector<16xf32>,
    %get3A_223 = arith.constant 124 : i32
    %get3A_224 = arith.index_cast %get3A_223 : i32 to index
    %get3A_225 = arith.constant 16 : index
    %get3A_226 = tpu.vector_load %arg6[%get3A_224, %get3A_225] {strides = array<i32>} : memref<125x80xi32, #tpu.memory_space<vmem>>, vector<16xi32>,
    %shift_right_logical3A_227 = arith.constant 16 : i32
    %shift_right_logical3A_228 = vector.broadcast %shift_right_logical3A_227 : i32 to vector<16xi32>
    %shift_right_logical3A_229 = arith.shrui %get3A_226, %shift_right_logical3A_228 : vector<16xi32>
    %and3A_230 = arith.constant 65535 : i32
    %and3A_231 = vector.broadcast %and3A_230 : i32 to vector<16xi32>
    %and3A_232 = arith.andi %get3A_226, %and3A_231 : vector<16xi32>
    %swap3A_233 = arith.constant 16 : index
    %swap3A_234 = tpu.vector_load %arg9[%swap3A_233] {strides = array<i32>} : memref<80xi32, #tpu.memory_space<vmem>>, vector<16xi32>,
    tpu.vector_store %arg9[%swap3A_233], %and3A_232 {strides = array<i32>} : memref<80xi32, #tpu.memory_space<vmem>>, vector<16xi32>,
    %swap3A_235 = arith.constant 16 : index
    %swap3A_236 = tpu.vector_load %arg11[%swap3A_235] {strides = array<i32>} : memref<80xi32, #tpu.memory_space<vmem>>, vector<16xi32>,
    tpu.vector_store %arg11[%swap3A_235], %shift_right_logical3A_229 {strides = array<i32>} : memref<80xi32, #tpu.memory_space<vmem>>, vector<16xi32>,
    tpu.vector_store_idx %arg18[%shift_right_logical3A_229], %broadcast_in_dim3A_14 {add = true} : memref<10240xf32, #tpu.memory_space<vmem>>[vector<16xi32>], vector<16xf32>,
    %get3A_237 = arith.constant 124 : i32
    %get3A_238 = arith.index_cast %get3A_237 : i32 to index
    %get3A_239 = arith.constant 32 : index
    %get3A_240 = tpu.vector_load %arg6[%get3A_238, %get3A_239] {strides = array<i32>} : memref<125x80xi32, #tpu.memory_space<vmem>>, vector<16xi32>,
    %shift_right_logical3A_241 = arith.constant 16 : i32
    %shift_right_logical3A_242 = vector.broadcast %shift_right_logical3A_241 : i32 to vector<16xi32>
    %shift_right_logical3A_243 = arith.shrui %get3A_240, %shift_right_logical3A_242 : vector<16xi32>
    %and3A_244 = arith.constant 65535 : i32
    %and3A_245 = vector.broadcast %and3A_244 : i32 to vector<16xi32>
    %and3A_246 = arith.andi %get3A_240, %and3A_245 : vector<16xi32>
    %swap3A_247 = arith.constant 32 : index
    %swap3A_248 = tpu.vector_load %arg9[%swap3A_247] {strides = array<i32>} : memref<80xi32, #tpu.memory_space<vmem>>, vector<16xi32>,
    tpu.vector_store %arg9[%swap3A_247], %and3A_246 {strides = array<i32>} : memref<80xi32, #tpu.memory_space<vmem>>, vector<16xi32>,
    %swap3A_249 = arith.constant 32 : index
    %swap3A_250 = tpu.vector_load %arg11[%swap3A_249] {strides = array<i32>} : memref<80xi32, #tpu.memory_space<vmem>>, vector<16xi32>,
    tpu.vector_store %arg11[%swap3A_249], %shift_right_logical3A_243 {strides = array<i32>} : memref<80xi32, #tpu.memory_space<vmem>>, vector<16xi32>,
    tpu.vector_store_idx %arg18[%shift_right_logical3A_243], %broadcast_in_dim3A_14 {add = true} : memref<10240xf32, #tpu.memory_space<vmem>>[vector<16xi32>], vector<16xf32>,
    %get3A_251 = arith.constant 124 : i32
    %get3A_252 = arith.index_cast %get3A_251 : i32 to index
    %get3A_253 = arith.constant 48 : index
    %get3A_254 = tpu.vector_load %arg6[%get3A_252, %get3A_253] {strides = array<i32>} : memref<125x80xi32, #tpu.memory_space<vmem>>, vector<16xi32>,
    %shift_right_logical3A_255 = arith.constant 16 : i32
    %shift_right_logical3A_256 = vector.broadcast %shift_right_logical3A_255 : i32 to vector<16xi32>
    %shift_right_logical3A_257 = arith.shrui %get3A_254, %shift_right_logical3A_256 : vector<16xi32>
    %and3A_258 = arith.constant 65535 : i32
    %and3A_259 = vector.broadcast %and3A_258 : i32 to vector<16xi32>
    %and3A_260 = arith.andi %get3A_254, %and3A_259 : vector<16xi32>
    %swap3A_261 = arith.constant 48 : index
    %swap3A_262 = tpu.vector_load %arg9[%swap3A_261] {strides = array<i32>} : memref<80xi32, #tpu.memory_space<vmem>>, vector<16xi32>,
    tpu.vector_store %arg9[%swap3A_261], %and3A_260 {strides = array<i32>} : memref<80xi32, #tpu.memory_space<vmem>>, vector<16xi32>,
    %swap3A_263 = arith.constant 48 : index
    %swap3A_264 = tpu.vector_load %arg11[%swap3A_263] {strides = array<i32>} : memref<80xi32, #tpu.memory_space<vmem>>, vector<16xi32>,
    tpu.vector_store %arg11[%swap3A_263], %shift_right_logical3A_257 {strides = array<i32>} : memref<80xi32, #tpu.memory_space<vmem>>, vector<16xi32>,
    tpu.vector_store_idx %arg18[%shift_right_logical3A_257], %broadcast_in_dim3A_14 {add = true} : memref<10240xf32, #tpu.memory_space<vmem>>[vector<16xi32>], vector<16xf32>,
    %get3A_265 = arith.constant 124 : i32
    %get3A_266 = arith.index_cast %get3A_265 : i32 to index
    %get3A_267 = arith.constant 64 : index
    %get3A_268 = tpu.vector_load %arg6[%get3A_266, %get3A_267] {strides = array<i32>} : memref<125x80xi32, #tpu.memory_space<vmem>>, vector<16xi32>,
    %shift_right_logical3A_269 = arith.constant 16 : i32
    %shift_right_logical3A_270 = vector.broadcast %shift_right_logical3A_269 : i32 to vector<16xi32>
    %shift_right_logical3A_271 = arith.shrui %get3A_268, %shift_right_logical3A_270 : vector<16xi32>
    %and3A_272 = arith.constant 65535 : i32
    %and3A_273 = vector.broadcast %and3A_272 : i32 to vector<16xi32>
    %and3A_274 = arith.andi %get3A_268, %and3A_273 : vector<16xi32>
    %swap3A_275 = arith.constant 64 : index
    %swap3A_276 = tpu.vector_load %arg9[%swap3A_275] {strides = array<i32>} : memref<80xi32, #tpu.memory_space<vmem>>, vector<16xi32>,
    tpu.vector_store %arg9[%swap3A_275], %and3A_274 {strides = array<i32>} : memref<80xi32, #tpu.memory_space<vmem>>, vector<16xi32>,
    %swap3A_277 = arith.constant 64 : index
    %swap3A_278 = tpu.vector_load %arg11[%swap3A_277] {strides = array<i32>} : memref<80xi32, #tpu.memory_space<vmem>>, vector<16xi32>,
    tpu.vector_store %arg11[%swap3A_277], %shift_right_logical3A_271 {strides = array<i32>} : memref<80xi32, #tpu.memory_space<vmem>>, vector<16xi32>,
    tpu.vector_store_idx %arg18[%shift_right_logical3A_271], %broadcast_in_dim3A_14 {add = true} : memref<10240xf32, #tpu.memory_space<vmem>>[vector<16xi32>], vector<16xf32>,
    %dma_start3A_279 = arith.constant 0 : i32
    %dma_start3A_280 = arith.constant 0 : i32
    %dma_start3A_281 = tpu.memref_slice %arg2[%dma_start3A_279, %dma_start3A_280] : memref<10240x128xf32, #tpu.memory_space<hbm>> -> memref<10240x128xf32, #tpu.memory_space<hbm>>
    tpu.enqueue_indirect_dma source(%dma_start3A_281 : memref<10240x128xf32, #tpu.memory_space<hbm>>) target(%arg7 : memref<80x128xf32, #tpu.memory_space<vmem>>) offsets(%arg9 : memref<80xi32, #tpu.memory_space<vmem>>) semaphore(%arg14 : memref<!tpu.dma_semaphore, #tpu.memory_space<semaphore_mem>>)
    %dma_wait3A_282 = arith.constant 0 : i32
    %dma_wait3A_283 = arith.constant 0 : i32
    %dma_wait3A_284 = tpu.memref_slice %arg2[%dma_wait3A_282, %dma_wait3A_283] : memref<10240x128xf32, #tpu.memory_space<hbm>> -> memref<10240x128xf32, #tpu.memory_space<hbm>>
    tpu.wait_indirect_dma semaphore(%arg14 : memref<!tpu.dma_semaphore, #tpu.memory_space<semaphore_mem>>) src(%dma_wait3A_284 : memref<10240x128xf32, #tpu.memory_space<hbm>>) dst(%arg7 : memref<80x128xf32, #tpu.memory_space<vmem>>)
    %dma_start3A_285 = arith.constant 0 : i32
    %dma_start3A_286 = arith.constant 0 : i32
    %dma_start3A_287 = tpu.memref_slice %arg13[%dma_start3A_285, %dma_start3A_286] : memref<10240x128xf32, #tpu.memory_space<vmem_shared>> -> memref<10240x128xf32, #tpu.memory_space<vmem_shared>>
    tpu.enqueue_indirect_dma source(%arg7 : memref<80x128xf32, #tpu.memory_space<vmem>>) target(%dma_start3A_287 : memref<10240x128xf32, #tpu.memory_space<vmem_shared>>) offsets(%arg11 : memref<80xi32, #tpu.memory_space<vmem>>) semaphore(%arg16 : memref<!tpu.dma_semaphore, #tpu.memory_space<semaphore_mem>>) {add = true}
    %dma_wait3A_288 = arith.constant 0 : i32
    %dma_wait3A_289 = arith.constant 0 : i32
    %dma_wait3A_290 = tpu.memref_slice %arg13[%dma_wait3A_288, %dma_wait3A_289] : memref<10240x128xf32, #tpu.memory_space<vmem_shared>> -> memref<10240x128xf32, #tpu.memory_space<vmem_shared>>
    tpu.wait_indirect_dma semaphore(%arg17 : memref<!tpu.dma_semaphore, #tpu.memory_space<semaphore_mem>>) src(%arg8 : memref<80x128xf32, #tpu.memory_space<vmem>>) dst(%dma_wait3A_290 : memref<10240x128xf32, #tpu.memory_space<vmem_shared>>)
    %dma_wait3A_291 = arith.constant 0 : i32
    %dma_wait3A_292 = arith.constant 0 : i32
    %dma_wait3A_293 = tpu.memref_slice %arg13[%dma_wait3A_291, %dma_wait3A_292] : memref<10240x128xf32, #tpu.memory_space<vmem_shared>> -> memref<10240x128xf32, #tpu.memory_space<vmem_shared>>
    tpu.wait_indirect_dma semaphore(%arg16 : memref<!tpu.dma_semaphore, #tpu.memory_space<semaphore_mem>>) src(%arg7 : memref<80x128xf32, #tpu.memory_space<vmem>>) dst(%dma_wait3A_293 : memref<10240x128xf32, #tpu.memory_space<vmem_shared>>)
    %barrier3A_294 = arith.constant 0 : index
    tpu.barrier barrier_id(%barrier3A_294)
    %mul3A_295 = arith.constant 640 : i32
    %mul3A_296 = arith.muli %arg1, %mul3A_295 : i32
    %add3A_297 = arith.constant 0 : i32
    %add3A_298 = arith.addi %mul3A_296, %add3A_297 : i32
    "tpu.region"() ({
      %run_scoped3A = tpu.sem_alloc : memref<!tpu.dma_semaphore, #tpu.memory_space<semaphore_mem>>
      %dma_start3A_327 = arith.constant 0 : i32
      %dma_start3A_328 = tpu.memref_slice %arg4[%arg0, %add3A_298, %dma_start3A_327] : memref<2x10240x128xf32, #tpu.memory_space<hbm>> -> memref<1x80x128xf32, #tpu.memory_space<hbm>>
      %dma_start3A_329 = tpu.memref_squeeze %dma_start3A_328 : memref<1x80x128xf32, #tpu.memory_space<hbm>> -> memref<80x128xf32, #tpu.memory_space<hbm>>
      %dma_start3A_330 = arith.constant 0 : i32
      %dma_start3A_331 = tpu.memref_slice %arg13[%add3A_298, %dma_start3A_330] : memref<10240x128xf32, #tpu.memory_space<vmem_shared>> -> memref<80x128xf32, #tpu.memory_space<vmem_shared>>
      tpu.enqueue_dma source(%dma_start3A_331 : memref<80x128xf32, #tpu.memory_space<vmem_shared>>) target(%dma_start3A_329 : memref<80x128xf32, #tpu.memory_space<hbm>>) target_semaphore(%run_scoped3A : memref<!tpu.dma_semaphore, #tpu.memory_space<semaphore_mem>>)
      %dma_wait3A_332 = arith.constant 0 : i32
      %dma_wait3A_333 = tpu.memref_slice %arg4[%arg0, %add3A_298, %dma_wait3A_332] : memref<2x10240x128xf32, #tpu.memory_space<hbm>> -> memref<1x80x128xf32, #tpu.memory_space<hbm>>
      %dma_wait3A_334 = tpu.memref_squeeze %dma_wait3A_333 : memref<1x80x128xf32, #tpu.memory_space<hbm>> -> memref<80x128xf32, #tpu.memory_space<hbm>>
      %dma_wait3A_335 = arith.constant 0 : i32
      %dma_wait3A_336 = tpu.memref_slice %arg13[%add3A_298, %dma_wait3A_335] : memref<10240x128xf32, #tpu.memory_space<vmem_shared>> -> memref<80x128xf32, #tpu.memory_space<vmem_shared>>
      tpu.wait_dma2 semaphore(%run_scoped3A : memref<!tpu.dma_semaphore, #tpu.memory_space<semaphore_mem>>) src(%dma_wait3A_336 : memref<80x128xf32, #tpu.memory_space<vmem_shared>>) dst(%dma_wait3A_334 : memref<80x128xf32, #tpu.memory_space<hbm>>)
      tpu.yield
    }) : () -> ()
    %mul3A_299 = arith.constant 640 : i32
    %mul3A_300 = arith.muli %arg1, %mul3A_299 : i32
    %add3A_301 = arith.constant 80 : i32
    %add3A_302 = arith.addi %mul3A_300, %add3A_301 : i32
    "tpu.region"() ({
      %run_scoped3A = tpu.sem_alloc : memref<!tpu.dma_semaphore, #tpu.memory_space<semaphore_mem>>
      %dma_start3A_327 = arith.constant 0 : i32
      %dma_start3A_328 = tpu.memref_slice %arg4[%arg0, %add3A_302, %dma_start3A_327] : memref<2x10240x128xf32, #tpu.memory_space<hbm>> -> memref<1x80x128xf32, #tpu.memory_space<hbm>>
      %dma_start3A_329 = tpu.memref_squeeze %dma_start3A_328 : memref<1x80x128xf32, #tpu.memory_space<hbm>> -> memref<80x128xf32, #tpu.memory_space<hbm>>
      %dma_start3A_330 = arith.constant 0 : i32
      %dma_start3A_331 = tpu.memref_slice %arg13[%add3A_302, %dma_start3A_330] : memref<10240x128xf32, #tpu.memory_space<vmem_shared>> -> memref<80x128xf32, #tpu.memory_space<vmem_shared>>
      tpu.enqueue_dma source(%dma_start3A_331 : memref<80x128xf32, #tpu.memory_space<vmem_shared>>) target(%dma_start3A_329 : memref<80x128xf32, #tpu.memory_space<hbm>>) target_semaphore(%run_scoped3A : memref<!tpu.dma_semaphore, #tpu.memory_space<semaphore_mem>>)
      %dma_wait3A_332 = arith.constant 0 : i32
      %dma_wait3A_333 = tpu.memref_slice %arg4[%arg0, %add3A_302, %dma_wait3A_332] : memref<2x10240x128xf32, #tpu.memory_space<hbm>> -> memref<1x80x128xf32, #tpu.memory_space<hbm>>
      %dma_wait3A_334 = tpu.memref_squeeze %dma_wait3A_333 : memref<1x80x128xf32, #tpu.memory_space<hbm>> -> memref<80x128xf32, #tpu.memory_space<hbm>>
      %dma_wait3A_335 = arith.constant 0 : i32
      %dma_wait3A_336 = tpu.memref_slice %arg13[%add3A_302, %dma_wait3A_335] : memref<10240x128xf32, #tpu.memory_space<vmem_shared>> -> memref<80x128xf32, #tpu.memory_space<vmem_shared>>
      tpu.wait_dma2 semaphore(%run_scoped3A : memref<!tpu.dma_semaphore, #tpu.memory_space<semaphore_mem>>) src(%dma_wait3A_336 : memref<80x128xf32, #tpu.memory_space<vmem_shared>>) dst(%dma_wait3A_334 : memref<80x128xf32, #tpu.memory_space<hbm>>)
      tpu.yield
    }) : () -> ()
    %mul3A_303 = arith.constant 640 : i32
    %mul3A_304 = arith.muli %arg1, %mul3A_303 : i32
    %add3A_305 = arith.constant 160 : i32
    %add3A_306 = arith.addi %mul3A_304, %add3A_305 : i32
    "tpu.region"() ({
      %run_scoped3A = tpu.sem_alloc : memref<!tpu.dma_semaphore, #tpu.memory_space<semaphore_mem>>
      %dma_start3A_327 = arith.constant 0 : i32
      %dma_start3A_328 = tpu.memref_slice %arg4[%arg0, %add3A_306, %dma_start3A_327] : memref<2x10240x128xf32, #tpu.memory_space<hbm>> -> memref<1x80x128xf32, #tpu.memory_space<hbm>>
      %dma_start3A_329 = tpu.memref_squeeze %dma_start3A_328 : memref<1x80x128xf32, #tpu.memory_space<hbm>> -> memref<80x128xf32, #tpu.memory_space<hbm>>
      %dma_start3A_330 = arith.constant 0 : i32
      %dma_start3A_331 = tpu.memref_slice %arg13[%add3A_306, %dma_start3A_330] : memref<10240x128xf32, #tpu.memory_space<vmem_shared>> -> memref<80x128xf32, #tpu.memory_space<vmem_shared>>
      tpu.enqueue_dma source(%dma_start3A_331 : memref<80x128xf32, #tpu.memory_space<vmem_shared>>) target(%dma_start3A_329 : memref<80x128xf32, #tpu.memory_space<hbm>>) target_semaphore(%run_scoped3A : memref<!tpu.dma_semaphore, #tpu.memory_space<semaphore_mem>>)
      %dma_wait3A_332 = arith.constant 0 : i32
      %dma_wait3A_333 = tpu.memref_slice %arg4[%arg0, %add3A_306, %dma_wait3A_332] : memref<2x10240x128xf32, #tpu.memory_space<hbm>> -> memref<1x80x128xf32, #tpu.memory_space<hbm>>
      %dma_wait3A_334 = tpu.memref_squeeze %dma_wait3A_333 : memref<1x80x128xf32, #tpu.memory_space<hbm>> -> memref<80x128xf32, #tpu.memory_space<hbm>>
      %dma_wait3A_335 = arith.constant 0 : i32
      %dma_wait3A_336 = tpu.memref_slice %arg13[%add3A_306, %dma_wait3A_335] : memref<10240x128xf32, #tpu.memory_space<vmem_shared>> -> memref<80x128xf32, #tpu.memory_space<vmem_shared>>
      tpu.wait_dma2 semaphore(%run_scoped3A : memref<!tpu.dma_semaphore, #tpu.memory_space<semaphore_mem>>) src(%dma_wait3A_336 : memref<80x128xf32, #tpu.memory_space<vmem_shared>>) dst(%dma_wait3A_334 : memref<80x128xf32, #tpu.memory_space<hbm>>)
      tpu.yield
    }) : () -> ()
    %mul3A_307 = arith.constant 640 : i32
    %mul3A_308 = arith.muli %arg1, %mul3A_307 : i32
    %add3A_309 = arith.constant 240 : i32
    %add3A_310 = arith.addi %mul3A_308, %add3A_309 : i32
    "tpu.region"() ({
      %run_scoped3A = tpu.sem_alloc : memref<!tpu.dma_semaphore, #tpu.memory_space<semaphore_mem>>
      %dma_start3A_327 = arith.constant 0 : i32
      %dma_start3A_328 = tpu.memref_slice %arg4[%arg0, %add3A_310, %dma_start3A_327] : memref<2x10240x128xf32, #tpu.memory_space<hbm>> -> memref<1x80x128xf32, #tpu.memory_space<hbm>>
      %dma_start3A_329 = tpu.memref_squeeze %dma_start3A_328 : memref<1x80x128xf32, #tpu.memory_space<hbm>> -> memref<80x128xf32, #tpu.memory_space<hbm>>
      %dma_start3A_330 = arith.constant 0 : i32
      %dma_start3A_331 = tpu.memref_slice %arg13[%add3A_310, %dma_start3A_330] : memref<10240x128xf32, #tpu.memory_space<vmem_shared>> -> memref<80x128xf32, #tpu.memory_space<vmem_shared>>
      tpu.enqueue_dma source(%dma_start3A_331 : memref<80x128xf32, #tpu.memory_space<vmem_shared>>) target(%dma_start3A_329 : memref<80x128xf32, #tpu.memory_space<hbm>>) target_semaphore(%run_scoped3A : memref<!tpu.dma_semaphore, #tpu.memory_space<semaphore_mem>>)
      %dma_wait3A_332 = arith.constant 0 : i32
      %dma_wait3A_333 = tpu.memref_slice %arg4[%arg0, %add3A_310, %dma_wait3A_332] : memref<2x10240x128xf32, #tpu.memory_space<hbm>> -> memref<1x80x128xf32, #tpu.memory_space<hbm>>
      %dma_wait3A_334 = tpu.memref_squeeze %dma_wait3A_333 : memref<1x80x128xf32, #tpu.memory_space<hbm>> -> memref<80x128xf32, #tpu.memory_space<hbm>>
      %dma_wait3A_335 = arith.constant 0 : i32
      %dma_wait3A_336 = tpu.memref_slice %arg13[%add3A_310, %dma_wait3A_335] : memref<10240x128xf32, #tpu.memory_space<vmem_shared>> -> memref<80x128xf32, #tpu.memory_space<vmem_shared>>
      tpu.wait_dma2 semaphore(%run_scoped3A : memref<!tpu.dma_semaphore, #tpu.memory_space<semaphore_mem>>) src(%dma_wait3A_336 : memref<80x128xf32, #tpu.memory_space<vmem_shared>>) dst(%dma_wait3A_334 : memref<80x128xf32, #tpu.memory_space<hbm>>)
      tpu.yield
    }) : () -> ()
    %mul3A_311 = arith.constant 640 : i32
    %mul3A_312 = arith.muli %arg1, %mul3A_311 : i32
    %add3A_313 = arith.constant 320 : i32
    %add3A_314 = arith.addi %mul3A_312, %add3A_313 : i32
    "tpu.region"() ({
      %run_scoped3A = tpu.sem_alloc : memref<!tpu.dma_semaphore, #tpu.memory_space<semaphore_mem>>
      %dma_start3A_327 = arith.constant 0 : i32
      %dma_start3A_328 = tpu.memref_slice %arg4[%arg0, %add3A_314, %dma_start3A_327] : memref<2x10240x128xf32, #tpu.memory_space<hbm>> -> memref<1x80x128xf32, #tpu.memory_space<hbm>>
      %dma_start3A_329 = tpu.memref_squeeze %dma_start3A_328 : memref<1x80x128xf32, #tpu.memory_space<hbm>> -> memref<80x128xf32, #tpu.memory_space<hbm>>
      %dma_start3A_330 = arith.constant 0 : i32
      %dma_start3A_331 = tpu.memref_slice %arg13[%add3A_314, %dma_start3A_330] : memref<10240x128xf32, #tpu.memory_space<vmem_shared>> -> memref<80x128xf32, #tpu.memory_space<vmem_shared>>
      tpu.enqueue_dma source(%dma_start3A_331 : memref<80x128xf32, #tpu.memory_space<vmem_shared>>) target(%dma_start3A_329 : memref<80x128xf32, #tpu.memory_space<hbm>>) target_semaphore(%run_scoped3A : memref<!tpu.dma_semaphore, #tpu.memory_space<semaphore_mem>>)
      %dma_wait3A_332 = arith.constant 0 : i32
      %dma_wait3A_333 = tpu.memref_slice %arg4[%arg0, %add3A_314, %dma_wait3A_332] : memref<2x10240x128xf32, #tpu.memory_space<hbm>> -> memref<1x80x128xf32, #tpu.memory_space<hbm>>
      %dma_wait3A_334 = tpu.memref_squeeze %dma_wait3A_333 : memref<1x80x128xf32, #tpu.memory_space<hbm>> -> memref<80x128xf32, #tpu.memory_space<hbm>>
      %dma_wait3A_335 = arith.constant 0 : i32
      %dma_wait3A_336 = tpu.memref_slice %arg13[%add3A_314, %dma_wait3A_335] : memref<10240x128xf32, #tpu.memory_space<vmem_shared>> -> memref<80x128xf32, #tpu.memory_space<vmem_shared>>
      tpu.wait_dma2 semaphore(%run_scoped3A : memref<!tpu.dma_semaphore, #tpu.memory_space<semaphore_mem>>) src(%dma_wait3A_336 : memref<80x128xf32, #tpu.memory_space<vmem_shared>>) dst(%dma_wait3A_334 : memref<80x128xf32, #tpu.memory_space<hbm>>)
      tpu.yield
    }) : () -> ()
    %mul3A_315 = arith.constant 640 : i32
    %mul3A_316 = arith.muli %arg1, %mul3A_315 : i32
    %add3A_317 = arith.constant 400 : i32
    %add3A_318 = arith.addi %mul3A_316, %add3A_317 : i32
    "tpu.region"() ({
      %run_scoped3A = tpu.sem_alloc : memref<!tpu.dma_semaphore, #tpu.memory_space<semaphore_mem>>
      %dma_start3A_327 = arith.constant 0 : i32
      %dma_start3A_328 = tpu.memref_slice %arg4[%arg0, %add3A_318, %dma_start3A_327] : memref<2x10240x128xf32, #tpu.memory_space<hbm>> -> memref<1x80x128xf32, #tpu.memory_space<hbm>>
      %dma_start3A_329 = tpu.memref_squeeze %dma_start3A_328 : memref<1x80x128xf32, #tpu.memory_space<hbm>> -> memref<80x128xf32, #tpu.memory_space<hbm>>
      %dma_start3A_330 = arith.constant 0 : i32
      %dma_start3A_331 = tpu.memref_slice %arg13[%add3A_318, %dma_start3A_330] : memref<10240x128xf32, #tpu.memory_space<vmem_shared>> -> memref<80x128xf32, #tpu.memory_space<vmem_shared>>
      tpu.enqueue_dma source(%dma_start3A_331 : memref<80x128xf32, #tpu.memory_space<vmem_shared>>) target(%dma_start3A_329 : memref<80x128xf32, #tpu.memory_space<hbm>>) target_semaphore(%run_scoped3A : memref<!tpu.dma_semaphore, #tpu.memory_space<semaphore_mem>>)
      %dma_wait3A_332 = arith.constant 0 : i32
      %dma_wait3A_333 = tpu.memref_slice %arg4[%arg0, %add3A_318, %dma_wait3A_332] : memref<2x10240x128xf32, #tpu.memory_space<hbm>> -> memref<1x80x128xf32, #tpu.memory_space<hbm>>
      %dma_wait3A_334 = tpu.memref_squeeze %dma_wait3A_333 : memref<1x80x128xf32, #tpu.memory_space<hbm>> -> memref<80x128xf32, #tpu.memory_space<hbm>>
      %dma_wait3A_335 = arith.constant 0 : i32
      %dma_wait3A_336 = tpu.memref_slice %arg13[%add3A_318, %dma_wait3A_335] : memref<10240x128xf32, #tpu.memory_space<vmem_shared>> -> memref<80x128xf32, #tpu.memory_space<vmem_shared>>
      tpu.wait_dma2 semaphore(%run_scoped3A : memref<!tpu.dma_semaphore, #tpu.memory_space<semaphore_mem>>) src(%dma_wait3A_336 : memref<80x128xf32, #tpu.memory_space<vmem_shared>>) dst(%dma_wait3A_334 : memref<80x128xf32, #tpu.memory_space<hbm>>)
      tpu.yield
    }) : () -> ()
    %mul3A_319 = arith.constant 640 : i32
    %mul3A_320 = arith.muli %arg1, %mul3A_319 : i32
    %add3A_321 = arith.constant 480 : i32
    %add3A_322 = arith.addi %mul3A_320, %add3A_321 : i32
    "tpu.region"() ({
      %run_scoped3A = tpu.sem_alloc : memref<!tpu.dma_semaphore, #tpu.memory_space<semaphore_mem>>
      %dma_start3A_327 = arith.constant 0 : i32
      %dma_start3A_328 = tpu.memref_slice %arg4[%arg0, %add3A_322, %dma_start3A_327] : memref<2x10240x128xf32, #tpu.memory_space<hbm>> -> memref<1x80x128xf32, #tpu.memory_space<hbm>>
      %dma_start3A_329 = tpu.memref_squeeze %dma_start3A_328 : memref<1x80x128xf32, #tpu.memory_space<hbm>> -> memref<80x128xf32, #tpu.memory_space<hbm>>
      %dma_start3A_330 = arith.constant 0 : i32
      %dma_start3A_331 = tpu.memref_slice %arg13[%add3A_322, %dma_start3A_330] : memref<10240x128xf32, #tpu.memory_space<vmem_shared>> -> memref<80x128xf32, #tpu.memory_space<vmem_shared>>
      tpu.enqueue_dma source(%dma_start3A_331 : memref<80x128xf32, #tpu.memory_space<vmem_shared>>) target(%dma_start3A_329 : memref<80x128xf32, #tpu.memory_space<hbm>>) target_semaphore(%run_scoped3A : memref<!tpu.dma_semaphore, #tpu.memory_space<semaphore_mem>>)
      %dma_wait3A_332 = arith.constant 0 : i32
      %dma_wait3A_333 = tpu.memref_slice %arg4[%arg0, %add3A_322, %dma_wait3A_332] : memref<2x10240x128xf32, #tpu.memory_space<hbm>> -> memref<1x80x128xf32, #tpu.memory_space<hbm>>
      %dma_wait3A_334 = tpu.memref_squeeze %dma_wait3A_333 : memref<1x80x128xf32, #tpu.memory_space<hbm>> -> memref<80x128xf32, #tpu.memory_space<hbm>>
      %dma_wait3A_335 = arith.constant 0 : i32
      %dma_wait3A_336 = tpu.memref_slice %arg13[%add3A_322, %dma_wait3A_335] : memref<10240x128xf32, #tpu.memory_space<vmem_shared>> -> memref<80x128xf32, #tpu.memory_space<vmem_shared>>
      tpu.wait_dma2 semaphore(%run_scoped3A : memref<!tpu.dma_semaphore, #tpu.memory_space<semaphore_mem>>) src(%dma_wait3A_336 : memref<80x128xf32, #tpu.memory_space<vmem_shared>>) dst(%dma_wait3A_334 : memref<80x128xf32, #tpu.memory_space<hbm>>)
      tpu.yield
    }) : () -> ()
    %mul3A_323 = arith.constant 640 : i32
    %mul3A_324 = arith.muli %arg1, %mul3A_323 : i32
    %add3A_325 = arith.constant 560 : i32
    %add3A_326 = arith.addi %mul3A_324, %add3A_325 : i32
    "tpu.region"() ({
      %run_scoped3A = tpu.sem_alloc : memref<!tpu.dma_semaphore, #tpu.memory_space<semaphore_mem>>
      %dma_start3A_327 = arith.constant 0 : i32
      %dma_start3A_328 = tpu.memref_slice %arg4[%arg0, %add3A_326, %dma_start3A_327] : memref<2x10240x128xf32, #tpu.memory_space<hbm>> -> memref<1x80x128xf32, #tpu.memory_space<hbm>>
      %dma_start3A_329 = tpu.memref_squeeze %dma_start3A_328 : memref<1x80x128xf32, #tpu.memory_space<hbm>> -> memref<80x128xf32, #tpu.memory_space<hbm>>
      %dma_start3A_330 = arith.constant 0 : i32
      %dma_start3A_331 = tpu.memref_slice %arg13[%add3A_326, %dma_start3A_330] : memref<10240x128xf32, #tpu.memory_space<vmem_shared>> -> memref<80x128xf32, #tpu.memory_space<vmem_shared>>
      tpu.enqueue_dma source(%dma_start3A_331 : memref<80x128xf32, #tpu.memory_space<vmem_shared>>) target(%dma_start3A_329 : memref<80x128xf32, #tpu.memory_space<hbm>>) target_semaphore(%run_scoped3A : memref<!tpu.dma_semaphore, #tpu.memory_space<semaphore_mem>>)
      %dma_wait3A_332 = arith.constant 0 : i32
      %dma_wait3A_333 = tpu.memref_slice %arg4[%arg0, %add3A_326, %dma_wait3A_332] : memref<2x10240x128xf32, #tpu.memory_space<hbm>> -> memref<1x80x128xf32, #tpu.memory_space<hbm>>
      %dma_wait3A_334 = tpu.memref_squeeze %dma_wait3A_333 : memref<1x80x128xf32, #tpu.memory_space<hbm>> -> memref<80x128xf32, #tpu.memory_space<hbm>>
      %dma_wait3A_335 = arith.constant 0 : i32
      %dma_wait3A_336 = tpu.memref_slice %arg13[%add3A_326, %dma_wait3A_335] : memref<10240x128xf32, #tpu.memory_space<vmem_shared>> -> memref<80x128xf32, #tpu.memory_space<vmem_shared>>
      tpu.wait_dma2 semaphore(%run_scoped3A : memref<!tpu.dma_semaphore, #tpu.memory_space<semaphore_mem>>) src(%dma_wait3A_336 : memref<80x128xf32, #tpu.memory_space<vmem_shared>>) dst(%dma_wait3A_334 : memref<80x128xf32, #tpu.memory_space<hbm>>)
      tpu.yield
    }) : () -> ()
    "tpu.region"() ({
      %run_scoped3A = tpu.sem_alloc : memref<!tpu.dma_semaphore, #tpu.memory_space<semaphore_mem>>
      %dma_start3A_327 = arith.constant 0 : i32
      %dma_start3A_328 = tpu.memref_slice %arg5[%add3A, %dma_start3A_327] : memref<32x10240xf32, #tpu.memory_space<hbm>> -> memref<1x10240xf32, #tpu.memory_space<hbm>>
      %dma_start3A_329 = tpu.memref_squeeze %dma_start3A_328 : memref<1x10240xf32, #tpu.memory_space<hbm>> -> memref<10240xf32, #tpu.memory_space<hbm>>
      %dma_start3A_330 = arith.constant 0 : i32
      %dma_start3A_331 = tpu.memref_slice %arg5[%add3A, %dma_start3A_330] : memref<32x10240xf32, #tpu.memory_space<hbm>> -> memref<1x10240xf32, #tpu.memory_space<hbm>>
      %dma_start3A_332 = tpu.memref_squeeze %dma_start3A_331 : memref<1x10240xf32, #tpu.memory_space<hbm>> -> memref<10240xf32, #tpu.memory_space<hbm>>
      tpu.enqueue_dma source(%arg18 : memref<10240xf32, #tpu.memory_space<vmem>>) target(%dma_start3A_332 : memref<10240xf32, #tpu.memory_space<hbm>>) target_semaphore(%run_scoped3A : memref<!tpu.dma_semaphore, #tpu.memory_space<semaphore_mem>>)
      %dma_wait3A_333 = arith.constant 0 : i32
      %dma_wait3A_334 = tpu.memref_slice %arg5[%add3A, %dma_wait3A_333] : memref<32x10240xf32, #tpu.memory_space<hbm>> -> memref<1x10240xf32, #tpu.memory_space<hbm>>
      %dma_wait3A_335 = tpu.memref_squeeze %dma_wait3A_334 : memref<1x10240xf32, #tpu.memory_space<hbm>> -> memref<10240xf32, #tpu.memory_space<hbm>>
      %dma_wait3A_336 = arith.constant 0 : i32
      %dma_wait3A_337 = tpu.memref_slice %arg5[%add3A, %dma_wait3A_336] : memref<32x10240xf32, #tpu.memory_space<hbm>> -> memref<1x10240xf32, #tpu.memory_space<hbm>>
      %dma_wait3A_338 = tpu.memref_squeeze %dma_wait3A_337 : memref<1x10240xf32, #tpu.memory_space<hbm>> -> memref<10240xf32, #tpu.memory_space<hbm>>
      tpu.wait_dma2 semaphore(%run_scoped3A : memref<!tpu.dma_semaphore, #tpu.memory_space<semaphore_mem>>) src(%arg18 : memref<10240xf32, #tpu.memory_space<vmem>>) dst(%dma_wait3A_338 : memref<10240xf32, #tpu.memory_space<hbm>>)
      tpu.yield
    }) : () -> ()
    return
  }
}

#map = affine_map<(d0, d1) -> (0, 0)>
#map1 = affine_map<(d0, d1) -> (0, 0, 0)>
module attributes {stable_mosaic.version = 14 : i64} {
  func.func @agg_body(%arg0: i32, %arg1: i32, %arg2: memref<10240x128xf32, #tpu.memory_space<hbm>>, %arg3: memref<32x125x80xi32, #tpu.memory_space<hbm>>, %arg4: memref<2x10240x128xf32, #tpu.memory_space<hbm>>, %arg5: memref<125x80xi32, #tpu.memory_space<vmem>>, %arg6: memref<80x128xf32, #tpu.memory_space<vmem>>, %arg7: memref<80x128xf32, #tpu.memory_space<vmem>>, %arg8: memref<80xi32, #tpu.memory_space<vmem>>, %arg9: memref<80xi32, #tpu.memory_space<vmem>>, %arg10: memref<80xi32, #tpu.memory_space<vmem>>, %arg11: memref<80xi32, #tpu.memory_space<vmem>>, %arg12: memref<10240x128xf32, #tpu.memory_space<vmem_shared>>, %arg13: memref<!tpu.dma_semaphore, #tpu.memory_space<semaphore_mem>>, %arg14: memref<!tpu.dma_semaphore, #tpu.memory_space<semaphore_mem>>, %arg15: memref<!tpu.dma_semaphore, #tpu.memory_space<semaphore_mem>>, %arg16: memref<!tpu.dma_semaphore, #tpu.memory_space<semaphore_mem>>) attributes {dimension_semantics = [#tpu.dimension_semantics<core_parallel>, #tpu.dimension_semantics<subcore_parallel>], iteration_bounds = array<i64: 2, 16>, scalar_prefetch = 0 : i64, scratch_operands = 12 : i64, tpu.core_type = #tpu.core_type<sc_vector_subcore>, window_params = [{transform_indices = #map}, {transform_indices = #map1}, {transform_indices = #map1}]} {
    %mul3A = arith.constant 16 : i32
    %mul3A_0 = arith.muli %arg0, %mul3A : i32
    %add3A = arith.addi %mul3A_0, %arg1 : i32
    %broadcast_in_dim3A = arith.constant 0.000000e+00 : f32
    %broadcast_in_dim3A_1 = vector.broadcast %broadcast_in_dim3A : f32 to vector<16xf32>
    %scan3A = arith.constant 0 : i32
    %scan3A_2 = arith.constant 0 : i32
    %scan3A_3 = arith.constant 80 : i32
    %scan3A_4 = arith.addi %scan3A_2, %scan3A_3 : i32
    %scan3A_5 = arith.constant 1 : i32
    scf.for %scan3A_321 = %scan3A_2 to %scan3A_4 step %scan3A_5  : i32 {
      %swap3A_322 = arith.index_cast %scan3A_321 : i32 to index
      %swap3A_323 = arith.constant 0 : index
      %swap3A_324 = tpu.vector_load %arg6[%swap3A_322, %swap3A_323] {strides = array<i32>} : memref<80x128xf32, #tpu.memory_space<vmem>>, vector<16xf32>,
      tpu.vector_store %arg6[%swap3A_322, %swap3A_323], %broadcast_in_dim3A_1 {strides = array<i32>} : memref<80x128xf32, #tpu.memory_space<vmem>>, vector<16xf32>,
      %swap3A_325 = arith.index_cast %scan3A_321 : i32 to index
      %swap3A_326 = arith.constant 16 : index
      %swap3A_327 = tpu.vector_load %arg6[%swap3A_325, %swap3A_326] {strides = array<i32>} : memref<80x128xf32, #tpu.memory_space<vmem>>, vector<16xf32>,
      tpu.vector_store %arg6[%swap3A_325, %swap3A_326], %broadcast_in_dim3A_1 {strides = array<i32>} : memref<80x128xf32, #tpu.memory_space<vmem>>, vector<16xf32>,
      %swap3A_328 = arith.index_cast %scan3A_321 : i32 to index
      %swap3A_329 = arith.constant 32 : index
      %swap3A_330 = tpu.vector_load %arg6[%swap3A_328, %swap3A_329] {strides = array<i32>} : memref<80x128xf32, #tpu.memory_space<vmem>>, vector<16xf32>,
      tpu.vector_store %arg6[%swap3A_328, %swap3A_329], %broadcast_in_dim3A_1 {strides = array<i32>} : memref<80x128xf32, #tpu.memory_space<vmem>>, vector<16xf32>,
      %swap3A_331 = arith.index_cast %scan3A_321 : i32 to index
      %swap3A_332 = arith.constant 48 : index
      %swap3A_333 = tpu.vector_load %arg6[%swap3A_331, %swap3A_332] {strides = array<i32>} : memref<80x128xf32, #tpu.memory_space<vmem>>, vector<16xf32>,
      tpu.vector_store %arg6[%swap3A_331, %swap3A_332], %broadcast_in_dim3A_1 {strides = array<i32>} : memref<80x128xf32, #tpu.memory_space<vmem>>, vector<16xf32>,
      %swap3A_334 = arith.index_cast %scan3A_321 : i32 to index
      %swap3A_335 = arith.constant 64 : index
      %swap3A_336 = tpu.vector_load %arg6[%swap3A_334, %swap3A_335] {strides = array<i32>} : memref<80x128xf32, #tpu.memory_space<vmem>>, vector<16xf32>,
      tpu.vector_store %arg6[%swap3A_334, %swap3A_335], %broadcast_in_dim3A_1 {strides = array<i32>} : memref<80x128xf32, #tpu.memory_space<vmem>>, vector<16xf32>,
      %swap3A_337 = arith.index_cast %scan3A_321 : i32 to index
      %swap3A_338 = arith.constant 80 : index
      %swap3A_339 = tpu.vector_load %arg6[%swap3A_337, %swap3A_338] {strides = array<i32>} : memref<80x128xf32, #tpu.memory_space<vmem>>, vector<16xf32>,
      tpu.vector_store %arg6[%swap3A_337, %swap3A_338], %broadcast_in_dim3A_1 {strides = array<i32>} : memref<80x128xf32, #tpu.memory_space<vmem>>, vector<16xf32>,
      %swap3A_340 = arith.index_cast %scan3A_321 : i32 to index
      %swap3A_341 = arith.constant 96 : index
      %swap3A_342 = tpu.vector_load %arg6[%swap3A_340, %swap3A_341] {strides = array<i32>} : memref<80x128xf32, #tpu.memory_space<vmem>>, vector<16xf32>,
      tpu.vector_store %arg6[%swap3A_340, %swap3A_341], %broadcast_in_dim3A_1 {strides = array<i32>} : memref<80x128xf32, #tpu.memory_space<vmem>>, vector<16xf32>,
      %swap3A_343 = arith.index_cast %scan3A_321 : i32 to index
      %swap3A_344 = arith.constant 112 : index
      %swap3A_345 = tpu.vector_load %arg6[%swap3A_343, %swap3A_344] {strides = array<i32>} : memref<80x128xf32, #tpu.memory_space<vmem>>, vector<16xf32>,
      tpu.vector_store %arg6[%swap3A_343, %swap3A_344], %broadcast_in_dim3A_1 {strides = array<i32>} : memref<80x128xf32, #tpu.memory_space<vmem>>, vector<16xf32>,
    }
    %scan3A_6 = arith.constant 80 : i32
    "tpu.region"() ({
      %run_scoped3A = tpu.sem_alloc : memref<!tpu.dma_semaphore, #tpu.memory_space<semaphore_mem>>
      %dma_start3A_321 = arith.constant 0 : i32
      %dma_start3A_322 = arith.constant 0 : i32
      %dma_start3A_323 = tpu.memref_slice %arg3[%add3A, %dma_start3A_321, %dma_start3A_322] : memref<32x125x80xi32, #tpu.memory_space<hbm>> -> memref<1x125x80xi32, #tpu.memory_space<hbm>>
      %dma_start3A_324 = tpu.memref_squeeze %dma_start3A_323 : memref<1x125x80xi32, #tpu.memory_space<hbm>> -> memref<125x80xi32, #tpu.memory_space<hbm>>
      %dma_start3A_325 = arith.constant 0 : i32
      %dma_start3A_326 = arith.constant 0 : i32
      %dma_start3A_327 = tpu.memref_slice %arg3[%add3A, %dma_start3A_325, %dma_start3A_326] : memref<32x125x80xi32, #tpu.memory_space<hbm>> -> memref<1x125x80xi32, #tpu.memory_space<hbm>>
      %dma_start3A_328 = tpu.memref_squeeze %dma_start3A_327 : memref<1x125x80xi32, #tpu.memory_space<hbm>> -> memref<125x80xi32, #tpu.memory_space<hbm>>
      tpu.enqueue_dma source(%dma_start3A_328 : memref<125x80xi32, #tpu.memory_space<hbm>>) target(%arg5 : memref<125x80xi32, #tpu.memory_space<vmem>>) target_semaphore(%run_scoped3A : memref<!tpu.dma_semaphore, #tpu.memory_space<semaphore_mem>>)
      %dma_wait3A_329 = arith.constant 0 : i32
      %dma_wait3A_330 = arith.constant 0 : i32
      %dma_wait3A_331 = tpu.memref_slice %arg3[%add3A, %dma_wait3A_329, %dma_wait3A_330] : memref<32x125x80xi32, #tpu.memory_space<hbm>> -> memref<1x125x80xi32, #tpu.memory_space<hbm>>
      %dma_wait3A_332 = tpu.memref_squeeze %dma_wait3A_331 : memref<1x125x80xi32, #tpu.memory_space<hbm>> -> memref<125x80xi32, #tpu.memory_space<hbm>>
      %dma_wait3A_333 = arith.constant 0 : i32
      %dma_wait3A_334 = arith.constant 0 : i32
      %dma_wait3A_335 = tpu.memref_slice %arg3[%add3A, %dma_wait3A_333, %dma_wait3A_334] : memref<32x125x80xi32, #tpu.memory_space<hbm>> -> memref<1x125x80xi32, #tpu.memory_space<hbm>>
      %dma_wait3A_336 = tpu.memref_squeeze %dma_wait3A_335 : memref<1x125x80xi32, #tpu.memory_space<hbm>> -> memref<125x80xi32, #tpu.memory_space<hbm>>
      tpu.wait_dma2 semaphore(%run_scoped3A : memref<!tpu.dma_semaphore, #tpu.memory_space<semaphore_mem>>) src(%dma_wait3A_336 : memref<125x80xi32, #tpu.memory_space<hbm>>) dst(%arg5 : memref<125x80xi32, #tpu.memory_space<vmem>>)
      tpu.yield
    }) : () -> ()
    %broadcast_in_dim3A_7 = arith.constant 1.000000e+00 : f32
    %broadcast_in_dim3A_8 = vector.broadcast %broadcast_in_dim3A_7 : f32 to vector<16xf32>
    %mul3A_9 = arith.constant 640 : i32
    %mul3A_10 = arith.muli %arg1, %mul3A_9 : i32
    %add3A_11 = arith.constant 0 : i32
    %add3A_12 = arith.addi %mul3A_10, %add3A_11 : i32
    "tpu.region"() ({
      %run_scoped3A = tpu.sem_alloc : memref<!tpu.dma_semaphore, #tpu.memory_space<semaphore_mem>>
      %dma_start3A_321 = arith.constant 0 : i32
      %dma_start3A_322 = tpu.memref_slice %arg12[%add3A_12, %dma_start3A_321] : memref<10240x128xf32, #tpu.memory_space<vmem_shared>> -> memref<80x128xf32, #tpu.memory_space<vmem_shared>>
      %dma_start3A_323 = arith.constant 0 : i32
      %dma_start3A_324 = tpu.memref_slice %arg12[%add3A_12, %dma_start3A_323] : memref<10240x128xf32, #tpu.memory_space<vmem_shared>> -> memref<80x128xf32, #tpu.memory_space<vmem_shared>>
      tpu.enqueue_dma source(%arg6 : memref<80x128xf32, #tpu.memory_space<vmem>>) target(%dma_start3A_324 : memref<80x128xf32, #tpu.memory_space<vmem_shared>>) target_semaphore(%run_scoped3A : memref<!tpu.dma_semaphore, #tpu.memory_space<semaphore_mem>>)
      %dma_wait3A_325 = arith.constant 0 : i32
      %dma_wait3A_326 = tpu.memref_slice %arg12[%add3A_12, %dma_wait3A_325] : memref<10240x128xf32, #tpu.memory_space<vmem_shared>> -> memref<80x128xf32, #tpu.memory_space<vmem_shared>>
      %dma_wait3A_327 = arith.constant 0 : i32
      %dma_wait3A_328 = tpu.memref_slice %arg12[%add3A_12, %dma_wait3A_327] : memref<10240x128xf32, #tpu.memory_space<vmem_shared>> -> memref<80x128xf32, #tpu.memory_space<vmem_shared>>
      tpu.wait_dma2 semaphore(%run_scoped3A : memref<!tpu.dma_semaphore, #tpu.memory_space<semaphore_mem>>) src(%arg6 : memref<80x128xf32, #tpu.memory_space<vmem>>) dst(%dma_wait3A_328 : memref<80x128xf32, #tpu.memory_space<vmem_shared>>)
      tpu.yield
    }) : () -> ()
    %mul3A_13 = arith.constant 640 : i32
    %mul3A_14 = arith.muli %arg1, %mul3A_13 : i32
    %add3A_15 = arith.constant 80 : i32
    %add3A_16 = arith.addi %mul3A_14, %add3A_15 : i32
    "tpu.region"() ({
      %run_scoped3A = tpu.sem_alloc : memref<!tpu.dma_semaphore, #tpu.memory_space<semaphore_mem>>
      %dma_start3A_321 = arith.constant 0 : i32
      %dma_start3A_322 = tpu.memref_slice %arg12[%add3A_16, %dma_start3A_321] : memref<10240x128xf32, #tpu.memory_space<vmem_shared>> -> memref<80x128xf32, #tpu.memory_space<vmem_shared>>
      %dma_start3A_323 = arith.constant 0 : i32
      %dma_start3A_324 = tpu.memref_slice %arg12[%add3A_16, %dma_start3A_323] : memref<10240x128xf32, #tpu.memory_space<vmem_shared>> -> memref<80x128xf32, #tpu.memory_space<vmem_shared>>
      tpu.enqueue_dma source(%arg6 : memref<80x128xf32, #tpu.memory_space<vmem>>) target(%dma_start3A_324 : memref<80x128xf32, #tpu.memory_space<vmem_shared>>) target_semaphore(%run_scoped3A : memref<!tpu.dma_semaphore, #tpu.memory_space<semaphore_mem>>)
      %dma_wait3A_325 = arith.constant 0 : i32
      %dma_wait3A_326 = tpu.memref_slice %arg12[%add3A_16, %dma_wait3A_325] : memref<10240x128xf32, #tpu.memory_space<vmem_shared>> -> memref<80x128xf32, #tpu.memory_space<vmem_shared>>
      %dma_wait3A_327 = arith.constant 0 : i32
      %dma_wait3A_328 = tpu.memref_slice %arg12[%add3A_16, %dma_wait3A_327] : memref<10240x128xf32, #tpu.memory_space<vmem_shared>> -> memref<80x128xf32, #tpu.memory_space<vmem_shared>>
      tpu.wait_dma2 semaphore(%run_scoped3A : memref<!tpu.dma_semaphore, #tpu.memory_space<semaphore_mem>>) src(%arg6 : memref<80x128xf32, #tpu.memory_space<vmem>>) dst(%dma_wait3A_328 : memref<80x128xf32, #tpu.memory_space<vmem_shared>>)
      tpu.yield
    }) : () -> ()
    %mul3A_17 = arith.constant 640 : i32
    %mul3A_18 = arith.muli %arg1, %mul3A_17 : i32
    %add3A_19 = arith.constant 160 : i32
    %add3A_20 = arith.addi %mul3A_18, %add3A_19 : i32
    "tpu.region"() ({
      %run_scoped3A = tpu.sem_alloc : memref<!tpu.dma_semaphore, #tpu.memory_space<semaphore_mem>>
      %dma_start3A_321 = arith.constant 0 : i32
      %dma_start3A_322 = tpu.memref_slice %arg12[%add3A_20, %dma_start3A_321] : memref<10240x128xf32, #tpu.memory_space<vmem_shared>> -> memref<80x128xf32, #tpu.memory_space<vmem_shared>>
      %dma_start3A_323 = arith.constant 0 : i32
      %dma_start3A_324 = tpu.memref_slice %arg12[%add3A_20, %dma_start3A_323] : memref<10240x128xf32, #tpu.memory_space<vmem_shared>> -> memref<80x128xf32, #tpu.memory_space<vmem_shared>>
      tpu.enqueue_dma source(%arg6 : memref<80x128xf32, #tpu.memory_space<vmem>>) target(%dma_start3A_324 : memref<80x128xf32, #tpu.memory_space<vmem_shared>>) target_semaphore(%run_scoped3A : memref<!tpu.dma_semaphore, #tpu.memory_space<semaphore_mem>>)
      %dma_wait3A_325 = arith.constant 0 : i32
      %dma_wait3A_326 = tpu.memref_slice %arg12[%add3A_20, %dma_wait3A_325] : memref<10240x128xf32, #tpu.memory_space<vmem_shared>> -> memref<80x128xf32, #tpu.memory_space<vmem_shared>>
      %dma_wait3A_327 = arith.constant 0 : i32
      %dma_wait3A_328 = tpu.memref_slice %arg12[%add3A_20, %dma_wait3A_327] : memref<10240x128xf32, #tpu.memory_space<vmem_shared>> -> memref<80x128xf32, #tpu.memory_space<vmem_shared>>
      tpu.wait_dma2 semaphore(%run_scoped3A : memref<!tpu.dma_semaphore, #tpu.memory_space<semaphore_mem>>) src(%arg6 : memref<80x128xf32, #tpu.memory_space<vmem>>) dst(%dma_wait3A_328 : memref<80x128xf32, #tpu.memory_space<vmem_shared>>)
      tpu.yield
    }) : () -> ()
    %mul3A_21 = arith.constant 640 : i32
    %mul3A_22 = arith.muli %arg1, %mul3A_21 : i32
    %add3A_23 = arith.constant 240 : i32
    %add3A_24 = arith.addi %mul3A_22, %add3A_23 : i32
    "tpu.region"() ({
      %run_scoped3A = tpu.sem_alloc : memref<!tpu.dma_semaphore, #tpu.memory_space<semaphore_mem>>
      %dma_start3A_321 = arith.constant 0 : i32
      %dma_start3A_322 = tpu.memref_slice %arg12[%add3A_24, %dma_start3A_321] : memref<10240x128xf32, #tpu.memory_space<vmem_shared>> -> memref<80x128xf32, #tpu.memory_space<vmem_shared>>
      %dma_start3A_323 = arith.constant 0 : i32
      %dma_start3A_324 = tpu.memref_slice %arg12[%add3A_24, %dma_start3A_323] : memref<10240x128xf32, #tpu.memory_space<vmem_shared>> -> memref<80x128xf32, #tpu.memory_space<vmem_shared>>
      tpu.enqueue_dma source(%arg6 : memref<80x128xf32, #tpu.memory_space<vmem>>) target(%dma_start3A_324 : memref<80x128xf32, #tpu.memory_space<vmem_shared>>) target_semaphore(%run_scoped3A : memref<!tpu.dma_semaphore, #tpu.memory_space<semaphore_mem>>)
      %dma_wait3A_325 = arith.constant 0 : i32
      %dma_wait3A_326 = tpu.memref_slice %arg12[%add3A_24, %dma_wait3A_325] : memref<10240x128xf32, #tpu.memory_space<vmem_shared>> -> memref<80x128xf32, #tpu.memory_space<vmem_shared>>
      %dma_wait3A_327 = arith.constant 0 : i32
      %dma_wait3A_328 = tpu.memref_slice %arg12[%add3A_24, %dma_wait3A_327] : memref<10240x128xf32, #tpu.memory_space<vmem_shared>> -> memref<80x128xf32, #tpu.memory_space<vmem_shared>>
      tpu.wait_dma2 semaphore(%run_scoped3A : memref<!tpu.dma_semaphore, #tpu.memory_space<semaphore_mem>>) src(%arg6 : memref<80x128xf32, #tpu.memory_space<vmem>>) dst(%dma_wait3A_328 : memref<80x128xf32, #tpu.memory_space<vmem_shared>>)
      tpu.yield
    }) : () -> ()
    %mul3A_25 = arith.constant 640 : i32
    %mul3A_26 = arith.muli %arg1, %mul3A_25 : i32
    %add3A_27 = arith.constant 320 : i32
    %add3A_28 = arith.addi %mul3A_26, %add3A_27 : i32
    "tpu.region"() ({
      %run_scoped3A = tpu.sem_alloc : memref<!tpu.dma_semaphore, #tpu.memory_space<semaphore_mem>>
      %dma_start3A_321 = arith.constant 0 : i32
      %dma_start3A_322 = tpu.memref_slice %arg12[%add3A_28, %dma_start3A_321] : memref<10240x128xf32, #tpu.memory_space<vmem_shared>> -> memref<80x128xf32, #tpu.memory_space<vmem_shared>>
      %dma_start3A_323 = arith.constant 0 : i32
      %dma_start3A_324 = tpu.memref_slice %arg12[%add3A_28, %dma_start3A_323] : memref<10240x128xf32, #tpu.memory_space<vmem_shared>> -> memref<80x128xf32, #tpu.memory_space<vmem_shared>>
      tpu.enqueue_dma source(%arg6 : memref<80x128xf32, #tpu.memory_space<vmem>>) target(%dma_start3A_324 : memref<80x128xf32, #tpu.memory_space<vmem_shared>>) target_semaphore(%run_scoped3A : memref<!tpu.dma_semaphore, #tpu.memory_space<semaphore_mem>>)
      %dma_wait3A_325 = arith.constant 0 : i32
      %dma_wait3A_326 = tpu.memref_slice %arg12[%add3A_28, %dma_wait3A_325] : memref<10240x128xf32, #tpu.memory_space<vmem_shared>> -> memref<80x128xf32, #tpu.memory_space<vmem_shared>>
      %dma_wait3A_327 = arith.constant 0 : i32
      %dma_wait3A_328 = tpu.memref_slice %arg12[%add3A_28, %dma_wait3A_327] : memref<10240x128xf32, #tpu.memory_space<vmem_shared>> -> memref<80x128xf32, #tpu.memory_space<vmem_shared>>
      tpu.wait_dma2 semaphore(%run_scoped3A : memref<!tpu.dma_semaphore, #tpu.memory_space<semaphore_mem>>) src(%arg6 : memref<80x128xf32, #tpu.memory_space<vmem>>) dst(%dma_wait3A_328 : memref<80x128xf32, #tpu.memory_space<vmem_shared>>)
      tpu.yield
    }) : () -> ()
    %mul3A_29 = arith.constant 640 : i32
    %mul3A_30 = arith.muli %arg1, %mul3A_29 : i32
    %add3A_31 = arith.constant 400 : i32
    %add3A_32 = arith.addi %mul3A_30, %add3A_31 : i32
    "tpu.region"() ({
      %run_scoped3A = tpu.sem_alloc : memref<!tpu.dma_semaphore, #tpu.memory_space<semaphore_mem>>
      %dma_start3A_321 = arith.constant 0 : i32
      %dma_start3A_322 = tpu.memref_slice %arg12[%add3A_32, %dma_start3A_321] : memref<10240x128xf32, #tpu.memory_space<vmem_shared>> -> memref<80x128xf32, #tpu.memory_space<vmem_shared>>
      %dma_start3A_323 = arith.constant 0 : i32
      %dma_start3A_324 = tpu.memref_slice %arg12[%add3A_32, %dma_start3A_323] : memref<10240x128xf32, #tpu.memory_space<vmem_shared>> -> memref<80x128xf32, #tpu.memory_space<vmem_shared>>
      tpu.enqueue_dma source(%arg6 : memref<80x128xf32, #tpu.memory_space<vmem>>) target(%dma_start3A_324 : memref<80x128xf32, #tpu.memory_space<vmem_shared>>) target_semaphore(%run_scoped3A : memref<!tpu.dma_semaphore, #tpu.memory_space<semaphore_mem>>)
      %dma_wait3A_325 = arith.constant 0 : i32
      %dma_wait3A_326 = tpu.memref_slice %arg12[%add3A_32, %dma_wait3A_325] : memref<10240x128xf32, #tpu.memory_space<vmem_shared>> -> memref<80x128xf32, #tpu.memory_space<vmem_shared>>
      %dma_wait3A_327 = arith.constant 0 : i32
      %dma_wait3A_328 = tpu.memref_slice %arg12[%add3A_32, %dma_wait3A_327] : memref<10240x128xf32, #tpu.memory_space<vmem_shared>> -> memref<80x128xf32, #tpu.memory_space<vmem_shared>>
      tpu.wait_dma2 semaphore(%run_scoped3A : memref<!tpu.dma_semaphore, #tpu.memory_space<semaphore_mem>>) src(%arg6 : memref<80x128xf32, #tpu.memory_space<vmem>>) dst(%dma_wait3A_328 : memref<80x128xf32, #tpu.memory_space<vmem_shared>>)
      tpu.yield
    }) : () -> ()
    %mul3A_33 = arith.constant 640 : i32
    %mul3A_34 = arith.muli %arg1, %mul3A_33 : i32
    %add3A_35 = arith.constant 480 : i32
    %add3A_36 = arith.addi %mul3A_34, %add3A_35 : i32
    "tpu.region"() ({
      %run_scoped3A = tpu.sem_alloc : memref<!tpu.dma_semaphore, #tpu.memory_space<semaphore_mem>>
      %dma_start3A_321 = arith.constant 0 : i32
      %dma_start3A_322 = tpu.memref_slice %arg12[%add3A_36, %dma_start3A_321] : memref<10240x128xf32, #tpu.memory_space<vmem_shared>> -> memref<80x128xf32, #tpu.memory_space<vmem_shared>>
      %dma_start3A_323 = arith.constant 0 : i32
      %dma_start3A_324 = tpu.memref_slice %arg12[%add3A_36, %dma_start3A_323] : memref<10240x128xf32, #tpu.memory_space<vmem_shared>> -> memref<80x128xf32, #tpu.memory_space<vmem_shared>>
      tpu.enqueue_dma source(%arg6 : memref<80x128xf32, #tpu.memory_space<vmem>>) target(%dma_start3A_324 : memref<80x128xf32, #tpu.memory_space<vmem_shared>>) target_semaphore(%run_scoped3A : memref<!tpu.dma_semaphore, #tpu.memory_space<semaphore_mem>>)
      %dma_wait3A_325 = arith.constant 0 : i32
      %dma_wait3A_326 = tpu.memref_slice %arg12[%add3A_36, %dma_wait3A_325] : memref<10240x128xf32, #tpu.memory_space<vmem_shared>> -> memref<80x128xf32, #tpu.memory_space<vmem_shared>>
      %dma_wait3A_327 = arith.constant 0 : i32
      %dma_wait3A_328 = tpu.memref_slice %arg12[%add3A_36, %dma_wait3A_327] : memref<10240x128xf32, #tpu.memory_space<vmem_shared>> -> memref<80x128xf32, #tpu.memory_space<vmem_shared>>
      tpu.wait_dma2 semaphore(%run_scoped3A : memref<!tpu.dma_semaphore, #tpu.memory_space<semaphore_mem>>) src(%arg6 : memref<80x128xf32, #tpu.memory_space<vmem>>) dst(%dma_wait3A_328 : memref<80x128xf32, #tpu.memory_space<vmem_shared>>)
      tpu.yield
    }) : () -> ()
    %mul3A_37 = arith.constant 640 : i32
    %mul3A_38 = arith.muli %arg1, %mul3A_37 : i32
    %add3A_39 = arith.constant 560 : i32
    %add3A_40 = arith.addi %mul3A_38, %add3A_39 : i32
    "tpu.region"() ({
      %run_scoped3A = tpu.sem_alloc : memref<!tpu.dma_semaphore, #tpu.memory_space<semaphore_mem>>
      %dma_start3A_321 = arith.constant 0 : i32
      %dma_start3A_322 = tpu.memref_slice %arg12[%add3A_40, %dma_start3A_321] : memref<10240x128xf32, #tpu.memory_space<vmem_shared>> -> memref<80x128xf32, #tpu.memory_space<vmem_shared>>
      %dma_start3A_323 = arith.constant 0 : i32
      %dma_start3A_324 = tpu.memref_slice %arg12[%add3A_40, %dma_start3A_323] : memref<10240x128xf32, #tpu.memory_space<vmem_shared>> -> memref<80x128xf32, #tpu.memory_space<vmem_shared>>
      tpu.enqueue_dma source(%arg6 : memref<80x128xf32, #tpu.memory_space<vmem>>) target(%dma_start3A_324 : memref<80x128xf32, #tpu.memory_space<vmem_shared>>) target_semaphore(%run_scoped3A : memref<!tpu.dma_semaphore, #tpu.memory_space<semaphore_mem>>)
      %dma_wait3A_325 = arith.constant 0 : i32
      %dma_wait3A_326 = tpu.memref_slice %arg12[%add3A_40, %dma_wait3A_325] : memref<10240x128xf32, #tpu.memory_space<vmem_shared>> -> memref<80x128xf32, #tpu.memory_space<vmem_shared>>
      %dma_wait3A_327 = arith.constant 0 : i32
      %dma_wait3A_328 = tpu.memref_slice %arg12[%add3A_40, %dma_wait3A_327] : memref<10240x128xf32, #tpu.memory_space<vmem_shared>> -> memref<80x128xf32, #tpu.memory_space<vmem_shared>>
      tpu.wait_dma2 semaphore(%run_scoped3A : memref<!tpu.dma_semaphore, #tpu.memory_space<semaphore_mem>>) src(%arg6 : memref<80x128xf32, #tpu.memory_space<vmem>>) dst(%dma_wait3A_328 : memref<80x128xf32, #tpu.memory_space<vmem_shared>>)
      tpu.yield
    }) : () -> ()
    %barrier3A = arith.constant 0 : index
    tpu.barrier barrier_id(%barrier3A)
    %get3A = arith.constant 0 : i32
    %get3A_41 = arith.index_cast %get3A : i32 to index
    %get3A_42 = arith.constant 0 : index
    %get3A_43 = tpu.vector_load %arg5[%get3A_41, %get3A_42] {strides = array<i32>} : memref<125x80xi32, #tpu.memory_space<vmem>>, vector<16xi32>,
    %shift_right_logical3A = arith.constant 16 : i32
    %shift_right_logical3A_44 = vector.broadcast %shift_right_logical3A : i32 to vector<16xi32>
    %shift_right_logical3A_45 = arith.shrui %get3A_43, %shift_right_logical3A_44 : vector<16xi32>
    %and3A = arith.constant 65535 : i32
    %and3A_46 = vector.broadcast %and3A : i32 to vector<16xi32>
    %and3A_47 = arith.andi %get3A_43, %and3A_46 : vector<16xi32>
    %swap3A = arith.constant 0 : index
    %swap3A_48 = tpu.vector_load %arg8[%swap3A] {strides = array<i32>} : memref<80xi32, #tpu.memory_space<vmem>>, vector<16xi32>,
    tpu.vector_store %arg8[%swap3A], %and3A_47 {strides = array<i32>} : memref<80xi32, #tpu.memory_space<vmem>>, vector<16xi32>,
    %swap3A_49 = arith.constant 0 : index
    %swap3A_50 = tpu.vector_load %arg10[%swap3A_49] {strides = array<i32>} : memref<80xi32, #tpu.memory_space<vmem>>, vector<16xi32>,
    tpu.vector_store %arg10[%swap3A_49], %shift_right_logical3A_45 {strides = array<i32>} : memref<80xi32, #tpu.memory_space<vmem>>, vector<16xi32>,
    %get3A_51 = arith.constant 0 : i32
    %get3A_52 = arith.index_cast %get3A_51 : i32 to index
    %get3A_53 = arith.constant 16 : index
    %get3A_54 = tpu.vector_load %arg5[%get3A_52, %get3A_53] {strides = array<i32>} : memref<125x80xi32, #tpu.memory_space<vmem>>, vector<16xi32>,
    %shift_right_logical3A_55 = arith.constant 16 : i32
    %shift_right_logical3A_56 = vector.broadcast %shift_right_logical3A_55 : i32 to vector<16xi32>
    %shift_right_logical3A_57 = arith.shrui %get3A_54, %shift_right_logical3A_56 : vector<16xi32>
    %and3A_58 = arith.constant 65535 : i32
    %and3A_59 = vector.broadcast %and3A_58 : i32 to vector<16xi32>
    %and3A_60 = arith.andi %get3A_54, %and3A_59 : vector<16xi32>
    %swap3A_61 = arith.constant 16 : index
    %swap3A_62 = tpu.vector_load %arg8[%swap3A_61] {strides = array<i32>} : memref<80xi32, #tpu.memory_space<vmem>>, vector<16xi32>,
    tpu.vector_store %arg8[%swap3A_61], %and3A_60 {strides = array<i32>} : memref<80xi32, #tpu.memory_space<vmem>>, vector<16xi32>,
    %swap3A_63 = arith.constant 16 : index
    %swap3A_64 = tpu.vector_load %arg10[%swap3A_63] {strides = array<i32>} : memref<80xi32, #tpu.memory_space<vmem>>, vector<16xi32>,
    tpu.vector_store %arg10[%swap3A_63], %shift_right_logical3A_57 {strides = array<i32>} : memref<80xi32, #tpu.memory_space<vmem>>, vector<16xi32>,
    %get3A_65 = arith.constant 0 : i32
    %get3A_66 = arith.index_cast %get3A_65 : i32 to index
    %get3A_67 = arith.constant 32 : index
    %get3A_68 = tpu.vector_load %arg5[%get3A_66, %get3A_67] {strides = array<i32>} : memref<125x80xi32, #tpu.memory_space<vmem>>, vector<16xi32>,
    %shift_right_logical3A_69 = arith.constant 16 : i32
    %shift_right_logical3A_70 = vector.broadcast %shift_right_logical3A_69 : i32 to vector<16xi32>
    %shift_right_logical3A_71 = arith.shrui %get3A_68, %shift_right_logical3A_70 : vector<16xi32>
    %and3A_72 = arith.constant 65535 : i32
    %and3A_73 = vector.broadcast %and3A_72 : i32 to vector<16xi32>
    %and3A_74 = arith.andi %get3A_68, %and3A_73 : vector<16xi32>
    %swap3A_75 = arith.constant 32 : index
    %swap3A_76 = tpu.vector_load %arg8[%swap3A_75] {strides = array<i32>} : memref<80xi32, #tpu.memory_space<vmem>>, vector<16xi32>,
    tpu.vector_store %arg8[%swap3A_75], %and3A_74 {strides = array<i32>} : memref<80xi32, #tpu.memory_space<vmem>>, vector<16xi32>,
    %swap3A_77 = arith.constant 32 : index
    %swap3A_78 = tpu.vector_load %arg10[%swap3A_77] {strides = array<i32>} : memref<80xi32, #tpu.memory_space<vmem>>, vector<16xi32>,
    tpu.vector_store %arg10[%swap3A_77], %shift_right_logical3A_71 {strides = array<i32>} : memref<80xi32, #tpu.memory_space<vmem>>, vector<16xi32>,
    %get3A_79 = arith.constant 0 : i32
    %get3A_80 = arith.index_cast %get3A_79 : i32 to index
    %get3A_81 = arith.constant 48 : index
    %get3A_82 = tpu.vector_load %arg5[%get3A_80, %get3A_81] {strides = array<i32>} : memref<125x80xi32, #tpu.memory_space<vmem>>, vector<16xi32>,
    %shift_right_logical3A_83 = arith.constant 16 : i32
    %shift_right_logical3A_84 = vector.broadcast %shift_right_logical3A_83 : i32 to vector<16xi32>
    %shift_right_logical3A_85 = arith.shrui %get3A_82, %shift_right_logical3A_84 : vector<16xi32>
    %and3A_86 = arith.constant 65535 : i32
    %and3A_87 = vector.broadcast %and3A_86 : i32 to vector<16xi32>
    %and3A_88 = arith.andi %get3A_82, %and3A_87 : vector<16xi32>
    %swap3A_89 = arith.constant 48 : index
    %swap3A_90 = tpu.vector_load %arg8[%swap3A_89] {strides = array<i32>} : memref<80xi32, #tpu.memory_space<vmem>>, vector<16xi32>,
    tpu.vector_store %arg8[%swap3A_89], %and3A_88 {strides = array<i32>} : memref<80xi32, #tpu.memory_space<vmem>>, vector<16xi32>,
    %swap3A_91 = arith.constant 48 : index
    %swap3A_92 = tpu.vector_load %arg10[%swap3A_91] {strides = array<i32>} : memref<80xi32, #tpu.memory_space<vmem>>, vector<16xi32>,
    tpu.vector_store %arg10[%swap3A_91], %shift_right_logical3A_85 {strides = array<i32>} : memref<80xi32, #tpu.memory_space<vmem>>, vector<16xi32>,
    %get3A_93 = arith.constant 0 : i32
    %get3A_94 = arith.index_cast %get3A_93 : i32 to index
    %get3A_95 = arith.constant 64 : index
    %get3A_96 = tpu.vector_load %arg5[%get3A_94, %get3A_95] {strides = array<i32>} : memref<125x80xi32, #tpu.memory_space<vmem>>, vector<16xi32>,
    %shift_right_logical3A_97 = arith.constant 16 : i32
    %shift_right_logical3A_98 = vector.broadcast %shift_right_logical3A_97 : i32 to vector<16xi32>
    %shift_right_logical3A_99 = arith.shrui %get3A_96, %shift_right_logical3A_98 : vector<16xi32>
    %and3A_100 = arith.constant 65535 : i32
    %and3A_101 = vector.broadcast %and3A_100 : i32 to vector<16xi32>
    %and3A_102 = arith.andi %get3A_96, %and3A_101 : vector<16xi32>
    %swap3A_103 = arith.constant 64 : index
    %swap3A_104 = tpu.vector_load %arg8[%swap3A_103] {strides = array<i32>} : memref<80xi32, #tpu.memory_space<vmem>>, vector<16xi32>,
    tpu.vector_store %arg8[%swap3A_103], %and3A_102 {strides = array<i32>} : memref<80xi32, #tpu.memory_space<vmem>>, vector<16xi32>,
    %swap3A_105 = arith.constant 64 : index
    %swap3A_106 = tpu.vector_load %arg10[%swap3A_105] {strides = array<i32>} : memref<80xi32, #tpu.memory_space<vmem>>, vector<16xi32>,
    tpu.vector_store %arg10[%swap3A_105], %shift_right_logical3A_99 {strides = array<i32>} : memref<80xi32, #tpu.memory_space<vmem>>, vector<16xi32>,
    %dma_start3A = arith.constant 0 : i32
    %dma_start3A_107 = arith.constant 0 : i32
    %dma_start3A_108 = tpu.memref_slice %arg2[%dma_start3A, %dma_start3A_107] : memref<10240x128xf32, #tpu.memory_space<hbm>> -> memref<10240x128xf32, #tpu.memory_space<hbm>>
    tpu.enqueue_indirect_dma source(%dma_start3A_108 : memref<10240x128xf32, #tpu.memory_space<hbm>>) target(%arg6 : memref<80x128xf32, #tpu.memory_space<vmem>>) offsets(%arg8 : memref<80xi32, #tpu.memory_space<vmem>>) semaphore(%arg13 : memref<!tpu.dma_semaphore, #tpu.memory_space<semaphore_mem>>)
    %dma_wait3A = arith.constant 0 : i32
    %dma_wait3A_109 = arith.constant 0 : i32
    %dma_wait3A_110 = tpu.memref_slice %arg2[%dma_wait3A, %dma_wait3A_109] : memref<10240x128xf32, #tpu.memory_space<hbm>> -> memref<10240x128xf32, #tpu.memory_space<hbm>>
    tpu.wait_indirect_dma semaphore(%arg13 : memref<!tpu.dma_semaphore, #tpu.memory_space<semaphore_mem>>) src(%dma_wait3A_110 : memref<10240x128xf32, #tpu.memory_space<hbm>>) dst(%arg6 : memref<80x128xf32, #tpu.memory_space<vmem>>)
    %dma_start3A_111 = arith.constant 0 : i32
    %dma_start3A_112 = arith.constant 0 : i32
    %dma_start3A_113 = tpu.memref_slice %arg12[%dma_start3A_111, %dma_start3A_112] : memref<10240x128xf32, #tpu.memory_space<vmem_shared>> -> memref<10240x128xf32, #tpu.memory_space<vmem_shared>>
    tpu.enqueue_indirect_dma source(%arg6 : memref<80x128xf32, #tpu.memory_space<vmem>>) target(%dma_start3A_113 : memref<10240x128xf32, #tpu.memory_space<vmem_shared>>) offsets(%arg10 : memref<80xi32, #tpu.memory_space<vmem>>) semaphore(%arg15 : memref<!tpu.dma_semaphore, #tpu.memory_space<semaphore_mem>>) {add = true}
    %get3A_114 = arith.constant 1 : i32
    %get3A_115 = arith.index_cast %get3A_114 : i32 to index
    %get3A_116 = arith.constant 0 : index
    %get3A_117 = tpu.vector_load %arg5[%get3A_115, %get3A_116] {strides = array<i32>} : memref<125x80xi32, #tpu.memory_space<vmem>>, vector<16xi32>,
    %shift_right_logical3A_118 = arith.constant 16 : i32
    %shift_right_logical3A_119 = vector.broadcast %shift_right_logical3A_118 : i32 to vector<16xi32>
    %shift_right_logical3A_120 = arith.shrui %get3A_117, %shift_right_logical3A_119 : vector<16xi32>
    %and3A_121 = arith.constant 65535 : i32
    %and3A_122 = vector.broadcast %and3A_121 : i32 to vector<16xi32>
    %and3A_123 = arith.andi %get3A_117, %and3A_122 : vector<16xi32>
    %swap3A_124 = arith.constant 0 : index
    %swap3A_125 = tpu.vector_load %arg9[%swap3A_124] {strides = array<i32>} : memref<80xi32, #tpu.memory_space<vmem>>, vector<16xi32>,
    tpu.vector_store %arg9[%swap3A_124], %and3A_123 {strides = array<i32>} : memref<80xi32, #tpu.memory_space<vmem>>, vector<16xi32>,
    %swap3A_126 = arith.constant 0 : index
    %swap3A_127 = tpu.vector_load %arg11[%swap3A_126] {strides = array<i32>} : memref<80xi32, #tpu.memory_space<vmem>>, vector<16xi32>,
    tpu.vector_store %arg11[%swap3A_126], %shift_right_logical3A_120 {strides = array<i32>} : memref<80xi32, #tpu.memory_space<vmem>>, vector<16xi32>,
    %get3A_128 = arith.constant 1 : i32
    %get3A_129 = arith.index_cast %get3A_128 : i32 to index
    %get3A_130 = arith.constant 16 : index
    %get3A_131 = tpu.vector_load %arg5[%get3A_129, %get3A_130] {strides = array<i32>} : memref<125x80xi32, #tpu.memory_space<vmem>>, vector<16xi32>,
    %shift_right_logical3A_132 = arith.constant 16 : i32
    %shift_right_logical3A_133 = vector.broadcast %shift_right_logical3A_132 : i32 to vector<16xi32>
    %shift_right_logical3A_134 = arith.shrui %get3A_131, %shift_right_logical3A_133 : vector<16xi32>
    %and3A_135 = arith.constant 65535 : i32
    %and3A_136 = vector.broadcast %and3A_135 : i32 to vector<16xi32>
    %and3A_137 = arith.andi %get3A_131, %and3A_136 : vector<16xi32>
    %swap3A_138 = arith.constant 16 : index
    %swap3A_139 = tpu.vector_load %arg9[%swap3A_138] {strides = array<i32>} : memref<80xi32, #tpu.memory_space<vmem>>, vector<16xi32>,
    tpu.vector_store %arg9[%swap3A_138], %and3A_137 {strides = array<i32>} : memref<80xi32, #tpu.memory_space<vmem>>, vector<16xi32>,
    %swap3A_140 = arith.constant 16 : index
    %swap3A_141 = tpu.vector_load %arg11[%swap3A_140] {strides = array<i32>} : memref<80xi32, #tpu.memory_space<vmem>>, vector<16xi32>,
    tpu.vector_store %arg11[%swap3A_140], %shift_right_logical3A_134 {strides = array<i32>} : memref<80xi32, #tpu.memory_space<vmem>>, vector<16xi32>,
    %get3A_142 = arith.constant 1 : i32
    %get3A_143 = arith.index_cast %get3A_142 : i32 to index
    %get3A_144 = arith.constant 32 : index
    %get3A_145 = tpu.vector_load %arg5[%get3A_143, %get3A_144] {strides = array<i32>} : memref<125x80xi32, #tpu.memory_space<vmem>>, vector<16xi32>,
    %shift_right_logical3A_146 = arith.constant 16 : i32
    %shift_right_logical3A_147 = vector.broadcast %shift_right_logical3A_146 : i32 to vector<16xi32>
    %shift_right_logical3A_148 = arith.shrui %get3A_145, %shift_right_logical3A_147 : vector<16xi32>
    %and3A_149 = arith.constant 65535 : i32
    %and3A_150 = vector.broadcast %and3A_149 : i32 to vector<16xi32>
    %and3A_151 = arith.andi %get3A_145, %and3A_150 : vector<16xi32>
    %swap3A_152 = arith.constant 32 : index
    %swap3A_153 = tpu.vector_load %arg9[%swap3A_152] {strides = array<i32>} : memref<80xi32, #tpu.memory_space<vmem>>, vector<16xi32>,
    tpu.vector_store %arg9[%swap3A_152], %and3A_151 {strides = array<i32>} : memref<80xi32, #tpu.memory_space<vmem>>, vector<16xi32>,
    %swap3A_154 = arith.constant 32 : index
    %swap3A_155 = tpu.vector_load %arg11[%swap3A_154] {strides = array<i32>} : memref<80xi32, #tpu.memory_space<vmem>>, vector<16xi32>,
    tpu.vector_store %arg11[%swap3A_154], %shift_right_logical3A_148 {strides = array<i32>} : memref<80xi32, #tpu.memory_space<vmem>>, vector<16xi32>,
    %get3A_156 = arith.constant 1 : i32
    %get3A_157 = arith.index_cast %get3A_156 : i32 to index
    %get3A_158 = arith.constant 48 : index
    %get3A_159 = tpu.vector_load %arg5[%get3A_157, %get3A_158] {strides = array<i32>} : memref<125x80xi32, #tpu.memory_space<vmem>>, vector<16xi32>,
    %shift_right_logical3A_160 = arith.constant 16 : i32
    %shift_right_logical3A_161 = vector.broadcast %shift_right_logical3A_160 : i32 to vector<16xi32>
    %shift_right_logical3A_162 = arith.shrui %get3A_159, %shift_right_logical3A_161 : vector<16xi32>
    %and3A_163 = arith.constant 65535 : i32
    %and3A_164 = vector.broadcast %and3A_163 : i32 to vector<16xi32>
    %and3A_165 = arith.andi %get3A_159, %and3A_164 : vector<16xi32>
    %swap3A_166 = arith.constant 48 : index
    %swap3A_167 = tpu.vector_load %arg9[%swap3A_166] {strides = array<i32>} : memref<80xi32, #tpu.memory_space<vmem>>, vector<16xi32>,
    tpu.vector_store %arg9[%swap3A_166], %and3A_165 {strides = array<i32>} : memref<80xi32, #tpu.memory_space<vmem>>, vector<16xi32>,
    %swap3A_168 = arith.constant 48 : index
    %swap3A_169 = tpu.vector_load %arg11[%swap3A_168] {strides = array<i32>} : memref<80xi32, #tpu.memory_space<vmem>>, vector<16xi32>,
    tpu.vector_store %arg11[%swap3A_168], %shift_right_logical3A_162 {strides = array<i32>} : memref<80xi32, #tpu.memory_space<vmem>>, vector<16xi32>,
    %get3A_170 = arith.constant 1 : i32
    %get3A_171 = arith.index_cast %get3A_170 : i32 to index
    %get3A_172 = arith.constant 64 : index
    %get3A_173 = tpu.vector_load %arg5[%get3A_171, %get3A_172] {strides = array<i32>} : memref<125x80xi32, #tpu.memory_space<vmem>>, vector<16xi32>,
    %shift_right_logical3A_174 = arith.constant 16 : i32
    %shift_right_logical3A_175 = vector.broadcast %shift_right_logical3A_174 : i32 to vector<16xi32>
    %shift_right_logical3A_176 = arith.shrui %get3A_173, %shift_right_logical3A_175 : vector<16xi32>
    %and3A_177 = arith.constant 65535 : i32
    %and3A_178 = vector.broadcast %and3A_177 : i32 to vector<16xi32>
    %and3A_179 = arith.andi %get3A_173, %and3A_178 : vector<16xi32>
    %swap3A_180 = arith.constant 64 : index
    %swap3A_181 = tpu.vector_load %arg9[%swap3A_180] {strides = array<i32>} : memref<80xi32, #tpu.memory_space<vmem>>, vector<16xi32>,
    tpu.vector_store %arg9[%swap3A_180], %and3A_179 {strides = array<i32>} : memref<80xi32, #tpu.memory_space<vmem>>, vector<16xi32>,
    %swap3A_182 = arith.constant 64 : index
    %swap3A_183 = tpu.vector_load %arg11[%swap3A_182] {strides = array<i32>} : memref<80xi32, #tpu.memory_space<vmem>>, vector<16xi32>,
    tpu.vector_store %arg11[%swap3A_182], %shift_right_logical3A_176 {strides = array<i32>} : memref<80xi32, #tpu.memory_space<vmem>>, vector<16xi32>,
    %dma_start3A_184 = arith.constant 0 : i32
    %dma_start3A_185 = arith.constant 0 : i32
    %dma_start3A_186 = tpu.memref_slice %arg2[%dma_start3A_184, %dma_start3A_185] : memref<10240x128xf32, #tpu.memory_space<hbm>> -> memref<10240x128xf32, #tpu.memory_space<hbm>>
    tpu.enqueue_indirect_dma source(%dma_start3A_186 : memref<10240x128xf32, #tpu.memory_space<hbm>>) target(%arg7 : memref<80x128xf32, #tpu.memory_space<vmem>>) offsets(%arg9 : memref<80xi32, #tpu.memory_space<vmem>>) semaphore(%arg14 : memref<!tpu.dma_semaphore, #tpu.memory_space<semaphore_mem>>)
    %scan3A_187 = arith.constant 0 : i32
    %scan3A_188 = arith.constant 65535 : i32
    %scan3A_189 = arith.constant 0 : i32
    %scan3A_190 = arith.constant 61 : i32
    %scan3A_191 = arith.addi %scan3A_189, %scan3A_190 : i32
    %scan3A_192 = arith.constant 1 : i32
    scf.for %scan3A_321 = %scan3A_189 to %scan3A_191 step %scan3A_192  : i32 {
      %mul3A_322 = arith.constant 2 : i32
      %mul3A_323 = arith.muli %mul3A_322, %scan3A_321 : i32
      %add3A_324 = arith.constant 1 : i32
      %add3A_325 = arith.addi %mul3A_323, %add3A_324 : i32
      %dma_wait3A_326 = arith.constant 0 : i32
      %dma_wait3A_327 = arith.constant 0 : i32
      %dma_wait3A_328 = tpu.memref_slice %arg2[%dma_wait3A_326, %dma_wait3A_327] : memref<10240x128xf32, #tpu.memory_space<hbm>> -> memref<10240x128xf32, #tpu.memory_space<hbm>>
      tpu.wait_indirect_dma semaphore(%arg14 : memref<!tpu.dma_semaphore, #tpu.memory_space<semaphore_mem>>) src(%dma_wait3A_328 : memref<10240x128xf32, #tpu.memory_space<hbm>>) dst(%arg7 : memref<80x128xf32, #tpu.memory_space<vmem>>)
      %dma_start3A_329 = arith.constant 0 : i32
      %dma_start3A_330 = arith.constant 0 : i32
      %dma_start3A_331 = tpu.memref_slice %arg12[%dma_start3A_329, %dma_start3A_330] : memref<10240x128xf32, #tpu.memory_space<vmem_shared>> -> memref<10240x128xf32, #tpu.memory_space<vmem_shared>>
      tpu.enqueue_indirect_dma source(%arg7 : memref<80x128xf32, #tpu.memory_space<vmem>>) target(%dma_start3A_331 : memref<10240x128xf32, #tpu.memory_space<vmem_shared>>) offsets(%arg11 : memref<80xi32, #tpu.memory_space<vmem>>) semaphore(%arg16 : memref<!tpu.dma_semaphore, #tpu.memory_space<semaphore_mem>>) {add = true}
      %dma_wait3A_332 = arith.constant 0 : i32
      %dma_wait3A_333 = arith.constant 0 : i32
      %dma_wait3A_334 = tpu.memref_slice %arg12[%dma_wait3A_332, %dma_wait3A_333] : memref<10240x128xf32, #tpu.memory_space<vmem_shared>> -> memref<10240x128xf32, #tpu.memory_space<vmem_shared>>
      tpu.wait_indirect_dma semaphore(%arg15 : memref<!tpu.dma_semaphore, #tpu.memory_space<semaphore_mem>>) src(%arg6 : memref<80x128xf32, #tpu.memory_space<vmem>>) dst(%dma_wait3A_334 : memref<10240x128xf32, #tpu.memory_space<vmem_shared>>)
      %add3A_335 = arith.constant 1 : i32
      %add3A_336 = arith.addi %add3A_325, %add3A_335 : i32
      %get3A_337 = arith.index_cast %add3A_336 : i32 to index
      %get3A_338 = arith.constant 0 : index
      %get3A_339 = tpu.vector_load %arg5[%get3A_337, %get3A_338] {strides = array<i32>} : memref<125x80xi32, #tpu.memory_space<vmem>>, vector<16xi32>,
      %shift_right_logical3A_340 = arith.constant 16 : i32
      %shift_right_logical3A_341 = vector.broadcast %shift_right_logical3A_340 : i32 to vector<16xi32>
      %shift_right_logical3A_342 = arith.shrui %get3A_339, %shift_right_logical3A_341 : vector<16xi32>
      %and3A_343 = vector.broadcast %scan3A_188 : i32 to vector<16xi32>
      %and3A_344 = arith.andi %get3A_339, %and3A_343 : vector<16xi32>
      %swap3A_345 = arith.constant 0 : index
      %swap3A_346 = tpu.vector_load %arg8[%swap3A_345] {strides = array<i32>} : memref<80xi32, #tpu.memory_space<vmem>>, vector<16xi32>,
      tpu.vector_store %arg8[%swap3A_345], %and3A_344 {strides = array<i32>} : memref<80xi32, #tpu.memory_space<vmem>>, vector<16xi32>,
      %swap3A_347 = arith.constant 0 : index
      %swap3A_348 = tpu.vector_load %arg10[%swap3A_347] {strides = array<i32>} : memref<80xi32, #tpu.memory_space<vmem>>, vector<16xi32>,
      tpu.vector_store %arg10[%swap3A_347], %shift_right_logical3A_342 {strides = array<i32>} : memref<80xi32, #tpu.memory_space<vmem>>, vector<16xi32>,
      %get3A_349 = arith.index_cast %add3A_336 : i32 to index
      %get3A_350 = arith.constant 16 : index
      %get3A_351 = tpu.vector_load %arg5[%get3A_349, %get3A_350] {strides = array<i32>} : memref<125x80xi32, #tpu.memory_space<vmem>>, vector<16xi32>,
      %shift_right_logical3A_352 = arith.constant 16 : i32
      %shift_right_logical3A_353 = vector.broadcast %shift_right_logical3A_352 : i32 to vector<16xi32>
      %shift_right_logical3A_354 = arith.shrui %get3A_351, %shift_right_logical3A_353 : vector<16xi32>
      %and3A_355 = vector.broadcast %scan3A_188 : i32 to vector<16xi32>
      %and3A_356 = arith.andi %get3A_351, %and3A_355 : vector<16xi32>
      %swap3A_357 = arith.constant 16 : index
      %swap3A_358 = tpu.vector_load %arg8[%swap3A_357] {strides = array<i32>} : memref<80xi32, #tpu.memory_space<vmem>>, vector<16xi32>,
      tpu.vector_store %arg8[%swap3A_357], %and3A_356 {strides = array<i32>} : memref<80xi32, #tpu.memory_space<vmem>>, vector<16xi32>,
      %swap3A_359 = arith.constant 16 : index
      %swap3A_360 = tpu.vector_load %arg10[%swap3A_359] {strides = array<i32>} : memref<80xi32, #tpu.memory_space<vmem>>, vector<16xi32>,
      tpu.vector_store %arg10[%swap3A_359], %shift_right_logical3A_354 {strides = array<i32>} : memref<80xi32, #tpu.memory_space<vmem>>, vector<16xi32>,
      %get3A_361 = arith.index_cast %add3A_336 : i32 to index
      %get3A_362 = arith.constant 32 : index
      %get3A_363 = tpu.vector_load %arg5[%get3A_361, %get3A_362] {strides = array<i32>} : memref<125x80xi32, #tpu.memory_space<vmem>>, vector<16xi32>,
      %shift_right_logical3A_364 = arith.constant 16 : i32
      %shift_right_logical3A_365 = vector.broadcast %shift_right_logical3A_364 : i32 to vector<16xi32>
      %shift_right_logical3A_366 = arith.shrui %get3A_363, %shift_right_logical3A_365 : vector<16xi32>
      %and3A_367 = vector.broadcast %scan3A_188 : i32 to vector<16xi32>
      %and3A_368 = arith.andi %get3A_363, %and3A_367 : vector<16xi32>
      %swap3A_369 = arith.constant 32 : index
      %swap3A_370 = tpu.vector_load %arg8[%swap3A_369] {strides = array<i32>} : memref<80xi32, #tpu.memory_space<vmem>>, vector<16xi32>,
      tpu.vector_store %arg8[%swap3A_369], %and3A_368 {strides = array<i32>} : memref<80xi32, #tpu.memory_space<vmem>>, vector<16xi32>,
      %swap3A_371 = arith.constant 32 : index
      %swap3A_372 = tpu.vector_load %arg10[%swap3A_371] {strides = array<i32>} : memref<80xi32, #tpu.memory_space<vmem>>, vector<16xi32>,
      tpu.vector_store %arg10[%swap3A_371], %shift_right_logical3A_366 {strides = array<i32>} : memref<80xi32, #tpu.memory_space<vmem>>, vector<16xi32>,
      %get3A_373 = arith.index_cast %add3A_336 : i32 to index
      %get3A_374 = arith.constant 48 : index
      %get3A_375 = tpu.vector_load %arg5[%get3A_373, %get3A_374] {strides = array<i32>} : memref<125x80xi32, #tpu.memory_space<vmem>>, vector<16xi32>,
      %shift_right_logical3A_376 = arith.constant 16 : i32
      %shift_right_logical3A_377 = vector.broadcast %shift_right_logical3A_376 : i32 to vector<16xi32>
      %shift_right_logical3A_378 = arith.shrui %get3A_375, %shift_right_logical3A_377 : vector<16xi32>
      %and3A_379 = vector.broadcast %scan3A_188 : i32 to vector<16xi32>
      %and3A_380 = arith.andi %get3A_375, %and3A_379 : vector<16xi32>
      %swap3A_381 = arith.constant 48 : index
      %swap3A_382 = tpu.vector_load %arg8[%swap3A_381] {strides = array<i32>} : memref<80xi32, #tpu.memory_space<vmem>>, vector<16xi32>,
      tpu.vector_store %arg8[%swap3A_381], %and3A_380 {strides = array<i32>} : memref<80xi32, #tpu.memory_space<vmem>>, vector<16xi32>,
      %swap3A_383 = arith.constant 48 : index
      %swap3A_384 = tpu.vector_load %arg10[%swap3A_383] {strides = array<i32>} : memref<80xi32, #tpu.memory_space<vmem>>, vector<16xi32>,
      tpu.vector_store %arg10[%swap3A_383], %shift_right_logical3A_378 {strides = array<i32>} : memref<80xi32, #tpu.memory_space<vmem>>, vector<16xi32>,
      %get3A_385 = arith.index_cast %add3A_336 : i32 to index
      %get3A_386 = arith.constant 64 : index
      %get3A_387 = tpu.vector_load %arg5[%get3A_385, %get3A_386] {strides = array<i32>} : memref<125x80xi32, #tpu.memory_space<vmem>>, vector<16xi32>,
      %shift_right_logical3A_388 = arith.constant 16 : i32
      %shift_right_logical3A_389 = vector.broadcast %shift_right_logical3A_388 : i32 to vector<16xi32>
      %shift_right_logical3A_390 = arith.shrui %get3A_387, %shift_right_logical3A_389 : vector<16xi32>
      %and3A_391 = vector.broadcast %scan3A_188 : i32 to vector<16xi32>
      %and3A_392 = arith.andi %get3A_387, %and3A_391 : vector<16xi32>
      %swap3A_393 = arith.constant 64 : index
      %swap3A_394 = tpu.vector_load %arg8[%swap3A_393] {strides = array<i32>} : memref<80xi32, #tpu.memory_space<vmem>>, vector<16xi32>,
      tpu.vector_store %arg8[%swap3A_393], %and3A_392 {strides = array<i32>} : memref<80xi32, #tpu.memory_space<vmem>>, vector<16xi32>,
      %swap3A_395 = arith.constant 64 : index
      %swap3A_396 = tpu.vector_load %arg10[%swap3A_395] {strides = array<i32>} : memref<80xi32, #tpu.memory_space<vmem>>, vector<16xi32>,
      tpu.vector_store %arg10[%swap3A_395], %shift_right_logical3A_390 {strides = array<i32>} : memref<80xi32, #tpu.memory_space<vmem>>, vector<16xi32>,
      %dma_start3A_397 = arith.constant 0 : i32
      %dma_start3A_398 = arith.constant 0 : i32
      %dma_start3A_399 = tpu.memref_slice %arg2[%dma_start3A_397, %dma_start3A_398] : memref<10240x128xf32, #tpu.memory_space<hbm>> -> memref<10240x128xf32, #tpu.memory_space<hbm>>
      tpu.enqueue_indirect_dma source(%dma_start3A_399 : memref<10240x128xf32, #tpu.memory_space<hbm>>) target(%arg6 : memref<80x128xf32, #tpu.memory_space<vmem>>) offsets(%arg8 : memref<80xi32, #tpu.memory_space<vmem>>) semaphore(%arg13 : memref<!tpu.dma_semaphore, #tpu.memory_space<semaphore_mem>>)
      %dma_wait3A_400 = arith.constant 0 : i32
      %dma_wait3A_401 = arith.constant 0 : i32
      %dma_wait3A_402 = tpu.memref_slice %arg2[%dma_wait3A_400, %dma_wait3A_401] : memref<10240x128xf32, #tpu.memory_space<hbm>> -> memref<10240x128xf32, #tpu.memory_space<hbm>>
      tpu.wait_indirect_dma semaphore(%arg13 : memref<!tpu.dma_semaphore, #tpu.memory_space<semaphore_mem>>) src(%dma_wait3A_402 : memref<10240x128xf32, #tpu.memory_space<hbm>>) dst(%arg6 : memref<80x128xf32, #tpu.memory_space<vmem>>)
      %dma_start3A_403 = arith.constant 0 : i32
      %dma_start3A_404 = arith.constant 0 : i32
      %dma_start3A_405 = tpu.memref_slice %arg12[%dma_start3A_403, %dma_start3A_404] : memref<10240x128xf32, #tpu.memory_space<vmem_shared>> -> memref<10240x128xf32, #tpu.memory_space<vmem_shared>>
      tpu.enqueue_indirect_dma source(%arg6 : memref<80x128xf32, #tpu.memory_space<vmem>>) target(%dma_start3A_405 : memref<10240x128xf32, #tpu.memory_space<vmem_shared>>) offsets(%arg10 : memref<80xi32, #tpu.memory_space<vmem>>) semaphore(%arg15 : memref<!tpu.dma_semaphore, #tpu.memory_space<semaphore_mem>>) {add = true}
      %dma_wait3A_406 = arith.constant 0 : i32
      %dma_wait3A_407 = arith.constant 0 : i32
      %dma_wait3A_408 = tpu.memref_slice %arg12[%dma_wait3A_406, %dma_wait3A_407] : memref<10240x128xf32, #tpu.memory_space<vmem_shared>> -> memref<10240x128xf32, #tpu.memory_space<vmem_shared>>
      tpu.wait_indirect_dma semaphore(%arg16 : memref<!tpu.dma_semaphore, #tpu.memory_space<semaphore_mem>>) src(%arg7 : memref<80x128xf32, #tpu.memory_space<vmem>>) dst(%dma_wait3A_408 : memref<10240x128xf32, #tpu.memory_space<vmem_shared>>)
      %add3A_409 = arith.constant 2 : i32
      %add3A_410 = arith.addi %add3A_325, %add3A_409 : i32
      %get3A_411 = arith.index_cast %add3A_410 : i32 to index
      %get3A_412 = arith.constant 0 : index
      %get3A_413 = tpu.vector_load %arg5[%get3A_411, %get3A_412] {strides = array<i32>} : memref<125x80xi32, #tpu.memory_space<vmem>>, vector<16xi32>,
      %shift_right_logical3A_414 = arith.constant 16 : i32
      %shift_right_logical3A_415 = vector.broadcast %shift_right_logical3A_414 : i32 to vector<16xi32>
      %shift_right_logical3A_416 = arith.shrui %get3A_413, %shift_right_logical3A_415 : vector<16xi32>
      %and3A_417 = vector.broadcast %scan3A_188 : i32 to vector<16xi32>
      %and3A_418 = arith.andi %get3A_413, %and3A_417 : vector<16xi32>
      %swap3A_419 = arith.constant 0 : index
      %swap3A_420 = tpu.vector_load %arg9[%swap3A_419] {strides = array<i32>} : memref<80xi32, #tpu.memory_space<vmem>>, vector<16xi32>,
      tpu.vector_store %arg9[%swap3A_419], %and3A_418 {strides = array<i32>} : memref<80xi32, #tpu.memory_space<vmem>>, vector<16xi32>,
      %swap3A_421 = arith.constant 0 : index
      %swap3A_422 = tpu.vector_load %arg11[%swap3A_421] {strides = array<i32>} : memref<80xi32, #tpu.memory_space<vmem>>, vector<16xi32>,
      tpu.vector_store %arg11[%swap3A_421], %shift_right_logical3A_416 {strides = array<i32>} : memref<80xi32, #tpu.memory_space<vmem>>, vector<16xi32>,
      %get3A_423 = arith.index_cast %add3A_410 : i32 to index
      %get3A_424 = arith.constant 16 : index
      %get3A_425 = tpu.vector_load %arg5[%get3A_423, %get3A_424] {strides = array<i32>} : memref<125x80xi32, #tpu.memory_space<vmem>>, vector<16xi32>,
      %shift_right_logical3A_426 = arith.constant 16 : i32
      %shift_right_logical3A_427 = vector.broadcast %shift_right_logical3A_426 : i32 to vector<16xi32>
      %shift_right_logical3A_428 = arith.shrui %get3A_425, %shift_right_logical3A_427 : vector<16xi32>
      %and3A_429 = vector.broadcast %scan3A_188 : i32 to vector<16xi32>
      %and3A_430 = arith.andi %get3A_425, %and3A_429 : vector<16xi32>
      %swap3A_431 = arith.constant 16 : index
      %swap3A_432 = tpu.vector_load %arg9[%swap3A_431] {strides = array<i32>} : memref<80xi32, #tpu.memory_space<vmem>>, vector<16xi32>,
      tpu.vector_store %arg9[%swap3A_431], %and3A_430 {strides = array<i32>} : memref<80xi32, #tpu.memory_space<vmem>>, vector<16xi32>,
      %swap3A_433 = arith.constant 16 : index
      %swap3A_434 = tpu.vector_load %arg11[%swap3A_433] {strides = array<i32>} : memref<80xi32, #tpu.memory_space<vmem>>, vector<16xi32>,
      tpu.vector_store %arg11[%swap3A_433], %shift_right_logical3A_428 {strides = array<i32>} : memref<80xi32, #tpu.memory_space<vmem>>, vector<16xi32>,
      %get3A_435 = arith.index_cast %add3A_410 : i32 to index
      %get3A_436 = arith.constant 32 : index
      %get3A_437 = tpu.vector_load %arg5[%get3A_435, %get3A_436] {strides = array<i32>} : memref<125x80xi32, #tpu.memory_space<vmem>>, vector<16xi32>,
      %shift_right_logical3A_438 = arith.constant 16 : i32
      %shift_right_logical3A_439 = vector.broadcast %shift_right_logical3A_438 : i32 to vector<16xi32>
      %shift_right_logical3A_440 = arith.shrui %get3A_437, %shift_right_logical3A_439 : vector<16xi32>
      %and3A_441 = vector.broadcast %scan3A_188 : i32 to vector<16xi32>
      %and3A_442 = arith.andi %get3A_437, %and3A_441 : vector<16xi32>
      %swap3A_443 = arith.constant 32 : index
      %swap3A_444 = tpu.vector_load %arg9[%swap3A_443] {strides = array<i32>} : memref<80xi32, #tpu.memory_space<vmem>>, vector<16xi32>,
      tpu.vector_store %arg9[%swap3A_443], %and3A_442 {strides = array<i32>} : memref<80xi32, #tpu.memory_space<vmem>>, vector<16xi32>,
      %swap3A_445 = arith.constant 32 : index
      %swap3A_446 = tpu.vector_load %arg11[%swap3A_445] {strides = array<i32>} : memref<80xi32, #tpu.memory_space<vmem>>, vector<16xi32>,
      tpu.vector_store %arg11[%swap3A_445], %shift_right_logical3A_440 {strides = array<i32>} : memref<80xi32, #tpu.memory_space<vmem>>, vector<16xi32>,
      %get3A_447 = arith.index_cast %add3A_410 : i32 to index
      %get3A_448 = arith.constant 48 : index
      %get3A_449 = tpu.vector_load %arg5[%get3A_447, %get3A_448] {strides = array<i32>} : memref<125x80xi32, #tpu.memory_space<vmem>>, vector<16xi32>,
      %shift_right_logical3A_450 = arith.constant 16 : i32
      %shift_right_logical3A_451 = vector.broadcast %shift_right_logical3A_450 : i32 to vector<16xi32>
      %shift_right_logical3A_452 = arith.shrui %get3A_449, %shift_right_logical3A_451 : vector<16xi32>
      %and3A_453 = vector.broadcast %scan3A_188 : i32 to vector<16xi32>
      %and3A_454 = arith.andi %get3A_449, %and3A_453 : vector<16xi32>
      %swap3A_455 = arith.constant 48 : index
      %swap3A_456 = tpu.vector_load %arg9[%swap3A_455] {strides = array<i32>} : memref<80xi32, #tpu.memory_space<vmem>>, vector<16xi32>,
      tpu.vector_store %arg9[%swap3A_455], %and3A_454 {strides = array<i32>} : memref<80xi32, #tpu.memory_space<vmem>>, vector<16xi32>,
      %swap3A_457 = arith.constant 48 : index
      %swap3A_458 = tpu.vector_load %arg11[%swap3A_457] {strides = array<i32>} : memref<80xi32, #tpu.memory_space<vmem>>, vector<16xi32>,
      tpu.vector_store %arg11[%swap3A_457], %shift_right_logical3A_452 {strides = array<i32>} : memref<80xi32, #tpu.memory_space<vmem>>, vector<16xi32>,
      %get3A_459 = arith.index_cast %add3A_410 : i32 to index
      %get3A_460 = arith.constant 64 : index
      %get3A_461 = tpu.vector_load %arg5[%get3A_459, %get3A_460] {strides = array<i32>} : memref<125x80xi32, #tpu.memory_space<vmem>>, vector<16xi32>,
      %shift_right_logical3A_462 = arith.constant 16 : i32
      %shift_right_logical3A_463 = vector.broadcast %shift_right_logical3A_462 : i32 to vector<16xi32>
      %shift_right_logical3A_464 = arith.shrui %get3A_461, %shift_right_logical3A_463 : vector<16xi32>
      %and3A_465 = vector.broadcast %scan3A_188 : i32 to vector<16xi32>
      %and3A_466 = arith.andi %get3A_461, %and3A_465 : vector<16xi32>
      %swap3A_467 = arith.constant 64 : index
      %swap3A_468 = tpu.vector_load %arg9[%swap3A_467] {strides = array<i32>} : memref<80xi32, #tpu.memory_space<vmem>>, vector<16xi32>,
      tpu.vector_store %arg9[%swap3A_467], %and3A_466 {strides = array<i32>} : memref<80xi32, #tpu.memory_space<vmem>>, vector<16xi32>,
      %swap3A_469 = arith.constant 64 : index
      %swap3A_470 = tpu.vector_load %arg11[%swap3A_469] {strides = array<i32>} : memref<80xi32, #tpu.memory_space<vmem>>, vector<16xi32>,
      tpu.vector_store %arg11[%swap3A_469], %shift_right_logical3A_464 {strides = array<i32>} : memref<80xi32, #tpu.memory_space<vmem>>, vector<16xi32>,
      %dma_start3A_471 = arith.constant 0 : i32
      %dma_start3A_472 = arith.constant 0 : i32
      %dma_start3A_473 = tpu.memref_slice %arg2[%dma_start3A_471, %dma_start3A_472] : memref<10240x128xf32, #tpu.memory_space<hbm>> -> memref<10240x128xf32, #tpu.memory_space<hbm>>
      tpu.enqueue_indirect_dma source(%dma_start3A_473 : memref<10240x128xf32, #tpu.memory_space<hbm>>) target(%arg7 : memref<80x128xf32, #tpu.memory_space<vmem>>) offsets(%arg9 : memref<80xi32, #tpu.memory_space<vmem>>) semaphore(%arg14 : memref<!tpu.dma_semaphore, #tpu.memory_space<semaphore_mem>>)
    }
    %scan3A_193 = arith.constant 61 : i32
    %dma_wait3A_194 = arith.constant 0 : i32
    %dma_wait3A_195 = arith.constant 0 : i32
    %dma_wait3A_196 = tpu.memref_slice %arg2[%dma_wait3A_194, %dma_wait3A_195] : memref<10240x128xf32, #tpu.memory_space<hbm>> -> memref<10240x128xf32, #tpu.memory_space<hbm>>
    tpu.wait_indirect_dma semaphore(%arg14 : memref<!tpu.dma_semaphore, #tpu.memory_space<semaphore_mem>>) src(%dma_wait3A_196 : memref<10240x128xf32, #tpu.memory_space<hbm>>) dst(%arg7 : memref<80x128xf32, #tpu.memory_space<vmem>>)
    %dma_start3A_197 = arith.constant 0 : i32
    %dma_start3A_198 = arith.constant 0 : i32
    %dma_start3A_199 = tpu.memref_slice %arg12[%dma_start3A_197, %dma_start3A_198] : memref<10240x128xf32, #tpu.memory_space<vmem_shared>> -> memref<10240x128xf32, #tpu.memory_space<vmem_shared>>
    tpu.enqueue_indirect_dma source(%arg7 : memref<80x128xf32, #tpu.memory_space<vmem>>) target(%dma_start3A_199 : memref<10240x128xf32, #tpu.memory_space<vmem_shared>>) offsets(%arg11 : memref<80xi32, #tpu.memory_space<vmem>>) semaphore(%arg16 : memref<!tpu.dma_semaphore, #tpu.memory_space<semaphore_mem>>) {add = true}
    %dma_wait3A_200 = arith.constant 0 : i32
    %dma_wait3A_201 = arith.constant 0 : i32
    %dma_wait3A_202 = tpu.memref_slice %arg12[%dma_wait3A_200, %dma_wait3A_201] : memref<10240x128xf32, #tpu.memory_space<vmem_shared>> -> memref<10240x128xf32, #tpu.memory_space<vmem_shared>>
    tpu.wait_indirect_dma semaphore(%arg15 : memref<!tpu.dma_semaphore, #tpu.memory_space<semaphore_mem>>) src(%arg6 : memref<80x128xf32, #tpu.memory_space<vmem>>) dst(%dma_wait3A_202 : memref<10240x128xf32, #tpu.memory_space<vmem_shared>>)
    %get3A_203 = arith.constant 124 : i32
    %get3A_204 = arith.index_cast %get3A_203 : i32 to index
    %get3A_205 = arith.constant 0 : index
    %get3A_206 = tpu.vector_load %arg5[%get3A_204, %get3A_205] {strides = array<i32>} : memref<125x80xi32, #tpu.memory_space<vmem>>, vector<16xi32>,
    %shift_right_logical3A_207 = arith.constant 16 : i32
    %shift_right_logical3A_208 = vector.broadcast %shift_right_logical3A_207 : i32 to vector<16xi32>
    %shift_right_logical3A_209 = arith.shrui %get3A_206, %shift_right_logical3A_208 : vector<16xi32>
    %and3A_210 = arith.constant 65535 : i32
    %and3A_211 = vector.broadcast %and3A_210 : i32 to vector<16xi32>
    %and3A_212 = arith.andi %get3A_206, %and3A_211 : vector<16xi32>
    %swap3A_213 = arith.constant 0 : index
    %swap3A_214 = tpu.vector_load %arg8[%swap3A_213] {strides = array<i32>} : memref<80xi32, #tpu.memory_space<vmem>>, vector<16xi32>,
    tpu.vector_store %arg8[%swap3A_213], %and3A_212 {strides = array<i32>} : memref<80xi32, #tpu.memory_space<vmem>>, vector<16xi32>,
    %swap3A_215 = arith.constant 0 : index
    %swap3A_216 = tpu.vector_load %arg10[%swap3A_215] {strides = array<i32>} : memref<80xi32, #tpu.memory_space<vmem>>, vector<16xi32>,
    tpu.vector_store %arg10[%swap3A_215], %shift_right_logical3A_209 {strides = array<i32>} : memref<80xi32, #tpu.memory_space<vmem>>, vector<16xi32>,
    %get3A_217 = arith.constant 124 : i32
    %get3A_218 = arith.index_cast %get3A_217 : i32 to index
    %get3A_219 = arith.constant 16 : index
    %get3A_220 = tpu.vector_load %arg5[%get3A_218, %get3A_219] {strides = array<i32>} : memref<125x80xi32, #tpu.memory_space<vmem>>, vector<16xi32>,
    %shift_right_logical3A_221 = arith.constant 16 : i32
    %shift_right_logical3A_222 = vector.broadcast %shift_right_logical3A_221 : i32 to vector<16xi32>
    %shift_right_logical3A_223 = arith.shrui %get3A_220, %shift_right_logical3A_222 : vector<16xi32>
    %and3A_224 = arith.constant 65535 : i32
    %and3A_225 = vector.broadcast %and3A_224 : i32 to vector<16xi32>
    %and3A_226 = arith.andi %get3A_220, %and3A_225 : vector<16xi32>
    %swap3A_227 = arith.constant 16 : index
    %swap3A_228 = tpu.vector_load %arg8[%swap3A_227] {strides = array<i32>} : memref<80xi32, #tpu.memory_space<vmem>>, vector<16xi32>,
    tpu.vector_store %arg8[%swap3A_227], %and3A_226 {strides = array<i32>} : memref<80xi32, #tpu.memory_space<vmem>>, vector<16xi32>,
    %swap3A_229 = arith.constant 16 : index
    %swap3A_230 = tpu.vector_load %arg10[%swap3A_229] {strides = array<i32>} : memref<80xi32, #tpu.memory_space<vmem>>, vector<16xi32>,
    tpu.vector_store %arg10[%swap3A_229], %shift_right_logical3A_223 {strides = array<i32>} : memref<80xi32, #tpu.memory_space<vmem>>, vector<16xi32>,
    %get3A_231 = arith.constant 124 : i32
    %get3A_232 = arith.index_cast %get3A_231 : i32 to index
    %get3A_233 = arith.constant 32 : index
    %get3A_234 = tpu.vector_load %arg5[%get3A_232, %get3A_233] {strides = array<i32>} : memref<125x80xi32, #tpu.memory_space<vmem>>, vector<16xi32>,
    %shift_right_logical3A_235 = arith.constant 16 : i32
    %shift_right_logical3A_236 = vector.broadcast %shift_right_logical3A_235 : i32 to vector<16xi32>
    %shift_right_logical3A_237 = arith.shrui %get3A_234, %shift_right_logical3A_236 : vector<16xi32>
    %and3A_238 = arith.constant 65535 : i32
    %and3A_239 = vector.broadcast %and3A_238 : i32 to vector<16xi32>
    %and3A_240 = arith.andi %get3A_234, %and3A_239 : vector<16xi32>
    %swap3A_241 = arith.constant 32 : index
    %swap3A_242 = tpu.vector_load %arg8[%swap3A_241] {strides = array<i32>} : memref<80xi32, #tpu.memory_space<vmem>>, vector<16xi32>,
    tpu.vector_store %arg8[%swap3A_241], %and3A_240 {strides = array<i32>} : memref<80xi32, #tpu.memory_space<vmem>>, vector<16xi32>,
    %swap3A_243 = arith.constant 32 : index
    %swap3A_244 = tpu.vector_load %arg10[%swap3A_243] {strides = array<i32>} : memref<80xi32, #tpu.memory_space<vmem>>, vector<16xi32>,
    tpu.vector_store %arg10[%swap3A_243], %shift_right_logical3A_237 {strides = array<i32>} : memref<80xi32, #tpu.memory_space<vmem>>, vector<16xi32>,
    %get3A_245 = arith.constant 124 : i32
    %get3A_246 = arith.index_cast %get3A_245 : i32 to index
    %get3A_247 = arith.constant 48 : index
    %get3A_248 = tpu.vector_load %arg5[%get3A_246, %get3A_247] {strides = array<i32>} : memref<125x80xi32, #tpu.memory_space<vmem>>, vector<16xi32>,
    %shift_right_logical3A_249 = arith.constant 16 : i32
    %shift_right_logical3A_250 = vector.broadcast %shift_right_logical3A_249 : i32 to vector<16xi32>
    %shift_right_logical3A_251 = arith.shrui %get3A_248, %shift_right_logical3A_250 : vector<16xi32>
    %and3A_252 = arith.constant 65535 : i32
    %and3A_253 = vector.broadcast %and3A_252 : i32 to vector<16xi32>
    %and3A_254 = arith.andi %get3A_248, %and3A_253 : vector<16xi32>
    %swap3A_255 = arith.constant 48 : index
    %swap3A_256 = tpu.vector_load %arg8[%swap3A_255] {strides = array<i32>} : memref<80xi32, #tpu.memory_space<vmem>>, vector<16xi32>,
    tpu.vector_store %arg8[%swap3A_255], %and3A_254 {strides = array<i32>} : memref<80xi32, #tpu.memory_space<vmem>>, vector<16xi32>,
    %swap3A_257 = arith.constant 48 : index
    %swap3A_258 = tpu.vector_load %arg10[%swap3A_257] {strides = array<i32>} : memref<80xi32, #tpu.memory_space<vmem>>, vector<16xi32>,
    tpu.vector_store %arg10[%swap3A_257], %shift_right_logical3A_251 {strides = array<i32>} : memref<80xi32, #tpu.memory_space<vmem>>, vector<16xi32>,
    %get3A_259 = arith.constant 124 : i32
    %get3A_260 = arith.index_cast %get3A_259 : i32 to index
    %get3A_261 = arith.constant 64 : index
    %get3A_262 = tpu.vector_load %arg5[%get3A_260, %get3A_261] {strides = array<i32>} : memref<125x80xi32, #tpu.memory_space<vmem>>, vector<16xi32>,
    %shift_right_logical3A_263 = arith.constant 16 : i32
    %shift_right_logical3A_264 = vector.broadcast %shift_right_logical3A_263 : i32 to vector<16xi32>
    %shift_right_logical3A_265 = arith.shrui %get3A_262, %shift_right_logical3A_264 : vector<16xi32>
    %and3A_266 = arith.constant 65535 : i32
    %and3A_267 = vector.broadcast %and3A_266 : i32 to vector<16xi32>
    %and3A_268 = arith.andi %get3A_262, %and3A_267 : vector<16xi32>
    %swap3A_269 = arith.constant 64 : index
    %swap3A_270 = tpu.vector_load %arg8[%swap3A_269] {strides = array<i32>} : memref<80xi32, #tpu.memory_space<vmem>>, vector<16xi32>,
    tpu.vector_store %arg8[%swap3A_269], %and3A_268 {strides = array<i32>} : memref<80xi32, #tpu.memory_space<vmem>>, vector<16xi32>,
    %swap3A_271 = arith.constant 64 : index
    %swap3A_272 = tpu.vector_load %arg10[%swap3A_271] {strides = array<i32>} : memref<80xi32, #tpu.memory_space<vmem>>, vector<16xi32>,
    tpu.vector_store %arg10[%swap3A_271], %shift_right_logical3A_265 {strides = array<i32>} : memref<80xi32, #tpu.memory_space<vmem>>, vector<16xi32>,
    %dma_start3A_273 = arith.constant 0 : i32
    %dma_start3A_274 = arith.constant 0 : i32
    %dma_start3A_275 = tpu.memref_slice %arg2[%dma_start3A_273, %dma_start3A_274] : memref<10240x128xf32, #tpu.memory_space<hbm>> -> memref<10240x128xf32, #tpu.memory_space<hbm>>
    tpu.enqueue_indirect_dma source(%dma_start3A_275 : memref<10240x128xf32, #tpu.memory_space<hbm>>) target(%arg6 : memref<80x128xf32, #tpu.memory_space<vmem>>) offsets(%arg8 : memref<80xi32, #tpu.memory_space<vmem>>) semaphore(%arg13 : memref<!tpu.dma_semaphore, #tpu.memory_space<semaphore_mem>>)
    %dma_wait3A_276 = arith.constant 0 : i32
    %dma_wait3A_277 = arith.constant 0 : i32
    %dma_wait3A_278 = tpu.memref_slice %arg2[%dma_wait3A_276, %dma_wait3A_277] : memref<10240x128xf32, #tpu.memory_space<hbm>> -> memref<10240x128xf32, #tpu.memory_space<hbm>>
    tpu.wait_indirect_dma semaphore(%arg13 : memref<!tpu.dma_semaphore, #tpu.memory_space<semaphore_mem>>) src(%dma_wait3A_278 : memref<10240x128xf32, #tpu.memory_space<hbm>>) dst(%arg6 : memref<80x128xf32, #tpu.memory_space<vmem>>)
    %dma_start3A_279 = arith.constant 0 : i32
    %dma_start3A_280 = arith.constant 0 : i32
    %dma_start3A_281 = tpu.memref_slice %arg12[%dma_start3A_279, %dma_start3A_280] : memref<10240x128xf32, #tpu.memory_space<vmem_shared>> -> memref<10240x128xf32, #tpu.memory_space<vmem_shared>>
    tpu.enqueue_indirect_dma source(%arg6 : memref<80x128xf32, #tpu.memory_space<vmem>>) target(%dma_start3A_281 : memref<10240x128xf32, #tpu.memory_space<vmem_shared>>) offsets(%arg10 : memref<80xi32, #tpu.memory_space<vmem>>) semaphore(%arg15 : memref<!tpu.dma_semaphore, #tpu.memory_space<semaphore_mem>>) {add = true}
    %dma_wait3A_282 = arith.constant 0 : i32
    %dma_wait3A_283 = arith.constant 0 : i32
    %dma_wait3A_284 = tpu.memref_slice %arg12[%dma_wait3A_282, %dma_wait3A_283] : memref<10240x128xf32, #tpu.memory_space<vmem_shared>> -> memref<10240x128xf32, #tpu.memory_space<vmem_shared>>
    tpu.wait_indirect_dma semaphore(%arg16 : memref<!tpu.dma_semaphore, #tpu.memory_space<semaphore_mem>>) src(%arg7 : memref<80x128xf32, #tpu.memory_space<vmem>>) dst(%dma_wait3A_284 : memref<10240x128xf32, #tpu.memory_space<vmem_shared>>)
    %dma_wait3A_285 = arith.constant 0 : i32
    %dma_wait3A_286 = arith.constant 0 : i32
    %dma_wait3A_287 = tpu.memref_slice %arg12[%dma_wait3A_285, %dma_wait3A_286] : memref<10240x128xf32, #tpu.memory_space<vmem_shared>> -> memref<10240x128xf32, #tpu.memory_space<vmem_shared>>
    tpu.wait_indirect_dma semaphore(%arg15 : memref<!tpu.dma_semaphore, #tpu.memory_space<semaphore_mem>>) src(%arg6 : memref<80x128xf32, #tpu.memory_space<vmem>>) dst(%dma_wait3A_287 : memref<10240x128xf32, #tpu.memory_space<vmem_shared>>)
    %barrier3A_288 = arith.constant 0 : index
    tpu.barrier barrier_id(%barrier3A_288)
    %mul3A_289 = arith.constant 640 : i32
    %mul3A_290 = arith.muli %arg1, %mul3A_289 : i32
    %add3A_291 = arith.constant 0 : i32
    %add3A_292 = arith.addi %mul3A_290, %add3A_291 : i32
    "tpu.region"() ({
      %run_scoped3A = tpu.sem_alloc : memref<!tpu.dma_semaphore, #tpu.memory_space<semaphore_mem>>
      %dma_start3A_321 = arith.constant 0 : i32
      %dma_start3A_322 = tpu.memref_slice %arg4[%arg0, %add3A_292, %dma_start3A_321] : memref<2x10240x128xf32, #tpu.memory_space<hbm>> -> memref<1x80x128xf32, #tpu.memory_space<hbm>>
      %dma_start3A_323 = tpu.memref_squeeze %dma_start3A_322 : memref<1x80x128xf32, #tpu.memory_space<hbm>> -> memref<80x128xf32, #tpu.memory_space<hbm>>
      %dma_start3A_324 = arith.constant 0 : i32
      %dma_start3A_325 = tpu.memref_slice %arg12[%add3A_292, %dma_start3A_324] : memref<10240x128xf32, #tpu.memory_space<vmem_shared>> -> memref<80x128xf32, #tpu.memory_space<vmem_shared>>
      tpu.enqueue_dma source(%dma_start3A_325 : memref<80x128xf32, #tpu.memory_space<vmem_shared>>) target(%dma_start3A_323 : memref<80x128xf32, #tpu.memory_space<hbm>>) target_semaphore(%run_scoped3A : memref<!tpu.dma_semaphore, #tpu.memory_space<semaphore_mem>>)
      %dma_wait3A_326 = arith.constant 0 : i32
      %dma_wait3A_327 = tpu.memref_slice %arg4[%arg0, %add3A_292, %dma_wait3A_326] : memref<2x10240x128xf32, #tpu.memory_space<hbm>> -> memref<1x80x128xf32, #tpu.memory_space<hbm>>
      %dma_wait3A_328 = tpu.memref_squeeze %dma_wait3A_327 : memref<1x80x128xf32, #tpu.memory_space<hbm>> -> memref<80x128xf32, #tpu.memory_space<hbm>>
      %dma_wait3A_329 = arith.constant 0 : i32
      %dma_wait3A_330 = tpu.memref_slice %arg12[%add3A_292, %dma_wait3A_329] : memref<10240x128xf32, #tpu.memory_space<vmem_shared>> -> memref<80x128xf32, #tpu.memory_space<vmem_shared>>
      tpu.wait_dma2 semaphore(%run_scoped3A : memref<!tpu.dma_semaphore, #tpu.memory_space<semaphore_mem>>) src(%dma_wait3A_330 : memref<80x128xf32, #tpu.memory_space<vmem_shared>>) dst(%dma_wait3A_328 : memref<80x128xf32, #tpu.memory_space<hbm>>)
      tpu.yield
    }) : () -> ()
    %mul3A_293 = arith.constant 640 : i32
    %mul3A_294 = arith.muli %arg1, %mul3A_293 : i32
    %add3A_295 = arith.constant 80 : i32
    %add3A_296 = arith.addi %mul3A_294, %add3A_295 : i32
    "tpu.region"() ({
      %run_scoped3A = tpu.sem_alloc : memref<!tpu.dma_semaphore, #tpu.memory_space<semaphore_mem>>
      %dma_start3A_321 = arith.constant 0 : i32
      %dma_start3A_322 = tpu.memref_slice %arg4[%arg0, %add3A_296, %dma_start3A_321] : memref<2x10240x128xf32, #tpu.memory_space<hbm>> -> memref<1x80x128xf32, #tpu.memory_space<hbm>>
      %dma_start3A_323 = tpu.memref_squeeze %dma_start3A_322 : memref<1x80x128xf32, #tpu.memory_space<hbm>> -> memref<80x128xf32, #tpu.memory_space<hbm>>
      %dma_start3A_324 = arith.constant 0 : i32
      %dma_start3A_325 = tpu.memref_slice %arg12[%add3A_296, %dma_start3A_324] : memref<10240x128xf32, #tpu.memory_space<vmem_shared>> -> memref<80x128xf32, #tpu.memory_space<vmem_shared>>
      tpu.enqueue_dma source(%dma_start3A_325 : memref<80x128xf32, #tpu.memory_space<vmem_shared>>) target(%dma_start3A_323 : memref<80x128xf32, #tpu.memory_space<hbm>>) target_semaphore(%run_scoped3A : memref<!tpu.dma_semaphore, #tpu.memory_space<semaphore_mem>>)
      %dma_wait3A_326 = arith.constant 0 : i32
      %dma_wait3A_327 = tpu.memref_slice %arg4[%arg0, %add3A_296, %dma_wait3A_326] : memref<2x10240x128xf32, #tpu.memory_space<hbm>> -> memref<1x80x128xf32, #tpu.memory_space<hbm>>
      %dma_wait3A_328 = tpu.memref_squeeze %dma_wait3A_327 : memref<1x80x128xf32, #tpu.memory_space<hbm>> -> memref<80x128xf32, #tpu.memory_space<hbm>>
      %dma_wait3A_329 = arith.constant 0 : i32
      %dma_wait3A_330 = tpu.memref_slice %arg12[%add3A_296, %dma_wait3A_329] : memref<10240x128xf32, #tpu.memory_space<vmem_shared>> -> memref<80x128xf32, #tpu.memory_space<vmem_shared>>
      tpu.wait_dma2 semaphore(%run_scoped3A : memref<!tpu.dma_semaphore, #tpu.memory_space<semaphore_mem>>) src(%dma_wait3A_330 : memref<80x128xf32, #tpu.memory_space<vmem_shared>>) dst(%dma_wait3A_328 : memref<80x128xf32, #tpu.memory_space<hbm>>)
      tpu.yield
    }) : () -> ()
    %mul3A_297 = arith.constant 640 : i32
    %mul3A_298 = arith.muli %arg1, %mul3A_297 : i32
    %add3A_299 = arith.constant 160 : i32
    %add3A_300 = arith.addi %mul3A_298, %add3A_299 : i32
    "tpu.region"() ({
      %run_scoped3A = tpu.sem_alloc : memref<!tpu.dma_semaphore, #tpu.memory_space<semaphore_mem>>
      %dma_start3A_321 = arith.constant 0 : i32
      %dma_start3A_322 = tpu.memref_slice %arg4[%arg0, %add3A_300, %dma_start3A_321] : memref<2x10240x128xf32, #tpu.memory_space<hbm>> -> memref<1x80x128xf32, #tpu.memory_space<hbm>>
      %dma_start3A_323 = tpu.memref_squeeze %dma_start3A_322 : memref<1x80x128xf32, #tpu.memory_space<hbm>> -> memref<80x128xf32, #tpu.memory_space<hbm>>
      %dma_start3A_324 = arith.constant 0 : i32
      %dma_start3A_325 = tpu.memref_slice %arg12[%add3A_300, %dma_start3A_324] : memref<10240x128xf32, #tpu.memory_space<vmem_shared>> -> memref<80x128xf32, #tpu.memory_space<vmem_shared>>
      tpu.enqueue_dma source(%dma_start3A_325 : memref<80x128xf32, #tpu.memory_space<vmem_shared>>) target(%dma_start3A_323 : memref<80x128xf32, #tpu.memory_space<hbm>>) target_semaphore(%run_scoped3A : memref<!tpu.dma_semaphore, #tpu.memory_space<semaphore_mem>>)
      %dma_wait3A_326 = arith.constant 0 : i32
      %dma_wait3A_327 = tpu.memref_slice %arg4[%arg0, %add3A_300, %dma_wait3A_326] : memref<2x10240x128xf32, #tpu.memory_space<hbm>> -> memref<1x80x128xf32, #tpu.memory_space<hbm>>
      %dma_wait3A_328 = tpu.memref_squeeze %dma_wait3A_327 : memref<1x80x128xf32, #tpu.memory_space<hbm>> -> memref<80x128xf32, #tpu.memory_space<hbm>>
      %dma_wait3A_329 = arith.constant 0 : i32
      %dma_wait3A_330 = tpu.memref_slice %arg12[%add3A_300, %dma_wait3A_329] : memref<10240x128xf32, #tpu.memory_space<vmem_shared>> -> memref<80x128xf32, #tpu.memory_space<vmem_shared>>
      tpu.wait_dma2 semaphore(%run_scoped3A : memref<!tpu.dma_semaphore, #tpu.memory_space<semaphore_mem>>) src(%dma_wait3A_330 : memref<80x128xf32, #tpu.memory_space<vmem_shared>>) dst(%dma_wait3A_328 : memref<80x128xf32, #tpu.memory_space<hbm>>)
      tpu.yield
    }) : () -> ()
    %mul3A_301 = arith.constant 640 : i32
    %mul3A_302 = arith.muli %arg1, %mul3A_301 : i32
    %add3A_303 = arith.constant 240 : i32
    %add3A_304 = arith.addi %mul3A_302, %add3A_303 : i32
    "tpu.region"() ({
      %run_scoped3A = tpu.sem_alloc : memref<!tpu.dma_semaphore, #tpu.memory_space<semaphore_mem>>
      %dma_start3A_321 = arith.constant 0 : i32
      %dma_start3A_322 = tpu.memref_slice %arg4[%arg0, %add3A_304, %dma_start3A_321] : memref<2x10240x128xf32, #tpu.memory_space<hbm>> -> memref<1x80x128xf32, #tpu.memory_space<hbm>>
      %dma_start3A_323 = tpu.memref_squeeze %dma_start3A_322 : memref<1x80x128xf32, #tpu.memory_space<hbm>> -> memref<80x128xf32, #tpu.memory_space<hbm>>
      %dma_start3A_324 = arith.constant 0 : i32
      %dma_start3A_325 = tpu.memref_slice %arg12[%add3A_304, %dma_start3A_324] : memref<10240x128xf32, #tpu.memory_space<vmem_shared>> -> memref<80x128xf32, #tpu.memory_space<vmem_shared>>
      tpu.enqueue_dma source(%dma_start3A_325 : memref<80x128xf32, #tpu.memory_space<vmem_shared>>) target(%dma_start3A_323 : memref<80x128xf32, #tpu.memory_space<hbm>>) target_semaphore(%run_scoped3A : memref<!tpu.dma_semaphore, #tpu.memory_space<semaphore_mem>>)
      %dma_wait3A_326 = arith.constant 0 : i32
      %dma_wait3A_327 = tpu.memref_slice %arg4[%arg0, %add3A_304, %dma_wait3A_326] : memref<2x10240x128xf32, #tpu.memory_space<hbm>> -> memref<1x80x128xf32, #tpu.memory_space<hbm>>
      %dma_wait3A_328 = tpu.memref_squeeze %dma_wait3A_327 : memref<1x80x128xf32, #tpu.memory_space<hbm>> -> memref<80x128xf32, #tpu.memory_space<hbm>>
      %dma_wait3A_329 = arith.constant 0 : i32
      %dma_wait3A_330 = tpu.memref_slice %arg12[%add3A_304, %dma_wait3A_329] : memref<10240x128xf32, #tpu.memory_space<vmem_shared>> -> memref<80x128xf32, #tpu.memory_space<vmem_shared>>
      tpu.wait_dma2 semaphore(%run_scoped3A : memref<!tpu.dma_semaphore, #tpu.memory_space<semaphore_mem>>) src(%dma_wait3A_330 : memref<80x128xf32, #tpu.memory_space<vmem_shared>>) dst(%dma_wait3A_328 : memref<80x128xf32, #tpu.memory_space<hbm>>)
      tpu.yield
    }) : () -> ()
    %mul3A_305 = arith.constant 640 : i32
    %mul3A_306 = arith.muli %arg1, %mul3A_305 : i32
    %add3A_307 = arith.constant 320 : i32
    %add3A_308 = arith.addi %mul3A_306, %add3A_307 : i32
    "tpu.region"() ({
      %run_scoped3A = tpu.sem_alloc : memref<!tpu.dma_semaphore, #tpu.memory_space<semaphore_mem>>
      %dma_start3A_321 = arith.constant 0 : i32
      %dma_start3A_322 = tpu.memref_slice %arg4[%arg0, %add3A_308, %dma_start3A_321] : memref<2x10240x128xf32, #tpu.memory_space<hbm>> -> memref<1x80x128xf32, #tpu.memory_space<hbm>>
      %dma_start3A_323 = tpu.memref_squeeze %dma_start3A_322 : memref<1x80x128xf32, #tpu.memory_space<hbm>> -> memref<80x128xf32, #tpu.memory_space<hbm>>
      %dma_start3A_324 = arith.constant 0 : i32
      %dma_start3A_325 = tpu.memref_slice %arg12[%add3A_308, %dma_start3A_324] : memref<10240x128xf32, #tpu.memory_space<vmem_shared>> -> memref<80x128xf32, #tpu.memory_space<vmem_shared>>
      tpu.enqueue_dma source(%dma_start3A_325 : memref<80x128xf32, #tpu.memory_space<vmem_shared>>) target(%dma_start3A_323 : memref<80x128xf32, #tpu.memory_space<hbm>>) target_semaphore(%run_scoped3A : memref<!tpu.dma_semaphore, #tpu.memory_space<semaphore_mem>>)
      %dma_wait3A_326 = arith.constant 0 : i32
      %dma_wait3A_327 = tpu.memref_slice %arg4[%arg0, %add3A_308, %dma_wait3A_326] : memref<2x10240x128xf32, #tpu.memory_space<hbm>> -> memref<1x80x128xf32, #tpu.memory_space<hbm>>
      %dma_wait3A_328 = tpu.memref_squeeze %dma_wait3A_327 : memref<1x80x128xf32, #tpu.memory_space<hbm>> -> memref<80x128xf32, #tpu.memory_space<hbm>>
      %dma_wait3A_329 = arith.constant 0 : i32
      %dma_wait3A_330 = tpu.memref_slice %arg12[%add3A_308, %dma_wait3A_329] : memref<10240x128xf32, #tpu.memory_space<vmem_shared>> -> memref<80x128xf32, #tpu.memory_space<vmem_shared>>
      tpu.wait_dma2 semaphore(%run_scoped3A : memref<!tpu.dma_semaphore, #tpu.memory_space<semaphore_mem>>) src(%dma_wait3A_330 : memref<80x128xf32, #tpu.memory_space<vmem_shared>>) dst(%dma_wait3A_328 : memref<80x128xf32, #tpu.memory_space<hbm>>)
      tpu.yield
    }) : () -> ()
    %mul3A_309 = arith.constant 640 : i32
    %mul3A_310 = arith.muli %arg1, %mul3A_309 : i32
    %add3A_311 = arith.constant 400 : i32
    %add3A_312 = arith.addi %mul3A_310, %add3A_311 : i32
    "tpu.region"() ({
      %run_scoped3A = tpu.sem_alloc : memref<!tpu.dma_semaphore, #tpu.memory_space<semaphore_mem>>
      %dma_start3A_321 = arith.constant 0 : i32
      %dma_start3A_322 = tpu.memref_slice %arg4[%arg0, %add3A_312, %dma_start3A_321] : memref<2x10240x128xf32, #tpu.memory_space<hbm>> -> memref<1x80x128xf32, #tpu.memory_space<hbm>>
      %dma_start3A_323 = tpu.memref_squeeze %dma_start3A_322 : memref<1x80x128xf32, #tpu.memory_space<hbm>> -> memref<80x128xf32, #tpu.memory_space<hbm>>
      %dma_start3A_324 = arith.constant 0 : i32
      %dma_start3A_325 = tpu.memref_slice %arg12[%add3A_312, %dma_start3A_324] : memref<10240x128xf32, #tpu.memory_space<vmem_shared>> -> memref<80x128xf32, #tpu.memory_space<vmem_shared>>
      tpu.enqueue_dma source(%dma_start3A_325 : memref<80x128xf32, #tpu.memory_space<vmem_shared>>) target(%dma_start3A_323 : memref<80x128xf32, #tpu.memory_space<hbm>>) target_semaphore(%run_scoped3A : memref<!tpu.dma_semaphore, #tpu.memory_space<semaphore_mem>>)
      %dma_wait3A_326 = arith.constant 0 : i32
      %dma_wait3A_327 = tpu.memref_slice %arg4[%arg0, %add3A_312, %dma_wait3A_326] : memref<2x10240x128xf32, #tpu.memory_space<hbm>> -> memref<1x80x128xf32, #tpu.memory_space<hbm>>
      %dma_wait3A_328 = tpu.memref_squeeze %dma_wait3A_327 : memref<1x80x128xf32, #tpu.memory_space<hbm>> -> memref<80x128xf32, #tpu.memory_space<hbm>>
      %dma_wait3A_329 = arith.constant 0 : i32
      %dma_wait3A_330 = tpu.memref_slice %arg12[%add3A_312, %dma_wait3A_329] : memref<10240x128xf32, #tpu.memory_space<vmem_shared>> -> memref<80x128xf32, #tpu.memory_space<vmem_shared>>
      tpu.wait_dma2 semaphore(%run_scoped3A : memref<!tpu.dma_semaphore, #tpu.memory_space<semaphore_mem>>) src(%dma_wait3A_330 : memref<80x128xf32, #tpu.memory_space<vmem_shared>>) dst(%dma_wait3A_328 : memref<80x128xf32, #tpu.memory_space<hbm>>)
      tpu.yield
    }) : () -> ()
    %mul3A_313 = arith.constant 640 : i32
    %mul3A_314 = arith.muli %arg1, %mul3A_313 : i32
    %add3A_315 = arith.constant 480 : i32
    %add3A_316 = arith.addi %mul3A_314, %add3A_315 : i32
    "tpu.region"() ({
      %run_scoped3A = tpu.sem_alloc : memref<!tpu.dma_semaphore, #tpu.memory_space<semaphore_mem>>
      %dma_start3A_321 = arith.constant 0 : i32
      %dma_start3A_322 = tpu.memref_slice %arg4[%arg0, %add3A_316, %dma_start3A_321] : memref<2x10240x128xf32, #tpu.memory_space<hbm>> -> memref<1x80x128xf32, #tpu.memory_space<hbm>>
      %dma_start3A_323 = tpu.memref_squeeze %dma_start3A_322 : memref<1x80x128xf32, #tpu.memory_space<hbm>> -> memref<80x128xf32, #tpu.memory_space<hbm>>
      %dma_start3A_324 = arith.constant 0 : i32
      %dma_start3A_325 = tpu.memref_slice %arg12[%add3A_316, %dma_start3A_324] : memref<10240x128xf32, #tpu.memory_space<vmem_shared>> -> memref<80x128xf32, #tpu.memory_space<vmem_shared>>
      tpu.enqueue_dma source(%dma_start3A_325 : memref<80x128xf32, #tpu.memory_space<vmem_shared>>) target(%dma_start3A_323 : memref<80x128xf32, #tpu.memory_space<hbm>>) target_semaphore(%run_scoped3A : memref<!tpu.dma_semaphore, #tpu.memory_space<semaphore_mem>>)
      %dma_wait3A_326 = arith.constant 0 : i32
      %dma_wait3A_327 = tpu.memref_slice %arg4[%arg0, %add3A_316, %dma_wait3A_326] : memref<2x10240x128xf32, #tpu.memory_space<hbm>> -> memref<1x80x128xf32, #tpu.memory_space<hbm>>
      %dma_wait3A_328 = tpu.memref_squeeze %dma_wait3A_327 : memref<1x80x128xf32, #tpu.memory_space<hbm>> -> memref<80x128xf32, #tpu.memory_space<hbm>>
      %dma_wait3A_329 = arith.constant 0 : i32
      %dma_wait3A_330 = tpu.memref_slice %arg12[%add3A_316, %dma_wait3A_329] : memref<10240x128xf32, #tpu.memory_space<vmem_shared>> -> memref<80x128xf32, #tpu.memory_space<vmem_shared>>
      tpu.wait_dma2 semaphore(%run_scoped3A : memref<!tpu.dma_semaphore, #tpu.memory_space<semaphore_mem>>) src(%dma_wait3A_330 : memref<80x128xf32, #tpu.memory_space<vmem_shared>>) dst(%dma_wait3A_328 : memref<80x128xf32, #tpu.memory_space<hbm>>)
      tpu.yield
    }) : () -> ()
    %mul3A_317 = arith.constant 640 : i32
    %mul3A_318 = arith.muli %arg1, %mul3A_317 : i32
    %add3A_319 = arith.constant 560 : i32
    %add3A_320 = arith.addi %mul3A_318, %add3A_319 : i32
    "tpu.region"() ({
      %run_scoped3A = tpu.sem_alloc : memref<!tpu.dma_semaphore, #tpu.memory_space<semaphore_mem>>
      %dma_start3A_321 = arith.constant 0 : i32
      %dma_start3A_322 = tpu.memref_slice %arg4[%arg0, %add3A_320, %dma_start3A_321] : memref<2x10240x128xf32, #tpu.memory_space<hbm>> -> memref<1x80x128xf32, #tpu.memory_space<hbm>>
      %dma_start3A_323 = tpu.memref_squeeze %dma_start3A_322 : memref<1x80x128xf32, #tpu.memory_space<hbm>> -> memref<80x128xf32, #tpu.memory_space<hbm>>
      %dma_start3A_324 = arith.constant 0 : i32
      %dma_start3A_325 = tpu.memref_slice %arg12[%add3A_320, %dma_start3A_324] : memref<10240x128xf32, #tpu.memory_space<vmem_shared>> -> memref<80x128xf32, #tpu.memory_space<vmem_shared>>
      tpu.enqueue_dma source(%dma_start3A_325 : memref<80x128xf32, #tpu.memory_space<vmem_shared>>) target(%dma_start3A_323 : memref<80x128xf32, #tpu.memory_space<hbm>>) target_semaphore(%run_scoped3A : memref<!tpu.dma_semaphore, #tpu.memory_space<semaphore_mem>>)
      %dma_wait3A_326 = arith.constant 0 : i32
      %dma_wait3A_327 = tpu.memref_slice %arg4[%arg0, %add3A_320, %dma_wait3A_326] : memref<2x10240x128xf32, #tpu.memory_space<hbm>> -> memref<1x80x128xf32, #tpu.memory_space<hbm>>
      %dma_wait3A_328 = tpu.memref_squeeze %dma_wait3A_327 : memref<1x80x128xf32, #tpu.memory_space<hbm>> -> memref<80x128xf32, #tpu.memory_space<hbm>>
      %dma_wait3A_329 = arith.constant 0 : i32
      %dma_wait3A_330 = tpu.memref_slice %arg12[%add3A_320, %dma_wait3A_329] : memref<10240x128xf32, #tpu.memory_space<vmem_shared>> -> memref<80x128xf32, #tpu.memory_space<vmem_shared>>
      tpu.wait_dma2 semaphore(%run_scoped3A : memref<!tpu.dma_semaphore, #tpu.memory_space<semaphore_mem>>) src(%dma_wait3A_330 : memref<80x128xf32, #tpu.memory_space<vmem_shared>>) dst(%dma_wait3A_328 : memref<80x128xf32, #tpu.memory_space<hbm>>)
      tpu.yield
    }) : () -> ()
    return
  }
}

#map = affine_map<(d0, d1) -> (0, 0)>
#map1 = affine_map<(d0, d1) -> (0, 0, 0)>
module attributes {stable_mosaic.version = 14 : i64} {
  func.func @agg_body(%arg0: i32, %arg1: i32, %arg2: memref<10240x128xf32, #tpu.memory_space<hbm>>, %arg3: memref<32x125x80xi32, #tpu.memory_space<hbm>>, %arg4: memref<2x10240x128xf32, #tpu.memory_space<hbm>>, %arg5: memref<125x80xi32, #tpu.memory_space<vmem>>, %arg6: memref<80x128xf32, #tpu.memory_space<vmem>>, %arg7: memref<80x128xf32, #tpu.memory_space<vmem>>, %arg8: memref<80xi32, #tpu.memory_space<vmem>>, %arg9: memref<80xi32, #tpu.memory_space<vmem>>, %arg10: memref<80xi32, #tpu.memory_space<vmem>>, %arg11: memref<80xi32, #tpu.memory_space<vmem>>, %arg12: memref<10240x128xf32, #tpu.memory_space<vmem_shared>>, %arg13: memref<!tpu.dma_semaphore, #tpu.memory_space<semaphore_mem>>, %arg14: memref<!tpu.dma_semaphore, #tpu.memory_space<semaphore_mem>>, %arg15: memref<!tpu.dma_semaphore, #tpu.memory_space<semaphore_mem>>, %arg16: memref<!tpu.dma_semaphore, #tpu.memory_space<semaphore_mem>>) attributes {dimension_semantics = [#tpu.dimension_semantics<core_parallel>, #tpu.dimension_semantics<subcore_parallel>], iteration_bounds = array<i64: 2, 16>, scalar_prefetch = 0 : i64, scratch_operands = 12 : i64, tpu.core_type = #tpu.core_type<sc_vector_subcore>, window_params = [{transform_indices = #map}, {transform_indices = #map1}, {transform_indices = #map1}]} {
    %mul3A = arith.constant 16 : i32
    %mul3A_0 = arith.muli %arg0, %mul3A : i32
    %add3A = arith.addi %mul3A_0, %arg1 : i32
    %broadcast_in_dim3A = arith.constant 0.000000e+00 : f32
    %broadcast_in_dim3A_1 = vector.broadcast %broadcast_in_dim3A : f32 to vector<16xf32>
    %scan3A = arith.constant 0 : i32
    %scan3A_2 = arith.constant 0 : i32
    %scan3A_3 = arith.constant 80 : i32
    %scan3A_4 = arith.addi %scan3A_2, %scan3A_3 : i32
    %scan3A_5 = arith.constant 1 : i32
    scf.for %scan3A_321 = %scan3A_2 to %scan3A_4 step %scan3A_5  : i32 {
      %swap3A_322 = arith.index_cast %scan3A_321 : i32 to index
      %swap3A_323 = arith.constant 0 : index
      %swap3A_324 = tpu.vector_load %arg6[%swap3A_322, %swap3A_323] {strides = array<i32>} : memref<80x128xf32, #tpu.memory_space<vmem>>, vector<16xf32>,
      tpu.vector_store %arg6[%swap3A_322, %swap3A_323], %broadcast_in_dim3A_1 {strides = array<i32>} : memref<80x128xf32, #tpu.memory_space<vmem>>, vector<16xf32>,
      %swap3A_325 = arith.index_cast %scan3A_321 : i32 to index
      %swap3A_326 = arith.constant 16 : index
      %swap3A_327 = tpu.vector_load %arg6[%swap3A_325, %swap3A_326] {strides = array<i32>} : memref<80x128xf32, #tpu.memory_space<vmem>>, vector<16xf32>,
      tpu.vector_store %arg6[%swap3A_325, %swap3A_326], %broadcast_in_dim3A_1 {strides = array<i32>} : memref<80x128xf32, #tpu.memory_space<vmem>>, vector<16xf32>,
      %swap3A_328 = arith.index_cast %scan3A_321 : i32 to index
      %swap3A_329 = arith.constant 32 : index
      %swap3A_330 = tpu.vector_load %arg6[%swap3A_328, %swap3A_329] {strides = array<i32>} : memref<80x128xf32, #tpu.memory_space<vmem>>, vector<16xf32>,
      tpu.vector_store %arg6[%swap3A_328, %swap3A_329], %broadcast_in_dim3A_1 {strides = array<i32>} : memref<80x128xf32, #tpu.memory_space<vmem>>, vector<16xf32>,
      %swap3A_331 = arith.index_cast %scan3A_321 : i32 to index
      %swap3A_332 = arith.constant 48 : index
      %swap3A_333 = tpu.vector_load %arg6[%swap3A_331, %swap3A_332] {strides = array<i32>} : memref<80x128xf32, #tpu.memory_space<vmem>>, vector<16xf32>,
      tpu.vector_store %arg6[%swap3A_331, %swap3A_332], %broadcast_in_dim3A_1 {strides = array<i32>} : memref<80x128xf32, #tpu.memory_space<vmem>>, vector<16xf32>,
      %swap3A_334 = arith.index_cast %scan3A_321 : i32 to index
      %swap3A_335 = arith.constant 64 : index
      %swap3A_336 = tpu.vector_load %arg6[%swap3A_334, %swap3A_335] {strides = array<i32>} : memref<80x128xf32, #tpu.memory_space<vmem>>, vector<16xf32>,
      tpu.vector_store %arg6[%swap3A_334, %swap3A_335], %broadcast_in_dim3A_1 {strides = array<i32>} : memref<80x128xf32, #tpu.memory_space<vmem>>, vector<16xf32>,
      %swap3A_337 = arith.index_cast %scan3A_321 : i32 to index
      %swap3A_338 = arith.constant 80 : index
      %swap3A_339 = tpu.vector_load %arg6[%swap3A_337, %swap3A_338] {strides = array<i32>} : memref<80x128xf32, #tpu.memory_space<vmem>>, vector<16xf32>,
      tpu.vector_store %arg6[%swap3A_337, %swap3A_338], %broadcast_in_dim3A_1 {strides = array<i32>} : memref<80x128xf32, #tpu.memory_space<vmem>>, vector<16xf32>,
      %swap3A_340 = arith.index_cast %scan3A_321 : i32 to index
      %swap3A_341 = arith.constant 96 : index
      %swap3A_342 = tpu.vector_load %arg6[%swap3A_340, %swap3A_341] {strides = array<i32>} : memref<80x128xf32, #tpu.memory_space<vmem>>, vector<16xf32>,
      tpu.vector_store %arg6[%swap3A_340, %swap3A_341], %broadcast_in_dim3A_1 {strides = array<i32>} : memref<80x128xf32, #tpu.memory_space<vmem>>, vector<16xf32>,
      %swap3A_343 = arith.index_cast %scan3A_321 : i32 to index
      %swap3A_344 = arith.constant 112 : index
      %swap3A_345 = tpu.vector_load %arg6[%swap3A_343, %swap3A_344] {strides = array<i32>} : memref<80x128xf32, #tpu.memory_space<vmem>>, vector<16xf32>,
      tpu.vector_store %arg6[%swap3A_343, %swap3A_344], %broadcast_in_dim3A_1 {strides = array<i32>} : memref<80x128xf32, #tpu.memory_space<vmem>>, vector<16xf32>,
    }
    %scan3A_6 = arith.constant 80 : i32
    "tpu.region"() ({
      %run_scoped3A = tpu.sem_alloc : memref<!tpu.dma_semaphore, #tpu.memory_space<semaphore_mem>>
      %dma_start3A_321 = arith.constant 0 : i32
      %dma_start3A_322 = arith.constant 0 : i32
      %dma_start3A_323 = tpu.memref_slice %arg3[%add3A, %dma_start3A_321, %dma_start3A_322] : memref<32x125x80xi32, #tpu.memory_space<hbm>> -> memref<1x125x80xi32, #tpu.memory_space<hbm>>
      %dma_start3A_324 = tpu.memref_squeeze %dma_start3A_323 : memref<1x125x80xi32, #tpu.memory_space<hbm>> -> memref<125x80xi32, #tpu.memory_space<hbm>>
      %dma_start3A_325 = arith.constant 0 : i32
      %dma_start3A_326 = arith.constant 0 : i32
      %dma_start3A_327 = tpu.memref_slice %arg3[%add3A, %dma_start3A_325, %dma_start3A_326] : memref<32x125x80xi32, #tpu.memory_space<hbm>> -> memref<1x125x80xi32, #tpu.memory_space<hbm>>
      %dma_start3A_328 = tpu.memref_squeeze %dma_start3A_327 : memref<1x125x80xi32, #tpu.memory_space<hbm>> -> memref<125x80xi32, #tpu.memory_space<hbm>>
      tpu.enqueue_dma source(%dma_start3A_328 : memref<125x80xi32, #tpu.memory_space<hbm>>) target(%arg5 : memref<125x80xi32, #tpu.memory_space<vmem>>) target_semaphore(%run_scoped3A : memref<!tpu.dma_semaphore, #tpu.memory_space<semaphore_mem>>)
      %dma_wait3A_329 = arith.constant 0 : i32
      %dma_wait3A_330 = arith.constant 0 : i32
      %dma_wait3A_331 = tpu.memref_slice %arg3[%add3A, %dma_wait3A_329, %dma_wait3A_330] : memref<32x125x80xi32, #tpu.memory_space<hbm>> -> memref<1x125x80xi32, #tpu.memory_space<hbm>>
      %dma_wait3A_332 = tpu.memref_squeeze %dma_wait3A_331 : memref<1x125x80xi32, #tpu.memory_space<hbm>> -> memref<125x80xi32, #tpu.memory_space<hbm>>
      %dma_wait3A_333 = arith.constant 0 : i32
      %dma_wait3A_334 = arith.constant 0 : i32
      %dma_wait3A_335 = tpu.memref_slice %arg3[%add3A, %dma_wait3A_333, %dma_wait3A_334] : memref<32x125x80xi32, #tpu.memory_space<hbm>> -> memref<1x125x80xi32, #tpu.memory_space<hbm>>
      %dma_wait3A_336 = tpu.memref_squeeze %dma_wait3A_335 : memref<1x125x80xi32, #tpu.memory_space<hbm>> -> memref<125x80xi32, #tpu.memory_space<hbm>>
      tpu.wait_dma2 semaphore(%run_scoped3A : memref<!tpu.dma_semaphore, #tpu.memory_space<semaphore_mem>>) src(%dma_wait3A_336 : memref<125x80xi32, #tpu.memory_space<hbm>>) dst(%arg5 : memref<125x80xi32, #tpu.memory_space<vmem>>)
      tpu.yield
    }) : () -> ()
    %broadcast_in_dim3A_7 = arith.constant 1.000000e+00 : f32
    %broadcast_in_dim3A_8 = vector.broadcast %broadcast_in_dim3A_7 : f32 to vector<16xf32>
    %mul3A_9 = arith.constant 640 : i32
    %mul3A_10 = arith.muli %arg1, %mul3A_9 : i32
    %add3A_11 = arith.constant 0 : i32
    %add3A_12 = arith.addi %mul3A_10, %add3A_11 : i32
    "tpu.region"() ({
      %run_scoped3A = tpu.sem_alloc : memref<!tpu.dma_semaphore, #tpu.memory_space<semaphore_mem>>
      %dma_start3A_321 = arith.constant 0 : i32
      %dma_start3A_322 = tpu.memref_slice %arg12[%add3A_12, %dma_start3A_321] : memref<10240x128xf32, #tpu.memory_space<vmem_shared>> -> memref<80x128xf32, #tpu.memory_space<vmem_shared>>
      %dma_start3A_323 = arith.constant 0 : i32
      %dma_start3A_324 = tpu.memref_slice %arg12[%add3A_12, %dma_start3A_323] : memref<10240x128xf32, #tpu.memory_space<vmem_shared>> -> memref<80x128xf32, #tpu.memory_space<vmem_shared>>
      tpu.enqueue_dma source(%arg6 : memref<80x128xf32, #tpu.memory_space<vmem>>) target(%dma_start3A_324 : memref<80x128xf32, #tpu.memory_space<vmem_shared>>) target_semaphore(%run_scoped3A : memref<!tpu.dma_semaphore, #tpu.memory_space<semaphore_mem>>)
      %dma_wait3A_325 = arith.constant 0 : i32
      %dma_wait3A_326 = tpu.memref_slice %arg12[%add3A_12, %dma_wait3A_325] : memref<10240x128xf32, #tpu.memory_space<vmem_shared>> -> memref<80x128xf32, #tpu.memory_space<vmem_shared>>
      %dma_wait3A_327 = arith.constant 0 : i32
      %dma_wait3A_328 = tpu.memref_slice %arg12[%add3A_12, %dma_wait3A_327] : memref<10240x128xf32, #tpu.memory_space<vmem_shared>> -> memref<80x128xf32, #tpu.memory_space<vmem_shared>>
      tpu.wait_dma2 semaphore(%run_scoped3A : memref<!tpu.dma_semaphore, #tpu.memory_space<semaphore_mem>>) src(%arg6 : memref<80x128xf32, #tpu.memory_space<vmem>>) dst(%dma_wait3A_328 : memref<80x128xf32, #tpu.memory_space<vmem_shared>>)
      tpu.yield
    }) : () -> ()
    %mul3A_13 = arith.constant 640 : i32
    %mul3A_14 = arith.muli %arg1, %mul3A_13 : i32
    %add3A_15 = arith.constant 80 : i32
    %add3A_16 = arith.addi %mul3A_14, %add3A_15 : i32
    "tpu.region"() ({
      %run_scoped3A = tpu.sem_alloc : memref<!tpu.dma_semaphore, #tpu.memory_space<semaphore_mem>>
      %dma_start3A_321 = arith.constant 0 : i32
      %dma_start3A_322 = tpu.memref_slice %arg12[%add3A_16, %dma_start3A_321] : memref<10240x128xf32, #tpu.memory_space<vmem_shared>> -> memref<80x128xf32, #tpu.memory_space<vmem_shared>>
      %dma_start3A_323 = arith.constant 0 : i32
      %dma_start3A_324 = tpu.memref_slice %arg12[%add3A_16, %dma_start3A_323] : memref<10240x128xf32, #tpu.memory_space<vmem_shared>> -> memref<80x128xf32, #tpu.memory_space<vmem_shared>>
      tpu.enqueue_dma source(%arg6 : memref<80x128xf32, #tpu.memory_space<vmem>>) target(%dma_start3A_324 : memref<80x128xf32, #tpu.memory_space<vmem_shared>>) target_semaphore(%run_scoped3A : memref<!tpu.dma_semaphore, #tpu.memory_space<semaphore_mem>>)
      %dma_wait3A_325 = arith.constant 0 : i32
      %dma_wait3A_326 = tpu.memref_slice %arg12[%add3A_16, %dma_wait3A_325] : memref<10240x128xf32, #tpu.memory_space<vmem_shared>> -> memref<80x128xf32, #tpu.memory_space<vmem_shared>>
      %dma_wait3A_327 = arith.constant 0 : i32
      %dma_wait3A_328 = tpu.memref_slice %arg12[%add3A_16, %dma_wait3A_327] : memref<10240x128xf32, #tpu.memory_space<vmem_shared>> -> memref<80x128xf32, #tpu.memory_space<vmem_shared>>
      tpu.wait_dma2 semaphore(%run_scoped3A : memref<!tpu.dma_semaphore, #tpu.memory_space<semaphore_mem>>) src(%arg6 : memref<80x128xf32, #tpu.memory_space<vmem>>) dst(%dma_wait3A_328 : memref<80x128xf32, #tpu.memory_space<vmem_shared>>)
      tpu.yield
    }) : () -> ()
    %mul3A_17 = arith.constant 640 : i32
    %mul3A_18 = arith.muli %arg1, %mul3A_17 : i32
    %add3A_19 = arith.constant 160 : i32
    %add3A_20 = arith.addi %mul3A_18, %add3A_19 : i32
    "tpu.region"() ({
      %run_scoped3A = tpu.sem_alloc : memref<!tpu.dma_semaphore, #tpu.memory_space<semaphore_mem>>
      %dma_start3A_321 = arith.constant 0 : i32
      %dma_start3A_322 = tpu.memref_slice %arg12[%add3A_20, %dma_start3A_321] : memref<10240x128xf32, #tpu.memory_space<vmem_shared>> -> memref<80x128xf32, #tpu.memory_space<vmem_shared>>
      %dma_start3A_323 = arith.constant 0 : i32
      %dma_start3A_324 = tpu.memref_slice %arg12[%add3A_20, %dma_start3A_323] : memref<10240x128xf32, #tpu.memory_space<vmem_shared>> -> memref<80x128xf32, #tpu.memory_space<vmem_shared>>
      tpu.enqueue_dma source(%arg6 : memref<80x128xf32, #tpu.memory_space<vmem>>) target(%dma_start3A_324 : memref<80x128xf32, #tpu.memory_space<vmem_shared>>) target_semaphore(%run_scoped3A : memref<!tpu.dma_semaphore, #tpu.memory_space<semaphore_mem>>)
      %dma_wait3A_325 = arith.constant 0 : i32
      %dma_wait3A_326 = tpu.memref_slice %arg12[%add3A_20, %dma_wait3A_325] : memref<10240x128xf32, #tpu.memory_space<vmem_shared>> -> memref<80x128xf32, #tpu.memory_space<vmem_shared>>
      %dma_wait3A_327 = arith.constant 0 : i32
      %dma_wait3A_328 = tpu.memref_slice %arg12[%add3A_20, %dma_wait3A_327] : memref<10240x128xf32, #tpu.memory_space<vmem_shared>> -> memref<80x128xf32, #tpu.memory_space<vmem_shared>>
      tpu.wait_dma2 semaphore(%run_scoped3A : memref<!tpu.dma_semaphore, #tpu.memory_space<semaphore_mem>>) src(%arg6 : memref<80x128xf32, #tpu.memory_space<vmem>>) dst(%dma_wait3A_328 : memref<80x128xf32, #tpu.memory_space<vmem_shared>>)
      tpu.yield
    }) : () -> ()
    %mul3A_21 = arith.constant 640 : i32
    %mul3A_22 = arith.muli %arg1, %mul3A_21 : i32
    %add3A_23 = arith.constant 240 : i32
    %add3A_24 = arith.addi %mul3A_22, %add3A_23 : i32
    "tpu.region"() ({
      %run_scoped3A = tpu.sem_alloc : memref<!tpu.dma_semaphore, #tpu.memory_space<semaphore_mem>>
      %dma_start3A_321 = arith.constant 0 : i32
      %dma_start3A_322 = tpu.memref_slice %arg12[%add3A_24, %dma_start3A_321] : memref<10240x128xf32, #tpu.memory_space<vmem_shared>> -> memref<80x128xf32, #tpu.memory_space<vmem_shared>>
      %dma_start3A_323 = arith.constant 0 : i32
      %dma_start3A_324 = tpu.memref_slice %arg12[%add3A_24, %dma_start3A_323] : memref<10240x128xf32, #tpu.memory_space<vmem_shared>> -> memref<80x128xf32, #tpu.memory_space<vmem_shared>>
      tpu.enqueue_dma source(%arg6 : memref<80x128xf32, #tpu.memory_space<vmem>>) target(%dma_start3A_324 : memref<80x128xf32, #tpu.memory_space<vmem_shared>>) target_semaphore(%run_scoped3A : memref<!tpu.dma_semaphore, #tpu.memory_space<semaphore_mem>>)
      %dma_wait3A_325 = arith.constant 0 : i32
      %dma_wait3A_326 = tpu.memref_slice %arg12[%add3A_24, %dma_wait3A_325] : memref<10240x128xf32, #tpu.memory_space<vmem_shared>> -> memref<80x128xf32, #tpu.memory_space<vmem_shared>>
      %dma_wait3A_327 = arith.constant 0 : i32
      %dma_wait3A_328 = tpu.memref_slice %arg12[%add3A_24, %dma_wait3A_327] : memref<10240x128xf32, #tpu.memory_space<vmem_shared>> -> memref<80x128xf32, #tpu.memory_space<vmem_shared>>
      tpu.wait_dma2 semaphore(%run_scoped3A : memref<!tpu.dma_semaphore, #tpu.memory_space<semaphore_mem>>) src(%arg6 : memref<80x128xf32, #tpu.memory_space<vmem>>) dst(%dma_wait3A_328 : memref<80x128xf32, #tpu.memory_space<vmem_shared>>)
      tpu.yield
    }) : () -> ()
    %mul3A_25 = arith.constant 640 : i32
    %mul3A_26 = arith.muli %arg1, %mul3A_25 : i32
    %add3A_27 = arith.constant 320 : i32
    %add3A_28 = arith.addi %mul3A_26, %add3A_27 : i32
    "tpu.region"() ({
      %run_scoped3A = tpu.sem_alloc : memref<!tpu.dma_semaphore, #tpu.memory_space<semaphore_mem>>
      %dma_start3A_321 = arith.constant 0 : i32
      %dma_start3A_322 = tpu.memref_slice %arg12[%add3A_28, %dma_start3A_321] : memref<10240x128xf32, #tpu.memory_space<vmem_shared>> -> memref<80x128xf32, #tpu.memory_space<vmem_shared>>
      %dma_start3A_323 = arith.constant 0 : i32
      %dma_start3A_324 = tpu.memref_slice %arg12[%add3A_28, %dma_start3A_323] : memref<10240x128xf32, #tpu.memory_space<vmem_shared>> -> memref<80x128xf32, #tpu.memory_space<vmem_shared>>
      tpu.enqueue_dma source(%arg6 : memref<80x128xf32, #tpu.memory_space<vmem>>) target(%dma_start3A_324 : memref<80x128xf32, #tpu.memory_space<vmem_shared>>) target_semaphore(%run_scoped3A : memref<!tpu.dma_semaphore, #tpu.memory_space<semaphore_mem>>)
      %dma_wait3A_325 = arith.constant 0 : i32
      %dma_wait3A_326 = tpu.memref_slice %arg12[%add3A_28, %dma_wait3A_325] : memref<10240x128xf32, #tpu.memory_space<vmem_shared>> -> memref<80x128xf32, #tpu.memory_space<vmem_shared>>
      %dma_wait3A_327 = arith.constant 0 : i32
      %dma_wait3A_328 = tpu.memref_slice %arg12[%add3A_28, %dma_wait3A_327] : memref<10240x128xf32, #tpu.memory_space<vmem_shared>> -> memref<80x128xf32, #tpu.memory_space<vmem_shared>>
      tpu.wait_dma2 semaphore(%run_scoped3A : memref<!tpu.dma_semaphore, #tpu.memory_space<semaphore_mem>>) src(%arg6 : memref<80x128xf32, #tpu.memory_space<vmem>>) dst(%dma_wait3A_328 : memref<80x128xf32, #tpu.memory_space<vmem_shared>>)
      tpu.yield
    }) : () -> ()
    %mul3A_29 = arith.constant 640 : i32
    %mul3A_30 = arith.muli %arg1, %mul3A_29 : i32
    %add3A_31 = arith.constant 400 : i32
    %add3A_32 = arith.addi %mul3A_30, %add3A_31 : i32
    "tpu.region"() ({
      %run_scoped3A = tpu.sem_alloc : memref<!tpu.dma_semaphore, #tpu.memory_space<semaphore_mem>>
      %dma_start3A_321 = arith.constant 0 : i32
      %dma_start3A_322 = tpu.memref_slice %arg12[%add3A_32, %dma_start3A_321] : memref<10240x128xf32, #tpu.memory_space<vmem_shared>> -> memref<80x128xf32, #tpu.memory_space<vmem_shared>>
      %dma_start3A_323 = arith.constant 0 : i32
      %dma_start3A_324 = tpu.memref_slice %arg12[%add3A_32, %dma_start3A_323] : memref<10240x128xf32, #tpu.memory_space<vmem_shared>> -> memref<80x128xf32, #tpu.memory_space<vmem_shared>>
      tpu.enqueue_dma source(%arg6 : memref<80x128xf32, #tpu.memory_space<vmem>>) target(%dma_start3A_324 : memref<80x128xf32, #tpu.memory_space<vmem_shared>>) target_semaphore(%run_scoped3A : memref<!tpu.dma_semaphore, #tpu.memory_space<semaphore_mem>>)
      %dma_wait3A_325 = arith.constant 0 : i32
      %dma_wait3A_326 = tpu.memref_slice %arg12[%add3A_32, %dma_wait3A_325] : memref<10240x128xf32, #tpu.memory_space<vmem_shared>> -> memref<80x128xf32, #tpu.memory_space<vmem_shared>>
      %dma_wait3A_327 = arith.constant 0 : i32
      %dma_wait3A_328 = tpu.memref_slice %arg12[%add3A_32, %dma_wait3A_327] : memref<10240x128xf32, #tpu.memory_space<vmem_shared>> -> memref<80x128xf32, #tpu.memory_space<vmem_shared>>
      tpu.wait_dma2 semaphore(%run_scoped3A : memref<!tpu.dma_semaphore, #tpu.memory_space<semaphore_mem>>) src(%arg6 : memref<80x128xf32, #tpu.memory_space<vmem>>) dst(%dma_wait3A_328 : memref<80x128xf32, #tpu.memory_space<vmem_shared>>)
      tpu.yield
    }) : () -> ()
    %mul3A_33 = arith.constant 640 : i32
    %mul3A_34 = arith.muli %arg1, %mul3A_33 : i32
    %add3A_35 = arith.constant 480 : i32
    %add3A_36 = arith.addi %mul3A_34, %add3A_35 : i32
    "tpu.region"() ({
      %run_scoped3A = tpu.sem_alloc : memref<!tpu.dma_semaphore, #tpu.memory_space<semaphore_mem>>
      %dma_start3A_321 = arith.constant 0 : i32
      %dma_start3A_322 = tpu.memref_slice %arg12[%add3A_36, %dma_start3A_321] : memref<10240x128xf32, #tpu.memory_space<vmem_shared>> -> memref<80x128xf32, #tpu.memory_space<vmem_shared>>
      %dma_start3A_323 = arith.constant 0 : i32
      %dma_start3A_324 = tpu.memref_slice %arg12[%add3A_36, %dma_start3A_323] : memref<10240x128xf32, #tpu.memory_space<vmem_shared>> -> memref<80x128xf32, #tpu.memory_space<vmem_shared>>
      tpu.enqueue_dma source(%arg6 : memref<80x128xf32, #tpu.memory_space<vmem>>) target(%dma_start3A_324 : memref<80x128xf32, #tpu.memory_space<vmem_shared>>) target_semaphore(%run_scoped3A : memref<!tpu.dma_semaphore, #tpu.memory_space<semaphore_mem>>)
      %dma_wait3A_325 = arith.constant 0 : i32
      %dma_wait3A_326 = tpu.memref_slice %arg12[%add3A_36, %dma_wait3A_325] : memref<10240x128xf32, #tpu.memory_space<vmem_shared>> -> memref<80x128xf32, #tpu.memory_space<vmem_shared>>
      %dma_wait3A_327 = arith.constant 0 : i32
      %dma_wait3A_328 = tpu.memref_slice %arg12[%add3A_36, %dma_wait3A_327] : memref<10240x128xf32, #tpu.memory_space<vmem_shared>> -> memref<80x128xf32, #tpu.memory_space<vmem_shared>>
      tpu.wait_dma2 semaphore(%run_scoped3A : memref<!tpu.dma_semaphore, #tpu.memory_space<semaphore_mem>>) src(%arg6 : memref<80x128xf32, #tpu.memory_space<vmem>>) dst(%dma_wait3A_328 : memref<80x128xf32, #tpu.memory_space<vmem_shared>>)
      tpu.yield
    }) : () -> ()
    %mul3A_37 = arith.constant 640 : i32
    %mul3A_38 = arith.muli %arg1, %mul3A_37 : i32
    %add3A_39 = arith.constant 560 : i32
    %add3A_40 = arith.addi %mul3A_38, %add3A_39 : i32
    "tpu.region"() ({
      %run_scoped3A = tpu.sem_alloc : memref<!tpu.dma_semaphore, #tpu.memory_space<semaphore_mem>>
      %dma_start3A_321 = arith.constant 0 : i32
      %dma_start3A_322 = tpu.memref_slice %arg12[%add3A_40, %dma_start3A_321] : memref<10240x128xf32, #tpu.memory_space<vmem_shared>> -> memref<80x128xf32, #tpu.memory_space<vmem_shared>>
      %dma_start3A_323 = arith.constant 0 : i32
      %dma_start3A_324 = tpu.memref_slice %arg12[%add3A_40, %dma_start3A_323] : memref<10240x128xf32, #tpu.memory_space<vmem_shared>> -> memref<80x128xf32, #tpu.memory_space<vmem_shared>>
      tpu.enqueue_dma source(%arg6 : memref<80x128xf32, #tpu.memory_space<vmem>>) target(%dma_start3A_324 : memref<80x128xf32, #tpu.memory_space<vmem_shared>>) target_semaphore(%run_scoped3A : memref<!tpu.dma_semaphore, #tpu.memory_space<semaphore_mem>>)
      %dma_wait3A_325 = arith.constant 0 : i32
      %dma_wait3A_326 = tpu.memref_slice %arg12[%add3A_40, %dma_wait3A_325] : memref<10240x128xf32, #tpu.memory_space<vmem_shared>> -> memref<80x128xf32, #tpu.memory_space<vmem_shared>>
      %dma_wait3A_327 = arith.constant 0 : i32
      %dma_wait3A_328 = tpu.memref_slice %arg12[%add3A_40, %dma_wait3A_327] : memref<10240x128xf32, #tpu.memory_space<vmem_shared>> -> memref<80x128xf32, #tpu.memory_space<vmem_shared>>
      tpu.wait_dma2 semaphore(%run_scoped3A : memref<!tpu.dma_semaphore, #tpu.memory_space<semaphore_mem>>) src(%arg6 : memref<80x128xf32, #tpu.memory_space<vmem>>) dst(%dma_wait3A_328 : memref<80x128xf32, #tpu.memory_space<vmem_shared>>)
      tpu.yield
    }) : () -> ()
    %barrier3A = arith.constant 0 : index
    tpu.barrier barrier_id(%barrier3A)
    %get3A = arith.constant 0 : i32
    %get3A_41 = arith.index_cast %get3A : i32 to index
    %get3A_42 = arith.constant 0 : index
    %get3A_43 = tpu.vector_load %arg5[%get3A_41, %get3A_42] {strides = array<i32>} : memref<125x80xi32, #tpu.memory_space<vmem>>, vector<16xi32>,
    %shift_right_logical3A = arith.constant 16 : i32
    %shift_right_logical3A_44 = vector.broadcast %shift_right_logical3A : i32 to vector<16xi32>
    %shift_right_logical3A_45 = arith.shrui %get3A_43, %shift_right_logical3A_44 : vector<16xi32>
    %and3A = arith.constant 65535 : i32
    %and3A_46 = vector.broadcast %and3A : i32 to vector<16xi32>
    %and3A_47 = arith.andi %get3A_43, %and3A_46 : vector<16xi32>
    %swap3A = arith.constant 0 : index
    %swap3A_48 = tpu.vector_load %arg8[%swap3A] {strides = array<i32>} : memref<80xi32, #tpu.memory_space<vmem>>, vector<16xi32>,
    tpu.vector_store %arg8[%swap3A], %and3A_47 {strides = array<i32>} : memref<80xi32, #tpu.memory_space<vmem>>, vector<16xi32>,
    %swap3A_49 = arith.constant 0 : index
    %swap3A_50 = tpu.vector_load %arg10[%swap3A_49] {strides = array<i32>} : memref<80xi32, #tpu.memory_space<vmem>>, vector<16xi32>,
    tpu.vector_store %arg10[%swap3A_49], %shift_right_logical3A_45 {strides = array<i32>} : memref<80xi32, #tpu.memory_space<vmem>>, vector<16xi32>,
    %get3A_51 = arith.constant 0 : i32
    %get3A_52 = arith.index_cast %get3A_51 : i32 to index
    %get3A_53 = arith.constant 16 : index
    %get3A_54 = tpu.vector_load %arg5[%get3A_52, %get3A_53] {strides = array<i32>} : memref<125x80xi32, #tpu.memory_space<vmem>>, vector<16xi32>,
    %shift_right_logical3A_55 = arith.constant 16 : i32
    %shift_right_logical3A_56 = vector.broadcast %shift_right_logical3A_55 : i32 to vector<16xi32>
    %shift_right_logical3A_57 = arith.shrui %get3A_54, %shift_right_logical3A_56 : vector<16xi32>
    %and3A_58 = arith.constant 65535 : i32
    %and3A_59 = vector.broadcast %and3A_58 : i32 to vector<16xi32>
    %and3A_60 = arith.andi %get3A_54, %and3A_59 : vector<16xi32>
    %swap3A_61 = arith.constant 16 : index
    %swap3A_62 = tpu.vector_load %arg8[%swap3A_61] {strides = array<i32>} : memref<80xi32, #tpu.memory_space<vmem>>, vector<16xi32>,
    tpu.vector_store %arg8[%swap3A_61], %and3A_60 {strides = array<i32>} : memref<80xi32, #tpu.memory_space<vmem>>, vector<16xi32>,
    %swap3A_63 = arith.constant 16 : index
    %swap3A_64 = tpu.vector_load %arg10[%swap3A_63] {strides = array<i32>} : memref<80xi32, #tpu.memory_space<vmem>>, vector<16xi32>,
    tpu.vector_store %arg10[%swap3A_63], %shift_right_logical3A_57 {strides = array<i32>} : memref<80xi32, #tpu.memory_space<vmem>>, vector<16xi32>,
    %get3A_65 = arith.constant 0 : i32
    %get3A_66 = arith.index_cast %get3A_65 : i32 to index
    %get3A_67 = arith.constant 32 : index
    %get3A_68 = tpu.vector_load %arg5[%get3A_66, %get3A_67] {strides = array<i32>} : memref<125x80xi32, #tpu.memory_space<vmem>>, vector<16xi32>,
    %shift_right_logical3A_69 = arith.constant 16 : i32
    %shift_right_logical3A_70 = vector.broadcast %shift_right_logical3A_69 : i32 to vector<16xi32>
    %shift_right_logical3A_71 = arith.shrui %get3A_68, %shift_right_logical3A_70 : vector<16xi32>
    %and3A_72 = arith.constant 65535 : i32
    %and3A_73 = vector.broadcast %and3A_72 : i32 to vector<16xi32>
    %and3A_74 = arith.andi %get3A_68, %and3A_73 : vector<16xi32>
    %swap3A_75 = arith.constant 32 : index
    %swap3A_76 = tpu.vector_load %arg8[%swap3A_75] {strides = array<i32>} : memref<80xi32, #tpu.memory_space<vmem>>, vector<16xi32>,
    tpu.vector_store %arg8[%swap3A_75], %and3A_74 {strides = array<i32>} : memref<80xi32, #tpu.memory_space<vmem>>, vector<16xi32>,
    %swap3A_77 = arith.constant 32 : index
    %swap3A_78 = tpu.vector_load %arg10[%swap3A_77] {strides = array<i32>} : memref<80xi32, #tpu.memory_space<vmem>>, vector<16xi32>,
    tpu.vector_store %arg10[%swap3A_77], %shift_right_logical3A_71 {strides = array<i32>} : memref<80xi32, #tpu.memory_space<vmem>>, vector<16xi32>,
    %get3A_79 = arith.constant 0 : i32
    %get3A_80 = arith.index_cast %get3A_79 : i32 to index
    %get3A_81 = arith.constant 48 : index
    %get3A_82 = tpu.vector_load %arg5[%get3A_80, %get3A_81] {strides = array<i32>} : memref<125x80xi32, #tpu.memory_space<vmem>>, vector<16xi32>,
    %shift_right_logical3A_83 = arith.constant 16 : i32
    %shift_right_logical3A_84 = vector.broadcast %shift_right_logical3A_83 : i32 to vector<16xi32>
    %shift_right_logical3A_85 = arith.shrui %get3A_82, %shift_right_logical3A_84 : vector<16xi32>
    %and3A_86 = arith.constant 65535 : i32
    %and3A_87 = vector.broadcast %and3A_86 : i32 to vector<16xi32>
    %and3A_88 = arith.andi %get3A_82, %and3A_87 : vector<16xi32>
    %swap3A_89 = arith.constant 48 : index
    %swap3A_90 = tpu.vector_load %arg8[%swap3A_89] {strides = array<i32>} : memref<80xi32, #tpu.memory_space<vmem>>, vector<16xi32>,
    tpu.vector_store %arg8[%swap3A_89], %and3A_88 {strides = array<i32>} : memref<80xi32, #tpu.memory_space<vmem>>, vector<16xi32>,
    %swap3A_91 = arith.constant 48 : index
    %swap3A_92 = tpu.vector_load %arg10[%swap3A_91] {strides = array<i32>} : memref<80xi32, #tpu.memory_space<vmem>>, vector<16xi32>,
    tpu.vector_store %arg10[%swap3A_91], %shift_right_logical3A_85 {strides = array<i32>} : memref<80xi32, #tpu.memory_space<vmem>>, vector<16xi32>,
    %get3A_93 = arith.constant 0 : i32
    %get3A_94 = arith.index_cast %get3A_93 : i32 to index
    %get3A_95 = arith.constant 64 : index
    %get3A_96 = tpu.vector_load %arg5[%get3A_94, %get3A_95] {strides = array<i32>} : memref<125x80xi32, #tpu.memory_space<vmem>>, vector<16xi32>,
    %shift_right_logical3A_97 = arith.constant 16 : i32
    %shift_right_logical3A_98 = vector.broadcast %shift_right_logical3A_97 : i32 to vector<16xi32>
    %shift_right_logical3A_99 = arith.shrui %get3A_96, %shift_right_logical3A_98 : vector<16xi32>
    %and3A_100 = arith.constant 65535 : i32
    %and3A_101 = vector.broadcast %and3A_100 : i32 to vector<16xi32>
    %and3A_102 = arith.andi %get3A_96, %and3A_101 : vector<16xi32>
    %swap3A_103 = arith.constant 64 : index
    %swap3A_104 = tpu.vector_load %arg8[%swap3A_103] {strides = array<i32>} : memref<80xi32, #tpu.memory_space<vmem>>, vector<16xi32>,
    tpu.vector_store %arg8[%swap3A_103], %and3A_102 {strides = array<i32>} : memref<80xi32, #tpu.memory_space<vmem>>, vector<16xi32>,
    %swap3A_105 = arith.constant 64 : index
    %swap3A_106 = tpu.vector_load %arg10[%swap3A_105] {strides = array<i32>} : memref<80xi32, #tpu.memory_space<vmem>>, vector<16xi32>,
    tpu.vector_store %arg10[%swap3A_105], %shift_right_logical3A_99 {strides = array<i32>} : memref<80xi32, #tpu.memory_space<vmem>>, vector<16xi32>,
    %dma_start3A = arith.constant 0 : i32
    %dma_start3A_107 = arith.constant 0 : i32
    %dma_start3A_108 = tpu.memref_slice %arg2[%dma_start3A, %dma_start3A_107] : memref<10240x128xf32, #tpu.memory_space<hbm>> -> memref<10240x128xf32, #tpu.memory_space<hbm>>
    tpu.enqueue_indirect_dma source(%dma_start3A_108 : memref<10240x128xf32, #tpu.memory_space<hbm>>) target(%arg6 : memref<80x128xf32, #tpu.memory_space<vmem>>) offsets(%arg8 : memref<80xi32, #tpu.memory_space<vmem>>) semaphore(%arg13 : memref<!tpu.dma_semaphore, #tpu.memory_space<semaphore_mem>>)
    %dma_wait3A = arith.constant 0 : i32
    %dma_wait3A_109 = arith.constant 0 : i32
    %dma_wait3A_110 = tpu.memref_slice %arg2[%dma_wait3A, %dma_wait3A_109] : memref<10240x128xf32, #tpu.memory_space<hbm>> -> memref<10240x128xf32, #tpu.memory_space<hbm>>
    tpu.wait_indirect_dma semaphore(%arg13 : memref<!tpu.dma_semaphore, #tpu.memory_space<semaphore_mem>>) src(%dma_wait3A_110 : memref<10240x128xf32, #tpu.memory_space<hbm>>) dst(%arg6 : memref<80x128xf32, #tpu.memory_space<vmem>>)
    %dma_start3A_111 = arith.constant 0 : i32
    %dma_start3A_112 = arith.constant 0 : i32
    %dma_start3A_113 = tpu.memref_slice %arg12[%dma_start3A_111, %dma_start3A_112] : memref<10240x128xf32, #tpu.memory_space<vmem_shared>> -> memref<10240x128xf32, #tpu.memory_space<vmem_shared>>
    tpu.enqueue_indirect_dma source(%arg6 : memref<80x128xf32, #tpu.memory_space<vmem>>) target(%dma_start3A_113 : memref<10240x128xf32, #tpu.memory_space<vmem_shared>>) offsets(%arg10 : memref<80xi32, #tpu.memory_space<vmem>>) semaphore(%arg15 : memref<!tpu.dma_semaphore, #tpu.memory_space<semaphore_mem>>) {add = true}
    %get3A_114 = arith.constant 1 : i32
    %get3A_115 = arith.index_cast %get3A_114 : i32 to index
    %get3A_116 = arith.constant 0 : index
    %get3A_117 = tpu.vector_load %arg5[%get3A_115, %get3A_116] {strides = array<i32>} : memref<125x80xi32, #tpu.memory_space<vmem>>, vector<16xi32>,
    %shift_right_logical3A_118 = arith.constant 16 : i32
    %shift_right_logical3A_119 = vector.broadcast %shift_right_logical3A_118 : i32 to vector<16xi32>
    %shift_right_logical3A_120 = arith.shrui %get3A_117, %shift_right_logical3A_119 : vector<16xi32>
    %and3A_121 = arith.constant 65535 : i32
    %and3A_122 = vector.broadcast %and3A_121 : i32 to vector<16xi32>
    %and3A_123 = arith.andi %get3A_117, %and3A_122 : vector<16xi32>
    %swap3A_124 = arith.constant 0 : index
    %swap3A_125 = tpu.vector_load %arg9[%swap3A_124] {strides = array<i32>} : memref<80xi32, #tpu.memory_space<vmem>>, vector<16xi32>,
    tpu.vector_store %arg9[%swap3A_124], %and3A_123 {strides = array<i32>} : memref<80xi32, #tpu.memory_space<vmem>>, vector<16xi32>,
    %swap3A_126 = arith.constant 0 : index
    %swap3A_127 = tpu.vector_load %arg11[%swap3A_126] {strides = array<i32>} : memref<80xi32, #tpu.memory_space<vmem>>, vector<16xi32>,
    tpu.vector_store %arg11[%swap3A_126], %shift_right_logical3A_120 {strides = array<i32>} : memref<80xi32, #tpu.memory_space<vmem>>, vector<16xi32>,
    %get3A_128 = arith.constant 1 : i32
    %get3A_129 = arith.index_cast %get3A_128 : i32 to index
    %get3A_130 = arith.constant 16 : index
    %get3A_131 = tpu.vector_load %arg5[%get3A_129, %get3A_130] {strides = array<i32>} : memref<125x80xi32, #tpu.memory_space<vmem>>, vector<16xi32>,
    %shift_right_logical3A_132 = arith.constant 16 : i32
    %shift_right_logical3A_133 = vector.broadcast %shift_right_logical3A_132 : i32 to vector<16xi32>
    %shift_right_logical3A_134 = arith.shrui %get3A_131, %shift_right_logical3A_133 : vector<16xi32>
    %and3A_135 = arith.constant 65535 : i32
    %and3A_136 = vector.broadcast %and3A_135 : i32 to vector<16xi32>
    %and3A_137 = arith.andi %get3A_131, %and3A_136 : vector<16xi32>
    %swap3A_138 = arith.constant 16 : index
    %swap3A_139 = tpu.vector_load %arg9[%swap3A_138] {strides = array<i32>} : memref<80xi32, #tpu.memory_space<vmem>>, vector<16xi32>,
    tpu.vector_store %arg9[%swap3A_138], %and3A_137 {strides = array<i32>} : memref<80xi32, #tpu.memory_space<vmem>>, vector<16xi32>,
    %swap3A_140 = arith.constant 16 : index
    %swap3A_141 = tpu.vector_load %arg11[%swap3A_140] {strides = array<i32>} : memref<80xi32, #tpu.memory_space<vmem>>, vector<16xi32>,
    tpu.vector_store %arg11[%swap3A_140], %shift_right_logical3A_134 {strides = array<i32>} : memref<80xi32, #tpu.memory_space<vmem>>, vector<16xi32>,
    %get3A_142 = arith.constant 1 : i32
    %get3A_143 = arith.index_cast %get3A_142 : i32 to index
    %get3A_144 = arith.constant 32 : index
    %get3A_145 = tpu.vector_load %arg5[%get3A_143, %get3A_144] {strides = array<i32>} : memref<125x80xi32, #tpu.memory_space<vmem>>, vector<16xi32>,
    %shift_right_logical3A_146 = arith.constant 16 : i32
    %shift_right_logical3A_147 = vector.broadcast %shift_right_logical3A_146 : i32 to vector<16xi32>
    %shift_right_logical3A_148 = arith.shrui %get3A_145, %shift_right_logical3A_147 : vector<16xi32>
    %and3A_149 = arith.constant 65535 : i32
    %and3A_150 = vector.broadcast %and3A_149 : i32 to vector<16xi32>
    %and3A_151 = arith.andi %get3A_145, %and3A_150 : vector<16xi32>
    %swap3A_152 = arith.constant 32 : index
    %swap3A_153 = tpu.vector_load %arg9[%swap3A_152] {strides = array<i32>} : memref<80xi32, #tpu.memory_space<vmem>>, vector<16xi32>,
    tpu.vector_store %arg9[%swap3A_152], %and3A_151 {strides = array<i32>} : memref<80xi32, #tpu.memory_space<vmem>>, vector<16xi32>,
    %swap3A_154 = arith.constant 32 : index
    %swap3A_155 = tpu.vector_load %arg11[%swap3A_154] {strides = array<i32>} : memref<80xi32, #tpu.memory_space<vmem>>, vector<16xi32>,
    tpu.vector_store %arg11[%swap3A_154], %shift_right_logical3A_148 {strides = array<i32>} : memref<80xi32, #tpu.memory_space<vmem>>, vector<16xi32>,
    %get3A_156 = arith.constant 1 : i32
    %get3A_157 = arith.index_cast %get3A_156 : i32 to index
    %get3A_158 = arith.constant 48 : index
    %get3A_159 = tpu.vector_load %arg5[%get3A_157, %get3A_158] {strides = array<i32>} : memref<125x80xi32, #tpu.memory_space<vmem>>, vector<16xi32>,
    %shift_right_logical3A_160 = arith.constant 16 : i32
    %shift_right_logical3A_161 = vector.broadcast %shift_right_logical3A_160 : i32 to vector<16xi32>
    %shift_right_logical3A_162 = arith.shrui %get3A_159, %shift_right_logical3A_161 : vector<16xi32>
    %and3A_163 = arith.constant 65535 : i32
    %and3A_164 = vector.broadcast %and3A_163 : i32 to vector<16xi32>
    %and3A_165 = arith.andi %get3A_159, %and3A_164 : vector<16xi32>
    %swap3A_166 = arith.constant 48 : index
    %swap3A_167 = tpu.vector_load %arg9[%swap3A_166] {strides = array<i32>} : memref<80xi32, #tpu.memory_space<vmem>>, vector<16xi32>,
    tpu.vector_store %arg9[%swap3A_166], %and3A_165 {strides = array<i32>} : memref<80xi32, #tpu.memory_space<vmem>>, vector<16xi32>,
    %swap3A_168 = arith.constant 48 : index
    %swap3A_169 = tpu.vector_load %arg11[%swap3A_168] {strides = array<i32>} : memref<80xi32, #tpu.memory_space<vmem>>, vector<16xi32>,
    tpu.vector_store %arg11[%swap3A_168], %shift_right_logical3A_162 {strides = array<i32>} : memref<80xi32, #tpu.memory_space<vmem>>, vector<16xi32>,
    %get3A_170 = arith.constant 1 : i32
    %get3A_171 = arith.index_cast %get3A_170 : i32 to index
    %get3A_172 = arith.constant 64 : index
    %get3A_173 = tpu.vector_load %arg5[%get3A_171, %get3A_172] {strides = array<i32>} : memref<125x80xi32, #tpu.memory_space<vmem>>, vector<16xi32>,
    %shift_right_logical3A_174 = arith.constant 16 : i32
    %shift_right_logical3A_175 = vector.broadcast %shift_right_logical3A_174 : i32 to vector<16xi32>
    %shift_right_logical3A_176 = arith.shrui %get3A_173, %shift_right_logical3A_175 : vector<16xi32>
    %and3A_177 = arith.constant 65535 : i32
    %and3A_178 = vector.broadcast %and3A_177 : i32 to vector<16xi32>
    %and3A_179 = arith.andi %get3A_173, %and3A_178 : vector<16xi32>
    %swap3A_180 = arith.constant 64 : index
    %swap3A_181 = tpu.vector_load %arg9[%swap3A_180] {strides = array<i32>} : memref<80xi32, #tpu.memory_space<vmem>>, vector<16xi32>,
    tpu.vector_store %arg9[%swap3A_180], %and3A_179 {strides = array<i32>} : memref<80xi32, #tpu.memory_space<vmem>>, vector<16xi32>,
    %swap3A_182 = arith.constant 64 : index
    %swap3A_183 = tpu.vector_load %arg11[%swap3A_182] {strides = array<i32>} : memref<80xi32, #tpu.memory_space<vmem>>, vector<16xi32>,
    tpu.vector_store %arg11[%swap3A_182], %shift_right_logical3A_176 {strides = array<i32>} : memref<80xi32, #tpu.memory_space<vmem>>, vector<16xi32>,
    %dma_start3A_184 = arith.constant 0 : i32
    %dma_start3A_185 = arith.constant 0 : i32
    %dma_start3A_186 = tpu.memref_slice %arg2[%dma_start3A_184, %dma_start3A_185] : memref<10240x128xf32, #tpu.memory_space<hbm>> -> memref<10240x128xf32, #tpu.memory_space<hbm>>
    tpu.enqueue_indirect_dma source(%dma_start3A_186 : memref<10240x128xf32, #tpu.memory_space<hbm>>) target(%arg7 : memref<80x128xf32, #tpu.memory_space<vmem>>) offsets(%arg9 : memref<80xi32, #tpu.memory_space<vmem>>) semaphore(%arg14 : memref<!tpu.dma_semaphore, #tpu.memory_space<semaphore_mem>>)
    %scan3A_187 = arith.constant 0 : i32
    %scan3A_188 = arith.constant 65535 : i32
    %scan3A_189 = arith.constant 0 : i32
    %scan3A_190 = arith.constant 61 : i32
    %scan3A_191 = arith.addi %scan3A_189, %scan3A_190 : i32
    %scan3A_192 = arith.constant 1 : i32
    scf.for %scan3A_321 = %scan3A_189 to %scan3A_191 step %scan3A_192  : i32 {
      %mul3A_322 = arith.constant 2 : i32
      %mul3A_323 = arith.muli %mul3A_322, %scan3A_321 : i32
      %add3A_324 = arith.constant 1 : i32
      %add3A_325 = arith.addi %mul3A_323, %add3A_324 : i32
      %dma_wait3A_326 = arith.constant 0 : i32
      %dma_wait3A_327 = arith.constant 0 : i32
      %dma_wait3A_328 = tpu.memref_slice %arg2[%dma_wait3A_326, %dma_wait3A_327] : memref<10240x128xf32, #tpu.memory_space<hbm>> -> memref<10240x128xf32, #tpu.memory_space<hbm>>
      tpu.wait_indirect_dma semaphore(%arg14 : memref<!tpu.dma_semaphore, #tpu.memory_space<semaphore_mem>>) src(%dma_wait3A_328 : memref<10240x128xf32, #tpu.memory_space<hbm>>) dst(%arg7 : memref<80x128xf32, #tpu.memory_space<vmem>>)
      %dma_start3A_329 = arith.constant 0 : i32
      %dma_start3A_330 = arith.constant 0 : i32
      %dma_start3A_331 = tpu.memref_slice %arg12[%dma_start3A_329, %dma_start3A_330] : memref<10240x128xf32, #tpu.memory_space<vmem_shared>> -> memref<10240x128xf32, #tpu.memory_space<vmem_shared>>
      tpu.enqueue_indirect_dma source(%arg7 : memref<80x128xf32, #tpu.memory_space<vmem>>) target(%dma_start3A_331 : memref<10240x128xf32, #tpu.memory_space<vmem_shared>>) offsets(%arg11 : memref<80xi32, #tpu.memory_space<vmem>>) semaphore(%arg16 : memref<!tpu.dma_semaphore, #tpu.memory_space<semaphore_mem>>) {add = true}
      %dma_wait3A_332 = arith.constant 0 : i32
      %dma_wait3A_333 = arith.constant 0 : i32
      %dma_wait3A_334 = tpu.memref_slice %arg12[%dma_wait3A_332, %dma_wait3A_333] : memref<10240x128xf32, #tpu.memory_space<vmem_shared>> -> memref<10240x128xf32, #tpu.memory_space<vmem_shared>>
      tpu.wait_indirect_dma semaphore(%arg15 : memref<!tpu.dma_semaphore, #tpu.memory_space<semaphore_mem>>) src(%arg6 : memref<80x128xf32, #tpu.memory_space<vmem>>) dst(%dma_wait3A_334 : memref<10240x128xf32, #tpu.memory_space<vmem_shared>>)
      %add3A_335 = arith.constant 1 : i32
      %add3A_336 = arith.addi %add3A_325, %add3A_335 : i32
      %get3A_337 = arith.index_cast %add3A_336 : i32 to index
      %get3A_338 = arith.constant 0 : index
      %get3A_339 = tpu.vector_load %arg5[%get3A_337, %get3A_338] {strides = array<i32>} : memref<125x80xi32, #tpu.memory_space<vmem>>, vector<16xi32>,
      %shift_right_logical3A_340 = arith.constant 16 : i32
      %shift_right_logical3A_341 = vector.broadcast %shift_right_logical3A_340 : i32 to vector<16xi32>
      %shift_right_logical3A_342 = arith.shrui %get3A_339, %shift_right_logical3A_341 : vector<16xi32>
      %and3A_343 = vector.broadcast %scan3A_188 : i32 to vector<16xi32>
      %and3A_344 = arith.andi %get3A_339, %and3A_343 : vector<16xi32>
      %swap3A_345 = arith.constant 0 : index
      %swap3A_346 = tpu.vector_load %arg8[%swap3A_345] {strides = array<i32>} : memref<80xi32, #tpu.memory_space<vmem>>, vector<16xi32>,
      tpu.vector_store %arg8[%swap3A_345], %and3A_344 {strides = array<i32>} : memref<80xi32, #tpu.memory_space<vmem>>, vector<16xi32>,
      %swap3A_347 = arith.constant 0 : index
      %swap3A_348 = tpu.vector_load %arg10[%swap3A_347] {strides = array<i32>} : memref<80xi32, #tpu.memory_space<vmem>>, vector<16xi32>,
      tpu.vector_store %arg10[%swap3A_347], %shift_right_logical3A_342 {strides = array<i32>} : memref<80xi32, #tpu.memory_space<vmem>>, vector<16xi32>,
      %get3A_349 = arith.index_cast %add3A_336 : i32 to index
      %get3A_350 = arith.constant 16 : index
      %get3A_351 = tpu.vector_load %arg5[%get3A_349, %get3A_350] {strides = array<i32>} : memref<125x80xi32, #tpu.memory_space<vmem>>, vector<16xi32>,
      %shift_right_logical3A_352 = arith.constant 16 : i32
      %shift_right_logical3A_353 = vector.broadcast %shift_right_logical3A_352 : i32 to vector<16xi32>
      %shift_right_logical3A_354 = arith.shrui %get3A_351, %shift_right_logical3A_353 : vector<16xi32>
      %and3A_355 = vector.broadcast %scan3A_188 : i32 to vector<16xi32>
      %and3A_356 = arith.andi %get3A_351, %and3A_355 : vector<16xi32>
      %swap3A_357 = arith.constant 16 : index
      %swap3A_358 = tpu.vector_load %arg8[%swap3A_357] {strides = array<i32>} : memref<80xi32, #tpu.memory_space<vmem>>, vector<16xi32>,
      tpu.vector_store %arg8[%swap3A_357], %and3A_356 {strides = array<i32>} : memref<80xi32, #tpu.memory_space<vmem>>, vector<16xi32>,
      %swap3A_359 = arith.constant 16 : index
      %swap3A_360 = tpu.vector_load %arg10[%swap3A_359] {strides = array<i32>} : memref<80xi32, #tpu.memory_space<vmem>>, vector<16xi32>,
      tpu.vector_store %arg10[%swap3A_359], %shift_right_logical3A_354 {strides = array<i32>} : memref<80xi32, #tpu.memory_space<vmem>>, vector<16xi32>,
      %get3A_361 = arith.index_cast %add3A_336 : i32 to index
      %get3A_362 = arith.constant 32 : index
      %get3A_363 = tpu.vector_load %arg5[%get3A_361, %get3A_362] {strides = array<i32>} : memref<125x80xi32, #tpu.memory_space<vmem>>, vector<16xi32>,
      %shift_right_logical3A_364 = arith.constant 16 : i32
      %shift_right_logical3A_365 = vector.broadcast %shift_right_logical3A_364 : i32 to vector<16xi32>
      %shift_right_logical3A_366 = arith.shrui %get3A_363, %shift_right_logical3A_365 : vector<16xi32>
      %and3A_367 = vector.broadcast %scan3A_188 : i32 to vector<16xi32>
      %and3A_368 = arith.andi %get3A_363, %and3A_367 : vector<16xi32>
      %swap3A_369 = arith.constant 32 : index
      %swap3A_370 = tpu.vector_load %arg8[%swap3A_369] {strides = array<i32>} : memref<80xi32, #tpu.memory_space<vmem>>, vector<16xi32>,
      tpu.vector_store %arg8[%swap3A_369], %and3A_368 {strides = array<i32>} : memref<80xi32, #tpu.memory_space<vmem>>, vector<16xi32>,
      %swap3A_371 = arith.constant 32 : index
      %swap3A_372 = tpu.vector_load %arg10[%swap3A_371] {strides = array<i32>} : memref<80xi32, #tpu.memory_space<vmem>>, vector<16xi32>,
      tpu.vector_store %arg10[%swap3A_371], %shift_right_logical3A_366 {strides = array<i32>} : memref<80xi32, #tpu.memory_space<vmem>>, vector<16xi32>,
      %get3A_373 = arith.index_cast %add3A_336 : i32 to index
      %get3A_374 = arith.constant 48 : index
      %get3A_375 = tpu.vector_load %arg5[%get3A_373, %get3A_374] {strides = array<i32>} : memref<125x80xi32, #tpu.memory_space<vmem>>, vector<16xi32>,
      %shift_right_logical3A_376 = arith.constant 16 : i32
      %shift_right_logical3A_377 = vector.broadcast %shift_right_logical3A_376 : i32 to vector<16xi32>
      %shift_right_logical3A_378 = arith.shrui %get3A_375, %shift_right_logical3A_377 : vector<16xi32>
      %and3A_379 = vector.broadcast %scan3A_188 : i32 to vector<16xi32>
      %and3A_380 = arith.andi %get3A_375, %and3A_379 : vector<16xi32>
      %swap3A_381 = arith.constant 48 : index
      %swap3A_382 = tpu.vector_load %arg8[%swap3A_381] {strides = array<i32>} : memref<80xi32, #tpu.memory_space<vmem>>, vector<16xi32>,
      tpu.vector_store %arg8[%swap3A_381], %and3A_380 {strides = array<i32>} : memref<80xi32, #tpu.memory_space<vmem>>, vector<16xi32>,
      %swap3A_383 = arith.constant 48 : index
      %swap3A_384 = tpu.vector_load %arg10[%swap3A_383] {strides = array<i32>} : memref<80xi32, #tpu.memory_space<vmem>>, vector<16xi32>,
      tpu.vector_store %arg10[%swap3A_383], %shift_right_logical3A_378 {strides = array<i32>} : memref<80xi32, #tpu.memory_space<vmem>>, vector<16xi32>,
      %get3A_385 = arith.index_cast %add3A_336 : i32 to index
      %get3A_386 = arith.constant 64 : index
      %get3A_387 = tpu.vector_load %arg5[%get3A_385, %get3A_386] {strides = array<i32>} : memref<125x80xi32, #tpu.memory_space<vmem>>, vector<16xi32>,
      %shift_right_logical3A_388 = arith.constant 16 : i32
      %shift_right_logical3A_389 = vector.broadcast %shift_right_logical3A_388 : i32 to vector<16xi32>
      %shift_right_logical3A_390 = arith.shrui %get3A_387, %shift_right_logical3A_389 : vector<16xi32>
      %and3A_391 = vector.broadcast %scan3A_188 : i32 to vector<16xi32>
      %and3A_392 = arith.andi %get3A_387, %and3A_391 : vector<16xi32>
      %swap3A_393 = arith.constant 64 : index
      %swap3A_394 = tpu.vector_load %arg8[%swap3A_393] {strides = array<i32>} : memref<80xi32, #tpu.memory_space<vmem>>, vector<16xi32>,
      tpu.vector_store %arg8[%swap3A_393], %and3A_392 {strides = array<i32>} : memref<80xi32, #tpu.memory_space<vmem>>, vector<16xi32>,
      %swap3A_395 = arith.constant 64 : index
      %swap3A_396 = tpu.vector_load %arg10[%swap3A_395] {strides = array<i32>} : memref<80xi32, #tpu.memory_space<vmem>>, vector<16xi32>,
      tpu.vector_store %arg10[%swap3A_395], %shift_right_logical3A_390 {strides = array<i32>} : memref<80xi32, #tpu.memory_space<vmem>>, vector<16xi32>,
      %dma_start3A_397 = arith.constant 0 : i32
      %dma_start3A_398 = arith.constant 0 : i32
      %dma_start3A_399 = tpu.memref_slice %arg2[%dma_start3A_397, %dma_start3A_398] : memref<10240x128xf32, #tpu.memory_space<hbm>> -> memref<10240x128xf32, #tpu.memory_space<hbm>>
      tpu.enqueue_indirect_dma source(%dma_start3A_399 : memref<10240x128xf32, #tpu.memory_space<hbm>>) target(%arg6 : memref<80x128xf32, #tpu.memory_space<vmem>>) offsets(%arg8 : memref<80xi32, #tpu.memory_space<vmem>>) semaphore(%arg13 : memref<!tpu.dma_semaphore, #tpu.memory_space<semaphore_mem>>)
      %dma_wait3A_400 = arith.constant 0 : i32
      %dma_wait3A_401 = arith.constant 0 : i32
      %dma_wait3A_402 = tpu.memref_slice %arg2[%dma_wait3A_400, %dma_wait3A_401] : memref<10240x128xf32, #tpu.memory_space<hbm>> -> memref<10240x128xf32, #tpu.memory_space<hbm>>
      tpu.wait_indirect_dma semaphore(%arg13 : memref<!tpu.dma_semaphore, #tpu.memory_space<semaphore_mem>>) src(%dma_wait3A_402 : memref<10240x128xf32, #tpu.memory_space<hbm>>) dst(%arg6 : memref<80x128xf32, #tpu.memory_space<vmem>>)
      %dma_start3A_403 = arith.constant 0 : i32
      %dma_start3A_404 = arith.constant 0 : i32
      %dma_start3A_405 = tpu.memref_slice %arg12[%dma_start3A_403, %dma_start3A_404] : memref<10240x128xf32, #tpu.memory_space<vmem_shared>> -> memref<10240x128xf32, #tpu.memory_space<vmem_shared>>
      tpu.enqueue_indirect_dma source(%arg6 : memref<80x128xf32, #tpu.memory_space<vmem>>) target(%dma_start3A_405 : memref<10240x128xf32, #tpu.memory_space<vmem_shared>>) offsets(%arg10 : memref<80xi32, #tpu.memory_space<vmem>>) semaphore(%arg15 : memref<!tpu.dma_semaphore, #tpu.memory_space<semaphore_mem>>) {add = true}
      %dma_wait3A_406 = arith.constant 0 : i32
      %dma_wait3A_407 = arith.constant 0 : i32
      %dma_wait3A_408 = tpu.memref_slice %arg12[%dma_wait3A_406, %dma_wait3A_407] : memref<10240x128xf32, #tpu.memory_space<vmem_shared>> -> memref<10240x128xf32, #tpu.memory_space<vmem_shared>>
      tpu.wait_indirect_dma semaphore(%arg16 : memref<!tpu.dma_semaphore, #tpu.memory_space<semaphore_mem>>) src(%arg7 : memref<80x128xf32, #tpu.memory_space<vmem>>) dst(%dma_wait3A_408 : memref<10240x128xf32, #tpu.memory_space<vmem_shared>>)
      %add3A_409 = arith.constant 2 : i32
      %add3A_410 = arith.addi %add3A_325, %add3A_409 : i32
      %get3A_411 = arith.index_cast %add3A_410 : i32 to index
      %get3A_412 = arith.constant 0 : index
      %get3A_413 = tpu.vector_load %arg5[%get3A_411, %get3A_412] {strides = array<i32>} : memref<125x80xi32, #tpu.memory_space<vmem>>, vector<16xi32>,
      %shift_right_logical3A_414 = arith.constant 16 : i32
      %shift_right_logical3A_415 = vector.broadcast %shift_right_logical3A_414 : i32 to vector<16xi32>
      %shift_right_logical3A_416 = arith.shrui %get3A_413, %shift_right_logical3A_415 : vector<16xi32>
      %and3A_417 = vector.broadcast %scan3A_188 : i32 to vector<16xi32>
      %and3A_418 = arith.andi %get3A_413, %and3A_417 : vector<16xi32>
      %swap3A_419 = arith.constant 0 : index
      %swap3A_420 = tpu.vector_load %arg9[%swap3A_419] {strides = array<i32>} : memref<80xi32, #tpu.memory_space<vmem>>, vector<16xi32>,
      tpu.vector_store %arg9[%swap3A_419], %and3A_418 {strides = array<i32>} : memref<80xi32, #tpu.memory_space<vmem>>, vector<16xi32>,
      %swap3A_421 = arith.constant 0 : index
      %swap3A_422 = tpu.vector_load %arg11[%swap3A_421] {strides = array<i32>} : memref<80xi32, #tpu.memory_space<vmem>>, vector<16xi32>,
      tpu.vector_store %arg11[%swap3A_421], %shift_right_logical3A_416 {strides = array<i32>} : memref<80xi32, #tpu.memory_space<vmem>>, vector<16xi32>,
      %get3A_423 = arith.index_cast %add3A_410 : i32 to index
      %get3A_424 = arith.constant 16 : index
      %get3A_425 = tpu.vector_load %arg5[%get3A_423, %get3A_424] {strides = array<i32>} : memref<125x80xi32, #tpu.memory_space<vmem>>, vector<16xi32>,
      %shift_right_logical3A_426 = arith.constant 16 : i32
      %shift_right_logical3A_427 = vector.broadcast %shift_right_logical3A_426 : i32 to vector<16xi32>
      %shift_right_logical3A_428 = arith.shrui %get3A_425, %shift_right_logical3A_427 : vector<16xi32>
      %and3A_429 = vector.broadcast %scan3A_188 : i32 to vector<16xi32>
      %and3A_430 = arith.andi %get3A_425, %and3A_429 : vector<16xi32>
      %swap3A_431 = arith.constant 16 : index
      %swap3A_432 = tpu.vector_load %arg9[%swap3A_431] {strides = array<i32>} : memref<80xi32, #tpu.memory_space<vmem>>, vector<16xi32>,
      tpu.vector_store %arg9[%swap3A_431], %and3A_430 {strides = array<i32>} : memref<80xi32, #tpu.memory_space<vmem>>, vector<16xi32>,
      %swap3A_433 = arith.constant 16 : index
      %swap3A_434 = tpu.vector_load %arg11[%swap3A_433] {strides = array<i32>} : memref<80xi32, #tpu.memory_space<vmem>>, vector<16xi32>,
      tpu.vector_store %arg11[%swap3A_433], %shift_right_logical3A_428 {strides = array<i32>} : memref<80xi32, #tpu.memory_space<vmem>>, vector<16xi32>,
      %get3A_435 = arith.index_cast %add3A_410 : i32 to index
      %get3A_436 = arith.constant 32 : index
      %get3A_437 = tpu.vector_load %arg5[%get3A_435, %get3A_436] {strides = array<i32>} : memref<125x80xi32, #tpu.memory_space<vmem>>, vector<16xi32>,
      %shift_right_logical3A_438 = arith.constant 16 : i32
      %shift_right_logical3A_439 = vector.broadcast %shift_right_logical3A_438 : i32 to vector<16xi32>
      %shift_right_logical3A_440 = arith.shrui %get3A_437, %shift_right_logical3A_439 : vector<16xi32>
      %and3A_441 = vector.broadcast %scan3A_188 : i32 to vector<16xi32>
      %and3A_442 = arith.andi %get3A_437, %and3A_441 : vector<16xi32>
      %swap3A_443 = arith.constant 32 : index
      %swap3A_444 = tpu.vector_load %arg9[%swap3A_443] {strides = array<i32>} : memref<80xi32, #tpu.memory_space<vmem>>, vector<16xi32>,
      tpu.vector_store %arg9[%swap3A_443], %and3A_442 {strides = array<i32>} : memref<80xi32, #tpu.memory_space<vmem>>, vector<16xi32>,
      %swap3A_445 = arith.constant 32 : index
      %swap3A_446 = tpu.vector_load %arg11[%swap3A_445] {strides = array<i32>} : memref<80xi32, #tpu.memory_space<vmem>>, vector<16xi32>,
      tpu.vector_store %arg11[%swap3A_445], %shift_right_logical3A_440 {strides = array<i32>} : memref<80xi32, #tpu.memory_space<vmem>>, vector<16xi32>,
      %get3A_447 = arith.index_cast %add3A_410 : i32 to index
      %get3A_448 = arith.constant 48 : index
      %get3A_449 = tpu.vector_load %arg5[%get3A_447, %get3A_448] {strides = array<i32>} : memref<125x80xi32, #tpu.memory_space<vmem>>, vector<16xi32>,
      %shift_right_logical3A_450 = arith.constant 16 : i32
      %shift_right_logical3A_451 = vector.broadcast %shift_right_logical3A_450 : i32 to vector<16xi32>
      %shift_right_logical3A_452 = arith.shrui %get3A_449, %shift_right_logical3A_451 : vector<16xi32>
      %and3A_453 = vector.broadcast %scan3A_188 : i32 to vector<16xi32>
      %and3A_454 = arith.andi %get3A_449, %and3A_453 : vector<16xi32>
      %swap3A_455 = arith.constant 48 : index
      %swap3A_456 = tpu.vector_load %arg9[%swap3A_455] {strides = array<i32>} : memref<80xi32, #tpu.memory_space<vmem>>, vector<16xi32>,
      tpu.vector_store %arg9[%swap3A_455], %and3A_454 {strides = array<i32>} : memref<80xi32, #tpu.memory_space<vmem>>, vector<16xi32>,
      %swap3A_457 = arith.constant 48 : index
      %swap3A_458 = tpu.vector_load %arg11[%swap3A_457] {strides = array<i32>} : memref<80xi32, #tpu.memory_space<vmem>>, vector<16xi32>,
      tpu.vector_store %arg11[%swap3A_457], %shift_right_logical3A_452 {strides = array<i32>} : memref<80xi32, #tpu.memory_space<vmem>>, vector<16xi32>,
      %get3A_459 = arith.index_cast %add3A_410 : i32 to index
      %get3A_460 = arith.constant 64 : index
      %get3A_461 = tpu.vector_load %arg5[%get3A_459, %get3A_460] {strides = array<i32>} : memref<125x80xi32, #tpu.memory_space<vmem>>, vector<16xi32>,
      %shift_right_logical3A_462 = arith.constant 16 : i32
      %shift_right_logical3A_463 = vector.broadcast %shift_right_logical3A_462 : i32 to vector<16xi32>
      %shift_right_logical3A_464 = arith.shrui %get3A_461, %shift_right_logical3A_463 : vector<16xi32>
      %and3A_465 = vector.broadcast %scan3A_188 : i32 to vector<16xi32>
      %and3A_466 = arith.andi %get3A_461, %and3A_465 : vector<16xi32>
      %swap3A_467 = arith.constant 64 : index
      %swap3A_468 = tpu.vector_load %arg9[%swap3A_467] {strides = array<i32>} : memref<80xi32, #tpu.memory_space<vmem>>, vector<16xi32>,
      tpu.vector_store %arg9[%swap3A_467], %and3A_466 {strides = array<i32>} : memref<80xi32, #tpu.memory_space<vmem>>, vector<16xi32>,
      %swap3A_469 = arith.constant 64 : index
      %swap3A_470 = tpu.vector_load %arg11[%swap3A_469] {strides = array<i32>} : memref<80xi32, #tpu.memory_space<vmem>>, vector<16xi32>,
      tpu.vector_store %arg11[%swap3A_469], %shift_right_logical3A_464 {strides = array<i32>} : memref<80xi32, #tpu.memory_space<vmem>>, vector<16xi32>,
      %dma_start3A_471 = arith.constant 0 : i32
      %dma_start3A_472 = arith.constant 0 : i32
      %dma_start3A_473 = tpu.memref_slice %arg2[%dma_start3A_471, %dma_start3A_472] : memref<10240x128xf32, #tpu.memory_space<hbm>> -> memref<10240x128xf32, #tpu.memory_space<hbm>>
      tpu.enqueue_indirect_dma source(%dma_start3A_473 : memref<10240x128xf32, #tpu.memory_space<hbm>>) target(%arg7 : memref<80x128xf32, #tpu.memory_space<vmem>>) offsets(%arg9 : memref<80xi32, #tpu.memory_space<vmem>>) semaphore(%arg14 : memref<!tpu.dma_semaphore, #tpu.memory_space<semaphore_mem>>)
    }
    %scan3A_193 = arith.constant 61 : i32
    %dma_wait3A_194 = arith.constant 0 : i32
    %dma_wait3A_195 = arith.constant 0 : i32
    %dma_wait3A_196 = tpu.memref_slice %arg2[%dma_wait3A_194, %dma_wait3A_195] : memref<10240x128xf32, #tpu.memory_space<hbm>> -> memref<10240x128xf32, #tpu.memory_space<hbm>>
    tpu.wait_indirect_dma semaphore(%arg14 : memref<!tpu.dma_semaphore, #tpu.memory_space<semaphore_mem>>) src(%dma_wait3A_196 : memref<10240x128xf32, #tpu.memory_space<hbm>>) dst(%arg7 : memref<80x128xf32, #tpu.memory_space<vmem>>)
    %dma_start3A_197 = arith.constant 0 : i32
    %dma_start3A_198 = arith.constant 0 : i32
    %dma_start3A_199 = tpu.memref_slice %arg12[%dma_start3A_197, %dma_start3A_198] : memref<10240x128xf32, #tpu.memory_space<vmem_shared>> -> memref<10240x128xf32, #tpu.memory_space<vmem_shared>>
    tpu.enqueue_indirect_dma source(%arg7 : memref<80x128xf32, #tpu.memory_space<vmem>>) target(%dma_start3A_199 : memref<10240x128xf32, #tpu.memory_space<vmem_shared>>) offsets(%arg11 : memref<80xi32, #tpu.memory_space<vmem>>) semaphore(%arg16 : memref<!tpu.dma_semaphore, #tpu.memory_space<semaphore_mem>>) {add = true}
    %dma_wait3A_200 = arith.constant 0 : i32
    %dma_wait3A_201 = arith.constant 0 : i32
    %dma_wait3A_202 = tpu.memref_slice %arg12[%dma_wait3A_200, %dma_wait3A_201] : memref<10240x128xf32, #tpu.memory_space<vmem_shared>> -> memref<10240x128xf32, #tpu.memory_space<vmem_shared>>
    tpu.wait_indirect_dma semaphore(%arg15 : memref<!tpu.dma_semaphore, #tpu.memory_space<semaphore_mem>>) src(%arg6 : memref<80x128xf32, #tpu.memory_space<vmem>>) dst(%dma_wait3A_202 : memref<10240x128xf32, #tpu.memory_space<vmem_shared>>)
    %get3A_203 = arith.constant 124 : i32
    %get3A_204 = arith.index_cast %get3A_203 : i32 to index
    %get3A_205 = arith.constant 0 : index
    %get3A_206 = tpu.vector_load %arg5[%get3A_204, %get3A_205] {strides = array<i32>} : memref<125x80xi32, #tpu.memory_space<vmem>>, vector<16xi32>,
    %shift_right_logical3A_207 = arith.constant 16 : i32
    %shift_right_logical3A_208 = vector.broadcast %shift_right_logical3A_207 : i32 to vector<16xi32>
    %shift_right_logical3A_209 = arith.shrui %get3A_206, %shift_right_logical3A_208 : vector<16xi32>
    %and3A_210 = arith.constant 65535 : i32
    %and3A_211 = vector.broadcast %and3A_210 : i32 to vector<16xi32>
    %and3A_212 = arith.andi %get3A_206, %and3A_211 : vector<16xi32>
    %swap3A_213 = arith.constant 0 : index
    %swap3A_214 = tpu.vector_load %arg8[%swap3A_213] {strides = array<i32>} : memref<80xi32, #tpu.memory_space<vmem>>, vector<16xi32>,
    tpu.vector_store %arg8[%swap3A_213], %and3A_212 {strides = array<i32>} : memref<80xi32, #tpu.memory_space<vmem>>, vector<16xi32>,
    %swap3A_215 = arith.constant 0 : index
    %swap3A_216 = tpu.vector_load %arg10[%swap3A_215] {strides = array<i32>} : memref<80xi32, #tpu.memory_space<vmem>>, vector<16xi32>,
    tpu.vector_store %arg10[%swap3A_215], %shift_right_logical3A_209 {strides = array<i32>} : memref<80xi32, #tpu.memory_space<vmem>>, vector<16xi32>,
    %get3A_217 = arith.constant 124 : i32
    %get3A_218 = arith.index_cast %get3A_217 : i32 to index
    %get3A_219 = arith.constant 16 : index
    %get3A_220 = tpu.vector_load %arg5[%get3A_218, %get3A_219] {strides = array<i32>} : memref<125x80xi32, #tpu.memory_space<vmem>>, vector<16xi32>,
    %shift_right_logical3A_221 = arith.constant 16 : i32
    %shift_right_logical3A_222 = vector.broadcast %shift_right_logical3A_221 : i32 to vector<16xi32>
    %shift_right_logical3A_223 = arith.shrui %get3A_220, %shift_right_logical3A_222 : vector<16xi32>
    %and3A_224 = arith.constant 65535 : i32
    %and3A_225 = vector.broadcast %and3A_224 : i32 to vector<16xi32>
    %and3A_226 = arith.andi %get3A_220, %and3A_225 : vector<16xi32>
    %swap3A_227 = arith.constant 16 : index
    %swap3A_228 = tpu.vector_load %arg8[%swap3A_227] {strides = array<i32>} : memref<80xi32, #tpu.memory_space<vmem>>, vector<16xi32>,
    tpu.vector_store %arg8[%swap3A_227], %and3A_226 {strides = array<i32>} : memref<80xi32, #tpu.memory_space<vmem>>, vector<16xi32>,
    %swap3A_229 = arith.constant 16 : index
    %swap3A_230 = tpu.vector_load %arg10[%swap3A_229] {strides = array<i32>} : memref<80xi32, #tpu.memory_space<vmem>>, vector<16xi32>,
    tpu.vector_store %arg10[%swap3A_229], %shift_right_logical3A_223 {strides = array<i32>} : memref<80xi32, #tpu.memory_space<vmem>>, vector<16xi32>,
    %get3A_231 = arith.constant 124 : i32
    %get3A_232 = arith.index_cast %get3A_231 : i32 to index
    %get3A_233 = arith.constant 32 : index
    %get3A_234 = tpu.vector_load %arg5[%get3A_232, %get3A_233] {strides = array<i32>} : memref<125x80xi32, #tpu.memory_space<vmem>>, vector<16xi32>,
    %shift_right_logical3A_235 = arith.constant 16 : i32
    %shift_right_logical3A_236 = vector.broadcast %shift_right_logical3A_235 : i32 to vector<16xi32>
    %shift_right_logical3A_237 = arith.shrui %get3A_234, %shift_right_logical3A_236 : vector<16xi32>
    %and3A_238 = arith.constant 65535 : i32
    %and3A_239 = vector.broadcast %and3A_238 : i32 to vector<16xi32>
    %and3A_240 = arith.andi %get3A_234, %and3A_239 : vector<16xi32>
    %swap3A_241 = arith.constant 32 : index
    %swap3A_242 = tpu.vector_load %arg8[%swap3A_241] {strides = array<i32>} : memref<80xi32, #tpu.memory_space<vmem>>, vector<16xi32>,
    tpu.vector_store %arg8[%swap3A_241], %and3A_240 {strides = array<i32>} : memref<80xi32, #tpu.memory_space<vmem>>, vector<16xi32>,
    %swap3A_243 = arith.constant 32 : index
    %swap3A_244 = tpu.vector_load %arg10[%swap3A_243] {strides = array<i32>} : memref<80xi32, #tpu.memory_space<vmem>>, vector<16xi32>,
    tpu.vector_store %arg10[%swap3A_243], %shift_right_logical3A_237 {strides = array<i32>} : memref<80xi32, #tpu.memory_space<vmem>>, vector<16xi32>,
    %get3A_245 = arith.constant 124 : i32
    %get3A_246 = arith.index_cast %get3A_245 : i32 to index
    %get3A_247 = arith.constant 48 : index
    %get3A_248 = tpu.vector_load %arg5[%get3A_246, %get3A_247] {strides = array<i32>} : memref<125x80xi32, #tpu.memory_space<vmem>>, vector<16xi32>,
    %shift_right_logical3A_249 = arith.constant 16 : i32
    %shift_right_logical3A_250 = vector.broadcast %shift_right_logical3A_249 : i32 to vector<16xi32>
    %shift_right_logical3A_251 = arith.shrui %get3A_248, %shift_right_logical3A_250 : vector<16xi32>
    %and3A_252 = arith.constant 65535 : i32
    %and3A_253 = vector.broadcast %and3A_252 : i32 to vector<16xi32>
    %and3A_254 = arith.andi %get3A_248, %and3A_253 : vector<16xi32>
    %swap3A_255 = arith.constant 48 : index
    %swap3A_256 = tpu.vector_load %arg8[%swap3A_255] {strides = array<i32>} : memref<80xi32, #tpu.memory_space<vmem>>, vector<16xi32>,
    tpu.vector_store %arg8[%swap3A_255], %and3A_254 {strides = array<i32>} : memref<80xi32, #tpu.memory_space<vmem>>, vector<16xi32>,
    %swap3A_257 = arith.constant 48 : index
    %swap3A_258 = tpu.vector_load %arg10[%swap3A_257] {strides = array<i32>} : memref<80xi32, #tpu.memory_space<vmem>>, vector<16xi32>,
    tpu.vector_store %arg10[%swap3A_257], %shift_right_logical3A_251 {strides = array<i32>} : memref<80xi32, #tpu.memory_space<vmem>>, vector<16xi32>,
    %get3A_259 = arith.constant 124 : i32
    %get3A_260 = arith.index_cast %get3A_259 : i32 to index
    %get3A_261 = arith.constant 64 : index
    %get3A_262 = tpu.vector_load %arg5[%get3A_260, %get3A_261] {strides = array<i32>} : memref<125x80xi32, #tpu.memory_space<vmem>>, vector<16xi32>,
    %shift_right_logical3A_263 = arith.constant 16 : i32
    %shift_right_logical3A_264 = vector.broadcast %shift_right_logical3A_263 : i32 to vector<16xi32>
    %shift_right_logical3A_265 = arith.shrui %get3A_262, %shift_right_logical3A_264 : vector<16xi32>
    %and3A_266 = arith.constant 65535 : i32
    %and3A_267 = vector.broadcast %and3A_266 : i32 to vector<16xi32>
    %and3A_268 = arith.andi %get3A_262, %and3A_267 : vector<16xi32>
    %swap3A_269 = arith.constant 64 : index
    %swap3A_270 = tpu.vector_load %arg8[%swap3A_269] {strides = array<i32>} : memref<80xi32, #tpu.memory_space<vmem>>, vector<16xi32>,
    tpu.vector_store %arg8[%swap3A_269], %and3A_268 {strides = array<i32>} : memref<80xi32, #tpu.memory_space<vmem>>, vector<16xi32>,
    %swap3A_271 = arith.constant 64 : index
    %swap3A_272 = tpu.vector_load %arg10[%swap3A_271] {strides = array<i32>} : memref<80xi32, #tpu.memory_space<vmem>>, vector<16xi32>,
    tpu.vector_store %arg10[%swap3A_271], %shift_right_logical3A_265 {strides = array<i32>} : memref<80xi32, #tpu.memory_space<vmem>>, vector<16xi32>,
    %dma_start3A_273 = arith.constant 0 : i32
    %dma_start3A_274 = arith.constant 0 : i32
    %dma_start3A_275 = tpu.memref_slice %arg2[%dma_start3A_273, %dma_start3A_274] : memref<10240x128xf32, #tpu.memory_space<hbm>> -> memref<10240x128xf32, #tpu.memory_space<hbm>>
    tpu.enqueue_indirect_dma source(%dma_start3A_275 : memref<10240x128xf32, #tpu.memory_space<hbm>>) target(%arg6 : memref<80x128xf32, #tpu.memory_space<vmem>>) offsets(%arg8 : memref<80xi32, #tpu.memory_space<vmem>>) semaphore(%arg13 : memref<!tpu.dma_semaphore, #tpu.memory_space<semaphore_mem>>)
    %dma_wait3A_276 = arith.constant 0 : i32
    %dma_wait3A_277 = arith.constant 0 : i32
    %dma_wait3A_278 = tpu.memref_slice %arg2[%dma_wait3A_276, %dma_wait3A_277] : memref<10240x128xf32, #tpu.memory_space<hbm>> -> memref<10240x128xf32, #tpu.memory_space<hbm>>
    tpu.wait_indirect_dma semaphore(%arg13 : memref<!tpu.dma_semaphore, #tpu.memory_space<semaphore_mem>>) src(%dma_wait3A_278 : memref<10240x128xf32, #tpu.memory_space<hbm>>) dst(%arg6 : memref<80x128xf32, #tpu.memory_space<vmem>>)
    %dma_start3A_279 = arith.constant 0 : i32
    %dma_start3A_280 = arith.constant 0 : i32
    %dma_start3A_281 = tpu.memref_slice %arg12[%dma_start3A_279, %dma_start3A_280] : memref<10240x128xf32, #tpu.memory_space<vmem_shared>> -> memref<10240x128xf32, #tpu.memory_space<vmem_shared>>
    tpu.enqueue_indirect_dma source(%arg6 : memref<80x128xf32, #tpu.memory_space<vmem>>) target(%dma_start3A_281 : memref<10240x128xf32, #tpu.memory_space<vmem_shared>>) offsets(%arg10 : memref<80xi32, #tpu.memory_space<vmem>>) semaphore(%arg15 : memref<!tpu.dma_semaphore, #tpu.memory_space<semaphore_mem>>) {add = true}
    %dma_wait3A_282 = arith.constant 0 : i32
    %dma_wait3A_283 = arith.constant 0 : i32
    %dma_wait3A_284 = tpu.memref_slice %arg12[%dma_wait3A_282, %dma_wait3A_283] : memref<10240x128xf32, #tpu.memory_space<vmem_shared>> -> memref<10240x128xf32, #tpu.memory_space<vmem_shared>>
    tpu.wait_indirect_dma semaphore(%arg16 : memref<!tpu.dma_semaphore, #tpu.memory_space<semaphore_mem>>) src(%arg7 : memref<80x128xf32, #tpu.memory_space<vmem>>) dst(%dma_wait3A_284 : memref<10240x128xf32, #tpu.memory_space<vmem_shared>>)
    %dma_wait3A_285 = arith.constant 0 : i32
    %dma_wait3A_286 = arith.constant 0 : i32
    %dma_wait3A_287 = tpu.memref_slice %arg12[%dma_wait3A_285, %dma_wait3A_286] : memref<10240x128xf32, #tpu.memory_space<vmem_shared>> -> memref<10240x128xf32, #tpu.memory_space<vmem_shared>>
    tpu.wait_indirect_dma semaphore(%arg15 : memref<!tpu.dma_semaphore, #tpu.memory_space<semaphore_mem>>) src(%arg6 : memref<80x128xf32, #tpu.memory_space<vmem>>) dst(%dma_wait3A_287 : memref<10240x128xf32, #tpu.memory_space<vmem_shared>>)
    %barrier3A_288 = arith.constant 0 : index
    tpu.barrier barrier_id(%barrier3A_288)
    %mul3A_289 = arith.constant 640 : i32
    %mul3A_290 = arith.muli %arg1, %mul3A_289 : i32
    %add3A_291 = arith.constant 0 : i32
    %add3A_292 = arith.addi %mul3A_290, %add3A_291 : i32
    "tpu.region"() ({
      %run_scoped3A = tpu.sem_alloc : memref<!tpu.dma_semaphore, #tpu.memory_space<semaphore_mem>>
      %dma_start3A_321 = arith.constant 0 : i32
      %dma_start3A_322 = tpu.memref_slice %arg4[%arg0, %add3A_292, %dma_start3A_321] : memref<2x10240x128xf32, #tpu.memory_space<hbm>> -> memref<1x80x128xf32, #tpu.memory_space<hbm>>
      %dma_start3A_323 = tpu.memref_squeeze %dma_start3A_322 : memref<1x80x128xf32, #tpu.memory_space<hbm>> -> memref<80x128xf32, #tpu.memory_space<hbm>>
      %dma_start3A_324 = arith.constant 0 : i32
      %dma_start3A_325 = tpu.memref_slice %arg12[%add3A_292, %dma_start3A_324] : memref<10240x128xf32, #tpu.memory_space<vmem_shared>> -> memref<80x128xf32, #tpu.memory_space<vmem_shared>>
      tpu.enqueue_dma source(%dma_start3A_325 : memref<80x128xf32, #tpu.memory_space<vmem_shared>>) target(%dma_start3A_323 : memref<80x128xf32, #tpu.memory_space<hbm>>) target_semaphore(%run_scoped3A : memref<!tpu.dma_semaphore, #tpu.memory_space<semaphore_mem>>)
      %dma_wait3A_326 = arith.constant 0 : i32
      %dma_wait3A_327 = tpu.memref_slice %arg4[%arg0, %add3A_292, %dma_wait3A_326] : memref<2x10240x128xf32, #tpu.memory_space<hbm>> -> memref<1x80x128xf32, #tpu.memory_space<hbm>>
      %dma_wait3A_328 = tpu.memref_squeeze %dma_wait3A_327 : memref<1x80x128xf32, #tpu.memory_space<hbm>> -> memref<80x128xf32, #tpu.memory_space<hbm>>
      %dma_wait3A_329 = arith.constant 0 : i32
      %dma_wait3A_330 = tpu.memref_slice %arg12[%add3A_292, %dma_wait3A_329] : memref<10240x128xf32, #tpu.memory_space<vmem_shared>> -> memref<80x128xf32, #tpu.memory_space<vmem_shared>>
      tpu.wait_dma2 semaphore(%run_scoped3A : memref<!tpu.dma_semaphore, #tpu.memory_space<semaphore_mem>>) src(%dma_wait3A_330 : memref<80x128xf32, #tpu.memory_space<vmem_shared>>) dst(%dma_wait3A_328 : memref<80x128xf32, #tpu.memory_space<hbm>>)
      tpu.yield
    }) : () -> ()
    %mul3A_293 = arith.constant 640 : i32
    %mul3A_294 = arith.muli %arg1, %mul3A_293 : i32
    %add3A_295 = arith.constant 80 : i32
    %add3A_296 = arith.addi %mul3A_294, %add3A_295 : i32
    "tpu.region"() ({
      %run_scoped3A = tpu.sem_alloc : memref<!tpu.dma_semaphore, #tpu.memory_space<semaphore_mem>>
      %dma_start3A_321 = arith.constant 0 : i32
      %dma_start3A_322 = tpu.memref_slice %arg4[%arg0, %add3A_296, %dma_start3A_321] : memref<2x10240x128xf32, #tpu.memory_space<hbm>> -> memref<1x80x128xf32, #tpu.memory_space<hbm>>
      %dma_start3A_323 = tpu.memref_squeeze %dma_start3A_322 : memref<1x80x128xf32, #tpu.memory_space<hbm>> -> memref<80x128xf32, #tpu.memory_space<hbm>>
      %dma_start3A_324 = arith.constant 0 : i32
      %dma_start3A_325 = tpu.memref_slice %arg12[%add3A_296, %dma_start3A_324] : memref<10240x128xf32, #tpu.memory_space<vmem_shared>> -> memref<80x128xf32, #tpu.memory_space<vmem_shared>>
      tpu.enqueue_dma source(%dma_start3A_325 : memref<80x128xf32, #tpu.memory_space<vmem_shared>>) target(%dma_start3A_323 : memref<80x128xf32, #tpu.memory_space<hbm>>) target_semaphore(%run_scoped3A : memref<!tpu.dma_semaphore, #tpu.memory_space<semaphore_mem>>)
      %dma_wait3A_326 = arith.constant 0 : i32
      %dma_wait3A_327 = tpu.memref_slice %arg4[%arg0, %add3A_296, %dma_wait3A_326] : memref<2x10240x128xf32, #tpu.memory_space<hbm>> -> memref<1x80x128xf32, #tpu.memory_space<hbm>>
      %dma_wait3A_328 = tpu.memref_squeeze %dma_wait3A_327 : memref<1x80x128xf32, #tpu.memory_space<hbm>> -> memref<80x128xf32, #tpu.memory_space<hbm>>
      %dma_wait3A_329 = arith.constant 0 : i32
      %dma_wait3A_330 = tpu.memref_slice %arg12[%add3A_296, %dma_wait3A_329] : memref<10240x128xf32, #tpu.memory_space<vmem_shared>> -> memref<80x128xf32, #tpu.memory_space<vmem_shared>>
      tpu.wait_dma2 semaphore(%run_scoped3A : memref<!tpu.dma_semaphore, #tpu.memory_space<semaphore_mem>>) src(%dma_wait3A_330 : memref<80x128xf32, #tpu.memory_space<vmem_shared>>) dst(%dma_wait3A_328 : memref<80x128xf32, #tpu.memory_space<hbm>>)
      tpu.yield
    }) : () -> ()
    %mul3A_297 = arith.constant 640 : i32
    %mul3A_298 = arith.muli %arg1, %mul3A_297 : i32
    %add3A_299 = arith.constant 160 : i32
    %add3A_300 = arith.addi %mul3A_298, %add3A_299 : i32
    "tpu.region"() ({
      %run_scoped3A = tpu.sem_alloc : memref<!tpu.dma_semaphore, #tpu.memory_space<semaphore_mem>>
      %dma_start3A_321 = arith.constant 0 : i32
      %dma_start3A_322 = tpu.memref_slice %arg4[%arg0, %add3A_300, %dma_start3A_321] : memref<2x10240x128xf32, #tpu.memory_space<hbm>> -> memref<1x80x128xf32, #tpu.memory_space<hbm>>
      %dma_start3A_323 = tpu.memref_squeeze %dma_start3A_322 : memref<1x80x128xf32, #tpu.memory_space<hbm>> -> memref<80x128xf32, #tpu.memory_space<hbm>>
      %dma_start3A_324 = arith.constant 0 : i32
      %dma_start3A_325 = tpu.memref_slice %arg12[%add3A_300, %dma_start3A_324] : memref<10240x128xf32, #tpu.memory_space<vmem_shared>> -> memref<80x128xf32, #tpu.memory_space<vmem_shared>>
      tpu.enqueue_dma source(%dma_start3A_325 : memref<80x128xf32, #tpu.memory_space<vmem_shared>>) target(%dma_start3A_323 : memref<80x128xf32, #tpu.memory_space<hbm>>) target_semaphore(%run_scoped3A : memref<!tpu.dma_semaphore, #tpu.memory_space<semaphore_mem>>)
      %dma_wait3A_326 = arith.constant 0 : i32
      %dma_wait3A_327 = tpu.memref_slice %arg4[%arg0, %add3A_300, %dma_wait3A_326] : memref<2x10240x128xf32, #tpu.memory_space<hbm>> -> memref<1x80x128xf32, #tpu.memory_space<hbm>>
      %dma_wait3A_328 = tpu.memref_squeeze %dma_wait3A_327 : memref<1x80x128xf32, #tpu.memory_space<hbm>> -> memref<80x128xf32, #tpu.memory_space<hbm>>
      %dma_wait3A_329 = arith.constant 0 : i32
      %dma_wait3A_330 = tpu.memref_slice %arg12[%add3A_300, %dma_wait3A_329] : memref<10240x128xf32, #tpu.memory_space<vmem_shared>> -> memref<80x128xf32, #tpu.memory_space<vmem_shared>>
      tpu.wait_dma2 semaphore(%run_scoped3A : memref<!tpu.dma_semaphore, #tpu.memory_space<semaphore_mem>>) src(%dma_wait3A_330 : memref<80x128xf32, #tpu.memory_space<vmem_shared>>) dst(%dma_wait3A_328 : memref<80x128xf32, #tpu.memory_space<hbm>>)
      tpu.yield
    }) : () -> ()
    %mul3A_301 = arith.constant 640 : i32
    %mul3A_302 = arith.muli %arg1, %mul3A_301 : i32
    %add3A_303 = arith.constant 240 : i32
    %add3A_304 = arith.addi %mul3A_302, %add3A_303 : i32
    "tpu.region"() ({
      %run_scoped3A = tpu.sem_alloc : memref<!tpu.dma_semaphore, #tpu.memory_space<semaphore_mem>>
      %dma_start3A_321 = arith.constant 0 : i32
      %dma_start3A_322 = tpu.memref_slice %arg4[%arg0, %add3A_304, %dma_start3A_321] : memref<2x10240x128xf32, #tpu.memory_space<hbm>> -> memref<1x80x128xf32, #tpu.memory_space<hbm>>
      %dma_start3A_323 = tpu.memref_squeeze %dma_start3A_322 : memref<1x80x128xf32, #tpu.memory_space<hbm>> -> memref<80x128xf32, #tpu.memory_space<hbm>>
      %dma_start3A_324 = arith.constant 0 : i32
      %dma_start3A_325 = tpu.memref_slice %arg12[%add3A_304, %dma_start3A_324] : memref<10240x128xf32, #tpu.memory_space<vmem_shared>> -> memref<80x128xf32, #tpu.memory_space<vmem_shared>>
      tpu.enqueue_dma source(%dma_start3A_325 : memref<80x128xf32, #tpu.memory_space<vmem_shared>>) target(%dma_start3A_323 : memref<80x128xf32, #tpu.memory_space<hbm>>) target_semaphore(%run_scoped3A : memref<!tpu.dma_semaphore, #tpu.memory_space<semaphore_mem>>)
      %dma_wait3A_326 = arith.constant 0 : i32
      %dma_wait3A_327 = tpu.memref_slice %arg4[%arg0, %add3A_304, %dma_wait3A_326] : memref<2x10240x128xf32, #tpu.memory_space<hbm>> -> memref<1x80x128xf32, #tpu.memory_space<hbm>>
      %dma_wait3A_328 = tpu.memref_squeeze %dma_wait3A_327 : memref<1x80x128xf32, #tpu.memory_space<hbm>> -> memref<80x128xf32, #tpu.memory_space<hbm>>
      %dma_wait3A_329 = arith.constant 0 : i32
      %dma_wait3A_330 = tpu.memref_slice %arg12[%add3A_304, %dma_wait3A_329] : memref<10240x128xf32, #tpu.memory_space<vmem_shared>> -> memref<80x128xf32, #tpu.memory_space<vmem_shared>>
      tpu.wait_dma2 semaphore(%run_scoped3A : memref<!tpu.dma_semaphore, #tpu.memory_space<semaphore_mem>>) src(%dma_wait3A_330 : memref<80x128xf32, #tpu.memory_space<vmem_shared>>) dst(%dma_wait3A_328 : memref<80x128xf32, #tpu.memory_space<hbm>>)
      tpu.yield
    }) : () -> ()
    %mul3A_305 = arith.constant 640 : i32
    %mul3A_306 = arith.muli %arg1, %mul3A_305 : i32
    %add3A_307 = arith.constant 320 : i32
    %add3A_308 = arith.addi %mul3A_306, %add3A_307 : i32
    "tpu.region"() ({
      %run_scoped3A = tpu.sem_alloc : memref<!tpu.dma_semaphore, #tpu.memory_space<semaphore_mem>>
      %dma_start3A_321 = arith.constant 0 : i32
      %dma_start3A_322 = tpu.memref_slice %arg4[%arg0, %add3A_308, %dma_start3A_321] : memref<2x10240x128xf32, #tpu.memory_space<hbm>> -> memref<1x80x128xf32, #tpu.memory_space<hbm>>
      %dma_start3A_323 = tpu.memref_squeeze %dma_start3A_322 : memref<1x80x128xf32, #tpu.memory_space<hbm>> -> memref<80x128xf32, #tpu.memory_space<hbm>>
      %dma_start3A_324 = arith.constant 0 : i32
      %dma_start3A_325 = tpu.memref_slice %arg12[%add3A_308, %dma_start3A_324] : memref<10240x128xf32, #tpu.memory_space<vmem_shared>> -> memref<80x128xf32, #tpu.memory_space<vmem_shared>>
      tpu.enqueue_dma source(%dma_start3A_325 : memref<80x128xf32, #tpu.memory_space<vmem_shared>>) target(%dma_start3A_323 : memref<80x128xf32, #tpu.memory_space<hbm>>) target_semaphore(%run_scoped3A : memref<!tpu.dma_semaphore, #tpu.memory_space<semaphore_mem>>)
      %dma_wait3A_326 = arith.constant 0 : i32
      %dma_wait3A_327 = tpu.memref_slice %arg4[%arg0, %add3A_308, %dma_wait3A_326] : memref<2x10240x128xf32, #tpu.memory_space<hbm>> -> memref<1x80x128xf32, #tpu.memory_space<hbm>>
      %dma_wait3A_328 = tpu.memref_squeeze %dma_wait3A_327 : memref<1x80x128xf32, #tpu.memory_space<hbm>> -> memref<80x128xf32, #tpu.memory_space<hbm>>
      %dma_wait3A_329 = arith.constant 0 : i32
      %dma_wait3A_330 = tpu.memref_slice %arg12[%add3A_308, %dma_wait3A_329] : memref<10240x128xf32, #tpu.memory_space<vmem_shared>> -> memref<80x128xf32, #tpu.memory_space<vmem_shared>>
      tpu.wait_dma2 semaphore(%run_scoped3A : memref<!tpu.dma_semaphore, #tpu.memory_space<semaphore_mem>>) src(%dma_wait3A_330 : memref<80x128xf32, #tpu.memory_space<vmem_shared>>) dst(%dma_wait3A_328 : memref<80x128xf32, #tpu.memory_space<hbm>>)
      tpu.yield
    }) : () -> ()
    %mul3A_309 = arith.constant 640 : i32
    %mul3A_310 = arith.muli %arg1, %mul3A_309 : i32
    %add3A_311 = arith.constant 400 : i32
    %add3A_312 = arith.addi %mul3A_310, %add3A_311 : i32
    "tpu.region"() ({
      %run_scoped3A = tpu.sem_alloc : memref<!tpu.dma_semaphore, #tpu.memory_space<semaphore_mem>>
      %dma_start3A_321 = arith.constant 0 : i32
      %dma_start3A_322 = tpu.memref_slice %arg4[%arg0, %add3A_312, %dma_start3A_321] : memref<2x10240x128xf32, #tpu.memory_space<hbm>> -> memref<1x80x128xf32, #tpu.memory_space<hbm>>
      %dma_start3A_323 = tpu.memref_squeeze %dma_start3A_322 : memref<1x80x128xf32, #tpu.memory_space<hbm>> -> memref<80x128xf32, #tpu.memory_space<hbm>>
      %dma_start3A_324 = arith.constant 0 : i32
      %dma_start3A_325 = tpu.memref_slice %arg12[%add3A_312, %dma_start3A_324] : memref<10240x128xf32, #tpu.memory_space<vmem_shared>> -> memref<80x128xf32, #tpu.memory_space<vmem_shared>>
      tpu.enqueue_dma source(%dma_start3A_325 : memref<80x128xf32, #tpu.memory_space<vmem_shared>>) target(%dma_start3A_323 : memref<80x128xf32, #tpu.memory_space<hbm>>) target_semaphore(%run_scoped3A : memref<!tpu.dma_semaphore, #tpu.memory_space<semaphore_mem>>)
      %dma_wait3A_326 = arith.constant 0 : i32
      %dma_wait3A_327 = tpu.memref_slice %arg4[%arg0, %add3A_312, %dma_wait3A_326] : memref<2x10240x128xf32, #tpu.memory_space<hbm>> -> memref<1x80x128xf32, #tpu.memory_space<hbm>>
      %dma_wait3A_328 = tpu.memref_squeeze %dma_wait3A_327 : memref<1x80x128xf32, #tpu.memory_space<hbm>> -> memref<80x128xf32, #tpu.memory_space<hbm>>
      %dma_wait3A_329 = arith.constant 0 : i32
      %dma_wait3A_330 = tpu.memref_slice %arg12[%add3A_312, %dma_wait3A_329] : memref<10240x128xf32, #tpu.memory_space<vmem_shared>> -> memref<80x128xf32, #tpu.memory_space<vmem_shared>>
      tpu.wait_dma2 semaphore(%run_scoped3A : memref<!tpu.dma_semaphore, #tpu.memory_space<semaphore_mem>>) src(%dma_wait3A_330 : memref<80x128xf32, #tpu.memory_space<vmem_shared>>) dst(%dma_wait3A_328 : memref<80x128xf32, #tpu.memory_space<hbm>>)
      tpu.yield
    }) : () -> ()
    %mul3A_313 = arith.constant 640 : i32
    %mul3A_314 = arith.muli %arg1, %mul3A_313 : i32
    %add3A_315 = arith.constant 480 : i32
    %add3A_316 = arith.addi %mul3A_314, %add3A_315 : i32
    "tpu.region"() ({
      %run_scoped3A = tpu.sem_alloc : memref<!tpu.dma_semaphore, #tpu.memory_space<semaphore_mem>>
      %dma_start3A_321 = arith.constant 0 : i32
      %dma_start3A_322 = tpu.memref_slice %arg4[%arg0, %add3A_316, %dma_start3A_321] : memref<2x10240x128xf32, #tpu.memory_space<hbm>> -> memref<1x80x128xf32, #tpu.memory_space<hbm>>
      %dma_start3A_323 = tpu.memref_squeeze %dma_start3A_322 : memref<1x80x128xf32, #tpu.memory_space<hbm>> -> memref<80x128xf32, #tpu.memory_space<hbm>>
      %dma_start3A_324 = arith.constant 0 : i32
      %dma_start3A_325 = tpu.memref_slice %arg12[%add3A_316, %dma_start3A_324] : memref<10240x128xf32, #tpu.memory_space<vmem_shared>> -> memref<80x128xf32, #tpu.memory_space<vmem_shared>>
      tpu.enqueue_dma source(%dma_start3A_325 : memref<80x128xf32, #tpu.memory_space<vmem_shared>>) target(%dma_start3A_323 : memref<80x128xf32, #tpu.memory_space<hbm>>) target_semaphore(%run_scoped3A : memref<!tpu.dma_semaphore, #tpu.memory_space<semaphore_mem>>)
      %dma_wait3A_326 = arith.constant 0 : i32
      %dma_wait3A_327 = tpu.memref_slice %arg4[%arg0, %add3A_316, %dma_wait3A_326] : memref<2x10240x128xf32, #tpu.memory_space<hbm>> -> memref<1x80x128xf32, #tpu.memory_space<hbm>>
      %dma_wait3A_328 = tpu.memref_squeeze %dma_wait3A_327 : memref<1x80x128xf32, #tpu.memory_space<hbm>> -> memref<80x128xf32, #tpu.memory_space<hbm>>
      %dma_wait3A_329 = arith.constant 0 : i32
      %dma_wait3A_330 = tpu.memref_slice %arg12[%add3A_316, %dma_wait3A_329] : memref<10240x128xf32, #tpu.memory_space<vmem_shared>> -> memref<80x128xf32, #tpu.memory_space<vmem_shared>>
      tpu.wait_dma2 semaphore(%run_scoped3A : memref<!tpu.dma_semaphore, #tpu.memory_space<semaphore_mem>>) src(%dma_wait3A_330 : memref<80x128xf32, #tpu.memory_space<vmem_shared>>) dst(%dma_wait3A_328 : memref<80x128xf32, #tpu.memory_space<hbm>>)
      tpu.yield
    }) : () -> ()
    %mul3A_317 = arith.constant 640 : i32
    %mul3A_318 = arith.muli %arg1, %mul3A_317 : i32
    %add3A_319 = arith.constant 560 : i32
    %add3A_320 = arith.addi %mul3A_318, %add3A_319 : i32
    "tpu.region"() ({
      %run_scoped3A = tpu.sem_alloc : memref<!tpu.dma_semaphore, #tpu.memory_space<semaphore_mem>>
      %dma_start3A_321 = arith.constant 0 : i32
      %dma_start3A_322 = tpu.memref_slice %arg4[%arg0, %add3A_320, %dma_start3A_321] : memref<2x10240x128xf32, #tpu.memory_space<hbm>> -> memref<1x80x128xf32, #tpu.memory_space<hbm>>
      %dma_start3A_323 = tpu.memref_squeeze %dma_start3A_322 : memref<1x80x128xf32, #tpu.memory_space<hbm>> -> memref<80x128xf32, #tpu.memory_space<hbm>>
      %dma_start3A_324 = arith.constant 0 : i32
      %dma_start3A_325 = tpu.memref_slice %arg12[%add3A_320, %dma_start3A_324] : memref<10240x128xf32, #tpu.memory_space<vmem_shared>> -> memref<80x128xf32, #tpu.memory_space<vmem_shared>>
      tpu.enqueue_dma source(%dma_start3A_325 : memref<80x128xf32, #tpu.memory_space<vmem_shared>>) target(%dma_start3A_323 : memref<80x128xf32, #tpu.memory_space<hbm>>) target_semaphore(%run_scoped3A : memref<!tpu.dma_semaphore, #tpu.memory_space<semaphore_mem>>)
      %dma_wait3A_326 = arith.constant 0 : i32
      %dma_wait3A_327 = tpu.memref_slice %arg4[%arg0, %add3A_320, %dma_wait3A_326] : memref<2x10240x128xf32, #tpu.memory_space<hbm>> -> memref<1x80x128xf32, #tpu.memory_space<hbm>>
      %dma_wait3A_328 = tpu.memref_squeeze %dma_wait3A_327 : memref<1x80x128xf32, #tpu.memory_space<hbm>> -> memref<80x128xf32, #tpu.memory_space<hbm>>
      %dma_wait3A_329 = arith.constant 0 : i32
      %dma_wait3A_330 = tpu.memref_slice %arg12[%add3A_320, %dma_wait3A_329] : memref<10240x128xf32, #tpu.memory_space<vmem_shared>> -> memref<80x128xf32, #tpu.memory_space<vmem_shared>>
      tpu.wait_dma2 semaphore(%run_scoped3A : memref<!tpu.dma_semaphore, #tpu.memory_space<semaphore_mem>>) src(%dma_wait3A_330 : memref<80x128xf32, #tpu.memory_space<vmem_shared>>) dst(%dma_wait3A_328 : memref<80x128xf32, #tpu.memory_space<hbm>>)
      tpu.yield
    }) : () -> ()
    return
  }
}

module attributes {stable_mosaic.version = 14 : i64} {
  func.func @_mlp1_body(%arg0: i32, %arg1: memref<128x128xf32, #tpu.memory_space<vmem>>, %arg2: memref<2x128x128xf32, #tpu.memory_space<vmem>>, %arg3: memref<32x128xf32, #tpu.memory_space<vmem>>, %arg4: memref<128x128xf32, #tpu.memory_space<vmem>>, %arg5: memref<1x128xf32, #tpu.memory_space<vmem>>, %arg6: memref<128x256xf32, #tpu.memory_space<vmem>>, %arg7: memref<1x256xf32, #tpu.memory_space<vmem>>, %arg8: memref<256x256xf32, #tpu.memory_space<vmem>>, %arg9: memref<1x256xf32, #tpu.memory_space<vmem>>, %arg10: memref<128x128xf32, #tpu.memory_space<vmem>>, %arg11: memref<128x128xf32, #tpu.memory_space<vmem>>, %arg12: memref<128x8xf32, #tpu.memory_space<vmem>>) attributes {dimension_semantics = [#tpu.dimension_semantics<arbitrary>], iteration_bounds = array<i64: 80>, scalar_prefetch = 0 : i64, scratch_operands = 0 : i64, tpu.core_type = #tpu.core_type<tc>, window_params = [{transform_indices = @transform_0, window_bounds = array<i64: 128, 128>}, {transform_indices = @transform_1, window_bounds = array<i64: 2, 128, 128>}, {transform_indices = @transform_2, window_bounds = array<i64: 32, 128>}, {pipeline_mode = #tpu.pipeline_mode<synchronous>, transform_indices = @transform_3, window_bounds = array<i64: 128, 128>}, {pipeline_mode = #tpu.pipeline_mode<synchronous>, transform_indices = @transform_4, window_bounds = array<i64: 1, 128>}, {pipeline_mode = #tpu.pipeline_mode<synchronous>, transform_indices = @transform_5, window_bounds = array<i64: 128, 256>}, {pipeline_mode = #tpu.pipeline_mode<synchronous>, transform_indices = @transform_6, window_bounds = array<i64: 1, 256>}, {pipeline_mode = #tpu.pipeline_mode<synchronous>, transform_indices = @transform_7, window_bounds = array<i64: 256, 256>}, {pipeline_mode = #tpu.pipeline_mode<synchronous>, transform_indices = @transform_8, window_bounds = array<i64: 1, 256>}, {transform_indices = @transform_9, window_bounds = array<i64: 128, 128>}, {transform_indices = @transform_10, window_bounds = array<i64: 128, 128>}, {transform_indices = @transform_11, window_bounds = array<i64: 128, 8>}]} {
    %get3A = arith.constant 0 : index
    %get3A_0 = arith.constant 0 : index
    %get3A_1 = vector.load %arg3[%get3A, %get3A_0] : memref<32x128xf32, #tpu.memory_space<vmem>>, vector<32x128xf32>
    %broadcast_in_dim3A = arith.constant 1.000000e+00 : f32
    %broadcast_in_dim3A_2 = vector.broadcast %broadcast_in_dim3A : f32 to vector<32x1xf32>
    %dot_general3A = arith.constant dense<0.000000e+00> : vector<128x1xf32>
    %dot_general3A_3 = tpu.matmul %get3A_1, %broadcast_in_dim3A_2, %dot_general3A {dimension_numbers = #tpu.dot_dimension_numbers<[0], [0], [1], [1], [0, 1, 1, 1], [], []>, transpose_lhs_hint = false} : vector<32x128xf32>, vector<32x1xf32>, vector<128x1xf32> -> vector<128x1xf32>
    %max3A = arith.constant 1.000000e+00 : f32
    %max3A_4 = vector.broadcast %max3A : f32 to vector<128x1xf32>
    %max3A_5 = arith.maximumf %dot_general3A_3, %max3A_4 : vector<128x1xf32>
    %div3A = arith.constant 1.000000e+00 : f32
    %div3A_6 = vector.broadcast %div3A : f32 to vector<128x1xf32>
    %div3A_7 = arith.divf %div3A_6, %max3A_5 : vector<128x1xf32>
    %get3A_8 = arith.constant 0 : index
    %get3A_9 = arith.constant 0 : index
    %get3A_10 = arith.constant 0 : index
    %get3A_11 = vector.load %arg2[%get3A_8, %get3A_9, %get3A_10] : memref<2x128x128xf32, #tpu.memory_space<vmem>>, vector<1x128x128xf32>
    %get3A_12 = vector.shape_cast %get3A_11 : vector<1x128x128xf32> to vector<128x128xf32>
    %get3A_13 = arith.constant 1 : index
    %get3A_14 = arith.constant 0 : index
    %get3A_15 = arith.constant 0 : index
    %get3A_16 = vector.load %arg2[%get3A_13, %get3A_14, %get3A_15] : memref<2x128x128xf32, #tpu.memory_space<vmem>>, vector<1x128x128xf32>
    %get3A_17 = vector.shape_cast %get3A_16 : vector<1x128x128xf32> to vector<128x128xf32>
    %add3A = arith.addf %get3A_12, %get3A_17 : vector<128x128xf32>
    %get3A_18 = arith.constant 0 : index
    %get3A_19 = arith.constant 0 : index
    %get3A_20 = vector.load %arg1[%get3A_18, %get3A_19] : memref<128x128xf32, #tpu.memory_space<vmem>>, vector<128x128xf32>
    %mul3A = vector.broadcast %div3A_7 : vector<128x1xf32> to vector<128x128xf32>
    %mul3A_21 = arith.mulf %add3A, %mul3A : vector<128x128xf32>
    %add3A_22 = arith.addf %get3A_20, %mul3A_21 : vector<128x128xf32>
    %get3A_23 = arith.constant 0 : index
    %get3A_24 = arith.constant 0 : index
    %get3A_25 = vector.load %arg4[%get3A_23, %get3A_24] : memref<128x128xf32, #tpu.memory_space<vmem>>, vector<128x128xf32>
    %dot_general3A_26 = arith.constant dense<0.000000e+00> : vector<128x128xf32>
    %dot_general3A_27 = tpu.matmul %add3A_22, %get3A_25, %dot_general3A_26 {dimension_numbers = #tpu.dot_dimension_numbers<[1], [0], [0], [1], [0, 0, 1, 1], [], []>, transpose_lhs_hint = false} : vector<128x128xf32>, vector<128x128xf32>, vector<128x128xf32> -> vector<128x128xf32>
    %get3A_28 = arith.constant 0 : index
    %get3A_29 = arith.constant 0 : index
    %get3A_30 = vector.load %arg5[%get3A_28, %get3A_29] : memref<1x128xf32, #tpu.memory_space<vmem>>, vector<1x128xf32>
    %add3A_31 = vector.broadcast %get3A_30 : vector<1x128xf32> to vector<128x128xf32>
    %add3A_32 = arith.addf %dot_general3A_27, %add3A_31 : vector<128x128xf32>
    %max3A_33 = arith.constant 0.000000e+00 : f32
    %max3A_34 = vector.broadcast %max3A_33 : f32 to vector<128x128xf32>
    %max3A_35 = arith.maximumf %add3A_32, %max3A_34 : vector<128x128xf32>
    %get3A_36 = arith.constant 0 : index
    %get3A_37 = arith.constant 0 : index
    %get3A_38 = vector.load %arg6[%get3A_36, %get3A_37] : memref<128x256xf32, #tpu.memory_space<vmem>>, vector<128x256xf32>
    %dot_general3A_39 = arith.constant dense<0.000000e+00> : vector<128x256xf32>
    %dot_general3A_40 = tpu.matmul %max3A_35, %get3A_38, %dot_general3A_39 {dimension_numbers = #tpu.dot_dimension_numbers<[1], [0], [0], [1], [0, 0, 1, 1], [], []>, transpose_lhs_hint = false} : vector<128x128xf32>, vector<128x256xf32>, vector<128x256xf32> -> vector<128x256xf32>
    %get3A_41 = arith.constant 0 : index
    %get3A_42 = arith.constant 0 : index
    %get3A_43 = vector.load %arg7[%get3A_41, %get3A_42] : memref<1x256xf32, #tpu.memory_space<vmem>>, vector<1x256xf32>
    %add3A_44 = vector.broadcast %get3A_43 : vector<1x256xf32> to vector<128x256xf32>
    %add3A_45 = arith.addf %dot_general3A_40, %add3A_44 : vector<128x256xf32>
    %max3A_46 = arith.constant 0.000000e+00 : f32
    %max3A_47 = vector.broadcast %max3A_46 : f32 to vector<128x256xf32>
    %max3A_48 = arith.maximumf %add3A_45, %max3A_47 : vector<128x256xf32>
    %get3A_49 = arith.constant 0 : index
    %get3A_50 = arith.constant 0 : index
    %get3A_51 = vector.load %arg8[%get3A_49, %get3A_50] : memref<256x256xf32, #tpu.memory_space<vmem>>, vector<256x256xf32>
    %dot_general3A_52 = arith.constant dense<0.000000e+00> : vector<128x256xf32>
    %dot_general3A_53 = tpu.matmul %max3A_48, %get3A_51, %dot_general3A_52 {dimension_numbers = #tpu.dot_dimension_numbers<[1], [0], [0], [1], [0, 0, 1, 1], [], []>, transpose_lhs_hint = false} : vector<128x256xf32>, vector<256x256xf32>, vector<128x256xf32> -> vector<128x256xf32>
    %get3A_54 = arith.constant 0 : index
    %get3A_55 = arith.constant 0 : index
    %get3A_56 = vector.load %arg9[%get3A_54, %get3A_55] : memref<1x256xf32, #tpu.memory_space<vmem>>, vector<1x256xf32>
    %add3A_57 = vector.broadcast %get3A_56 : vector<1x256xf32> to vector<128x256xf32>
    %add3A_58 = arith.addf %dot_general3A_53, %add3A_57 : vector<128x256xf32>
    %max3A_59 = arith.constant 0.000000e+00 : f32
    %max3A_60 = vector.broadcast %max3A_59 : f32 to vector<128x256xf32>
    %max3A_61 = arith.maximumf %add3A_58, %max3A_60 : vector<128x256xf32>
    %slice3A = vector.extract_strided_slice %max3A_61 {offsets = [0, 0], sizes = [128, 128], strides = [1, 1]} : vector<128x256xf32> to vector<128x128xf32>
    %swap3A = arith.constant 0 : index
    %swap3A_62 = arith.constant 0 : index
    %swap3A_63 = vector.load %arg10[%swap3A, %swap3A_62] : memref<128x128xf32, #tpu.memory_space<vmem>>, vector<128x128xf32>
    tpu.vector_store %arg10[%swap3A, %swap3A_62], %slice3A {strides = array<i32>} : memref<128x128xf32, #tpu.memory_space<vmem>>, vector<128x128xf32>,
    %slice3A_64 = vector.extract_strided_slice %max3A_61 {offsets = [0, 128], sizes = [128, 128], strides = [1, 1]} : vector<128x256xf32> to vector<128x128xf32>
    %swap3A_65 = arith.constant 0 : index
    %swap3A_66 = arith.constant 0 : index
    %swap3A_67 = vector.load %arg11[%swap3A_65, %swap3A_66] : memref<128x128xf32, #tpu.memory_space<vmem>>, vector<128x128xf32>
    tpu.vector_store %arg11[%swap3A_65, %swap3A_66], %slice3A_64 {strides = array<i32>} : memref<128x128xf32, #tpu.memory_space<vmem>>, vector<128x128xf32>,
    %broadcast_in_dim3A_68 = vector.shape_cast %div3A_7 : vector<128x1xf32> to vector<128x1xf32>
    %broadcast_in_dim3A_69 = vector.broadcast %broadcast_in_dim3A_68 : vector<128x1xf32> to vector<128x8xf32>
    %swap3A_70 = arith.constant 0 : index
    %swap3A_71 = arith.constant 0 : index
    %swap3A_72 = vector.load %arg12[%swap3A_70, %swap3A_71] : memref<128x8xf32, #tpu.memory_space<vmem>>, vector<128x8xf32>
    tpu.vector_store %arg12[%swap3A_70, %swap3A_71], %broadcast_in_dim3A_69 {strides = array<i32>} : memref<128x8xf32, #tpu.memory_space<vmem>>, vector<128x8xf32>,
    return
  }
  func.func @transform_0(%arg0: i32) -> (i32, i32) {
    %c0_i32 = arith.constant 0 : i32
    %c0_i32_0 = arith.constant 0 : i32
    return %arg0, %c0_i32 : i32, i32
  }
  func.func @transform_1(%arg0: i32) -> (i32, i32, i32) {
    %c0_i32 = arith.constant 0 : i32
    %c0_i32_0 = arith.constant 0 : i32
    %c0_i32_1 = arith.constant 0 : i32
    return %c0_i32, %arg0, %c0_i32_0 : i32, i32, i32
  }
  func.func @transform_2(%arg0: i32) -> (i32, i32) {
    %c0_i32 = arith.constant 0 : i32
    %c0_i32_0 = arith.constant 0 : i32
    return %c0_i32, %arg0 : i32, i32
  }
  func.func @transform_3(%arg0: i32) -> (i32, i32) {
    %c0_i32 = arith.constant 0 : i32
    %c0_i32_0 = arith.constant 0 : i32
    %c0_i32_1 = arith.constant 0 : i32
    return %c0_i32, %c0_i32_0 : i32, i32
  }
  func.func @transform_4(%arg0: i32) -> (i32, i32) {
    %c0_i32 = arith.constant 0 : i32
    %c0_i32_0 = arith.constant 0 : i32
    %c0_i32_1 = arith.constant 0 : i32
    return %c0_i32, %c0_i32_0 : i32, i32
  }
  func.func @transform_5(%arg0: i32) -> (i32, i32) {
    %c0_i32 = arith.constant 0 : i32
    %c0_i32_0 = arith.constant 0 : i32
    %c0_i32_1 = arith.constant 0 : i32
    return %c0_i32, %c0_i32_0 : i32, i32
  }
  func.func @transform_6(%arg0: i32) -> (i32, i32) {
    %c0_i32 = arith.constant 0 : i32
    %c0_i32_0 = arith.constant 0 : i32
    %c0_i32_1 = arith.constant 0 : i32
    return %c0_i32, %c0_i32_0 : i32, i32
  }
  func.func @transform_7(%arg0: i32) -> (i32, i32) {
    %c0_i32 = arith.constant 0 : i32
    %c0_i32_0 = arith.constant 0 : i32
    %c0_i32_1 = arith.constant 0 : i32
    return %c0_i32, %c0_i32_0 : i32, i32
  }
  func.func @transform_8(%arg0: i32) -> (i32, i32) {
    %c0_i32 = arith.constant 0 : i32
    %c0_i32_0 = arith.constant 0 : i32
    %c0_i32_1 = arith.constant 0 : i32
    return %c0_i32, %c0_i32_0 : i32, i32
  }
  func.func @transform_9(%arg0: i32) -> (i32, i32) {
    %c0_i32 = arith.constant 0 : i32
    %c0_i32_0 = arith.constant 0 : i32
    return %arg0, %c0_i32 : i32, i32
  }
  func.func @transform_10(%arg0: i32) -> (i32, i32) {
    %c0_i32 = arith.constant 0 : i32
    %c0_i32_0 = arith.constant 0 : i32
    return %arg0, %c0_i32 : i32, i32
  }
  func.func @transform_11(%arg0: i32) -> (i32, i32) {
    %c0_i32 = arith.constant 0 : i32
    %c0_i32_0 = arith.constant 0 : i32
    return %arg0, %c0_i32 : i32, i32
  }
}

module attributes {stable_mosaic.version = 14 : i64} {
  func.func @_mlp2_body(%arg0: i32, %arg1: memref<128x128xf32, #tpu.memory_space<vmem>>, %arg2: memref<128x128xf32, #tpu.memory_space<vmem>>, %arg3: memref<2x128x128xf32, #tpu.memory_space<vmem>>, %arg4: memref<2x128x128xf32, #tpu.memory_space<vmem>>, %arg5: memref<128x8xf32, #tpu.memory_space<vmem>>, %arg6: memref<256x256xf32, #tpu.memory_space<vmem>>, %arg7: memref<1x256xf32, #tpu.memory_space<vmem>>, %arg8: memref<256x256xf32, #tpu.memory_space<vmem>>, %arg9: memref<1x256xf32, #tpu.memory_space<vmem>>, %arg10: memref<256x256xf32, #tpu.memory_space<vmem>>, %arg11: memref<1x256xf32, #tpu.memory_space<vmem>>, %arg12: memref<256x64xf32, #tpu.memory_space<vmem>>, %arg13: memref<1x64xf32, #tpu.memory_space<vmem>>, %arg14: memref<128x64xf32, #tpu.memory_space<vmem>>) attributes {dimension_semantics = [#tpu.dimension_semantics<arbitrary>], iteration_bounds = array<i64: 80>, scalar_prefetch = 0 : i64, scratch_operands = 0 : i64, tpu.core_type = #tpu.core_type<tc>, window_params = [{transform_indices = @transform_0, window_bounds = array<i64: 128, 128>}, {transform_indices = @transform_1, window_bounds = array<i64: 128, 128>}, {transform_indices = @transform_2, window_bounds = array<i64: 2, 128, 128>}, {transform_indices = @transform_3, window_bounds = array<i64: 2, 128, 128>}, {transform_indices = @transform_4, window_bounds = array<i64: 128, 8>}, {pipeline_mode = #tpu.pipeline_mode<synchronous>, transform_indices = @transform_5, window_bounds = array<i64: 256, 256>}, {pipeline_mode = #tpu.pipeline_mode<synchronous>, transform_indices = @transform_6, window_bounds = array<i64: 1, 256>}, {pipeline_mode = #tpu.pipeline_mode<synchronous>, transform_indices = @transform_7, window_bounds = array<i64: 256, 256>}, {pipeline_mode = #tpu.pipeline_mode<synchronous>, transform_indices = @transform_8, window_bounds = array<i64: 1, 256>}, {pipeline_mode = #tpu.pipeline_mode<synchronous>, transform_indices = @transform_9, window_bounds = array<i64: 256, 256>}, {pipeline_mode = #tpu.pipeline_mode<synchronous>, transform_indices = @transform_10, window_bounds = array<i64: 1, 256>}, {pipeline_mode = #tpu.pipeline_mode<synchronous>, transform_indices = @transform_11, window_bounds = array<i64: 256, 64>}, {pipeline_mode = #tpu.pipeline_mode<synchronous>, transform_indices = @transform_12, window_bounds = array<i64: 1, 64>}, {transform_indices = @transform_13, window_bounds = array<i64: 128, 64>}]} {
    %get3A = arith.constant 0 : index
    %get3A_0 = arith.constant 0 : index
    %get3A_1 = vector.load %arg5[%get3A, %get3A_0] : memref<128x8xf32, #tpu.memory_space<vmem>>, vector<128x8xf32>
    %slice3A = vector.extract_strided_slice %get3A_1 {offsets = [0, 0], sizes = [128, 1], strides = [1, 1]} : vector<128x8xf32> to vector<128x1xf32>
    %get3A_2 = arith.constant 0 : index
    %get3A_3 = arith.constant 0 : index
    %get3A_4 = arith.constant 0 : index
    %get3A_5 = vector.load %arg3[%get3A_2, %get3A_3, %get3A_4] : memref<2x128x128xf32, #tpu.memory_space<vmem>>, vector<1x128x128xf32>
    %get3A_6 = vector.shape_cast %get3A_5 : vector<1x128x128xf32> to vector<128x128xf32>
    %get3A_7 = arith.constant 1 : index
    %get3A_8 = arith.constant 0 : index
    %get3A_9 = arith.constant 0 : index
    %get3A_10 = vector.load %arg3[%get3A_7, %get3A_8, %get3A_9] : memref<2x128x128xf32, #tpu.memory_space<vmem>>, vector<1x128x128xf32>
    %get3A_11 = vector.shape_cast %get3A_10 : vector<1x128x128xf32> to vector<128x128xf32>
    %add3A = arith.addf %get3A_6, %get3A_11 : vector<128x128xf32>
    %mul3A = vector.broadcast %slice3A : vector<128x1xf32> to vector<128x128xf32>
    %mul3A_12 = arith.mulf %add3A, %mul3A : vector<128x128xf32>
    %get3A_13 = arith.constant 0 : index
    %get3A_14 = arith.constant 0 : index
    %get3A_15 = arith.constant 0 : index
    %get3A_16 = vector.load %arg4[%get3A_13, %get3A_14, %get3A_15] : memref<2x128x128xf32, #tpu.memory_space<vmem>>, vector<1x128x128xf32>
    %get3A_17 = vector.shape_cast %get3A_16 : vector<1x128x128xf32> to vector<128x128xf32>
    %get3A_18 = arith.constant 1 : index
    %get3A_19 = arith.constant 0 : index
    %get3A_20 = arith.constant 0 : index
    %get3A_21 = vector.load %arg4[%get3A_18, %get3A_19, %get3A_20] : memref<2x128x128xf32, #tpu.memory_space<vmem>>, vector<1x128x128xf32>
    %get3A_22 = vector.shape_cast %get3A_21 : vector<1x128x128xf32> to vector<128x128xf32>
    %add3A_23 = arith.addf %get3A_17, %get3A_22 : vector<128x128xf32>
    %mul3A_24 = vector.broadcast %slice3A : vector<128x1xf32> to vector<128x128xf32>
    %mul3A_25 = arith.mulf %add3A_23, %mul3A_24 : vector<128x128xf32>
    %get3A_26 = arith.constant 0 : index
    %get3A_27 = arith.constant 0 : index
    %get3A_28 = vector.load %arg1[%get3A_26, %get3A_27] : memref<128x128xf32, #tpu.memory_space<vmem>>, vector<128x128xf32>
    %add3A_29 = arith.addf %get3A_28, %mul3A_12 : vector<128x128xf32>
    %get3A_30 = arith.constant 0 : index
    %get3A_31 = arith.constant 0 : index
    %get3A_32 = vector.load %arg2[%get3A_30, %get3A_31] : memref<128x128xf32, #tpu.memory_space<vmem>>, vector<128x128xf32>
    %add3A_33 = arith.addf %get3A_32, %mul3A_25 : vector<128x128xf32>
    %concatenate3A = tpu.concatenate %add3A_29, %add3A_33 in 1 : vector<128x128xf32>, vector<128x128xf32> -> vector<128x256xf32>
    %get3A_34 = arith.constant 0 : index
    %get3A_35 = arith.constant 0 : index
    %get3A_36 = vector.load %arg6[%get3A_34, %get3A_35] : memref<256x256xf32, #tpu.memory_space<vmem>>, vector<256x256xf32>
    %dot_general3A = arith.constant dense<0.000000e+00> : vector<128x256xf32>
    %dot_general3A_37 = tpu.matmul %concatenate3A, %get3A_36, %dot_general3A {dimension_numbers = #tpu.dot_dimension_numbers<[1], [0], [0], [1], [0, 0, 1, 1], [], []>, transpose_lhs_hint = false} : vector<128x256xf32>, vector<256x256xf32>, vector<128x256xf32> -> vector<128x256xf32>
    %get3A_38 = arith.constant 0 : index
    %get3A_39 = arith.constant 0 : index
    %get3A_40 = vector.load %arg7[%get3A_38, %get3A_39] : memref<1x256xf32, #tpu.memory_space<vmem>>, vector<1x256xf32>
    %add3A_41 = vector.broadcast %get3A_40 : vector<1x256xf32> to vector<128x256xf32>
    %add3A_42 = arith.addf %dot_general3A_37, %add3A_41 : vector<128x256xf32>
    %max3A = arith.constant 0.000000e+00 : f32
    %max3A_43 = vector.broadcast %max3A : f32 to vector<128x256xf32>
    %max3A_44 = arith.maximumf %add3A_42, %max3A_43 : vector<128x256xf32>
    %get3A_45 = arith.constant 0 : index
    %get3A_46 = arith.constant 0 : index
    %get3A_47 = vector.load %arg8[%get3A_45, %get3A_46] : memref<256x256xf32, #tpu.memory_space<vmem>>, vector<256x256xf32>
    %dot_general3A_48 = arith.constant dense<0.000000e+00> : vector<128x256xf32>
    %dot_general3A_49 = tpu.matmul %max3A_44, %get3A_47, %dot_general3A_48 {dimension_numbers = #tpu.dot_dimension_numbers<[1], [0], [0], [1], [0, 0, 1, 1], [], []>, transpose_lhs_hint = false} : vector<128x256xf32>, vector<256x256xf32>, vector<128x256xf32> -> vector<128x256xf32>
    %get3A_50 = arith.constant 0 : index
    %get3A_51 = arith.constant 0 : index
    %get3A_52 = vector.load %arg9[%get3A_50, %get3A_51] : memref<1x256xf32, #tpu.memory_space<vmem>>, vector<1x256xf32>
    %add3A_53 = vector.broadcast %get3A_52 : vector<1x256xf32> to vector<128x256xf32>
    %add3A_54 = arith.addf %dot_general3A_49, %add3A_53 : vector<128x256xf32>
    %max3A_55 = arith.constant 0.000000e+00 : f32
    %max3A_56 = vector.broadcast %max3A_55 : f32 to vector<128x256xf32>
    %max3A_57 = arith.maximumf %add3A_54, %max3A_56 : vector<128x256xf32>
    %get3A_58 = arith.constant 0 : index
    %get3A_59 = arith.constant 0 : index
    %get3A_60 = vector.load %arg10[%get3A_58, %get3A_59] : memref<256x256xf32, #tpu.memory_space<vmem>>, vector<256x256xf32>
    %dot_general3A_61 = arith.constant dense<0.000000e+00> : vector<128x256xf32>
    %dot_general3A_62 = tpu.matmul %max3A_57, %get3A_60, %dot_general3A_61 {dimension_numbers = #tpu.dot_dimension_numbers<[1], [0], [0], [1], [0, 0, 1, 1], [], []>, transpose_lhs_hint = false} : vector<128x256xf32>, vector<256x256xf32>, vector<128x256xf32> -> vector<128x256xf32>
    %get3A_63 = arith.constant 0 : index
    %get3A_64 = arith.constant 0 : index
    %get3A_65 = vector.load %arg11[%get3A_63, %get3A_64] : memref<1x256xf32, #tpu.memory_space<vmem>>, vector<1x256xf32>
    %add3A_66 = vector.broadcast %get3A_65 : vector<1x256xf32> to vector<128x256xf32>
    %add3A_67 = arith.addf %dot_general3A_62, %add3A_66 : vector<128x256xf32>
    %max3A_68 = arith.constant 0.000000e+00 : f32
    %max3A_69 = vector.broadcast %max3A_68 : f32 to vector<128x256xf32>
    %max3A_70 = arith.maximumf %add3A_67, %max3A_69 : vector<128x256xf32>
    %get3A_71 = arith.constant 0 : index
    %get3A_72 = arith.constant 0 : index
    %get3A_73 = vector.load %arg12[%get3A_71, %get3A_72] : memref<256x64xf32, #tpu.memory_space<vmem>>, vector<256x64xf32>
    %dot_general3A_74 = arith.constant dense<0.000000e+00> : vector<128x64xf32>
    %dot_general3A_75 = tpu.matmul %max3A_70, %get3A_73, %dot_general3A_74 {dimension_numbers = #tpu.dot_dimension_numbers<[1], [0], [0], [1], [0, 0, 1, 1], [], []>, transpose_lhs_hint = false} : vector<128x256xf32>, vector<256x64xf32>, vector<128x64xf32> -> vector<128x64xf32>
    %get3A_76 = arith.constant 0 : index
    %get3A_77 = arith.constant 0 : index
    %get3A_78 = vector.load %arg13[%get3A_76, %get3A_77] : memref<1x64xf32, #tpu.memory_space<vmem>>, vector<1x64xf32>
    %add3A_79 = vector.broadcast %get3A_78 : vector<1x64xf32> to vector<128x64xf32>
    %add3A_80 = arith.addf %dot_general3A_75, %add3A_79 : vector<128x64xf32>
    %swap3A = arith.constant 0 : index
    %swap3A_81 = arith.constant 0 : index
    %swap3A_82 = vector.load %arg14[%swap3A, %swap3A_81] : memref<128x64xf32, #tpu.memory_space<vmem>>, vector<128x64xf32>
    tpu.vector_store %arg14[%swap3A, %swap3A_81], %add3A_80 {strides = array<i32>} : memref<128x64xf32, #tpu.memory_space<vmem>>, vector<128x64xf32>,
    return
  }
  func.func @transform_0(%arg0: i32) -> (i32, i32) {
    %c0_i32 = arith.constant 0 : i32
    %c0_i32_0 = arith.constant 0 : i32
    return %arg0, %c0_i32 : i32, i32
  }
  func.func @transform_1(%arg0: i32) -> (i32, i32) {
    %c0_i32 = arith.constant 0 : i32
    %c0_i32_0 = arith.constant 0 : i32
    return %arg0, %c0_i32 : i32, i32
  }
  func.func @transform_2(%arg0: i32) -> (i32, i32, i32) {
    %c0_i32 = arith.constant 0 : i32
    %c0_i32_0 = arith.constant 0 : i32
    %c0_i32_1 = arith.constant 0 : i32
    return %c0_i32, %arg0, %c0_i32_0 : i32, i32, i32
  }
  func.func @transform_3(%arg0: i32) -> (i32, i32, i32) {
    %c0_i32 = arith.constant 0 : i32
    %c0_i32_0 = arith.constant 0 : i32
    %c0_i32_1 = arith.constant 0 : i32
    return %c0_i32, %arg0, %c0_i32_0 : i32, i32, i32
  }
  func.func @transform_4(%arg0: i32) -> (i32, i32) {
    %c0_i32 = arith.constant 0 : i32
    %c0_i32_0 = arith.constant 0 : i32
    return %arg0, %c0_i32 : i32, i32
  }
  func.func @transform_5(%arg0: i32) -> (i32, i32) {
    %c0_i32 = arith.constant 0 : i32
    %c0_i32_0 = arith.constant 0 : i32
    %c0_i32_1 = arith.constant 0 : i32
    return %c0_i32, %c0_i32_0 : i32, i32
  }
  func.func @transform_6(%arg0: i32) -> (i32, i32) {
    %c0_i32 = arith.constant 0 : i32
    %c0_i32_0 = arith.constant 0 : i32
    %c0_i32_1 = arith.constant 0 : i32
    return %c0_i32, %c0_i32_0 : i32, i32
  }
  func.func @transform_7(%arg0: i32) -> (i32, i32) {
    %c0_i32 = arith.constant 0 : i32
    %c0_i32_0 = arith.constant 0 : i32
    %c0_i32_1 = arith.constant 0 : i32
    return %c0_i32, %c0_i32_0 : i32, i32
  }
  func.func @transform_8(%arg0: i32) -> (i32, i32) {
    %c0_i32 = arith.constant 0 : i32
    %c0_i32_0 = arith.constant 0 : i32
    %c0_i32_1 = arith.constant 0 : i32
    return %c0_i32, %c0_i32_0 : i32, i32
  }
  func.func @transform_9(%arg0: i32) -> (i32, i32) {
    %c0_i32 = arith.constant 0 : i32
    %c0_i32_0 = arith.constant 0 : i32
    %c0_i32_1 = arith.constant 0 : i32
    return %c0_i32, %c0_i32_0 : i32, i32
  }
  func.func @transform_10(%arg0: i32) -> (i32, i32) {
    %c0_i32 = arith.constant 0 : i32
    %c0_i32_0 = arith.constant 0 : i32
    %c0_i32_1 = arith.constant 0 : i32
    return %c0_i32, %c0_i32_0 : i32, i32
  }
  func.func @transform_11(%arg0: i32) -> (i32, i32) {
    %c0_i32 = arith.constant 0 : i32
    %c0_i32_0 = arith.constant 0 : i32
    %c0_i32_1 = arith.constant 0 : i32
    return %c0_i32, %c0_i32_0 : i32, i32
  }
  func.func @transform_12(%arg0: i32) -> (i32, i32) {
    %c0_i32 = arith.constant 0 : i32
    %c0_i32_0 = arith.constant 0 : i32
    %c0_i32_1 = arith.constant 0 : i32
    return %c0_i32, %c0_i32_0 : i32, i32
  }
  func.func @transform_13(%arg0: i32) -> (i32, i32) {
    %c0_i32 = arith.constant 0 : i32
    %c0_i32_0 = arith.constant 0 : i32
    return %arg0, %c0_i32 : i32, i32
  }
}

</mosaic_0001>

<sc_bundles>
// kernel: kernel.10.cloned.1.call-start
scs
__scs_entry_jumppad:
0x0: {  	(pc) =	sbr.rel $0x88, $3  }
0x1: {  	(tag) =	ssettag $0x0;
	lr =	simm.s32 $0x1  }
0x2: {  	[smem:$0x3F91] =	sst lr;
	_ =	strace $0xD0000000  }
0x3: {  	_ = 	snop  }
0x4: {  	_ = 	snop  }
0x5: {  	_ = 	snop  }
0x6: {  	_ = 	snop  }
0x7: {  	_ = 	snop  }
__scs_overlays_trampoline_lowered:
0x8: {  	[smem:$0x3FA0] =	sst s0  }
0x9: {  	[smem:$0x3FA1] =	sst s1  }
0xa: {  	[smem:$0x3FA2] =	sst s2  }
0xb: {  	[smem:$0x3FA3] =	sst s3  }
0xc: {  	[smem:$0x3FA4] =	sst s4  }
0xd: {  	[smem:$0x3FA5] =	sst s5  }
0xe: {  	[smem:$0x3FA6] =	sst s6  }
0xf: {  	[smem:$0x3FA7] =	sst s7  }
0x10: {  	[smem:$0x3FA8] =	sst s8  }
0x11: {  	[smem:$0x3FA9] =	sst s9;
	s0 =	simm.s32 @!p0 $0x0  }
0x12: {  	s1 =	sld [smem:$0x3F8F];
	s0 =	simm.s32 @p0 $0x1  }
0x13: {  	[smem:$0x3FAA] =	sst s0;
	s0 =	simm.s32 @!p1 $0x0  }
0x14: {  	s2 =	sld [smem:$0x3F8E];
	s0 =	simm.s32 @p1 $0x1  }
0x15: {  	[smem:$0x3FAB] =	sst s0;
	s0 =	simm.s32 @!p2 $0x0  }
0x16: {  	s3 =	sld [smem:$0x3FDB];
	s0 =	simm.s32 @p2 $0x1  }
0x17: {  	s4 =	simm.s32 $0x1BF5;
	[smem:$0x3FAD] =	sst s0  }
0x18: {  	s0 =	sld [smem:$0x3F90];
	_ =	swait.ge [sflag:s4], $0x0  }
0x19: {  	s7 =	sld [smem:$0x3F91]  }
0x1a: {  	s8 =	sadd.s32 $0xFFFFE003, lr  }
0x1b: {  	s9 =	sadd.s32 $0xFFFFFEF7, lr;
	s5 =	simm.s32 $0xFFFFFFFF;
	p2 =	slt.u32 s8, $0xFFFFF086  }
0x1c: {  	p1 =	slt.u32 s9, $0xF7A;
	s5 =	simm.s32 @!p2 $0x0  }
0x1d: {  	s5 =	simm.s32 @p1 $0x1;
	p0 =	seq.s32 s7, s2  }
0x1e: {  	s7 =	smul.u32 @!p0 $0xF7A, s2;
	p2 =	seq.s32 @!p0 s5, $0x0  }
0x1f: {  	s9 =	smul.u32 $0xF7A, s1;
	s8 =	simm.s32 @!p0 $0x1BF5;
	p2 =	por !p2, p0  }
0x20: {  	[sflag:s8] =	ssyncset.s32 @!p0 $0xFFFFF086;
	s6 =	sadd.s32 @!p0 s3, s7;
	s7 =	simm.s32 @!p0 $0x108  }
0x21: {  	s3 =	sadd.s32 s3, s9;
	s6 =	sadd.s32 @!p0 $0x88, s6;
	s7 =	simm.s32 @p2 $0x1082  }
0x22: {  	[simem:s7], [sflag:s8] =	dma.local @!p0 [hbm:s6], $0xF7A  }
0x23: {  	s9 =	sor.u32 $0xD0000000, s2;
	s6 =	simm.s32 $0x108;
	_ =	swait.ge @!p0 [sflag:s8], $0x0  }
0x24: {  	s3 =	sadd.s32 $0x88, s3;
	s6 =	simm.s32 @!p1 $0x1082;
	[sflag:s4] =	ssyncset.s32 $0xFFFFF086  }
0x25: {  	[simem:s6], [sflag:s4] =	dma.local [hbm:s3], $0xF7A  }
0x26: {  	[smem:$0x3F91] =	sst s1;
	(tag) =	ssettag s2;
	_ =	strace s9  }
0x27: {  	s1 =	sld [smem:$0x3FA1]  }
0x28: {  	s2 =	sld [smem:$0x3FA2]  }
0x29: {  	s4 =	sld [smem:$0x3FA4]  }
0x2a: {  	p0 =	seq.s32 s5, $0x0;
	s5 =	sld [smem:$0x3FA5]  }
0x2b: {  	s6 =	sld [smem:$0x3FA6]  }
0x2c: {  	s7 =	sld [smem:$0x3FA7]  }
0x2d: {  	s3 =	simm.s32 $0x108;
	s8 =	sld [smem:$0x3FA8]  }
0x2e: {  	s3 =	simm.s32 @!p0 $0x1082;
	s9 =	sld [smem:$0x3FA9]  }
0x2f: {  	lr =	sadd.s32 s0, s3;
	s0 =	sld [smem:$0x3FA0]  }
0x30: {  	s3 =	sld [smem:$0x3FA3]  }
0x31: {  	[smem:$0x3FAC] =	sst s10  }
0x32: {  	s10 =	sld [smem:$0x3FAA];
	_ =	sdelay $0x3  }
0x33: {  	p0 =	seq.s32 s10, $0x1;
	s10 =	sld [smem:$0x3FAC];
	_ =	sdelay $0x3  }
0x34: {  	[smem:$0x3FAC] =	sst s10  }
0x35: {  	s10 =	sld [smem:$0x3FAB];
	_ =	sdelay $0x3  }
0x36: {  	p1 =	seq.s32 s10, $0x1;
	s10 =	sld [smem:$0x3FAC];
	_ =	sdelay $0x3  }
0x37: {  	[smem:$0x3FAC] =	sst s10  }
0x38: {  	s10 =	sld [smem:$0x3FAD]  }
0x39: {  	_ = 	snop;
	(pc) =	sbr.ind lr, $3  }
0x3a: {  	_ = 	snop  }
0x3b: {  	_ = 	snop  }
0x3c: {  	p2 =	seq.s32 s10, $0x1;
	s10 =	sld [smem:$0x3FAC]  }
0x3d: {  	_ =	shalt  }
0x3e: {  	_ =	shalt  }
0x3f: {  	_ =	shalt  }
0x40: {  	_ =	shalt  }
0x41: {  	_ =	shalt  }
0x42: {  	_ =	shalt  }
0x43: {  	_ =	shalt  }
0x44: {  	_ =	shalt  }
0x45: {  	_ =	shalt  }
0x46: {  	_ =	shalt  }
0x47: {  	_ =	shalt  }
0x48: {  	_ =	shalt  }
0x49: {  	_ =	shalt  }
0x4a: {  	_ =	shalt  }
0x4b: {  	_ =	shalt  }
0x4c: {  	_ =	shalt  }
0x4d: {  	_ =	shalt  }
0x4e: {  	_ =	shalt  }
0x4f: {  	_ =	shalt  }
0x50: {  	_ =	shalt  }
0x51: {  	_ =	shalt  }
0x52: {  	_ =	shalt  }
0x53: {  	_ =	shalt  }
0x54: {  	_ =	shalt  }
0x55: {  	_ =	shalt  }
0x56: {  	_ =	shalt  }
0x57: {  	_ =	shalt  }
0x58: {  	_ =	shalt  }
0x59: {  	_ =	shalt  }
0x5a: {  	_ =	shalt  }
0x5b: {  	_ =	shalt  }
0x5c: {  	_ =	shalt  }
0x5d: {  	_ =	shalt  }
0x5e: {  	_ =	shalt  }
0x5f: {  	_ =	shalt  }
0x60: {  	_ =	shalt  }
0x61: {  	_ =	shalt  }
0x62: {  	_ =	shalt  }
0x63: {  	_ =	shalt  }
0x64: {  	_ =	shalt  }
0x65: {  	_ =	shalt  }
0x66: {  	_ =	shalt  }
0x67: {  	_ =	shalt  }
0x68: {  	_ =	shalt  }
0x69: {  	_ =	shalt  }
0x6a: {  	_ =	shalt  }
0x6b: {  	_ =	shalt  }
0x6c: {  	_ =	shalt  }
0x6d: {  	_ =	shalt  }
0x6e: {  	_ =	shalt  }
0x6f: {  	_ =	shalt  }
0x70: {  	_ =	shalt  }
0x71: {  	_ =	shalt  }
0x72: {  	_ =	shalt  }
0x73: {  	_ =	shalt  }
0x74: {  	_ =	shalt  }
0x75: {  	_ =	shalt  }
0x76: {  	_ =	shalt  }
0x77: {  	_ =	shalt  }
0x78: {  	_ =	shalt  }
0x79: {  	_ =	shalt  }
0x7a: {  	_ =	shalt  }
0x7b: {  	_ =	shalt  }
0x7c: {  	_ =	shalt  }
0x7d: {  	_ =	shalt  }
0x7e: {  	_ =	shalt  }
0x7f: {  	_ =	shalt  }
0x80: {  	_ =	shalt  }
0x81: {  	_ =	shalt  }
0x82: {  	_ =	shalt  }
0x83: {  	_ =	shalt  }
0x84: {  	_ =	shalt  }
0x85: {  	_ =	shalt  }
0x86: {  	_ =	shalt  }
0x87: {  	_ =	shalt  }
.Lfunc_end0:
.L_simem_size_0:
called_computation.1_lowered:
.L_overlay_start_0:
0x88: {  	s2 =	sld [smem:$0x3FD9]  }
0x89: {  	s3 =	sld [smem:$0x3FFE];
	_ =	sdelay $0x1  }
0x8a: {  	s1 =	srdreg.scid  }
0x8b: {  	s0 =	sand.u32 $0x1, s1  }
0x8c: {  	s17 =	sshll.u32 s0, $0xA;
	s2 =	sadd.s32 s3, s2  }
0x8d: {  	s2 =	sadd.s32 s2, s17  }
0x8e: {  	[smem:$0x3FB8] =	sst s2  }
0x8f: {  	_ = 	snop  }
0x90: {  	s2 =	sld [smem:$0x3FD0];
	(tm) =	ssettm $0x1  }
0x91: {  	s18 =	sld [smem:$0x3FFB];
	_ =	sdelay $0x3  }
0x92: {  	_ =	strace s18  }
0x93: {  	s3 =	sld [smem:$0x3FFC];
	_ =	sdelay $0x3  }
0x94: {  	_ =	strace s3  }
0x95: {  	s3 =	sld [smem:$0x3FFD];
	_ =	sdelay $0x3  }
0x96: {  	_ =	strace s3  }
0x97: {  	_ =	strace $0x8FFFFFFF  }
0x98: {  	s19 =	sld [smem:$0x3FDB];
	_ =	sdelay $0x1  }
0x99: {  	s4 =	simm.s32 $_scs_section_size  }
0x9a: {  	s5 =	simm.s32 $_size__tile_overlayer_lowered;
	s6 =	simm.s32 $_tile_overlayer_lowered  }
0x9b: {  	s22 =	simm.s32 $0x1BFF;
	s21 =	sshll.u32 s6, $0x1;
	s3 =	sadd.s32 s4, s19  }
0x9c: {  	s7 =	simm.s32 $0x0;
	s20 =	sshll.u32 s5, $0x1;
	s5 =	sadd.s32 s21, s3  }
0x9d: {  	[timem:s7], [sflag:s22] =	dma.local [hbm:s5], s20  }
0x9e: {  	_ =	swait.ge [sflag:s22], s20  }
0x9f: {  	s4 =	ssub.s32 $0x0, s20;
	[sflag:s22] =	ssyncset.done $0x0  }
0xa0: {  	[sflag:s22] =	ssyncadd.s32 s4;
	_ =	sdelay $0x1  }
0xa1: {  	s23 =	simm.s32 $0x1B8B  }
0xa2: {  	_ =	swait.ge [sflag:s23], $0x1  }
0xa3: {  	[sflag:s23] =	ssyncset.done $0x0  }
0xa4: {  	s25 =	simm.s32 $0x1B8E;
	s24 =	sld [smem:$0x3FFE];
	[sflag:s23] =	ssyncadd.s32 $0xFFFFFFFF  }
0xa5: {  	s26 =	simm.s32 $execute0_lowered;
	[smem:$0x3FD2] =	sst s25  }
0xa6: {  	s5 =	sshll.u32 s26, $0x1;
	_ =	strace $0x80000049;
	[dreg:$0x1] =	wrdreg $0xFFFFFFFF  }
0xa7: {  	s28 =	simm.s32 $_size_execute0_lowered;
	s3 =	sadd.s32 s3, s5;
	[dreg:$0x0] =	wrdreg $0x0  }
0xa8: {  	s5 =	sshll.u32 s28, $0x1;
	[dreg:$0x2] =	wrdreg s3  }
0xa9: {  	[dreg:$0x3] =	wrdreg s5  }
0xaa: {  	[dreg:$0x4] =	wrdreg $0xC0  }
0xab: {  	_ =	task [dreg:s7], $0x5FFFF  }
0xac: {  	[dreg:$0x1] =	wrdreg $0xFFFFFFFF  }
0xad: {  	[dreg:$0x0] =	wrdreg $0x60  }
0xae: {  	[dreg:$0x2] =	wrdreg s24  }
0xaf: {  	[dreg:$0x3] =	wrdreg s2  }
0xb0: {  	[dreg:$0x4] =	wrdreg $0x92000  }
0xb1: {  	[dreg:$0x5] =	wrdreg $0x9  }
0xb2: {  	_ =	task.clear_ibuf [dreg:s7], $0x6FFFF;
	_ =	strace $0x90000049  }
0xb3: {  	s29 =	simm.s32 $0x9;
	_ =	strace $0x8000004B  }
0xb4: {  	_ =	swait.ge [sflag:s29], $0x1  }
0xb5: {  	[sflag:s29] =	ssyncadd.s32 $0xFFFFFFFF  }
0xb6: {  	_ =	strace $0x9000004B  }
0xb7: {  	_ =	sfence  }
0xb8: {  	s30 =	sld [smem:$0x0];
	_ =	sdelay $0x2  }
0xb9: {  	s31 =	sshll.u32 s1, $0xD;
	s1 =	sshrl.u32 s1, $0x2  }
0xba: {  	s3 =	sand.u32 $0x4000, s31;
	s1 =	sadd.s32 s1, s30  }
0xbb: {  	s0 =	sor.u32 s3, s0;
	s1 =	sshll.u32 s1, $0x11  }
0xbc: {  	s0 =	sor.u32 s1, s0  }
0xbd: {  	s0 =	sadd.s32 $0x8F2B, s0  }
0xbe: {  	[sflag:s0] =	ssyncadd.remote.s32 $0x1  }
0xbf: {  	_ =	sfence.sel $0xFFFF  }
0xc0: {  	[dreg:$0x0] =	wrdreg $0xFFFFFFFF;
	(pc) =	sbr.abs _section_cstart, $3  }
0xc1: {  	[dreg:$0x1] =	wrdreg $0xFFFFFFFF  }
0xc2: {  	_ =	task.clear_ibuf [dreg:s7], $0x2FFFF;
	_ =	strace $0x9FFFFFFF  }
0xc3: {  	(tm) =	ssettm $0x7FFFFFFF  }
tec
execute0_lowered:
.L_overlay_start_1:
0x0: {  	(tag) =	ssettag $0x1  }
0x1: {  	s0 =	rddreg [dreg:$0x0]  }
0x2: {  	s2 =	rddreg [dreg:$0x1]  }
0x3: {  	s1 =	rddreg [dreg:$0x2];
	s3 =	simm.s32 $0x0;
	s24 =	srdreg.scid  }
0x4: {  	s10 =	stileid.u32;
	s28 =	simm.s32 $0x1;
	s29 =	simm.s32 $0x9100  }
0x5: {  	s30 =	simm.s32 $0x9080;
	s31 =	simm.s32 $0x6800;
	[smem:$0x7FF] =	sst s3  }
0x6: {  	s4 =	sadd.s32 $0x4A00, s0;
	s3 =	sand.u32 $0x1, s24;
	s8 =	smul.u32 $0x50000, s10  }
0x7: {  	s0 =	sadd.s32 $0x54A00, s0;
	s7 =	sshll.u32 s10, $0xB;
	s13 =	smul.u32 $0x14000, s10  }
0x8: {  	_ =	strace $0x8000004A;
	s5 =	ssub.s32 $0x2, s3;
	s9 =	sshll.u32 s3, $0xF  }
0x9: {  	s2 =	sadd.s32 s2, s7;
	s3 =	smul.u32 $0x140000, s3;
	s6 =	sshrl.u32 s5, $0x1  }
0xa: {  	s2 =	sadd.s32 s9, s2;
	s25 =	sshrl.u32 s8, $0x2;
	s26 =	sor.u32 $0x2800, s13  }
0xb: {  	s14 =	sadd.s32 $0x5000, s13;
	s15 =	sadd.s32 $0x7800, s13;
	s16 =	sadd.s32 $0xA000, s13  }
0xc: {  	s19 =	sadd.s32 $0xC800, s13;
	s20 =	sadd.s32 $0xF000, s13;
	s21 =	sadd.s32 $0x11800, s13  }
0xd: {  	s5 =	ssub.s32 s5, s6;
	[dreg:$0x4] =	wrdreg s2;
	s6 =	sadd.s32 s25, s1  }
0xe: {  	s7 =	sadd.s32 s26, s1;
	s8 =	sadd.s32 s14, s1;
	s9 =	sadd.s32 s15, s1  }
0xf: {  	s10 =	sadd.s32 s16, s1;
	s11 =	sadd.s32 s19, s1;
	s12 =	sadd.s32 s20, s1  }
0x10: {  	s17 =	sadd.s32 s13, s3;
	s2 =	sadd.s32 s3, s26;
	s13 =	sadd.s32 s21, s1  }
0x11: {  	s14 =	sadd.s32 s3, s14;
	s18 =	sadd.s32 s3, s16;
	s24 =	sadd.s32 s3, s19  }
0x12: {  	s25 =	sadd.s32 s3, s20;
	s17 =	sshrl.u32 s17, $0x3;
	s2 =	sshrl.u32 s2, $0x3  }
0x13: {  	s23 =	sshrl.u32 s18, $0x3;
	s17 =	sadd.s32 s0, s17;
	s2 =	sadd.s32 s0, s2  }
0x14: {  	s18 =	sadd.s32 s0, s23;
	s23 =	simm.s32 $0x5;
	[dreg:$0x5] =	wrdreg s17  }
0x15: {  	[dreg:$0x6] =	wrdreg s2;
	s17 =	sadd.s32 s3, s15;
	s2 =	sshrl.u32 s14, $0x3  }
0x16: {  	s3 =	sadd.s32 s3, s21;
	s14 =	sshrl.u32 s17, $0x3;
	s2 =	sadd.s32 s0, s2  }
0x17: {  	s26 =	sshrl.u32 s3, $0x3;
	s3 =	simm.s32 $0x3;
	[dreg:$0x7] =	wrdreg s2  }
0x18: {  	s22 =	sadd.s32 s0, s14;
	s2 =	sshrl.u32 s24, $0x3;
	s14 =	sshrl.u32 s25, $0x3  }
0x19: {  	s21 =	sadd.s32 s0, s26;
	s24 =	simm.s32 $0x4000;
	s25 =	simm.s32 $0x50  }
0x1a: {  	s26 =	simm.s32 $0x9000;
	[dreg:$0x8] =	wrdreg s22;
	s19 =	sadd.s32 s0, s2  }
0x1b: {  	s20 =	sadd.s32 s0, s14;
	s22 =	smax.u32 s5, $0x1;
	s0 =	simm.s32 $0x2  }
0x1c: {  	v0 =	vimm.f32 $0.0e+00;
	s2 =	simm.s32 $0x9180;
	s5 =	simm.s32 $0x4;
	s14 =	simm.s32 $0x0  }
.LBB2_1:
0x1d: {  	s15 =	simm.s32 $0x0;
	s16 =	simm.s32 $0x200  }
.LBB2_2:
0x1e: {  	p0 =	sne.s32 s16, $0x9E00;
	[tilespmem:s15+$0x4070] =	vst v0  }
0x1f: {  	[tilespmem:s15+$0x4000] =	vst v0  }
0x20: {  	[tilespmem:s15+$0x4010] =	vst v0  }
.Ltmp0:
0x21: {  	[tilespmem:s15+$0x4020] =	vst v0;
	(pc) =	sbr.rel @p0 .LBB2_2-.Ltmp0, $4  }
0x22: {  	[tilespmem:s15+$0x4030] =	vst v0  }
0x23: {  	[tilespmem:s15+$0x4040] =	vst v0  }
0x24: {  	[tilespmem:s15+$0x4050] =	vst v0  }
0x25: {  	[tilespmem:s15+$0x4060] =	vst v0;
	s15 =	sshra.s32 s16, $0x2;
	s16 =	sadd.s32 $0x200, s16  }
0x26: {  	[tilespmem:s15+$0x4070] =	vst v0  }
0x27: {  	[tilespmem:s15+$0x4000] =	vst v0  }
0x28: {  	[tilespmem:s15+$0x4010] =	vst v0  }
0x29: {  	[tilespmem:s15+$0x4020] =	vst v0  }
0x2a: {  	[tilespmem:s15+$0x4030] =	vst v0  }
0x2b: {  	[tilespmem:s15+$0x4040] =	vst v0  }
0x2c: {  	[tilespmem:s15+$0x4050] =	vst v0  }
0x2d: {  	[tilespmem:s15+$0x4060] =	vst v0;
	s17 =	simm.s32 $0x0;
	s16 =	rddreg [dreg:$0x4]  }
0x2e: {  	[tilespmem:s17], [sflag:$0x5] =	stream.linear.gather [hbm4b:s16+s17], $0x3E80, $0x38;
	[tilespmem:$0x1D200] =	vst v63  }
0x2f: {  	_ =	swait.ge [sflag:s23], $0x3E80  }
0x30: {  	[sflag:s23] =	ssyncset.done $0x0  }
0x31: {  	[sflag:s23] =	ssyncadd.s32 $0xFFFFC180  }
0x32: {  	[spmem:s6] =	stream.linear.scatter [tilespmem:s24], [sflag:$0x5], $0x2800, $0x38;
	[tilespmem:$0x1D200] =	vst v63  }
0x33: {  	_ =	swait.ge [sflag:s23], $0x2800  }
0x34: {  	[sflag:s23] =	ssyncset.done $0x0  }
0x35: {  	[sflag:s23] =	ssyncadd.s32 $0xFFFFD800  }
0x36: {  	[spmem:s7] =	stream.linear.scatter [tilespmem:s24], [sflag:$0x5], $0x2800, $0x38;
	[tilespmem:$0x1D200] =	vst v63  }
0x37: {  	_ =	swait.ge [sflag:s23], $0x2800  }
0x38: {  	[sflag:s23] =	ssyncset.done $0x0  }
0x39: {  	[sflag:s23] =	ssyncadd.s32 $0xFFFFD800  }
0x3a: {  	[spmem:s8] =	stream.linear.scatter [tilespmem:s24], [sflag:$0x5], $0x2800, $0x38;
	[tilespmem:$0x1D200] =	vst v63  }
0x3b: {  	_ =	swait.ge [sflag:s23], $0x2800  }
0x3c: {  	[sflag:s23] =	ssyncset.done $0x0  }
0x3d: {  	[sflag:s23] =	ssyncadd.s32 $0xFFFFD800  }
0x3e: {  	[spmem:s9] =	stream.linear.scatter [tilespmem:s24], [sflag:$0x5], $0x2800, $0x38;
	[tilespmem:$0x1D200] =	vst v63  }
0x3f: {  	_ =	swait.ge [sflag:s23], $0x2800  }
0x40: {  	[sflag:s23] =	ssyncset.done $0x0  }
0x41: {  	[sflag:s23] =	ssyncadd.s32 $0xFFFFD800  }
0x42: {  	[spmem:s10] =	stream.linear.scatter [tilespmem:s24], [sflag:$0x5], $0x2800, $0x38;
	[tilespmem:$0x1D200] =	vst v63  }
0x43: {  	_ =	swait.ge [sflag:s23], $0x2800  }
0x44: {  	[sflag:s23] =	ssyncset.done $0x0  }
0x45: {  	[sflag:s23] =	ssyncadd.s32 $0xFFFFD800  }
0x46: {  	[spmem:s11] =	stream.linear.scatter [tilespmem:s24], [sflag:$0x5], $0x2800, $0x38;
	[tilespmem:$0x1D200] =	vst v63  }
0x47: {  	_ =	swait.ge [sflag:s23], $0x2800  }
0x48: {  	[sflag:s23] =	ssyncset.done $0x0  }
0x49: {  	[sflag:s23] =	ssyncadd.s32 $0xFFFFD800  }
0x4a: {  	[spmem:s12] =	stream.linear.scatter [tilespmem:s24], [sflag:$0x5], $0x2800, $0x38;
	[tilespmem:$0x1D200] =	vst v63  }
0x4b: {  	_ =	swait.ge [sflag:s23], $0x2800  }
0x4c: {  	[sflag:s23] =	ssyncset.done $0x0  }
0x4d: {  	[sflag:s23] =	ssyncadd.s32 $0xFFFFD800  }
0x4e: {  	[spmem:s13] =	stream.linear.scatter [tilespmem:s24], [sflag:$0x5], $0x2800, $0x38;
	[tilespmem:$0x1D200] =	vst v63  }
0x4f: {  	_ =	swait.ge [sflag:s23], $0x2800  }
0x50: {  	[sflag:s23] =	ssyncset.done $0x0  }
0x51: {  	[sflag:s23] =	ssyncadd.s32 $0xFFFFD800  }
0x52: {  	[bflag:$0x0] =	sbarrier.arrive $0xFFFF  }
0x53: {  	v1 =	vld [tilespmem:$0x0];
	_ =	sdelay $0x1  }
0x54: {  	v2 =	vld [tilespmem:$0x10];
	_ =	sdelay $0x1  }
0x55: {  	v3 =	vld [tilespmem:$0x20]  }
0x56: {  	v4 =	vand.u32 $0xFFFF, v1  }
0x57: {  	v61 =	vld [tilespmem:$0x30];
	v1 =	vshrl.u32 v1, $0x10;
	[tilespmem:$0x9000] =	vst v4  }
0x58: {  	[tilespmem:$0x9100] =	vst v1;
	v1 =	vand.u32 $0xFFFF, v2  }
0x59: {  	v2 =	vshrl.u32 v2, $0x10;
	[tilespmem:$0x9010] =	vst v1;
	v1 =	vld [tilespmem:$0x40]  }
0x5a: {  	[tilespmem:$0x9110] =	vst v2;
	v2 =	vand.u32 $0xFFFF, v3  }
0x5b: {  	v3 =	vshrl.u32 v3, $0x10;
	[tilespmem:$0x9020] =	vst v2  }
0x5c: {  	[tilespmem:$0x9120] =	vst v3;
	v2 =	vand.u32 $0xFFFF, v61  }
0x5d: {  	v3 =	vshrl.u32 v61, $0x10;
	[tilespmem:$0x9030] =	vst v2  }
0x5e: {  	[tilespmem:$0x9130] =	vst v3;
	v2 =	vand.u32 $0xFFFF, v1  }
0x5f: {  	v1 =	vshrl.u32 v1, $0x10;
	[tilespmem:$0x9040] =	vst v2  }
0x60: {  	[tilespmem:$0x9140] =	vst v1  }
0x61: {  	[tilespmem:s24], [sflag:$0x1] =	stream.indirect.gather [hbm4b:s4+s25], $0x80, s26, s25, $0xb8;
	[tilespmem:$0x1D200] =	vst v63  }
0x62: {  	_ =	swait.ge [sflag:s28], $0x2800  }
0x63: {  	[sflag:s28] =	ssyncset.done $0x0  }
0x64: {  	[sflag:s28] =	ssyncadd.s32 $0xFFFFD800  }
0x65: {  	[spmem:s1] =	stream.indirect.scatter.add.f32 [tilespmem:s24], [sflag:$0x3], $0x80, s29, s25, $0xb8;
	[tilespmem:$0x1D200] =	vst v63  }
0x66: {  	v1 =	vld [tilespmem:$0x80];
	_ =	sdelay $0x1  }
0x67: {  	v2 =	vld [tilespmem:$0x90];
	_ =	sdelay $0x1  }
0x68: {  	v3 =	vld [tilespmem:$0xA0]  }
0x69: {  	v62 =	vand.u32 $0xFFFF, v1  }
0x6a: {  	v63 =	vld [tilespmem:$0xB0];
	v1 =	vshrl.u32 v1, $0x10;
	[tilespmem:$0x9080] =	vst v62  }
0x6b: {  	[tilespmem:$0x9180] =	vst v1;
	v1 =	vand.u32 $0xFFFF, v2  }
0x6c: {  	v2 =	vshrl.u32 v2, $0x10;
	[tilespmem:$0x9090] =	vst v1;
	v1 =	vld [tilespmem:$0xC0]  }
0x6d: {  	[tilespmem:$0x9190] =	vst v2;
	v2 =	vand.u32 $0xFFFF, v3  }
0x6e: {  	[tilespmem:$0x90A0] =	vst v2;
	v2 =	vshrl.u32 v3, $0x10  }
0x6f: {  	[tilespmem:$0x91A0] =	vst v2;
	v2 =	vand.u32 $0xFFFF, v63  }
0x70: {  	[tilespmem:$0x90B0] =	vst v2;
	v2 =	vshrl.u32 v63, $0x10  }
0x71: {  	[tilespmem:$0x91B0] =	vst v2;
	v2 =	vand.u32 $0xFFFF, v1  }
0x72: {  	v1 =	vshrl.u32 v1, $0x10;
	[tilespmem:$0x90C0] =	vst v2  }
0x73: {  	[tilespmem:$0x91C0] =	vst v1  }
0x74: {  	[tilespmem:s31], [sflag:$0x2] =	stream.indirect.gather [hbm4b:s4+s25], $0x80, s30, s25, $0xb8;
	[tilespmem:$0x1D200] =	vst v63  }
0x75: {  	_ =	swait.ge [sflag:s0], $0x2800  }
0x76: {  	[sflag:s0] =	ssyncset.done $0x0  }
0x77: {  	[sflag:s0] =	ssyncadd.s32 $0xFFFFD800  }
0x78: {  	[spmem:s1] =	stream.indirect.scatter.add.f32 [tilespmem:s31], [sflag:$0x4], $0x80, s2, s25, $0xb8;
	[tilespmem:$0x1D200] =	vst v63  }
0x79: {  	_ =	swait.ge [sflag:s3], $0x2800  }
0x7a: {  	[sflag:s3] =	ssyncset.done $0x0  }
0x7b: {  	s15 =	simm.s32 $0x1C0;
	[sflag:s3] =	ssyncadd.s32 $0xFFFFD800  }
0x7c: {  	v1 =	vld [tilespmem:s15+$0xFFFFFF40];
	_ =	sdelay $0x4  }
0x7d: {  	v2 =	vand.u32 $0xFFFF, v1  }
0x7e: {  	v1 =	vshrl.u32 v1, $0x10;
	[tilespmem:$0x9000] =	vst v2  }
0x7f: {  	[tilespmem:$0x9100] =	vst v1  }
0x80: {  	v1 =	vld [tilespmem:s15+$0xFFFFFF50];
	_ =	sdelay $0x4  }
0x81: {  	v2 =	vand.u32 $0xFFFF, v1  }
0x82: {  	v1 =	vshrl.u32 v1, $0x10;
	[tilespmem:$0x9010] =	vst v2  }
0x83: {  	[tilespmem:$0x9110] =	vst v1  }
0x84: {  	v1 =	vld [tilespmem:s15+$0xFFFFFF60];
	_ =	sdelay $0x4  }
0x85: {  	v2 =	vand.u32 $0xFFFF, v1  }
0x86: {  	v1 =	vshrl.u32 v1, $0x10;
	[tilespmem:$0x9020] =	vst v2  }
0x87: {  	[tilespmem:$0x9120] =	vst v1  }
0x88: {  	v1 =	vld [tilespmem:s15+$0xFFFFFF70];
	_ =	sdelay $0x4  }
0x89: {  	v2 =	vand.u32 $0xFFFF, v1  }
0x8a: {  	v1 =	vshrl.u32 v1, $0x10;
	[tilespmem:$0x9030] =	vst v2  }
0x8b: {  	[tilespmem:$0x9130] =	vst v1  }
0x8c: {  	v1 =	vld [tilespmem:s15+$0xFFFFFF80];
	_ =	sdelay $0x4  }
0x8d: {  	v2 =	vand.u32 $0xFFFF, v1  }
0x8e: {  	v1 =	vshrl.u32 v1, $0x10;
	[tilespmem:$0x9040] =	vst v2  }
0x8f: {  	[tilespmem:$0x9140] =	vst v1  }
0x90: {  	[tilespmem:s24], [sflag:$0x1] =	stream.indirect.gather [hbm4b:s4+s25], $0x80, s26, s25, $0xb8;
	[tilespmem:$0x1D200] =	vst v63  }
0x91: {  	_ =	swait.ge [sflag:s28], $0x2800  }
0x92: {  	[sflag:s28] =	ssyncset.done $0x0  }
0x93: {  	[sflag:s28] =	ssyncadd.s32 $0xFFFFD800  }
0x94: {  	[spmem:s1] =	stream.indirect.scatter.add.f32 [tilespmem:s24], [sflag:$0x3], $0x80, s29, s25, $0xb8;
	[tilespmem:$0x1D200] =	vst v63  }
0x95: {  	_ =	swait.ge [sflag:s5], $0x2800  }
0x96: {  	[sflag:s5] =	ssyncset.done $0x0  }
0x97: {  	[sflag:s5] =	ssyncadd.s32 $0xFFFFD800  }
0x98: {  	v1 =	vld [tilespmem:s15+$0xFFFFFFC0];
	_ =	sdelay $0x4  }
0x99: {  	v2 =	vand.u32 $0xFFFF, v1  }
0x9a: {  	v1 =	vshrl.u32 v1, $0x10;
	[tilespmem:$0x9080] =	vst v2  }
0x9b: {  	[tilespmem:$0x9180] =	vst v1  }
0x9c: {  	v1 =	vld [tilespmem:s15+$0xFFFFFFD0];
	_ =	sdelay $0x4  }
0x9d: {  	v2 =	vand.u32 $0xFFFF, v1  }
0x9e: {  	v1 =	vshrl.u32 v1, $0x10;
	[tilespmem:$0x9090] =	vst v2  }
0x9f: {  	[tilespmem:$0x9190] =	vst v1  }
0xa0: {  	v1 =	vld [tilespmem:s15+$0xFFFFFFE0];
	_ =	sdelay $0x4  }
0xa1: {  	v2 =	vand.u32 $0xFFFF, v1  }
0xa2: {  	v1 =	vshrl.u32 v1, $0x10;
	[tilespmem:$0x90A0] =	vst v2  }
0xa3: {  	[tilespmem:$0x91A0] =	vst v1  }
0xa4: {  	v2 =	vld [tilespmem:s15+$0xFFFFFFF0];
	_ =	sdelay $0x4  }
0xa5: {  	s16 =	simm.s32 $0xB00;
	v1 =	vshrl.u32 v2, $0x10;
	v2 =	vand.u32 $0xFFFF, v2  }
.LBB2_4:
0xa6: {  	p0 =	sne.s32 s16, $0xF700;
	[tilespmem:$0x90B0] =	vst v2;
	s17 =	smov.u32 s16;
	s16 =	sadd.s32 $0x400, s16  }
0xa7: {  	[tilespmem:$0x91B0] =	vst v1  }
0xa8: {  	v1 =	vld [tilespmem:s15+$0x0];
	_ =	sdelay $0x4  }
0xa9: {  	v2 =	vshrl.u32 v1, $0x10;
	v1 =	vand.u32 $0xFFFF, v1  }
0xaa: {  	[tilespmem:$0x90C0] =	vst v1  }
0xab: {  	[tilespmem:$0x91C0] =	vst v2  }
0xac: {  	[tilespmem:s31], [sflag:$0x2] =	stream.indirect.gather [hbm4b:s4+s25], $0x80, s30, s25, $0xb8;
	[tilespmem:$0x1D200] =	vst v63  }
0xad: {  	_ =	swait.ge [sflag:s0], $0x2800  }
0xae: {  	[sflag:s0] =	ssyncset.done $0x0  }
0xaf: {  	[sflag:s0] =	ssyncadd.s32 $0xFFFFD800  }
0xb0: {  	[spmem:s1] =	stream.indirect.scatter.add.f32 [tilespmem:s31], [sflag:$0x4], $0x80, s2, s25, $0xb8;
	[tilespmem:$0x1D200] =	vst v63  }
0xb1: {  	_ =	swait.ge [sflag:s3], $0x2800  }
0xb2: {  	[sflag:s3] =	ssyncset.done $0x0  }
0xb3: {  	s15 =	sshra.s32 s17, $0x2;
	[sflag:s3] =	ssyncadd.s32 $0xFFFFD800  }
0xb4: {  	v1 =	vld [tilespmem:s15+$0xFFFFFF40];
	_ =	sdelay $0x4  }
0xb5: {  	v2 =	vshrl.u32 v1, $0x10;
	v1 =	vand.u32 $0xFFFF, v1  }
0xb6: {  	[tilespmem:$0x9000] =	vst v1  }
0xb7: {  	[tilespmem:$0x9100] =	vst v2  }
0xb8: {  	v1 =	vld [tilespmem:s15+$0xFFFFFF50];
	_ =	sdelay $0x4  }
0xb9: {  	v2 =	vshrl.u32 v1, $0x10;
	v1 =	vand.u32 $0xFFFF, v1  }
0xba: {  	[tilespmem:$0x9010] =	vst v1  }
0xbb: {  	[tilespmem:$0x9110] =	vst v2  }
0xbc: {  	v1 =	vld [tilespmem:s15+$0xFFFFFF60];
	_ =	sdelay $0x4  }
0xbd: {  	v2 =	vshrl.u32 v1, $0x10;
	v1 =	vand.u32 $0xFFFF, v1  }
0xbe: {  	[tilespmem:$0x9020] =	vst v1  }
0xbf: {  	[tilespmem:$0x9120] =	vst v2  }
0xc0: {  	v1 =	vld [tilespmem:s15+$0xFFFFFF70];
	_ =	sdelay $0x4  }
0xc1: {  	v2 =	vshrl.u32 v1, $0x10;
	v1 =	vand.u32 $0xFFFF, v1  }
0xc2: {  	[tilespmem:$0x9030] =	vst v1  }
0xc3: {  	[tilespmem:$0x9130] =	vst v2  }
0xc4: {  	v1 =	vld [tilespmem:s15+$0xFFFFFF80];
	_ =	sdelay $0x4  }
0xc5: {  	v2 =	vshrl.u32 v1, $0x10;
	v1 =	vand.u32 $0xFFFF, v1  }
0xc6: {  	[tilespmem:$0x9040] =	vst v1  }
0xc7: {  	[tilespmem:$0x9140] =	vst v2  }
0xc8: {  	[tilespmem:s24], [sflag:$0x1] =	stream.indirect.gather [hbm4b:s4+s25], $0x80, s26, s25, $0xb8;
	[tilespmem:$0x1D200] =	vst v63  }
0xc9: {  	_ =	swait.ge [sflag:s28], $0x2800  }
0xca: {  	[sflag:s28] =	ssyncset.done $0x0  }
0xcb: {  	[sflag:s28] =	ssyncadd.s32 $0xFFFFD800  }
0xcc: {  	[spmem:s1] =	stream.indirect.scatter.add.f32 [tilespmem:s24], [sflag:$0x3], $0x80, s29, s25, $0xb8;
	[tilespmem:$0x1D200] =	vst v63  }
0xcd: {  	_ =	swait.ge [sflag:s5], $0x2800  }
0xce: {  	[sflag:s5] =	ssyncset.done $0x0  }
0xcf: {  	[sflag:s5] =	ssyncadd.s32 $0xFFFFD800  }
0xd0: {  	v1 =	vld [tilespmem:s15+$0xFFFFFFC0];
	_ =	sdelay $0x4  }
0xd1: {  	v2 =	vshrl.u32 v1, $0x10;
	v1 =	vand.u32 $0xFFFF, v1  }
0xd2: {  	[tilespmem:$0x9080] =	vst v1  }
0xd3: {  	[tilespmem:$0x9180] =	vst v2  }
0xd4: {  	v1 =	vld [tilespmem:s15+$0xFFFFFFD0];
	_ =	sdelay $0x4  }
0xd5: {  	v2 =	vshrl.u32 v1, $0x10;
	v1 =	vand.u32 $0xFFFF, v1  }
0xd6: {  	[tilespmem:$0x9090] =	vst v1  }
0xd7: {  	[tilespmem:$0x9190] =	vst v2  }
0xd8: {  	v1 =	vld [tilespmem:s15+$0xFFFFFFE0];
	_ =	sdelay $0x4  }
0xd9: {  	v2 =	vshrl.u32 v1, $0x10;
	v1 =	vand.u32 $0xFFFF, v1  }
0xda: {  	[tilespmem:$0x90A0] =	vst v1  }
0xdb: {  	[tilespmem:$0x91A0] =	vst v2  }
0xdc: {  	v2 =	vld [tilespmem:s15+$0xFFFFFFF0]  }
.Ltmp1:
0xdd: {  	(pc) =	sbr.rel @p0 .LBB2_4-.Ltmp1, $2  }
0xde: {  	_ =	sdelay $0x2  }
0xdf: {  	v1 =	vshrl.u32 v2, $0x10;
	v2 =	vand.u32 $0xFFFF, v2  }
0xe0: {  	[tilespmem:$0x90B0] =	vst v2  }
0xe1: {  	[tilespmem:$0x91B0] =	vst v1  }
0xe2: {  	v1 =	vld [tilespmem:s15+$0x0];
	_ =	sdelay $0x4  }
0xe3: {  	v2 =	vand.u32 $0xFFFF, v1  }
0xe4: {  	v1 =	vshrl.u32 v1, $0x10;
	[tilespmem:$0x90C0] =	vst v2  }
0xe5: {  	[tilespmem:$0x91C0] =	vst v1  }
0xe6: {  	[tilespmem:s31], [sflag:$0x2] =	stream.indirect.gather [hbm4b:s4+s25], $0x80, s30, s25, $0xb8;
	[tilespmem:$0x1D200] =	vst v63  }
0xe7: {  	_ =	swait.ge [sflag:s0], $0x2800  }
0xe8: {  	[sflag:s0] =	ssyncset.done $0x0  }
0xe9: {  	[sflag:s0] =	ssyncadd.s32 $0xFFFFD800  }
0xea: {  	[spmem:s1] =	stream.indirect.scatter.add.f32 [tilespmem:s31], [sflag:$0x4], $0x80, s2, s25, $0xb8;
	[tilespmem:$0x1D200] =	vst v63  }
0xeb: {  	_ =	swait.ge [sflag:s3], $0x2800  }
0xec: {  	[sflag:s3] =	ssyncset.done $0x0  }
0xed: {  	[sflag:s3] =	ssyncadd.s32 $0xFFFFD800  }
0xee: {  	v1 =	vld [tilespmem:$0x3E00];
	_ =	sdelay $0x1  }
0xef: {  	v2 =	vld [tilespmem:$0x3E10];
	_ =	sdelay $0x1  }
0xf0: {  	v3 =	vld [tilespmem:$0x3E20]  }
0xf1: {  	v4 =	vand.u32 $0xFFFF, v1  }
0xf2: {  	v63 =	vld [tilespmem:$0x3E30];
	v1 =	vshrl.u32 v1, $0x10;
	[tilespmem:$0x9000] =	vst v4  }
0xf3: {  	[tilespmem:$0x9100] =	vst v1;
	v1 =	vand.u32 $0xFFFF, v2  }
0xf4: {  	v2 =	vshrl.u32 v2, $0x10;
	[tilespmem:$0x9010] =	vst v1;
	v1 =	vld [tilespmem:$0x3E40]  }
0xf5: {  	[tilespmem:$0x9110] =	vst v2;
	v2 =	vand.u32 $0xFFFF, v3  }
0xf6: {  	[tilespmem:$0x9020] =	vst v2;
	v2 =	vshrl.u32 v3, $0x10  }
0xf7: {  	[tilespmem:$0x9120] =	vst v2;
	v2 =	vand.u32 $0xFFFF, v63  }
0xf8: {  	[tilespmem:$0x9030] =	vst v2;
	v2 =	vshrl.u32 v63, $0x10  }
0xf9: {  	[tilespmem:$0x9130] =	vst v2;
	v2 =	vand.u32 $0xFFFF, v1  }
0xfa: {  	v1 =	vshrl.u32 v1, $0x10;
	[tilespmem:$0x9040] =	vst v2  }
0xfb: {  	[tilespmem:$0x9140] =	vst v1  }
0xfc: {  	[tilespmem:s24], [sflag:$0x1] =	stream.indirect.gather [hbm4b:s4+s25], $0x80, s26, s25, $0xb8;
	[tilespmem:$0x1D200] =	vst v63  }
0xfd: {  	_ =	swait.ge [sflag:s28], $0x2800  }
0xfe: {  	[sflag:s28] =	ssyncset.done $0x0  }
0xff: {  	[sflag:s28] =	ssyncadd.s32 $0xFFFFD800  }
0x100: {  	[spmem:s1] =	stream.indirect.scatter.add.f32 [tilespmem:s24], [sflag:$0x3], $0x80, s29, s25, $0xb8;
	[tilespmem:$0x1D200] =	vst v63  }
0x101: {  	_ =	swait.ge [sflag:s5], $0x2800  }
0x102: {  	[sflag:s5] =	ssyncset.done $0x0  }
0x103: {  	[sflag:s5] =	ssyncadd.s32 $0xFFFFD800  }
0x104: {  	_ =	swait.ge [sflag:s3], $0x2800  }
0x105: {  	[sflag:s3] =	ssyncset.done $0x0  }
0x106: {  	s16 =	stileid.u32;
	[sflag:s3] =	ssyncadd.s32 $0xFFFFD800  }
0x107: {  	s15 =	sshll.u32 s16, $0x6;
	[bflag:$0x0] =	sbarrier.arrive $0xFFFF  }
0x108: {  	s16 =	sshrl.u32 s6, $0x3;
	s15 =	sor.u32 $0x1C05, s15;
	s17 =	rddreg [dreg:$0x5]  }
0x109: {  	[hbm:s17], [sflag:s15] =	dma.local [spmem:s16], $0x500  }
0x10a: {  	_ =	swait.ge [sflag:s23], $0x500  }
0x10b: {  	[sflag:s23] =	ssyncset.done $0x0  }
0x10c: {  	s16 =	sshrl.u32 s7, $0x3;
	s17 =	rddreg [dreg:$0x6];
	[sflag:s23] =	ssyncadd.s32 $0xFFFFFB00  }
0x10d: {  	[hbm:s17], [sflag:s15] =	dma.local [spmem:s16], $0x500  }
0x10e: {  	_ =	swait.ge [sflag:s23], $0x500  }
0x10f: {  	[sflag:s23] =	ssyncset.done $0x0  }
0x110: {  	s16 =	sshrl.u32 s8, $0x3;
	s17 =	rddreg [dreg:$0x7];
	[sflag:s23] =	ssyncadd.s32 $0xFFFFFB00  }
0x111: {  	[hbm:s17], [sflag:s15] =	dma.local [spmem:s16], $0x500  }
0x112: {  	_ =	swait.ge [sflag:s23], $0x500  }
0x113: {  	[sflag:s23] =	ssyncset.done $0x0  }
0x114: {  	s16 =	sshrl.u32 s9, $0x3;
	s17 =	rddreg [dreg:$0x8];
	[sflag:s23] =	ssyncadd.s32 $0xFFFFFB00  }
0x115: {  	[hbm:s17], [sflag:s15] =	dma.local [spmem:s16], $0x500  }
0x116: {  	_ =	swait.ge [sflag:s23], $0x500  }
0x117: {  	[sflag:s23] =	ssyncset.done $0x0  }
0x118: {  	s17 =	sshrl.u32 s10, $0x3;
	[sflag:s23] =	ssyncadd.s32 $0xFFFFFB00  }
0x119: {  	[hbm:s18], [sflag:s15] =	dma.local [spmem:s17], $0x500  }
0x11a: {  	_ =	swait.ge [sflag:s23], $0x500  }
0x11b: {  	[sflag:s23] =	ssyncset.done $0x0  }
0x11c: {  	s17 =	sshrl.u32 s11, $0x3;
	[sflag:s23] =	ssyncadd.s32 $0xFFFFFB00  }
0x11d: {  	[hbm:s19], [sflag:s15] =	dma.local [spmem:s17], $0x500  }
0x11e: {  	_ =	swait.ge [sflag:s23], $0x500  }
0x11f: {  	[sflag:s23] =	ssyncset.done $0x0  }
0x120: {  	s17 =	sshrl.u32 s12, $0x3;
	[sflag:s23] =	ssyncadd.s32 $0xFFFFFB00  }
0x121: {  	[hbm:s20], [sflag:s15] =	dma.local [spmem:s17], $0x500  }
0x122: {  	s14 =	sadd.s32 $0x1, s14;
	_ =	swait.ge [sflag:s23], $0x500  }
0x123: {  	p0 =	sne.s32 s14, s22;
	[sflag:s23] =	ssyncset.done $0x0  }
.Ltmp2:
0x124: {  	s17 =	sshrl.u32 s13, $0x3;
	[sflag:s23] =	ssyncadd.s32 $0xFFFFFB00;
	(pc) =	sbr.rel @p0 .LBB2_1-.Ltmp2, $4  }
0x125: {  	[hbm:s21], [sflag:s15] =	dma.local [spmem:s17], $0x500  }
0x126: {  	_ =	swait.ge [sflag:s23], $0x500  }
0x127: {  	[sflag:s23] =	ssyncset.done $0x0  }
0x128: {  	[sflag:s23] =	ssyncadd.s32 $0xFFFFFB00  }
0x129: {  	_ =	sfence.sel $0x180000  }
0x12a: {  	[bflag:$0x0] =	sbarrier.arrive $0xFFFF  }
0x12b: {  	_ =	strace $0x9000004A  }
0x12c: {  	s0 =	stileid.u32;
	[bflag:$0x2] =	sbarrier.arrive $0xFFFF  }
0x12d: {  	p0 =	sne.s32 s0, $0x0;
	s0 =	rddreg [dreg:$0x3]  }
0x12e: {  	s0 =	sadd.s32 @!p0 $0x100000, s0  }
0x12f: {  	[sflag:s0] =	ssyncadd.tile.s32 @!p0 $0x1;
	_ =	shalt  }
.Lfunc_end2:
_tile_overlayer_lowered:
.L_overlay_start_2:
0x130: {  	(tag) =	ssettag $0x2  }
0x131: {  	s0 =	rddreg [dreg:$0x0];
	s2 =	stileid.u32  }
0x132: {  	s1 =	rddreg [dreg:$0x1];
	p0 =	sne.s32 s2, $0x0  }
0x133: {  	s3 =	rddreg [dreg:$0x2];
	[bflag:$0x3] =	sbarrier.arrive $0xFFFF;
	s2 =	simm.s32 @!p0 $0x1C05  }
0x134: {  	[timem:s3], [sflag:s2] =	dma.local @!p0 [hbm:s0], s1  }
0x135: {  	s0 =	simm.s32 @!p0 $0x5  }
0x136: {  	_ =	swait.ge @!p0 [sflag:s0], s1  }
0x137: {  	s1 =	ssub.s32 @!p0 $0x0, s1;
	[sflag:s0] =	ssyncset.done @!p0 $0x0  }
0x138: {  	[sflag:s0] =	ssyncadd.s32 @!p0 s1  }
0x139: {  	[bflag:$0x3] =	sbarrier.arrive $0xFFFF  }
0x13a: {  	_ =	shalt  }

// kernel: kernel.13.cloned.1.call-start
scs
__scs_entry_jumppad:
0x0: {  	(pc) =	sbr.rel $0x88, $3  }
0x1: {  	(tag) =	ssettag $0x0;
	lr =	simm.s32 $0x1  }
0x2: {  	[smem:$0x3F91] =	sst lr;
	_ =	strace $0xD0000000  }
0x3: {  	_ = 	snop  }
0x4: {  	_ = 	snop  }
0x5: {  	_ = 	snop  }
0x6: {  	_ = 	snop  }
0x7: {  	_ = 	snop  }
__scs_overlays_trampoline_lowered:
0x8: {  	[smem:$0x3FA0] =	sst s0  }
0x9: {  	[smem:$0x3FA1] =	sst s1  }
0xa: {  	[smem:$0x3FA2] =	sst s2  }
0xb: {  	[smem:$0x3FA3] =	sst s3  }
0xc: {  	[smem:$0x3FA4] =	sst s4  }
0xd: {  	[smem:$0x3FA5] =	sst s5  }
0xe: {  	[smem:$0x3FA6] =	sst s6  }
0xf: {  	[smem:$0x3FA7] =	sst s7  }
0x10: {  	[smem:$0x3FA8] =	sst s8  }
0x11: {  	[smem:$0x3FA9] =	sst s9;
	s0 =	simm.s32 @!p0 $0x0  }
0x12: {  	s1 =	sld [smem:$0x3F8F];
	s0 =	simm.s32 @p0 $0x1  }
0x13: {  	[smem:$0x3FAA] =	sst s0;
	s0 =	simm.s32 @!p1 $0x0  }
0x14: {  	s2 =	sld [smem:$0x3F8E];
	s0 =	simm.s32 @p1 $0x1  }
0x15: {  	[smem:$0x3FAB] =	sst s0;
	s0 =	simm.s32 @!p2 $0x0  }
0x16: {  	s3 =	sld [smem:$0x3FDB];
	s0 =	simm.s32 @p2 $0x1  }
0x17: {  	s4 =	simm.s32 $0x1BF5;
	[smem:$0x3FAD] =	sst s0  }
0x18: {  	s0 =	sld [smem:$0x3F90];
	_ =	swait.ge [sflag:s4], $0x0  }
0x19: {  	s7 =	sld [smem:$0x3F91]  }
0x1a: {  	s8 =	sadd.s32 $0xFFFFE003, lr  }
0x1b: {  	s9 =	sadd.s32 $0xFFFFFEF7, lr;
	s5 =	simm.s32 $0xFFFFFFFF;
	p2 =	slt.u32 s8, $0xFFFFF086  }
0x1c: {  	p1 =	slt.u32 s9, $0xF7A;
	s5 =	simm.s32 @!p2 $0x0  }
0x1d: {  	s5 =	simm.s32 @p1 $0x1;
	p0 =	seq.s32 s7, s2  }
0x1e: {  	s7 =	smul.u32 @!p0 $0xF7A, s2;
	p2 =	seq.s32 @!p0 s5, $0x0  }
0x1f: {  	s9 =	smul.u32 $0xF7A, s1;
	s8 =	simm.s32 @!p0 $0x1BF5;
	p2 =	por !p2, p0  }
0x20: {  	[sflag:s8] =	ssyncset.s32 @!p0 $0xFFFFF086;
	s6 =	sadd.s32 @!p0 s3, s7;
	s7 =	simm.s32 @!p0 $0x108  }
0x21: {  	s3 =	sadd.s32 s3, s9;
	s6 =	sadd.s32 @!p0 $0x88, s6;
	s7 =	simm.s32 @p2 $0x1082  }
0x22: {  	[simem:s7], [sflag:s8] =	dma.local @!p0 [hbm:s6], $0xF7A  }
0x23: {  	s9 =	sor.u32 $0xD0000000, s2;
	s6 =	simm.s32 $0x108;
	_ =	swait.ge @!p0 [sflag:s8], $0x0  }
0x24: {  	s3 =	sadd.s32 $0x88, s3;
	s6 =	simm.s32 @!p1 $0x1082;
	[sflag:s4] =	ssyncset.s32 $0xFFFFF086  }
0x25: {  	[simem:s6], [sflag:s4] =	dma.local [hbm:s3], $0xF7A  }
0x26: {  	[smem:$0x3F91] =	sst s1;
	(tag) =	ssettag s2;
	_ =	strace s9  }
0x27: {  	s1 =	sld [smem:$0x3FA1]  }
0x28: {  	s2 =	sld [smem:$0x3FA2]  }
0x29: {  	s4 =	sld [smem:$0x3FA4]  }
0x2a: {  	p0 =	seq.s32 s5, $0x0;
	s5 =	sld [smem:$0x3FA5]  }
0x2b: {  	s6 =	sld [smem:$0x3FA6]  }
0x2c: {  	s7 =	sld [smem:$0x3FA7]  }
0x2d: {  	s3 =	simm.s32 $0x108;
	s8 =	sld [smem:$0x3FA8]  }
0x2e: {  	s3 =	simm.s32 @!p0 $0x1082;
	s9 =	sld [smem:$0x3FA9]  }
0x2f: {  	lr =	sadd.s32 s0, s3;
	s0 =	sld [smem:$0x3FA0]  }
0x30: {  	s3 =	sld [smem:$0x3FA3]  }
0x31: {  	[smem:$0x3FAC] =	sst s10  }
0x32: {  	s10 =	sld [smem:$0x3FAA];
	_ =	sdelay $0x3  }
0x33: {  	p0 =	seq.s32 s10, $0x1;
	s10 =	sld [smem:$0x3FAC];
	_ =	sdelay $0x3  }
0x34: {  	[smem:$0x3FAC] =	sst s10  }
0x35: {  	s10 =	sld [smem:$0x3FAB];
	_ =	sdelay $0x3  }
0x36: {  	p1 =	seq.s32 s10, $0x1;
	s10 =	sld [smem:$0x3FAC];
	_ =	sdelay $0x3  }
0x37: {  	[smem:$0x3FAC] =	sst s10  }
0x38: {  	s10 =	sld [smem:$0x3FAD]  }
0x39: {  	_ = 	snop;
	(pc) =	sbr.ind lr, $3  }
0x3a: {  	_ = 	snop  }
0x3b: {  	_ = 	snop  }
0x3c: {  	p2 =	seq.s32 s10, $0x1;
	s10 =	sld [smem:$0x3FAC]  }
0x3d: {  	_ =	shalt  }
0x3e: {  	_ =	shalt  }
0x3f: {  	_ =	shalt  }
0x40: {  	_ =	shalt  }
0x41: {  	_ =	shalt  }
0x42: {  	_ =	shalt  }
0x43: {  	_ =	shalt  }
0x44: {  	_ =	shalt  }
0x45: {  	_ =	shalt  }
0x46: {  	_ =	shalt  }
0x47: {  	_ =	shalt  }
0x48: {  	_ =	shalt  }
0x49: {  	_ =	shalt  }
0x4a: {  	_ =	shalt  }
0x4b: {  	_ =	shalt  }
0x4c: {  	_ =	shalt  }
0x4d: {  	_ =	shalt  }
0x4e: {  	_ =	shalt  }
0x4f: {  	_ =	shalt  }
0x50: {  	_ =	shalt  }
0x51: {  	_ =	shalt  }
0x52: {  	_ =	shalt  }
0x53: {  	_ =	shalt  }
0x54: {  	_ =	shalt  }
0x55: {  	_ =	shalt  }
0x56: {  	_ =	shalt  }
0x57: {  	_ =	shalt  }
0x58: {  	_ =	shalt  }
0x59: {  	_ =	shalt  }
0x5a: {  	_ =	shalt  }
0x5b: {  	_ =	shalt  }
0x5c: {  	_ =	shalt  }
0x5d: {  	_ =	shalt  }
0x5e: {  	_ =	shalt  }
0x5f: {  	_ =	shalt  }
0x60: {  	_ =	shalt  }
0x61: {  	_ =	shalt  }
0x62: {  	_ =	shalt  }
0x63: {  	_ =	shalt  }
0x64: {  	_ =	shalt  }
0x65: {  	_ =	shalt  }
0x66: {  	_ =	shalt  }
0x67: {  	_ =	shalt  }
0x68: {  	_ =	shalt  }
0x69: {  	_ =	shalt  }
0x6a: {  	_ =	shalt  }
0x6b: {  	_ =	shalt  }
0x6c: {  	_ =	shalt  }
0x6d: {  	_ =	shalt  }
0x6e: {  	_ =	shalt  }
0x6f: {  	_ =	shalt  }
0x70: {  	_ =	shalt  }
0x71: {  	_ =	shalt  }
0x72: {  	_ =	shalt  }
0x73: {  	_ =	shalt  }
0x74: {  	_ =	shalt  }
0x75: {  	_ =	shalt  }
0x76: {  	_ =	shalt  }
0x77: {  	_ =	shalt  }
0x78: {  	_ =	shalt  }
0x79: {  	_ =	shalt  }
0x7a: {  	_ =	shalt  }
0x7b: {  	_ =	shalt  }
0x7c: {  	_ =	shalt  }
0x7d: {  	_ =	shalt  }
0x7e: {  	_ =	shalt  }
0x7f: {  	_ =	shalt  }
0x80: {  	_ =	shalt  }
0x81: {  	_ =	shalt  }
0x82: {  	_ =	shalt  }
0x83: {  	_ =	shalt  }
0x84: {  	_ =	shalt  }
0x85: {  	_ =	shalt  }
0x86: {  	_ =	shalt  }
0x87: {  	_ =	shalt  }
.Lfunc_end0:
.L_simem_size_0:
called_computation.2_lowered:
.L_overlay_start_0:
0x88: {  	s2 =	sld [smem:$0x3FD9]  }
0x89: {  	s3 =	sld [smem:$0x3FFE];
	_ =	sdelay $0x1  }
0x8a: {  	s1 =	srdreg.scid  }
0x8b: {  	s0 =	sand.u32 $0x1, s1  }
0x8c: {  	s17 =	sshll.u32 s0, $0xA;
	s2 =	sadd.s32 s3, s2  }
0x8d: {  	s2 =	sadd.s32 s2, s17  }
0x8e: {  	[smem:$0x3FB8] =	sst s2  }
0x8f: {  	_ = 	snop  }
0x90: {  	s18 =	sld [smem:$0x3FD0];
	(tm) =	ssettm $0x1  }
0x91: {  	s19 =	sld [smem:$0x3FFB];
	_ =	sdelay $0x3  }
0x92: {  	_ =	strace s19  }
0x93: {  	s2 =	sld [smem:$0x3FFC];
	_ =	sdelay $0x3  }
0x94: {  	_ =	strace s2  }
0x95: {  	s2 =	sld [smem:$0x3FFD];
	_ =	sdelay $0x3  }
0x96: {  	_ =	strace s2  }
0x97: {  	_ =	strace $0x8FFFFFFF  }
0x98: {  	s20 =	sld [smem:$0x3FDB];
	_ =	sdelay $0x1  }
0x99: {  	s4 =	simm.s32 $_scs_section_size  }
0x9a: {  	s5 =	simm.s32 $_size__tile_overlayer_lowered;
	s6 =	simm.s32 $_tile_overlayer_lowered  }
0x9b: {  	s7 =	simm.s32 $0x1BFF;
	s21 =	sshll.u32 s6, $0x1;
	s4 =	sadd.s32 s4, s20  }
0x9c: {  	s22 =	simm.s32 $0x0;
	s5 =	sshll.u32 s5, $0x1;
	s6 =	sadd.s32 s21, s4  }
0x9d: {  	[timem:s22], [sflag:s7] =	dma.local [hbm:s6], s5  }
0x9e: {  	_ =	swait.ge [sflag:s7], s5  }
0x9f: {  	s5 =	ssub.s32 $0x0, s5;
	[sflag:s7] =	ssyncset.done $0x0  }
0xa0: {  	[sflag:s7] =	ssyncadd.s32 s5;
	_ =	sdelay $0x1  }
0xa1: {  	s23 =	simm.s32 $0x1B8B  }
0xa2: {  	_ =	swait.ge [sflag:s23], $0x1  }
0xa3: {  	[sflag:s23] =	ssyncset.done $0x0  }
0xa4: {  	[sflag:s23] =	ssyncadd.s32 $0xFFFFFFFF  }
0xa5: {  	s5 =	sld [smem:$0x0]  }
0xa6: {  	s6 =	sand.u32 $0xFFFFFFFE, s1  }
0xa7: {  	p0 =	sne.s32 s1, s6  }
0xa8: {  	s6 =	sshll.u32 @p0 s6, $0xE  }
0xa9: {  	s6 =	sadd.s32 @p0 $0x11B8D, s6;
	s7 =	sshll.u32 @p0 s5, $0x11  }
0xaa: {  	s6 =	sor.u32 @p0 s7, s6  }
0xab: {  	[sflag:s6] =	ssyncadd.remote.s32 @p0 $0x1;
	_ =	sdelay $0x1  }
0xac: {  	s6 =	simm.s32 @p0 $0x1B8D  }
0xad: {  	_ =	swait.eq @p0 [sflag:s6], $0x1  }
0xae: {  	[sflag:s6] =	ssyncadd.s32 @p0 $0xFFFFFFFF  }
0xaf: {  	s7 =	sshll.u32 @!p0 s1, $0xE  }
0xb0: {  	s7 =	sor.u32 @!p0 $0x4000, s7;
	s6 =	simm.s32 @!p0 $0x1B8D  }
0xb1: {  	s5 =	sshll.u32 @!p0 s5, $0x11;
	s7 =	sadd.s32 @!p0 $0x11B8D, s7;
	_ =	swait.eq @!p0 [sflag:s6], $0x1  }
0xb2: {  	s5 =	sor.u32 @!p0 s5, s7;
	[sflag:s6] =	ssyncadd.s32 @!p0 $0xFFFFFFFF  }
0xb3: {  	s25 =	simm.s32 $0x1B8E;
	s24 =	sld [smem:$0x3FFE];
	[sflag:s5] =	ssyncadd.remote.s32 @!p0 $0x1  }
0xb4: {  	s26 =	simm.s32 $execute0_lowered;
	[smem:$0x3FD2] =	sst s25  }
0xb5: {  	s6 =	sshll.u32 s26, $0x1;
	_ =	strace $0x8000004C;
	[dreg:$0x1] =	wrdreg $0xFFFFFFFF  }
0xb6: {  	s28 =	simm.s32 $_size_execute0_lowered;
	s4 =	sadd.s32 s4, s6;
	[dreg:$0x0] =	wrdreg $0x0  }
0xb7: {  	s6 =	sshll.u32 s28, $0x1;
	[dreg:$0x2] =	wrdreg s4  }
0xb8: {  	[dreg:$0x3] =	wrdreg s6  }
0xb9: {  	[dreg:$0x4] =	wrdreg $0xC0  }
0xba: {  	_ =	task [dreg:s22], $0x5FFFF  }
0xbb: {  	[dreg:$0x1] =	wrdreg $0xFFFFFFFF  }
0xbc: {  	[dreg:$0x0] =	wrdreg $0x60  }
0xbd: {  	[dreg:$0x2] =	wrdreg s24  }
0xbe: {  	[dreg:$0x3] =	wrdreg s18  }
0xbf: {  	[dreg:$0x4] =	wrdreg $0x92000  }
0xc0: {  	[dreg:$0x5] =	wrdreg $0xA  }
0xc1: {  	_ =	task.clear_ibuf [dreg:s22], $0x6FFFF;
	_ =	strace $0x9000004C  }
0xc2: {  	s29 =	simm.s32 $0xA;
	_ =	strace $0x8000004E  }
0xc3: {  	_ =	swait.ge [sflag:s29], $0x1  }
0xc4: {  	[sflag:s29] =	ssyncadd.s32 $0xFFFFFFFF  }
0xc5: {  	_ =	strace $0x9000004E  }
0xc6: {  	_ =	sfence  }
0xc7: {  	s30 =	sld [smem:$0x0];
	_ =	sdelay $0x2  }
0xc8: {  	s31 =	sshll.u32 s1, $0xD;
	s1 =	sshrl.u32 s1, $0x2  }
0xc9: {  	s4 =	sand.u32 $0x4000, s31;
	s1 =	sadd.s32 s1, s30  }
0xca: {  	s0 =	sor.u32 s4, s0;
	s1 =	sshll.u32 s1, $0x11  }
0xcb: {  	s0 =	sor.u32 s1, s0  }
0xcc: {  	s0 =	sadd.s32 $0x8F2B, s0  }
0xcd: {  	[sflag:s0] =	ssyncadd.remote.s32 $0x1  }
0xce: {  	_ =	sfence.sel $0xFFFF  }
0xcf: {  	[dreg:$0x0] =	wrdreg $0xFFFFFFFF;
	(pc) =	sbr.abs _section_cstart, $3  }
0xd0: {  	[dreg:$0x1] =	wrdreg $0xFFFFFFFF  }
0xd1: {  	_ =	task.clear_ibuf [dreg:s22], $0x2FFFF;
	_ =	strace $0x9FFFFFFF  }
0xd2: {  	(tm) =	ssettm $0x7FFFFFFF  }
0xd3: {  	_ =	shalt  }
tec
execute0_lowered:
.L_overlay_start_1:
0x0: {  	(tag) =	ssettag $0x1  }
0x1: {  	s0 =	rddreg [dreg:$0x0]  }
0x2: {  	s2 =	rddreg [dreg:$0x1]  }
0x3: {  	s1 =	rddreg [dreg:$0x2];
	s3 =	simm.s32 $0x0;
	s24 =	srdreg.scid  }
0x4: {  	s10 =	stileid.u32;
	s28 =	simm.s32 $0x1;
	s29 =	simm.s32 $0x9100  }
0x5: {  	s30 =	simm.s32 $0x9080;
	s31 =	simm.s32 $0x6800;
	[smem:$0x7FF] =	sst s3  }
0x6: {  	s4 =	sadd.s32 $0x2CA00, s0;
	s3 =	sand.u32 $0x1, s24;
	s8 =	smul.u32 $0x50000, s10  }
0x7: {  	s0 =	sadd.s32 $0xA4A00, s0;
	s7 =	sshll.u32 s10, $0xB;
	s13 =	smul.u32 $0x14000, s10  }
0x8: {  	_ =	strace $0x8000004D;
	s5 =	ssub.s32 $0x2, s3;
	s9 =	sshll.u32 s3, $0xF  }
0x9: {  	s2 =	sadd.s32 s2, s7;
	s3 =	smul.u32 $0x140000, s3;
	s6 =	sshrl.u32 s5, $0x1  }
0xa: {  	s2 =	sadd.s32 s9, s2;
	s25 =	sshrl.u32 s8, $0x2;
	s26 =	sor.u32 $0x2800, s13  }
0xb: {  	s14 =	sadd.s32 $0x5000, s13;
	s15 =	sadd.s32 $0x7800, s13;
	s16 =	sadd.s32 $0xA000, s13  }
0xc: {  	s19 =	sadd.s32 $0xC800, s13;
	s20 =	sadd.s32 $0xF000, s13;
	s21 =	sadd.s32 $0x11800, s13  }
0xd: {  	s5 =	ssub.s32 s5, s6;
	[dreg:$0x4] =	wrdreg s2;
	s6 =	sadd.s32 s25, s1  }
0xe: {  	s7 =	sadd.s32 s26, s1;
	s8 =	sadd.s32 s14, s1;
	s9 =	sadd.s32 s15, s1  }
0xf: {  	s10 =	sadd.s32 s16, s1;
	s11 =	sadd.s32 s19, s1;
	s12 =	sadd.s32 s20, s1  }
0x10: {  	s17 =	sadd.s32 s13, s3;
	s2 =	sadd.s32 s3, s26;
	s13 =	sadd.s32 s21, s1  }
0x11: {  	s14 =	sadd.s32 s3, s14;
	s18 =	sadd.s32 s3, s16;
	s24 =	sadd.s32 s3, s19  }
0x12: {  	s25 =	sadd.s32 s3, s20;
	s17 =	sshrl.u32 s17, $0x3;
	s2 =	sshrl.u32 s2, $0x3  }
0x13: {  	s23 =	sshrl.u32 s18, $0x3;
	s17 =	sadd.s32 s0, s17;
	s2 =	sadd.s32 s0, s2  }
0x14: {  	s18 =	sadd.s32 s0, s23;
	s23 =	simm.s32 $0x5;
	[dreg:$0x5] =	wrdreg s17  }
0x15: {  	[dreg:$0x6] =	wrdreg s2;
	s17 =	sadd.s32 s3, s15;
	s2 =	sshrl.u32 s14, $0x3  }
0x16: {  	s3 =	sadd.s32 s3, s21;
	s14 =	sshrl.u32 s17, $0x3;
	s2 =	sadd.s32 s0, s2  }
0x17: {  	s26 =	sshrl.u32 s3, $0x3;
	s3 =	simm.s32 $0x3;
	[dreg:$0x7] =	wrdreg s2  }
0x18: {  	s22 =	sadd.s32 s0, s14;
	s2 =	sshrl.u32 s24, $0x3;
	s14 =	sshrl.u32 s25, $0x3  }
0x19: {  	s21 =	sadd.s32 s0, s26;
	s24 =	simm.s32 $0x4000;
	s25 =	simm.s32 $0x50  }
0x1a: {  	s26 =	simm.s32 $0x9000;
	[dreg:$0x8] =	wrdreg s22;
	s19 =	sadd.s32 s0, s2  }
0x1b: {  	s20 =	sadd.s32 s0, s14;
	s22 =	smax.u32 s5, $0x1;
	s0 =	simm.s32 $0x2  }
0x1c: {  	v0 =	vimm.f32 $0.0e+00;
	s2 =	simm.s32 $0x9180;
	s5 =	simm.s32 $0x4;
	s14 =	simm.s32 $0x0  }
.LBB2_1:
0x1d: {  	s15 =	simm.s32 $0x0;
	s16 =	simm.s32 $0x200  }
.LBB2_2:
0x1e: {  	p0 =	sne.s32 s16, $0x9E00;
	[tilespmem:s15+$0x4070] =	vst v0  }
0x1f: {  	[tilespmem:s15+$0x4000] =	vst v0  }
0x20: {  	[tilespmem:s15+$0x4010] =	vst v0  }
.Ltmp0:
0x21: {  	[tilespmem:s15+$0x4020] =	vst v0;
	(pc) =	sbr.rel @p0 .LBB2_2-.Ltmp0, $4  }
0x22: {  	[tilespmem:s15+$0x4030] =	vst v0  }
0x23: {  	[tilespmem:s15+$0x4040] =	vst v0  }
0x24: {  	[tilespmem:s15+$0x4050] =	vst v0  }
0x25: {  	[tilespmem:s15+$0x4060] =	vst v0;
	s15 =	sshra.s32 s16, $0x2;
	s16 =	sadd.s32 $0x200, s16  }
0x26: {  	[tilespmem:s15+$0x4070] =	vst v0  }
0x27: {  	[tilespmem:s15+$0x4000] =	vst v0  }
0x28: {  	[tilespmem:s15+$0x4010] =	vst v0  }
0x29: {  	[tilespmem:s15+$0x4020] =	vst v0  }
0x2a: {  	[tilespmem:s15+$0x4030] =	vst v0  }
0x2b: {  	[tilespmem:s15+$0x4040] =	vst v0  }
0x2c: {  	[tilespmem:s15+$0x4050] =	vst v0  }
0x2d: {  	[tilespmem:s15+$0x4060] =	vst v0;
	s17 =	simm.s32 $0x0;
	s16 =	rddreg [dreg:$0x4]  }
0x2e: {  	[tilespmem:s17], [sflag:$0x5] =	stream.linear.gather [hbm4b:s16+s17], $0x3E80, $0x38;
	[tilespmem:$0x1D200] =	vst v63  }
0x2f: {  	_ =	swait.ge [sflag:s23], $0x3E80  }
0x30: {  	[sflag:s23] =	ssyncset.done $0x0  }
0x31: {  	[sflag:s23] =	ssyncadd.s32 $0xFFFFC180  }
0x32: {  	[spmem:s6] =	stream.linear.scatter [tilespmem:s24], [sflag:$0x5], $0x2800, $0x38;
	[tilespmem:$0x1D200] =	vst v63  }
0x33: {  	_ =	swait.ge [sflag:s23], $0x2800  }
0x34: {  	[sflag:s23] =	ssyncset.done $0x0  }
0x35: {  	[sflag:s23] =	ssyncadd.s32 $0xFFFFD800  }
0x36: {  	[spmem:s7] =	stream.linear.scatter [tilespmem:s24], [sflag:$0x5], $0x2800, $0x38;
	[tilespmem:$0x1D200] =	vst v63  }
0x37: {  	_ =	swait.ge [sflag:s23], $0x2800  }
0x38: {  	[sflag:s23] =	ssyncset.done $0x0  }
0x39: {  	[sflag:s23] =	ssyncadd.s32 $0xFFFFD800  }
0x3a: {  	[spmem:s8] =	stream.linear.scatter [tilespmem:s24], [sflag:$0x5], $0x2800, $0x38;
	[tilespmem:$0x1D200] =	vst v63  }
0x3b: {  	_ =	swait.ge [sflag:s23], $0x2800  }
0x3c: {  	[sflag:s23] =	ssyncset.done $0x0  }
0x3d: {  	[sflag:s23] =	ssyncadd.s32 $0xFFFFD800  }
0x3e: {  	[spmem:s9] =	stream.linear.scatter [tilespmem:s24], [sflag:$0x5], $0x2800, $0x38;
	[tilespmem:$0x1D200] =	vst v63  }
0x3f: {  	_ =	swait.ge [sflag:s23], $0x2800  }
0x40: {  	[sflag:s23] =	ssyncset.done $0x0  }
0x41: {  	[sflag:s23] =	ssyncadd.s32 $0xFFFFD800  }
0x42: {  	[spmem:s10] =	stream.linear.scatter [tilespmem:s24], [sflag:$0x5], $0x2800, $0x38;
	[tilespmem:$0x1D200] =	vst v63  }
0x43: {  	_ =	swait.ge [sflag:s23], $0x2800  }
0x44: {  	[sflag:s23] =	ssyncset.done $0x0  }
0x45: {  	[sflag:s23] =	ssyncadd.s32 $0xFFFFD800  }
0x46: {  	[spmem:s11] =	stream.linear.scatter [tilespmem:s24], [sflag:$0x5], $0x2800, $0x38;
	[tilespmem:$0x1D200] =	vst v63  }
0x47: {  	_ =	swait.ge [sflag:s23], $0x2800  }
0x48: {  	[sflag:s23] =	ssyncset.done $0x0  }
0x49: {  	[sflag:s23] =	ssyncadd.s32 $0xFFFFD800  }
0x4a: {  	[spmem:s12] =	stream.linear.scatter [tilespmem:s24], [sflag:$0x5], $0x2800, $0x38;
	[tilespmem:$0x1D200] =	vst v63  }
0x4b: {  	_ =	swait.ge [sflag:s23], $0x2800  }
0x4c: {  	[sflag:s23] =	ssyncset.done $0x0  }
0x4d: {  	[sflag:s23] =	ssyncadd.s32 $0xFFFFD800  }
0x4e: {  	[spmem:s13] =	stream.linear.scatter [tilespmem:s24], [sflag:$0x5], $0x2800, $0x38;
	[tilespmem:$0x1D200] =	vst v63  }
0x4f: {  	_ =	swait.ge [sflag:s23], $0x2800  }
0x50: {  	[sflag:s23] =	ssyncset.done $0x0  }
0x51: {  	[sflag:s23] =	ssyncadd.s32 $0xFFFFD800  }
0x52: {  	[bflag:$0x0] =	sbarrier.arrive $0xFFFF  }
0x53: {  	v1 =	vld [tilespmem:$0x0];
	_ =	sdelay $0x1  }
0x54: {  	v2 =	vld [tilespmem:$0x10];
	_ =	sdelay $0x1  }
0x55: {  	v3 =	vld [tilespmem:$0x20]  }
0x56: {  	v4 =	vand.u32 $0xFFFF, v1  }
0x57: {  	v61 =	vld [tilespmem:$0x30];
	v1 =	vshrl.u32 v1, $0x10;
	[tilespmem:$0x9000] =	vst v4  }
0x58: {  	[tilespmem:$0x9100] =	vst v1;
	v1 =	vand.u32 $0xFFFF, v2  }
0x59: {  	v2 =	vshrl.u32 v2, $0x10;
	[tilespmem:$0x9010] =	vst v1;
	v1 =	vld [tilespmem:$0x40]  }
0x5a: {  	[tilespmem:$0x9110] =	vst v2;
	v2 =	vand.u32 $0xFFFF, v3  }
0x5b: {  	v3 =	vshrl.u32 v3, $0x10;
	[tilespmem:$0x9020] =	vst v2  }
0x5c: {  	[tilespmem:$0x9120] =	vst v3;
	v2 =	vand.u32 $0xFFFF, v61  }
0x5d: {  	v3 =	vshrl.u32 v61, $0x10;
	[tilespmem:$0x9030] =	vst v2  }
0x5e: {  	[tilespmem:$0x9130] =	vst v3;
	v2 =	vand.u32 $0xFFFF, v1  }
0x5f: {  	v1 =	vshrl.u32 v1, $0x10;
	[tilespmem:$0x9040] =	vst v2  }
0x60: {  	[tilespmem:$0x9140] =	vst v1  }
0x61: {  	[tilespmem:s24], [sflag:$0x1] =	stream.indirect.gather [hbm4b:s4+s25], $0x80, s26, s25, $0xb8;
	[tilespmem:$0x1D200] =	vst v63  }
0x62: {  	_ =	swait.ge [sflag:s28], $0x2800  }
0x63: {  	[sflag:s28] =	ssyncset.done $0x0  }
0x64: {  	[sflag:s28] =	ssyncadd.s32 $0xFFFFD800  }
0x65: {  	[spmem:s1] =	stream.indirect.scatter.add.f32 [tilespmem:s24], [sflag:$0x3], $0x80, s29, s25, $0xb8;
	[tilespmem:$0x1D200] =	vst v63  }
0x66: {  	v1 =	vld [tilespmem:$0x80];
	_ =	sdelay $0x1  }
0x67: {  	v2 =	vld [tilespmem:$0x90];
	_ =	sdelay $0x1  }
0x68: {  	v3 =	vld [tilespmem:$0xA0]  }
0x69: {  	v62 =	vand.u32 $0xFFFF, v1  }
0x6a: {  	v63 =	vld [tilespmem:$0xB0];
	v1 =	vshrl.u32 v1, $0x10;
	[tilespmem:$0x9080] =	vst v62  }
0x6b: {  	[tilespmem:$0x9180] =	vst v1;
	v1 =	vand.u32 $0xFFFF, v2  }
0x6c: {  	v2 =	vshrl.u32 v2, $0x10;
	[tilespmem:$0x9090] =	vst v1;
	v1 =	vld [tilespmem:$0xC0]  }
0x6d: {  	[tilespmem:$0x9190] =	vst v2;
	v2 =	vand.u32 $0xFFFF, v3  }
0x6e: {  	[tilespmem:$0x90A0] =	vst v2;
	v2 =	vshrl.u32 v3, $0x10  }
0x6f: {  	[tilespmem:$0x91A0] =	vst v2;
	v2 =	vand.u32 $0xFFFF, v63  }
0x70: {  	[tilespmem:$0x90B0] =	vst v2;
	v2 =	vshrl.u32 v63, $0x10  }
0x71: {  	[tilespmem:$0x91B0] =	vst v2;
	v2 =	vand.u32 $0xFFFF, v1  }
0x72: {  	v1 =	vshrl.u32 v1, $0x10;
	[tilespmem:$0x90C0] =	vst v2  }
0x73: {  	[tilespmem:$0x91C0] =	vst v1  }
0x74: {  	[tilespmem:s31], [sflag:$0x2] =	stream.indirect.gather [hbm4b:s4+s25], $0x80, s30, s25, $0xb8;
	[tilespmem:$0x1D200] =	vst v63  }
0x75: {  	_ =	swait.ge [sflag:s0], $0x2800  }
0x76: {  	[sflag:s0] =	ssyncset.done $0x0  }
0x77: {  	[sflag:s0] =	ssyncadd.s32 $0xFFFFD800  }
0x78: {  	[spmem:s1] =	stream.indirect.scatter.add.f32 [tilespmem:s31], [sflag:$0x4], $0x80, s2, s25, $0xb8;
	[tilespmem:$0x1D200] =	vst v63  }
0x79: {  	_ =	swait.ge [sflag:s3], $0x2800  }
0x7a: {  	[sflag:s3] =	ssyncset.done $0x0  }
0x7b: {  	s15 =	simm.s32 $0x1C0;
	[sflag:s3] =	ssyncadd.s32 $0xFFFFD800  }
0x7c: {  	v1 =	vld [tilespmem:s15+$0xFFFFFF40];
	_ =	sdelay $0x4  }
0x7d: {  	v2 =	vand.u32 $0xFFFF, v1  }
0x7e: {  	v1 =	vshrl.u32 v1, $0x10;
	[tilespmem:$0x9000] =	vst v2  }
0x7f: {  	[tilespmem:$0x9100] =	vst v1  }
0x80: {  	v1 =	vld [tilespmem:s15+$0xFFFFFF50];
	_ =	sdelay $0x4  }
0x81: {  	v2 =	vand.u32 $0xFFFF, v1  }
0x82: {  	v1 =	vshrl.u32 v1, $0x10;
	[tilespmem:$0x9010] =	vst v2  }
0x83: {  	[tilespmem:$0x9110] =	vst v1  }
0x84: {  	v1 =	vld [tilespmem:s15+$0xFFFFFF60];
	_ =	sdelay $0x4  }
0x85: {  	v2 =	vand.u32 $0xFFFF, v1  }
0x86: {  	v1 =	vshrl.u32 v1, $0x10;
	[tilespmem:$0x9020] =	vst v2  }
0x87: {  	[tilespmem:$0x9120] =	vst v1  }
0x88: {  	v1 =	vld [tilespmem:s15+$0xFFFFFF70];
	_ =	sdelay $0x4  }
0x89: {  	v2 =	vand.u32 $0xFFFF, v1  }
0x8a: {  	v1 =	vshrl.u32 v1, $0x10;
	[tilespmem:$0x9030] =	vst v2  }
0x8b: {  	[tilespmem:$0x9130] =	vst v1  }
0x8c: {  	v1 =	vld [tilespmem:s15+$0xFFFFFF80];
	_ =	sdelay $0x4  }
0x8d: {  	v2 =	vand.u32 $0xFFFF, v1  }
0x8e: {  	v1 =	vshrl.u32 v1, $0x10;
	[tilespmem:$0x9040] =	vst v2  }
0x8f: {  	[tilespmem:$0x9140] =	vst v1  }
0x90: {  	[tilespmem:s24], [sflag:$0x1] =	stream.indirect.gather [hbm4b:s4+s25], $0x80, s26, s25, $0xb8;
	[tilespmem:$0x1D200] =	vst v63  }
0x91: {  	_ =	swait.ge [sflag:s28], $0x2800  }
0x92: {  	[sflag:s28] =	ssyncset.done $0x0  }
0x93: {  	[sflag:s28] =	ssyncadd.s32 $0xFFFFD800  }
0x94: {  	[spmem:s1] =	stream.indirect.scatter.add.f32 [tilespmem:s24], [sflag:$0x3], $0x80, s29, s25, $0xb8;
	[tilespmem:$0x1D200] =	vst v63  }
0x95: {  	_ =	swait.ge [sflag:s5], $0x2800  }
0x96: {  	[sflag:s5] =	ssyncset.done $0x0  }
0x97: {  	[sflag:s5] =	ssyncadd.s32 $0xFFFFD800  }
0x98: {  	v1 =	vld [tilespmem:s15+$0xFFFFFFC0];
	_ =	sdelay $0x4  }
0x99: {  	v2 =	vand.u32 $0xFFFF, v1  }
0x9a: {  	v1 =	vshrl.u32 v1, $0x10;
	[tilespmem:$0x9080] =	vst v2  }
0x9b: {  	[tilespmem:$0x9180] =	vst v1  }
0x9c: {  	v1 =	vld [tilespmem:s15+$0xFFFFFFD0];
	_ =	sdelay $0x4  }
0x9d: {  	v2 =	vand.u32 $0xFFFF, v1  }
0x9e: {  	v1 =	vshrl.u32 v1, $0x10;
	[tilespmem:$0x9090] =	vst v2  }
0x9f: {  	[tilespmem:$0x9190] =	vst v1  }
0xa0: {  	v1 =	vld [tilespmem:s15+$0xFFFFFFE0];
	_ =	sdelay $0x4  }
0xa1: {  	v2 =	vand.u32 $0xFFFF, v1  }
0xa2: {  	v1 =	vshrl.u32 v1, $0x10;
	[tilespmem:$0x90A0] =	vst v2  }
0xa3: {  	[tilespmem:$0x91A0] =	vst v1  }
0xa4: {  	v2 =	vld [tilespmem:s15+$0xFFFFFFF0];
	_ =	sdelay $0x4  }
0xa5: {  	s16 =	simm.s32 $0xB00;
	v1 =	vshrl.u32 v2, $0x10;
	v2 =	vand.u32 $0xFFFF, v2  }
.LBB2_4:
0xa6: {  	p0 =	sne.s32 s16, $0xF700;
	[tilespmem:$0x90B0] =	vst v2;
	s17 =	smov.u32 s16;
	s16 =	sadd.s32 $0x400, s16  }
0xa7: {  	[tilespmem:$0x91B0] =	vst v1  }
0xa8: {  	v1 =	vld [tilespmem:s15+$0x0];
	_ =	sdelay $0x4  }
0xa9: {  	v2 =	vshrl.u32 v1, $0x10;
	v1 =	vand.u32 $0xFFFF, v1  }
0xaa: {  	[tilespmem:$0x90C0] =	vst v1  }
0xab: {  	[tilespmem:$0x91C0] =	vst v2  }
0xac: {  	[tilespmem:s31], [sflag:$0x2] =	stream.indirect.gather [hbm4b:s4+s25], $0x80, s30, s25, $0xb8;
	[tilespmem:$0x1D200] =	vst v63  }
0xad: {  	_ =	swait.ge [sflag:s0], $0x2800  }
0xae: {  	[sflag:s0] =	ssyncset.done $0x0  }
0xaf: {  	[sflag:s0] =	ssyncadd.s32 $0xFFFFD800  }
0xb0: {  	[spmem:s1] =	stream.indirect.scatter.add.f32 [tilespmem:s31], [sflag:$0x4], $0x80, s2, s25, $0xb8;
	[tilespmem:$0x1D200] =	vst v63  }
0xb1: {  	_ =	swait.ge [sflag:s3], $0x2800  }
0xb2: {  	[sflag:s3] =	ssyncset.done $0x0  }
0xb3: {  	s15 =	sshra.s32 s17, $0x2;
	[sflag:s3] =	ssyncadd.s32 $0xFFFFD800  }
0xb4: {  	v1 =	vld [tilespmem:s15+$0xFFFFFF40];
	_ =	sdelay $0x4  }
0xb5: {  	v2 =	vshrl.u32 v1, $0x10;
	v1 =	vand.u32 $0xFFFF, v1  }
0xb6: {  	[tilespmem:$0x9000] =	vst v1  }
0xb7: {  	[tilespmem:$0x9100] =	vst v2  }
0xb8: {  	v1 =	vld [tilespmem:s15+$0xFFFFFF50];
	_ =	sdelay $0x4  }
0xb9: {  	v2 =	vshrl.u32 v1, $0x10;
	v1 =	vand.u32 $0xFFFF, v1  }
0xba: {  	[tilespmem:$0x9010] =	vst v1  }
0xbb: {  	[tilespmem:$0x9110] =	vst v2  }
0xbc: {  	v1 =	vld [tilespmem:s15+$0xFFFFFF60];
	_ =	sdelay $0x4  }
0xbd: {  	v2 =	vshrl.u32 v1, $0x10;
	v1 =	vand.u32 $0xFFFF, v1  }
0xbe: {  	[tilespmem:$0x9020] =	vst v1  }
0xbf: {  	[tilespmem:$0x9120] =	vst v2  }
0xc0: {  	v1 =	vld [tilespmem:s15+$0xFFFFFF70];
	_ =	sdelay $0x4  }
0xc1: {  	v2 =	vshrl.u32 v1, $0x10;
	v1 =	vand.u32 $0xFFFF, v1  }
0xc2: {  	[tilespmem:$0x9030] =	vst v1  }
0xc3: {  	[tilespmem:$0x9130] =	vst v2  }
0xc4: {  	v1 =	vld [tilespmem:s15+$0xFFFFFF80];
	_ =	sdelay $0x4  }
0xc5: {  	v2 =	vshrl.u32 v1, $0x10;
	v1 =	vand.u32 $0xFFFF, v1  }
0xc6: {  	[tilespmem:$0x9040] =	vst v1  }
0xc7: {  	[tilespmem:$0x9140] =	vst v2  }
0xc8: {  	[tilespmem:s24], [sflag:$0x1] =	stream.indirect.gather [hbm4b:s4+s25], $0x80, s26, s25, $0xb8;
	[tilespmem:$0x1D200] =	vst v63  }
0xc9: {  	_ =	swait.ge [sflag:s28], $0x2800  }
0xca: {  	[sflag:s28] =	ssyncset.done $0x0  }
0xcb: {  	[sflag:s28] =	ssyncadd.s32 $0xFFFFD800  }
0xcc: {  	[spmem:s1] =	stream.indirect.scatter.add.f32 [tilespmem:s24], [sflag:$0x3], $0x80, s29, s25, $0xb8;
	[tilespmem:$0x1D200] =	vst v63  }
0xcd: {  	_ =	swait.ge [sflag:s5], $0x2800  }
0xce: {  	[sflag:s5] =	ssyncset.done $0x0  }
0xcf: {  	[sflag:s5] =	ssyncadd.s32 $0xFFFFD800  }
0xd0: {  	v1 =	vld [tilespmem:s15+$0xFFFFFFC0];
	_ =	sdelay $0x4  }
0xd1: {  	v2 =	vshrl.u32 v1, $0x10;
	v1 =	vand.u32 $0xFFFF, v1  }
0xd2: {  	[tilespmem:$0x9080] =	vst v1  }
0xd3: {  	[tilespmem:$0x9180] =	vst v2  }
0xd4: {  	v1 =	vld [tilespmem:s15+$0xFFFFFFD0];
	_ =	sdelay $0x4  }
0xd5: {  	v2 =	vshrl.u32 v1, $0x10;
	v1 =	vand.u32 $0xFFFF, v1  }
0xd6: {  	[tilespmem:$0x9090] =	vst v1  }
0xd7: {  	[tilespmem:$0x9190] =	vst v2  }
0xd8: {  	v1 =	vld [tilespmem:s15+$0xFFFFFFE0];
	_ =	sdelay $0x4  }
0xd9: {  	v2 =	vshrl.u32 v1, $0x10;
	v1 =	vand.u32 $0xFFFF, v1  }
0xda: {  	[tilespmem:$0x90A0] =	vst v1  }
0xdb: {  	[tilespmem:$0x91A0] =	vst v2  }
0xdc: {  	v2 =	vld [tilespmem:s15+$0xFFFFFFF0]  }
.Ltmp1:
0xdd: {  	(pc) =	sbr.rel @p0 .LBB2_4-.Ltmp1, $2  }
0xde: {  	_ =	sdelay $0x2  }
0xdf: {  	v1 =	vshrl.u32 v2, $0x10;
	v2 =	vand.u32 $0xFFFF, v2  }
0xe0: {  	[tilespmem:$0x90B0] =	vst v2  }
0xe1: {  	[tilespmem:$0x91B0] =	vst v1  }
0xe2: {  	v1 =	vld [tilespmem:s15+$0x0];
	_ =	sdelay $0x4  }
0xe3: {  	v2 =	vand.u32 $0xFFFF, v1  }
0xe4: {  	v1 =	vshrl.u32 v1, $0x10;
	[tilespmem:$0x90C0] =	vst v2  }
0xe5: {  	[tilespmem:$0x91C0] =	vst v1  }
0xe6: {  	[tilespmem:s31], [sflag:$0x2] =	stream.indirect.gather [hbm4b:s4+s25], $0x80, s30, s25, $0xb8;
	[tilespmem:$0x1D200] =	vst v63  }
0xe7: {  	_ =	swait.ge [sflag:s0], $0x2800  }
0xe8: {  	[sflag:s0] =	ssyncset.done $0x0  }
0xe9: {  	[sflag:s0] =	ssyncadd.s32 $0xFFFFD800  }
0xea: {  	[spmem:s1] =	stream.indirect.scatter.add.f32 [tilespmem:s31], [sflag:$0x4], $0x80, s2, s25, $0xb8;
	[tilespmem:$0x1D200] =	vst v63  }
0xeb: {  	_ =	swait.ge [sflag:s3], $0x2800  }
0xec: {  	[sflag:s3] =	ssyncset.done $0x0  }
0xed: {  	[sflag:s3] =	ssyncadd.s32 $0xFFFFD800  }
0xee: {  	v1 =	vld [tilespmem:$0x3E00];
	_ =	sdelay $0x1  }
0xef: {  	v2 =	vld [tilespmem:$0x3E10];
	_ =	sdelay $0x1  }
0xf0: {  	v3 =	vld [tilespmem:$0x3E20]  }
0xf1: {  	v4 =	vand.u32 $0xFFFF, v1  }
0xf2: {  	v63 =	vld [tilespmem:$0x3E30];
	v1 =	vshrl.u32 v1, $0x10;
	[tilespmem:$0x9000] =	vst v4  }
0xf3: {  	[tilespmem:$0x9100] =	vst v1;
	v1 =	vand.u32 $0xFFFF, v2  }
0xf4: {  	v2 =	vshrl.u32 v2, $0x10;
	[tilespmem:$0x9010] =	vst v1;
	v1 =	vld [tilespmem:$0x3E40]  }
0xf5: {  	[tilespmem:$0x9110] =	vst v2;
	v2 =	vand.u32 $0xFFFF, v3  }
0xf6: {  	[tilespmem:$0x9020] =	vst v2;
	v2 =	vshrl.u32 v3, $0x10  }
0xf7: {  	[tilespmem:$0x9120] =	vst v2;
	v2 =	vand.u32 $0xFFFF, v63  }
0xf8: {  	[tilespmem:$0x9030] =	vst v2;
	v2 =	vshrl.u32 v63, $0x10  }
0xf9: {  	[tilespmem:$0x9130] =	vst v2;
	v2 =	vand.u32 $0xFFFF, v1  }
0xfa: {  	v1 =	vshrl.u32 v1, $0x10;
	[tilespmem:$0x9040] =	vst v2  }
0xfb: {  	[tilespmem:$0x9140] =	vst v1  }
0xfc: {  	[tilespmem:s24], [sflag:$0x1] =	stream.indirect.gather [hbm4b:s4+s25], $0x80, s26, s25, $0xb8;
	[tilespmem:$0x1D200] =	vst v63  }
0xfd: {  	_ =	swait.ge [sflag:s28], $0x2800  }
0xfe: {  	[sflag:s28] =	ssyncset.done $0x0  }
0xff: {  	[sflag:s28] =	ssyncadd.s32 $0xFFFFD800  }
0x100: {  	[spmem:s1] =	stream.indirect.scatter.add.f32 [tilespmem:s24], [sflag:$0x3], $0x80, s29, s25, $0xb8;
	[tilespmem:$0x1D200] =	vst v63  }
0x101: {  	_ =	swait.ge [sflag:s5], $0x2800  }
0x102: {  	[sflag:s5] =	ssyncset.done $0x0  }
0x103: {  	[sflag:s5] =	ssyncadd.s32 $0xFFFFD800  }
0x104: {  	_ =	swait.ge [sflag:s3], $0x2800  }
0x105: {  	[sflag:s3] =	ssyncset.done $0x0  }
0x106: {  	s16 =	stileid.u32;
	[sflag:s3] =	ssyncadd.s32 $0xFFFFD800  }
0x107: {  	s15 =	sshll.u32 s16, $0x6;
	[bflag:$0x0] =	sbarrier.arrive $0xFFFF  }
0x108: {  	s16 =	sshrl.u32 s6, $0x3;
	s15 =	sor.u32 $0x1C05, s15;
	s17 =	rddreg [dreg:$0x5]  }
0x109: {  	[hbm:s17], [sflag:s15] =	dma.local [spmem:s16], $0x500  }
0x10a: {  	_ =	swait.ge [sflag:s23], $0x500  }
0x10b: {  	[sflag:s23] =	ssyncset.done $0x0  }
0x10c: {  	s16 =	sshrl.u32 s7, $0x3;
	s17 =	rddreg [dreg:$0x6];
	[sflag:s23] =	ssyncadd.s32 $0xFFFFFB00  }
0x10d: {  	[hbm:s17], [sflag:s15] =	dma.local [spmem:s16], $0x500  }
0x10e: {  	_ =	swait.ge [sflag:s23], $0x500  }
0x10f: {  	[sflag:s23] =	ssyncset.done $0x0  }
0x110: {  	s16 =	sshrl.u32 s8, $0x3;
	s17 =	rddreg [dreg:$0x7];
	[sflag:s23] =	ssyncadd.s32 $0xFFFFFB00  }
0x111: {  	[hbm:s17], [sflag:s15] =	dma.local [spmem:s16], $0x500  }
0x112: {  	_ =	swait.ge [sflag:s23], $0x500  }
0x113: {  	[sflag:s23] =	ssyncset.done $0x0  }
0x114: {  	s16 =	sshrl.u32 s9, $0x3;
	s17 =	rddreg [dreg:$0x8];
	[sflag:s23] =	ssyncadd.s32 $0xFFFFFB00  }
0x115: {  	[hbm:s17], [sflag:s15] =	dma.local [spmem:s16], $0x500  }
0x116: {  	_ =	swait.ge [sflag:s23], $0x500  }
0x117: {  	[sflag:s23] =	ssyncset.done $0x0  }
0x118: {  	s17 =	sshrl.u32 s10, $0x3;
	[sflag:s23] =	ssyncadd.s32 $0xFFFFFB00  }
0x119: {  	[hbm:s18], [sflag:s15] =	dma.local [spmem:s17], $0x500  }
0x11a: {  	_ =	swait.ge [sflag:s23], $0x500  }
0x11b: {  	[sflag:s23] =	ssyncset.done $0x0  }
0x11c: {  	s17 =	sshrl.u32 s11, $0x3;
	[sflag:s23] =	ssyncadd.s32 $0xFFFFFB00  }
0x11d: {  	[hbm:s19], [sflag:s15] =	dma.local [spmem:s17], $0x500  }
0x11e: {  	_ =	swait.ge [sflag:s23], $0x500  }
0x11f: {  	[sflag:s23] =	ssyncset.done $0x0  }
0x120: {  	s17 =	sshrl.u32 s12, $0x3;
	[sflag:s23] =	ssyncadd.s32 $0xFFFFFB00  }
0x121: {  	[hbm:s20], [sflag:s15] =	dma.local [spmem:s17], $0x500  }
0x122: {  	s14 =	sadd.s32 $0x1, s14;
	_ =	swait.ge [sflag:s23], $0x500  }
0x123: {  	p0 =	sne.s32 s14, s22;
	[sflag:s23] =	ssyncset.done $0x0  }
.Ltmp2:
0x124: {  	s17 =	sshrl.u32 s13, $0x3;
	[sflag:s23] =	ssyncadd.s32 $0xFFFFFB00;
	(pc) =	sbr.rel @p0 .LBB2_1-.Ltmp2, $4  }
0x125: {  	[hbm:s21], [sflag:s15] =	dma.local [spmem:s17], $0x500  }
0x126: {  	_ =	swait.ge [sflag:s23], $0x500  }
0x127: {  	[sflag:s23] =	ssyncset.done $0x0  }
0x128: {  	[sflag:s23] =	ssyncadd.s32 $0xFFFFFB00  }
0x129: {  	_ =	sfence.sel $0x180000  }
0x12a: {  	[bflag:$0x0] =	sbarrier.arrive $0xFFFF  }
0x12b: {  	_ =	strace $0x9000004D  }
0x12c: {  	s0 =	stileid.u32;
	[bflag:$0x2] =	sbarrier.arrive $0xFFFF  }
0x12d: {  	p0 =	sne.s32 s0, $0x0;
	s0 =	rddreg [dreg:$0x3]  }
0x12e: {  	s0 =	sadd.s32 @!p0 $0x100000, s0  }
0x12f: {  	[sflag:s0] =	ssyncadd.tile.s32 @!p0 $0x1;
	_ =	shalt  }
.Lfunc_end2:
_tile_overlayer_lowered:
.L_overlay_start_2:
0x130: {  	(tag) =	ssettag $0x2  }
0x131: {  	s0 =	rddreg [dreg:$0x0];
	s2 =	stileid.u32  }
0x132: {  	s1 =	rddreg [dreg:$0x1];
	p0 =	sne.s32 s2, $0x0  }
0x133: {  	s3 =	rddreg [dreg:$0x2];
	[bflag:$0x3] =	sbarrier.arrive $0xFFFF;
	s2 =	simm.s32 @!p0 $0x1C05  }
0x134: {  	[timem:s3], [sflag:s2] =	dma.local @!p0 [hbm:s0], s1  }
0x135: {  	s0 =	simm.s32 @!p0 $0x5  }
0x136: {  	_ =	swait.ge @!p0 [sflag:s0], s1  }
0x137: {  	s1 =	ssub.s32 @!p0 $0x0, s1;
	[sflag:s0] =	ssyncset.done @!p0 $0x0  }
0x138: {  	[sflag:s0] =	ssyncadd.s32 @!p0 s1  }
0x139: {  	[bflag:$0x3] =	sbarrier.arrive $0xFFFF  }
0x13a: {  	_ =	shalt  }

// kernel: kernel.7.cloned.1.call-start
scs
__scs_entry_jumppad:
0x0: {  	(pc) =	sbr.rel $0x88, $3  }
0x1: {  	(tag) =	ssettag $0x0;
	lr =	simm.s32 $0x1  }
0x2: {  	[smem:$0x3F91] =	sst lr;
	_ =	strace $0xD0000000  }
0x3: {  	_ = 	snop  }
0x4: {  	_ = 	snop  }
0x5: {  	_ = 	snop  }
0x6: {  	_ = 	snop  }
0x7: {  	_ = 	snop  }
__scs_overlays_trampoline_lowered:
0x8: {  	[smem:$0x3FA0] =	sst s0  }
0x9: {  	[smem:$0x3FA1] =	sst s1  }
0xa: {  	[smem:$0x3FA2] =	sst s2  }
0xb: {  	[smem:$0x3FA3] =	sst s3  }
0xc: {  	[smem:$0x3FA4] =	sst s4  }
0xd: {  	[smem:$0x3FA5] =	sst s5  }
0xe: {  	[smem:$0x3FA6] =	sst s6  }
0xf: {  	[smem:$0x3FA7] =	sst s7  }
0x10: {  	[smem:$0x3FA8] =	sst s8  }
0x11: {  	[smem:$0x3FA9] =	sst s9;
	s0 =	simm.s32 @!p0 $0x0  }
0x12: {  	s1 =	sld [smem:$0x3F8F];
	s0 =	simm.s32 @p0 $0x1  }
0x13: {  	[smem:$0x3FAA] =	sst s0;
	s0 =	simm.s32 @!p1 $0x0  }
0x14: {  	s2 =	sld [smem:$0x3F8E];
	s0 =	simm.s32 @p1 $0x1  }
0x15: {  	[smem:$0x3FAB] =	sst s0;
	s0 =	simm.s32 @!p2 $0x0  }
0x16: {  	s3 =	sld [smem:$0x3FDB];
	s0 =	simm.s32 @p2 $0x1  }
0x17: {  	s4 =	simm.s32 $0x1BF5;
	[smem:$0x3FAD] =	sst s0  }
0x18: {  	s0 =	sld [smem:$0x3F90];
	_ =	swait.ge [sflag:s4], $0x0  }
0x19: {  	s7 =	sld [smem:$0x3F91]  }
0x1a: {  	s8 =	sadd.s32 $0xFFFFE003, lr  }
0x1b: {  	s9 =	sadd.s32 $0xFFFFFEF7, lr;
	s5 =	simm.s32 $0xFFFFFFFF;
	p2 =	slt.u32 s8, $0xFFFFF086  }
0x1c: {  	p1 =	slt.u32 s9, $0xF7A;
	s5 =	simm.s32 @!p2 $0x0  }
0x1d: {  	s5 =	simm.s32 @p1 $0x1;
	p0 =	seq.s32 s7, s2  }
0x1e: {  	s7 =	smul.u32 @!p0 $0xF7A, s2;
	p2 =	seq.s32 @!p0 s5, $0x0  }
0x1f: {  	s9 =	smul.u32 $0xF7A, s1;
	s8 =	simm.s32 @!p0 $0x1BF5;
	p2 =	por !p2, p0  }
0x20: {  	[sflag:s8] =	ssyncset.s32 @!p0 $0xFFFFF086;
	s6 =	sadd.s32 @!p0 s3, s7;
	s7 =	simm.s32 @!p0 $0x108  }
0x21: {  	s3 =	sadd.s32 s3, s9;
	s6 =	sadd.s32 @!p0 $0x88, s6;
	s7 =	simm.s32 @p2 $0x1082  }
0x22: {  	[simem:s7], [sflag:s8] =	dma.local @!p0 [hbm:s6], $0xF7A  }
0x23: {  	s9 =	sor.u32 $0xD0000000, s2;
	s6 =	simm.s32 $0x108;
	_ =	swait.ge @!p0 [sflag:s8], $0x0  }
0x24: {  	s3 =	sadd.s32 $0x88, s3;
	s6 =	simm.s32 @!p1 $0x1082;
	[sflag:s4] =	ssyncset.s32 $0xFFFFF086  }
0x25: {  	[simem:s6], [sflag:s4] =	dma.local [hbm:s3], $0xF7A  }
0x26: {  	[smem:$0x3F91] =	sst s1;
	(tag) =	ssettag s2;
	_ =	strace s9  }
0x27: {  	s1 =	sld [smem:$0x3FA1]  }
0x28: {  	s2 =	sld [smem:$0x3FA2]  }
0x29: {  	s4 =	sld [smem:$0x3FA4]  }
0x2a: {  	p0 =	seq.s32 s5, $0x0;
	s5 =	sld [smem:$0x3FA5]  }
0x2b: {  	s6 =	sld [smem:$0x3FA6]  }
0x2c: {  	s7 =	sld [smem:$0x3FA7]  }
0x2d: {  	s3 =	simm.s32 $0x108;
	s8 =	sld [smem:$0x3FA8]  }
0x2e: {  	s3 =	simm.s32 @!p0 $0x1082;
	s9 =	sld [smem:$0x3FA9]  }
0x2f: {  	lr =	sadd.s32 s0, s3;
	s0 =	sld [smem:$0x3FA0]  }
0x30: {  	s3 =	sld [smem:$0x3FA3]  }
0x31: {  	[smem:$0x3FAC] =	sst s10  }
0x32: {  	s10 =	sld [smem:$0x3FAA];
	_ =	sdelay $0x3  }
0x33: {  	p0 =	seq.s32 s10, $0x1;
	s10 =	sld [smem:$0x3FAC];
	_ =	sdelay $0x3  }
0x34: {  	[smem:$0x3FAC] =	sst s10  }
0x35: {  	s10 =	sld [smem:$0x3FAB];
	_ =	sdelay $0x3  }
0x36: {  	p1 =	seq.s32 s10, $0x1;
	s10 =	sld [smem:$0x3FAC];
	_ =	sdelay $0x3  }
0x37: {  	[smem:$0x3FAC] =	sst s10  }
0x38: {  	s10 =	sld [smem:$0x3FAD]  }
0x39: {  	_ = 	snop;
	(pc) =	sbr.ind lr, $3  }
0x3a: {  	_ = 	snop  }
0x3b: {  	_ = 	snop  }
0x3c: {  	p2 =	seq.s32 s10, $0x1;
	s10 =	sld [smem:$0x3FAC]  }
0x3d: {  	_ =	shalt  }
0x3e: {  	_ =	shalt  }
0x3f: {  	_ =	shalt  }
0x40: {  	_ =	shalt  }
0x41: {  	_ =	shalt  }
0x42: {  	_ =	shalt  }
0x43: {  	_ =	shalt  }
0x44: {  	_ =	shalt  }
0x45: {  	_ =	shalt  }
0x46: {  	_ =	shalt  }
0x47: {  	_ =	shalt  }
0x48: {  	_ =	shalt  }
0x49: {  	_ =	shalt  }
0x4a: {  	_ =	shalt  }
0x4b: {  	_ =	shalt  }
0x4c: {  	_ =	shalt  }
0x4d: {  	_ =	shalt  }
0x4e: {  	_ =	shalt  }
0x4f: {  	_ =	shalt  }
0x50: {  	_ =	shalt  }
0x51: {  	_ =	shalt  }
0x52: {  	_ =	shalt  }
0x53: {  	_ =	shalt  }
0x54: {  	_ =	shalt  }
0x55: {  	_ =	shalt  }
0x56: {  	_ =	shalt  }
0x57: {  	_ =	shalt  }
0x58: {  	_ =	shalt  }
0x59: {  	_ =	shalt  }
0x5a: {  	_ =	shalt  }
0x5b: {  	_ =	shalt  }
0x5c: {  	_ =	shalt  }
0x5d: {  	_ =	shalt  }
0x5e: {  	_ =	shalt  }
0x5f: {  	_ =	shalt  }
0x60: {  	_ =	shalt  }
0x61: {  	_ =	shalt  }
0x62: {  	_ =	shalt  }
0x63: {  	_ =	shalt  }
0x64: {  	_ =	shalt  }
0x65: {  	_ =	shalt  }
0x66: {  	_ =	shalt  }
0x67: {  	_ =	shalt  }
0x68: {  	_ =	shalt  }
0x69: {  	_ =	shalt  }
0x6a: {  	_ =	shalt  }
0x6b: {  	_ =	shalt  }
0x6c: {  	_ =	shalt  }
0x6d: {  	_ =	shalt  }
0x6e: {  	_ =	shalt  }
0x6f: {  	_ =	shalt  }
0x70: {  	_ =	shalt  }
0x71: {  	_ =	shalt  }
0x72: {  	_ =	shalt  }
0x73: {  	_ =	shalt  }
0x74: {  	_ =	shalt  }
0x75: {  	_ =	shalt  }
0x76: {  	_ =	shalt  }
0x77: {  	_ =	shalt  }
0x78: {  	_ =	shalt  }
0x79: {  	_ =	shalt  }
0x7a: {  	_ =	shalt  }
0x7b: {  	_ =	shalt  }
0x7c: {  	_ =	shalt  }
0x7d: {  	_ =	shalt  }
0x7e: {  	_ =	shalt  }
0x7f: {  	_ =	shalt  }
0x80: {  	_ =	shalt  }
0x81: {  	_ =	shalt  }
0x82: {  	_ =	shalt  }
0x83: {  	_ =	shalt  }
0x84: {  	_ =	shalt  }
0x85: {  	_ =	shalt  }
0x86: {  	_ =	shalt  }
0x87: {  	_ =	shalt  }
.Lfunc_end0:
.L_simem_size_0:
called_computation_lowered:
.L_overlay_start_0:
0x88: {  	s2 =	sld [smem:$0x3FD9]  }
0x89: {  	s3 =	sld [smem:$0x3FFE];
	_ =	sdelay $0x1  }
0x8a: {  	s1 =	srdreg.scid  }
0x8b: {  	s0 =	sand.u32 $0x1, s1  }
0x8c: {  	s17 =	sshll.u32 s0, $0xA;
	s2 =	sadd.s32 s3, s2  }
0x8d: {  	s2 =	sadd.s32 s2, s17  }
0x8e: {  	[smem:$0x3FB8] =	sst s2  }
0x8f: {  	_ = 	snop  }
0x90: {  	s2 =	sld [smem:$0x3FD0];
	(tm) =	ssettm $0x1  }
0x91: {  	s18 =	sld [smem:$0x3FFB];
	_ =	sdelay $0x3  }
0x92: {  	_ =	strace s18  }
0x93: {  	s3 =	sld [smem:$0x3FFC];
	_ =	sdelay $0x3  }
0x94: {  	_ =	strace s3  }
0x95: {  	s3 =	sld [smem:$0x3FFD];
	_ =	sdelay $0x3  }
0x96: {  	_ =	strace s3  }
0x97: {  	_ =	strace $0x8FFFFFFF  }
0x98: {  	s19 =	sld [smem:$0x3FDB];
	_ =	sdelay $0x1  }
0x99: {  	s4 =	simm.s32 $_scs_section_size  }
0x9a: {  	s5 =	simm.s32 $_size__tile_overlayer_lowered;
	s6 =	simm.s32 $_tile_overlayer_lowered  }
0x9b: {  	s22 =	simm.s32 $0x1BFF;
	s21 =	sshll.u32 s6, $0x1;
	s3 =	sadd.s32 s4, s19  }
0x9c: {  	s7 =	simm.s32 $0x0;
	s20 =	sshll.u32 s5, $0x1;
	s5 =	sadd.s32 s21, s3  }
0x9d: {  	[timem:s7], [sflag:s22] =	dma.local [hbm:s5], s20  }
0x9e: {  	_ =	swait.ge [sflag:s22], s20  }
0x9f: {  	s4 =	ssub.s32 $0x0, s20;
	[sflag:s22] =	ssyncset.done $0x0  }
0xa0: {  	[sflag:s22] =	ssyncadd.s32 s4;
	_ =	sdelay $0x1  }
0xa1: {  	s23 =	simm.s32 $0x1B8B  }
0xa2: {  	_ =	swait.ge [sflag:s23], $0x1  }
0xa3: {  	[sflag:s23] =	ssyncset.done $0x0  }
0xa4: {  	s25 =	simm.s32 $0x1B8E;
	s24 =	sld [smem:$0x3FFE];
	[sflag:s23] =	ssyncadd.s32 $0xFFFFFFFF  }
0xa5: {  	s26 =	simm.s32 $execute0_lowered;
	[smem:$0x3FD2] =	sst s25  }
0xa6: {  	s5 =	sshll.u32 s26, $0x1;
	_ =	strace $0x80000046;
	[dreg:$0x1] =	wrdreg $0xFFFFFFFF  }
0xa7: {  	s28 =	simm.s32 $_size_execute0_lowered;
	s3 =	sadd.s32 s3, s5;
	[dreg:$0x0] =	wrdreg $0x0  }
0xa8: {  	s5 =	sshll.u32 s28, $0x1;
	[dreg:$0x2] =	wrdreg s3  }
0xa9: {  	[dreg:$0x3] =	wrdreg s5  }
0xaa: {  	[dreg:$0x4] =	wrdreg $0xC0  }
0xab: {  	_ =	task [dreg:s7], $0x5FFFF  }
0xac: {  	[dreg:$0x1] =	wrdreg $0xFFFFFFFF  }
0xad: {  	[dreg:$0x0] =	wrdreg $0x60  }
0xae: {  	[dreg:$0x2] =	wrdreg s24  }
0xaf: {  	[dreg:$0x3] =	wrdreg s2  }
0xb0: {  	[dreg:$0x4] =	wrdreg $0x92000  }
0xb1: {  	[dreg:$0x5] =	wrdreg $0x9  }
0xb2: {  	_ =	task.clear_ibuf [dreg:s7], $0x6FFFF;
	_ =	strace $0x90000046  }
0xb3: {  	s29 =	simm.s32 $0x9;
	_ =	strace $0x80000048  }
0xb4: {  	_ =	swait.ge [sflag:s29], $0x1  }
0xb5: {  	[sflag:s29] =	ssyncadd.s32 $0xFFFFFFFF  }
0xb6: {  	_ =	strace $0x90000048  }
0xb7: {  	_ =	sfence  }
0xb8: {  	s30 =	sld [smem:$0x0];
	_ =	sdelay $0x2  }
0xb9: {  	s31 =	sshll.u32 s1, $0xD;
	s1 =	sshrl.u32 s1, $0x2  }
0xba: {  	s3 =	sand.u32 $0x4000, s31;
	s1 =	sadd.s32 s1, s30  }
0xbb: {  	s0 =	sor.u32 s3, s0;
	s1 =	sshll.u32 s1, $0x11  }
0xbc: {  	s0 =	sor.u32 s1, s0  }
0xbd: {  	s0 =	sadd.s32 $0x8F2B, s0  }
0xbe: {  	[sflag:s0] =	ssyncadd.remote.s32 $0x1  }
0xbf: {  	_ =	sfence.sel $0xFFFF  }
0xc0: {  	[dreg:$0x0] =	wrdreg $0xFFFFFFFF;
	(pc) =	sbr.abs _section_cstart, $3  }
0xc1: {  	[dreg:$0x1] =	wrdreg $0xFFFFFFFF  }
0xc2: {  	_ =	task.clear_ibuf [dreg:s7], $0x2FFFF;
	_ =	strace $0x9FFFFFFF  }
0xc3: {  	(tm) =	ssettm $0x7FFFFFFF  }
tec
execute0_lowered:
.L_overlay_start_1:
0x0: {  	(tag) =	ssettag $0x1  }
0x1: {  	s1 =	rddreg [dreg:$0x0]  }
0x2: {  	s0 =	srdreg.scid;
	s5 =	rddreg [dreg:$0x1]  }
0x3: {  	s10 =	stileid.u32;
	s2 =	rddreg [dreg:$0x2];
	s28 =	simm.s32 $0x50  }
0x4: {  	s29 =	simm.s32 $0x9000;
	s30 =	simm.s32 $0x1;
	s31 =	simm.s32 $0x9100  }
0x5: {  	s0 =	sand.u32 $0x1, s0;
	s7 =	sshll.u32 s10, $0x7;
	s8 =	smul.u32 $0x50000, s10  }
0x6: {  	s14 =	sadd.s32 $0x36A00, s1;
	s13 =	smul.u32 $0x14000, s10;
	s3 =	sshll.u32 s0, $0x4  }
0x7: {  	s7 =	sand.u32 $0x380, s7;
	s24 =	ssub.s32 $0x2, s0;
	s0 =	smul.u32 $0x140000, s0  }
0x8: {  	s6 =	sor.u32 s10, s3;
	s3 =	simm.s32 $0x0;
	s9 =	sshrl.u32 s24, $0x1  }
0x9: {  	s25 =	sshrl.u32 s8, $0x2;
	s26 =	sor.u32 $0x2800, s13;
	s16 =	sadd.s32 $0x5000, s13  }
0xa: {  	s17 =	sadd.s32 $0x7800, s13;
	s18 =	sadd.s32 $0xA000, s13;
	s19 =	sadd.s32 $0xC800, s13  }
0xb: {  	s20 =	sadd.s32 $0xF000, s13;
	s22 =	sadd.s32 $0x11800, s13;
	s4 =	sshrl.u32 s6, $0x3  }
0xc: {  	[smem:$0x7FF] =	sst s3;
	s6 =	sshll.u32 s6, $0xB;
	s15 =	ssub.s32 s24, s9  }
0xd: {  	s8 =	sadd.s32 s16, s2;
	s9 =	sadd.s32 s17, s2;
	s10 =	sadd.s32 s18, s2  }
0xe: {  	s11 =	sadd.s32 s19, s2;
	s12 =	sadd.s32 s20, s2;
	s21 =	sadd.s32 s13, s0  }
0xf: {  	s13 =	sadd.s32 s22, s2;
	s16 =	sadd.s32 s0, s16;
	s17 =	sadd.s32 s0, s17  }
0x10: {  	s4 =	smul.u32 $0x14000, s4;
	_ =	strace $0x80000047;
	s5 =	sadd.s32 s5, s6  }
0x11: {  	s6 =	sadd.s32 s25, s2;
	s21 =	sshrl.u32 s21, $0x3;
	s25 =	sadd.s32 s0, s19  }
0x12: {  	[dreg:$0x4] =	wrdreg s5;
	s5 =	sadd.s32 s0, s26;
	s21 =	sadd.s32 s14, s21  }
0x13: {  	s7 =	sor.u32 s7, s4;
	s4 =	sadd.s32 $0x4A00, s1;
	[dreg:$0x5] =	wrdreg s21  }
0x14: {  	s5 =	sshrl.u32 s5, $0x3;
	s21 =	sadd.s32 s0, s18;
	s7 =	sshrl.u32 s7, $0x3  }
0x15: {  	s5 =	sadd.s32 s14, s5;
	s24 =	sshrl.u32 s21, $0x3;
	s1 =	sadd.s32 s7, s1  }
0x16: {  	s7 =	sadd.s32 s26, s2;
	[dreg:$0x6] =	wrdreg s5;
	s5 =	sshrl.u32 s16, $0x3  }
0x17: {  	s16 =	sshrl.u32 s17, $0x3;
	s26 =	sadd.s32 s0, s20;
	s0 =	sadd.s32 s0, s22  }
0x18: {  	s5 =	sadd.s32 s14, s5;
	s23 =	sadd.s32 s14, s16;
	s16 =	sshrl.u32 s26, $0x3  }
0x19: {  	s0 =	sshrl.u32 s0, $0x3;
	s22 =	sadd.s32 $0x2CA00, s1;
	[dreg:$0x7] =	wrdreg s5  }
0x1a: {  	s26 =	simm.s32 $0x1D200;
	s1 =	simm.s32 $0x9080;
	[dreg:$0x8] =	wrdreg s23  }
0x1b: {  	s5 =	sadd.s32 s14, s24;
	s20 =	sadd.s32 s14, s16;
	s21 =	sadd.s32 s14, s0  }
0x1c: {  	s23 =	smax.u32 s15, $0x1;
	s24 =	simm.s32 $0x5;
	s0 =	simm.s32 $0x6800  }
0x1d: {  	s15 =	simm.s32 $0x3;
	[dreg:$0x9] =	wrdreg s5;
	s5 =	sshrl.u32 s25, $0x3  }
0x1e: {  	s16 =	simm.s32 $0x4;
	s25 =	simm.s32 $0x4000;
	s5 =	sadd.s32 s14, s5  }
0x1f: {  	v0 =	vimm.f32 $0.0e+00;
	v1 =	vimm.f32 $1.000000000e+00;
	s14 =	simm.s32 $0x9180;
	[dreg:$0xa] =	wrdreg s5;
	s5 =	simm.s32 $0x2  }
.LBB2_1:
0x20: {  	s17 =	simm.s32 $0x0;
	s18 =	simm.s32 $0x200  }
.LBB2_2:
0x21: {  	p0 =	sne.s32 s18, $0x9E00;
	[tilespmem:s17+$0x4070] =	vst v0  }
0x22: {  	[tilespmem:s17+$0x4000] =	vst v0  }
0x23: {  	[tilespmem:s17+$0x4010] =	vst v0  }
.Ltmp0:
0x24: {  	[tilespmem:s17+$0x4020] =	vst v0;
	(pc) =	sbr.rel @p0 .LBB2_2-.Ltmp0, $4  }
0x25: {  	[tilespmem:s17+$0x4030] =	vst v0  }
0x26: {  	[tilespmem:s17+$0x4040] =	vst v0  }
0x27: {  	[tilespmem:s17+$0x4050] =	vst v0  }
0x28: {  	[tilespmem:s17+$0x4060] =	vst v0;
	s17 =	sshra.s32 s18, $0x2;
	s18 =	sadd.s32 $0x200, s18  }
0x29: {  	[tilespmem:s17+$0x4070] =	vst v0  }
0x2a: {  	[tilespmem:s17+$0x4000] =	vst v0  }
0x2b: {  	[tilespmem:s17+$0x4010] =	vst v0  }
0x2c: {  	[tilespmem:s17+$0x4020] =	vst v0  }
0x2d: {  	[tilespmem:s17+$0x4030] =	vst v0  }
0x2e: {  	[tilespmem:s17+$0x4040] =	vst v0  }
0x2f: {  	[tilespmem:s17+$0x4050] =	vst v0  }
0x30: {  	[tilespmem:s17+$0x4060] =	vst v0;
	s19 =	simm.s32 $0x0;
	s18 =	rddreg [dreg:$0x4]  }
0x31: {  	[tilespmem:s19], [sflag:$0x5] =	stream.linear.gather [hbm4b:s18+s19], $0x3E80, $0x38;
	[tilespmem:$0x1FA00] =	vst v63  }
0x32: {  	_ =	swait.ge [sflag:s24], $0x3E80  }
0x33: {  	[sflag:s24] =	ssyncset.done $0x0  }
0x34: {  	s17 =	simm.s32 $0x40;
	s18 =	simm.s32 $0x0;
	[sflag:s24] =	ssyncadd.s32 $0xFFFFC180  }
.LBB2_4:
0x35: {  	p0 =	sne.s32 s17, $0x9FC0;
	[tilespmem:s18+$0x1D200] =	vst v0;
	s18 =	smov.u32 s17;
	s17 =	sadd.s32 $0x40, s17  }
.Ltmp1:
0x36: {  	(pc) =	sbr.rel @p0 .LBB2_4-.Ltmp1, $2  }
0x37: {  	_ =	sdelay $0x2  }
0x38: {  	s18 =	sshra.s32 s18, $0x2  }
0x39: {  	[tilespmem:s18+$0x1D200] =	vst v0  }
0x3a: {  	[spmem:s6] =	stream.linear.scatter [tilespmem:s25], [sflag:$0x5], $0x2800, $0x38;
	[tilespmem:$0x1FA00] =	vst v63  }
0x3b: {  	_ =	swait.ge [sflag:s24], $0x2800  }
0x3c: {  	[sflag:s24] =	ssyncset.done $0x0  }
0x3d: {  	[sflag:s24] =	ssyncadd.s32 $0xFFFFD800  }
0x3e: {  	[spmem:s7] =	stream.linear.scatter [tilespmem:s25], [sflag:$0x5], $0x2800, $0x38;
	[tilespmem:$0x1FA00] =	vst v63  }
0x3f: {  	_ =	swait.ge [sflag:s24], $0x2800  }
0x40: {  	[sflag:s24] =	ssyncset.done $0x0  }
0x41: {  	[sflag:s24] =	ssyncadd.s32 $0xFFFFD800  }
0x42: {  	[spmem:s8] =	stream.linear.scatter [tilespmem:s25], [sflag:$0x5], $0x2800, $0x38;
	[tilespmem:$0x1FA00] =	vst v63  }
0x43: {  	_ =	swait.ge [sflag:s24], $0x2800  }
0x44: {  	[sflag:s24] =	ssyncset.done $0x0  }
0x45: {  	[sflag:s24] =	ssyncadd.s32 $0xFFFFD800  }
0x46: {  	[spmem:s9] =	stream.linear.scatter [tilespmem:s25], [sflag:$0x5], $0x2800, $0x38;
	[tilespmem:$0x1FA00] =	vst v63  }
0x47: {  	_ =	swait.ge [sflag:s24], $0x2800  }
0x48: {  	[sflag:s24] =	ssyncset.done $0x0  }
0x49: {  	[sflag:s24] =	ssyncadd.s32 $0xFFFFD800  }
0x4a: {  	[spmem:s10] =	stream.linear.scatter [tilespmem:s25], [sflag:$0x5], $0x2800, $0x38;
	[tilespmem:$0x1FA00] =	vst v63  }
0x4b: {  	_ =	swait.ge [sflag:s24], $0x2800  }
0x4c: {  	[sflag:s24] =	ssyncset.done $0x0  }
0x4d: {  	[sflag:s24] =	ssyncadd.s32 $0xFFFFD800  }
0x4e: {  	[spmem:s11] =	stream.linear.scatter [tilespmem:s25], [sflag:$0x5], $0x2800, $0x38;
	[tilespmem:$0x1FA00] =	vst v63  }
0x4f: {  	_ =	swait.ge [sflag:s24], $0x2800  }
0x50: {  	[sflag:s24] =	ssyncset.done $0x0  }
0x51: {  	[sflag:s24] =	ssyncadd.s32 $0xFFFFD800  }
0x52: {  	[spmem:s12] =	stream.linear.scatter [tilespmem:s25], [sflag:$0x5], $0x2800, $0x38;
	[tilespmem:$0x1FA00] =	vst v63  }
0x53: {  	_ =	swait.ge [sflag:s24], $0x2800  }
0x54: {  	[sflag:s24] =	ssyncset.done $0x0  }
0x55: {  	[sflag:s24] =	ssyncadd.s32 $0xFFFFD800  }
0x56: {  	[spmem:s13] =	stream.linear.scatter [tilespmem:s25], [sflag:$0x5], $0x2800, $0x38;
	[tilespmem:$0x1FA00] =	vst v63  }
0x57: {  	_ =	swait.ge [sflag:s24], $0x2800  }
0x58: {  	[sflag:s24] =	ssyncset.done $0x0  }
0x59: {  	[sflag:s24] =	ssyncadd.s32 $0xFFFFD800  }
0x5a: {  	[bflag:$0x0] =	sbarrier.arrive $0xFFFF  }
0x5b: {  	v2 =	vld [tilespmem:$0x0];
	_ =	sdelay $0x4  }
0x5c: {  	v3 =	vshrl.u32 v2, $0x10;
	_ =	sdelay $0x1  }
0x5d: {  	v2 =	vand.u32 $0xFFFF, v2  }
0x5e: {  	[tilespmem:$0x9000] =	vst v2  }
0x5f: {  	[tilespmem:$0x9100] =	vst v3  }
0x60: {  	[tilespmem:v3+s26+$0x0] =	vst.idx.add.f32.msk $0xffff, v1  }
0x61: {  	v2 =	vld [tilespmem:$0x10];
	_ =	sdelay $0x4  }
0x62: {  	v3 =	vshrl.u32 v2, $0x10;
	_ =	sdelay $0x1  }
0x63: {  	v2 =	vand.u32 $0xFFFF, v2  }
0x64: {  	[tilespmem:$0x9010] =	vst v2  }
0x65: {  	[tilespmem:$0x9110] =	vst v3  }
0x66: {  	[tilespmem:v3+s26+$0x0] =	vst.idx.add.f32.msk $0xffff, v1  }
0x67: {  	v2 =	vld [tilespmem:$0x20];
	_ =	sdelay $0x4  }
0x68: {  	v3 =	vshrl.u32 v2, $0x10;
	_ =	sdelay $0x1  }
0x69: {  	v2 =	vand.u32 $0xFFFF, v2  }
0x6a: {  	[tilespmem:$0x9020] =	vst v2  }
0x6b: {  	[tilespmem:$0x9120] =	vst v3  }
0x6c: {  	[tilespmem:v3+s26+$0x0] =	vst.idx.add.f32.msk $0xffff, v1  }
0x6d: {  	v2 =	vld [tilespmem:$0x30];
	_ =	sdelay $0x4  }
0x6e: {  	v3 =	vshrl.u32 v2, $0x10;
	_ =	sdelay $0x1  }
0x6f: {  	v2 =	vand.u32 $0xFFFF, v2  }
0x70: {  	[tilespmem:$0x9030] =	vst v2  }
0x71: {  	[tilespmem:$0x9130] =	vst v3  }
0x72: {  	[tilespmem:v3+s26+$0x0] =	vst.idx.add.f32.msk $0xffff, v1  }
0x73: {  	v2 =	vld [tilespmem:$0x40];
	_ =	sdelay $0x4  }
0x74: {  	v3 =	vshrl.u32 v2, $0x10;
	_ =	sdelay $0x1  }
0x75: {  	v2 =	vand.u32 $0xFFFF, v2  }
0x76: {  	[tilespmem:$0x9040] =	vst v2  }
0x77: {  	[tilespmem:$0x9140] =	vst v3  }
0x78: {  	[tilespmem:v3+s26+$0x0] =	vst.idx.add.f32.msk $0xffff, v1  }
0x79: {  	[tilespmem:s25], [sflag:$0x1] =	stream.indirect.gather [hbm4b:s4+s28], $0x80, s29, s28, $0xb8;
	[tilespmem:$0x1FA00] =	vst v63  }
0x7a: {  	_ =	swait.ge [sflag:s30], $0x2800  }
0x7b: {  	[sflag:s30] =	ssyncset.done $0x0  }
0x7c: {  	[sflag:s30] =	ssyncadd.s32 $0xFFFFD800  }
0x7d: {  	[spmem:s2] =	stream.indirect.scatter.add.f32 [tilespmem:s25], [sflag:$0x3], $0x80, s31, s28, $0xb8;
	[tilespmem:$0x1FA00] =	vst v63  }
0x7e: {  	v2 =	vld [tilespmem:$0x80];
	_ =	sdelay $0x4  }
0x7f: {  	v3 =	vshrl.u32 v2, $0x10;
	_ =	sdelay $0x1  }
0x80: {  	v2 =	vand.u32 $0xFFFF, v2  }
0x81: {  	[tilespmem:$0x9080] =	vst v2  }
0x82: {  	[tilespmem:$0x9180] =	vst v3  }
0x83: {  	[tilespmem:v3+s26+$0x0] =	vst.idx.add.f32.msk $0xffff, v1  }
0x84: {  	v2 =	vld [tilespmem:$0x90];
	_ =	sdelay $0x4  }
0x85: {  	v3 =	vshrl.u32 v2, $0x10;
	_ =	sdelay $0x1  }
0x86: {  	v2 =	vand.u32 $0xFFFF, v2  }
0x87: {  	[tilespmem:$0x9090] =	vst v2  }
0x88: {  	[tilespmem:$0x9190] =	vst v3  }
0x89: {  	[tilespmem:v3+s26+$0x0] =	vst.idx.add.f32.msk $0xffff, v1  }
0x8a: {  	v2 =	vld [tilespmem:$0xA0];
	_ =	sdelay $0x4  }
0x8b: {  	v3 =	vshrl.u32 v2, $0x10;
	_ =	sdelay $0x1  }
0x8c: {  	v2 =	vand.u32 $0xFFFF, v2  }
0x8d: {  	[tilespmem:$0x90A0] =	vst v2  }
0x8e: {  	[tilespmem:$0x91A0] =	vst v3  }
0x8f: {  	[tilespmem:v3+s26+$0x0] =	vst.idx.add.f32.msk $0xffff, v1  }
0x90: {  	v2 =	vld [tilespmem:$0xB0];
	_ =	sdelay $0x4  }
0x91: {  	v3 =	vshrl.u32 v2, $0x10;
	_ =	sdelay $0x1  }
0x92: {  	v2 =	vand.u32 $0xFFFF, v2  }
0x93: {  	[tilespmem:$0x90B0] =	vst v2  }
0x94: {  	[tilespmem:$0x91B0] =	vst v3  }
0x95: {  	[tilespmem:v3+s26+$0x0] =	vst.idx.add.f32.msk $0xffff, v1  }
0x96: {  	v2 =	vld [tilespmem:$0xC0];
	_ =	sdelay $0x4  }
0x97: {  	v3 =	vshrl.u32 v2, $0x10;
	_ =	sdelay $0x1  }
0x98: {  	v2 =	vand.u32 $0xFFFF, v2  }
0x99: {  	[tilespmem:$0x90C0] =	vst v2  }
0x9a: {  	[tilespmem:$0x91C0] =	vst v3  }
0x9b: {  	s17 =	simm.s32 $0x700;
	[tilespmem:v3+s26+$0x0] =	vst.idx.add.f32.msk $0xffff, v1  }
0x9c: {  	[tilespmem:s0], [sflag:$0x2] =	stream.indirect.gather [hbm4b:s4+s28], $0x80, s1, s28, $0xb8;
	[tilespmem:$0x1FA00] =	vst v63  }
.LBB2_6:
0x9d: {  	_ =	swait.ge [sflag:s5], $0x2800  }
0x9e: {  	[sflag:s5] =	ssyncset.done $0x0  }
0x9f: {  	[sflag:s5] =	ssyncadd.s32 $0xFFFFD800  }
0xa0: {  	[spmem:s2] =	stream.indirect.scatter.add.f32 [tilespmem:s0], [sflag:$0x4], $0x80, s14, s28, $0xb8;
	[tilespmem:$0x1FA00] =	vst v63  }
0xa1: {  	_ =	swait.ge [sflag:s15], $0x2800  }
0xa2: {  	[sflag:s15] =	ssyncset.done $0x0  }
0xa3: {  	s18 =	sshra.s32 s17, $0x2;
	[sflag:s15] =	ssyncadd.s32 $0xFFFFD800  }
0xa4: {  	v2 =	vld [tilespmem:s18+$0xFFFFFF40];
	_ =	sdelay $0x4  }
0xa5: {  	v3 =	vshrl.u32 v2, $0x10;
	_ =	sdelay $0x1  }
0xa6: {  	v2 =	vand.u32 $0xFFFF, v2  }
0xa7: {  	[tilespmem:$0x9000] =	vst v2  }
0xa8: {  	[tilespmem:$0x9100] =	vst v3  }
0xa9: {  	[tilespmem:v3+s26+$0x0] =	vst.idx.add.f32.msk $0xffff, v1  }
0xaa: {  	v2 =	vld [tilespmem:s18+$0xFFFFFF50];
	_ =	sdelay $0x4  }
0xab: {  	v3 =	vshrl.u32 v2, $0x10;
	_ =	sdelay $0x1  }
0xac: {  	v2 =	vand.u32 $0xFFFF, v2  }
0xad: {  	[tilespmem:$0x9010] =	vst v2  }
0xae: {  	[tilespmem:$0x9110] =	vst v3  }
0xaf: {  	[tilespmem:v3+s26+$0x0] =	vst.idx.add.f32.msk $0xffff, v1  }
0xb0: {  	v2 =	vld [tilespmem:s18+$0xFFFFFF60];
	_ =	sdelay $0x4  }
0xb1: {  	v3 =	vshrl.u32 v2, $0x10;
	_ =	sdelay $0x1  }
0xb2: {  	v2 =	vand.u32 $0xFFFF, v2  }
0xb3: {  	[tilespmem:$0x9020] =	vst v2  }
0xb4: {  	[tilespmem:$0x9120] =	vst v3  }
0xb5: {  	[tilespmem:v3+s26+$0x0] =	vst.idx.add.f32.msk $0xffff, v1  }
0xb6: {  	v2 =	vld [tilespmem:s18+$0xFFFFFF70];
	_ =	sdelay $0x4  }
0xb7: {  	v3 =	vshrl.u32 v2, $0x10;
	_ =	sdelay $0x1  }
0xb8: {  	v2 =	vand.u32 $0xFFFF, v2  }
0xb9: {  	[tilespmem:$0x9030] =	vst v2  }
0xba: {  	[tilespmem:$0x9130] =	vst v3  }
0xbb: {  	[tilespmem:v3+s26+$0x0] =	vst.idx.add.f32.msk $0xffff, v1  }
0xbc: {  	v2 =	vld [tilespmem:s18+$0xFFFFFF80];
	_ =	sdelay $0x4  }
0xbd: {  	v3 =	vshrl.u32 v2, $0x10;
	_ =	sdelay $0x1  }
0xbe: {  	v2 =	vand.u32 $0xFFFF, v2  }
0xbf: {  	[tilespmem:$0x9040] =	vst v2  }
0xc0: {  	[tilespmem:$0x9140] =	vst v3  }
0xc1: {  	[tilespmem:v3+s26+$0x0] =	vst.idx.add.f32.msk $0xffff, v1  }
0xc2: {  	[tilespmem:s25], [sflag:$0x1] =	stream.indirect.gather [hbm4b:s4+s28], $0x80, s29, s28, $0xb8;
	[tilespmem:$0x1FA00] =	vst v63  }
0xc3: {  	_ =	swait.ge [sflag:s30], $0x2800  }
0xc4: {  	[sflag:s30] =	ssyncset.done $0x0  }
0xc5: {  	[sflag:s30] =	ssyncadd.s32 $0xFFFFD800  }
0xc6: {  	[spmem:s2] =	stream.indirect.scatter.add.f32 [tilespmem:s25], [sflag:$0x3], $0x80, s31, s28, $0xb8;
	[tilespmem:$0x1FA00] =	vst v63  }
0xc7: {  	_ =	swait.ge [sflag:s16], $0x2800  }
0xc8: {  	[sflag:s16] =	ssyncset.done $0x0  }
0xc9: {  	[sflag:s16] =	ssyncadd.s32 $0xFFFFD800  }
0xca: {  	v2 =	vld [tilespmem:s18+$0xFFFFFFC0];
	_ =	sdelay $0x4  }
0xcb: {  	v3 =	vshrl.u32 v2, $0x10;
	_ =	sdelay $0x1  }
0xcc: {  	v2 =	vand.u32 $0xFFFF, v2  }
0xcd: {  	[tilespmem:$0x9080] =	vst v2  }
0xce: {  	[tilespmem:$0x9180] =	vst v3  }
0xcf: {  	[tilespmem:v3+s26+$0x0] =	vst.idx.add.f32.msk $0xffff, v1  }
0xd0: {  	v2 =	vld [tilespmem:s18+$0xFFFFFFD0];
	_ =	sdelay $0x4  }
0xd1: {  	v3 =	vshrl.u32 v2, $0x10;
	_ =	sdelay $0x1  }
0xd2: {  	v2 =	vand.u32 $0xFFFF, v2  }
0xd3: {  	[tilespmem:$0x9090] =	vst v2  }
0xd4: {  	[tilespmem:$0x9190] =	vst v3  }
0xd5: {  	[tilespmem:v3+s26+$0x0] =	vst.idx.add.f32.msk $0xffff, v1  }
0xd6: {  	v2 =	vld [tilespmem:s18+$0xFFFFFFE0];
	_ =	sdelay $0x4  }
0xd7: {  	v3 =	vshrl.u32 v2, $0x10;
	_ =	sdelay $0x1  }
0xd8: {  	v2 =	vand.u32 $0xFFFF, v2  }
0xd9: {  	[tilespmem:$0x90A0] =	vst v2  }
0xda: {  	[tilespmem:$0x91A0] =	vst v3  }
0xdb: {  	[tilespmem:v3+s26+$0x0] =	vst.idx.add.f32.msk $0xffff, v1  }
0xdc: {  	v2 =	vld [tilespmem:s18+$0xFFFFFFF0];
	_ =	sdelay $0x4  }
0xdd: {  	v3 =	vshrl.u32 v2, $0x10;
	_ =	sdelay $0x1  }
0xde: {  	v2 =	vand.u32 $0xFFFF, v2  }
0xdf: {  	[tilespmem:$0x90B0] =	vst v2  }
0xe0: {  	[tilespmem:$0x91B0] =	vst v3  }
0xe1: {  	[tilespmem:v3+s26+$0x0] =	vst.idx.add.f32.msk $0xffff, v1  }
0xe2: {  	v2 =	vld [tilespmem:s18+$0x0];
	_ =	sdelay $0x4  }
0xe3: {  	v3 =	vshrl.u32 v2, $0x10  }
0xe4: {  	p0 =	sne.s32 s17, $0xF700  }
.Ltmp2:
0xe5: {  	v2 =	vand.u32 $0xFFFF, v2;
	(pc) =	sbr.rel @p0 .LBB2_6-.Ltmp2, $4  }
0xe6: {  	[tilespmem:$0x90C0] =	vst v2  }
0xe7: {  	[tilespmem:$0x91C0] =	vst v3  }
0xe8: {  	s17 =	sadd.s32 $0x400, s17;
	[tilespmem:v3+s26+$0x0] =	vst.idx.add.f32.msk $0xffff, v1  }
0xe9: {  	[tilespmem:s0], [sflag:$0x2] =	stream.indirect.gather [hbm4b:s4+s28], $0x80, s1, s28, $0xb8;
	[tilespmem:$0x1FA00] =	vst v63  }
0xea: {  	_ =	swait.ge [sflag:s5], $0x2800  }
0xeb: {  	[sflag:s5] =	ssyncset.done $0x0  }
0xec: {  	[sflag:s5] =	ssyncadd.s32 $0xFFFFD800  }
0xed: {  	[spmem:s2] =	stream.indirect.scatter.add.f32 [tilespmem:s0], [sflag:$0x4], $0x80, s14, s28, $0xb8;
	[tilespmem:$0x1FA00] =	vst v63  }
0xee: {  	_ =	swait.ge [sflag:s15], $0x2800  }
0xef: {  	[sflag:s15] =	ssyncset.done $0x0  }
0xf0: {  	[sflag:s15] =	ssyncadd.s32 $0xFFFFD800  }
0xf1: {  	v2 =	vld [tilespmem:$0x3E00];
	_ =	sdelay $0x4  }
0xf2: {  	v3 =	vshrl.u32 v2, $0x10;
	_ =	sdelay $0x1  }
0xf3: {  	v2 =	vand.u32 $0xFFFF, v2  }
0xf4: {  	[tilespmem:$0x9000] =	vst v2  }
0xf5: {  	[tilespmem:$0x9100] =	vst v3  }
0xf6: {  	[tilespmem:v3+s26+$0x0] =	vst.idx.add.f32.msk $0xffff, v1  }
0xf7: {  	v2 =	vld [tilespmem:$0x3E10];
	_ =	sdelay $0x4  }
0xf8: {  	v3 =	vshrl.u32 v2, $0x10;
	_ =	sdelay $0x1  }
0xf9: {  	v2 =	vand.u32 $0xFFFF, v2  }
0xfa: {  	[tilespmem:$0x9010] =	vst v2  }
0xfb: {  	[tilespmem:$0x9110] =	vst v3  }
0xfc: {  	[tilespmem:v3+s26+$0x0] =	vst.idx.add.f32.msk $0xffff, v1  }
0xfd: {  	v2 =	vld [tilespmem:$0x3E20];
	_ =	sdelay $0x4  }
0xfe: {  	v3 =	vshrl.u32 v2, $0x10;
	_ =	sdelay $0x1  }
0xff: {  	v2 =	vand.u32 $0xFFFF, v2  }
0x100: {  	[tilespmem:$0x9020] =	vst v2  }
0x101: {  	[tilespmem:$0x9120] =	vst v3  }
0x102: {  	[tilespmem:v3+s26+$0x0] =	vst.idx.add.f32.msk $0xffff, v1  }
0x103: {  	v2 =	vld [tilespmem:$0x3E30];
	_ =	sdelay $0x4  }
0x104: {  	v3 =	vshrl.u32 v2, $0x10;
	_ =	sdelay $0x1  }
0x105: {  	v2 =	vand.u32 $0xFFFF, v2  }
0x106: {  	[tilespmem:$0x9030] =	vst v2  }
0x107: {  	[tilespmem:$0x9130] =	vst v3  }
0x108: {  	[tilespmem:v3+s26+$0x0] =	vst.idx.add.f32.msk $0xffff, v1  }
0x109: {  	v2 =	vld [tilespmem:$0x3E40];
	_ =	sdelay $0x4  }
0x10a: {  	v3 =	vshrl.u32 v2, $0x10;
	_ =	sdelay $0x1  }
0x10b: {  	v2 =	vand.u32 $0xFFFF, v2  }
0x10c: {  	[tilespmem:$0x9040] =	vst v2  }
0x10d: {  	[tilespmem:$0x9140] =	vst v3  }
0x10e: {  	[tilespmem:v3+s26+$0x0] =	vst.idx.add.f32.msk $0xffff, v1  }
0x10f: {  	[tilespmem:s25], [sflag:$0x1] =	stream.indirect.gather [hbm4b:s4+s28], $0x80, s29, s28, $0xb8;
	[tilespmem:$0x1FA00] =	vst v63  }
0x110: {  	_ =	swait.ge [sflag:s30], $0x2800  }
0x111: {  	[sflag:s30] =	ssyncset.done $0x0  }
0x112: {  	[sflag:s30] =	ssyncadd.s32 $0xFFFFD800  }
0x113: {  	[spmem:s2] =	stream.indirect.scatter.add.f32 [tilespmem:s25], [sflag:$0x3], $0x80, s31, s28, $0xb8;
	[tilespmem:$0x1FA00] =	vst v63  }
0x114: {  	_ =	swait.ge [sflag:s16], $0x2800  }
0x115: {  	[sflag:s16] =	ssyncset.done $0x0  }
0x116: {  	[sflag:s16] =	ssyncadd.s32 $0xFFFFD800  }
0x117: {  	_ =	swait.ge [sflag:s15], $0x2800  }
0x118: {  	[sflag:s15] =	ssyncset.done $0x0  }
0x119: {  	s17 =	stileid.u32;
	[sflag:s15] =	ssyncadd.s32 $0xFFFFD800  }
0x11a: {  	s17 =	sshll.u32 s17, $0x6;
	[bflag:$0x0] =	sbarrier.arrive $0xFFFF  }
0x11b: {  	s18 =	sshrl.u32 s6, $0x3;
	s17 =	sor.u32 $0x1C05, s17;
	s19 =	rddreg [dreg:$0x5]  }
0x11c: {  	[hbm:s19], [sflag:s17] =	dma.local [spmem:s18], $0x500  }
0x11d: {  	_ =	swait.ge [sflag:s24], $0x500  }
0x11e: {  	[sflag:s24] =	ssyncset.done $0x0  }
0x11f: {  	s18 =	sshrl.u32 s7, $0x3;
	s19 =	rddreg [dreg:$0x6];
	[sflag:s24] =	ssyncadd.s32 $0xFFFFFB00  }
0x120: {  	[hbm:s19], [sflag:s17] =	dma.local [spmem:s18], $0x500  }
0x121: {  	_ =	swait.ge [sflag:s24], $0x500  }
0x122: {  	[sflag:s24] =	ssyncset.done $0x0  }
0x123: {  	s18 =	sshrl.u32 s8, $0x3;
	s19 =	rddreg [dreg:$0x7];
	[sflag:s24] =	ssyncadd.s32 $0xFFFFFB00  }
0x124: {  	[hbm:s19], [sflag:s17] =	dma.local [spmem:s18], $0x500  }
0x125: {  	_ =	swait.ge [sflag:s24], $0x500  }
0x126: {  	[sflag:s24] =	ssyncset.done $0x0  }
0x127: {  	s18 =	sshrl.u32 s9, $0x3;
	s19 =	rddreg [dreg:$0x8];
	[sflag:s24] =	ssyncadd.s32 $0xFFFFFB00  }
0x128: {  	[hbm:s19], [sflag:s17] =	dma.local [spmem:s18], $0x500  }
0x129: {  	_ =	swait.ge [sflag:s24], $0x500  }
0x12a: {  	[sflag:s24] =	ssyncset.done $0x0  }
0x12b: {  	s18 =	sshrl.u32 s10, $0x3;
	s19 =	rddreg [dreg:$0x9];
	[sflag:s24] =	ssyncadd.s32 $0xFFFFFB00  }
0x12c: {  	[hbm:s19], [sflag:s17] =	dma.local [spmem:s18], $0x500  }
0x12d: {  	_ =	swait.ge [sflag:s24], $0x500  }
0x12e: {  	[sflag:s24] =	ssyncset.done $0x0  }
0x12f: {  	s18 =	sshrl.u32 s11, $0x3;
	s19 =	rddreg [dreg:$0xa];
	[sflag:s24] =	ssyncadd.s32 $0xFFFFFB00  }
0x130: {  	[hbm:s19], [sflag:s17] =	dma.local [spmem:s18], $0x500  }
0x131: {  	_ =	swait.ge [sflag:s24], $0x500  }
0x132: {  	[sflag:s24] =	ssyncset.done $0x0  }
0x133: {  	s19 =	sshrl.u32 s12, $0x3;
	[sflag:s24] =	ssyncadd.s32 $0xFFFFFB00  }
0x134: {  	[hbm:s20], [sflag:s17] =	dma.local [spmem:s19], $0x500  }
0x135: {  	_ =	swait.ge [sflag:s24], $0x500  }
0x136: {  	[sflag:s24] =	ssyncset.done $0x0  }
0x137: {  	s19 =	sshrl.u32 s13, $0x3;
	[sflag:s24] =	ssyncadd.s32 $0xFFFFFB00  }
0x138: {  	[hbm:s21], [sflag:s17] =	dma.local [spmem:s19], $0x500  }
0x139: {  	s3 =	sadd.s32 $0x1, s3;
	_ =	swait.ge [sflag:s24], $0x500  }
0x13a: {  	p0 =	sne.s32 s3, s23;
	s18 =	simm.s32 $0x80;
	[sflag:s24] =	ssyncset.done $0x0  }
.Ltmp3:
0x13b: {  	s19 =	simm.s32 $0x400;
	[sflag:s24] =	ssyncadd.s32 $0xFFFFFB00;
	(pc) =	sbr.rel @p0 .LBB2_1-.Ltmp3, $4  }
0x13c: {  	[hbm4b:s22+s18] =	stream.strided.scatter [tilespmem:s26], [sflag:$0x5], $0x2800, s19, s18, $0x38;
	[tilespmem:$0x1FA00] =	vst v63  }
0x13d: {  	_ =	swait.ge [sflag:s24], $0x2800  }
0x13e: {  	[sflag:s24] =	ssyncset.done $0x0  }
0x13f: {  	[sflag:s24] =	ssyncadd.s32 $0xFFFFD800  }
0x140: {  	_ =	sfence.sel $0x180000  }
0x141: {  	[bflag:$0x0] =	sbarrier.arrive $0xFFFF  }
0x142: {  	_ =	strace $0x90000047  }
0x143: {  	s0 =	stileid.u32;
	[bflag:$0x2] =	sbarrier.arrive $0xFFFF  }
0x144: {  	p0 =	sne.s32 s0, $0x0;
	s0 =	rddreg [dreg:$0x3]  }
0x145: {  	s0 =	sadd.s32 @!p0 $0x100000, s0  }
0x146: {  	[sflag:s0] =	ssyncadd.tile.s32 @!p0 $0x1;
	_ =	shalt  }
.Lfunc_end2:
_tile_overlayer_lowered:
.L_overlay_start_2:
0x147: {  	(tag) =	ssettag $0x2  }
0x148: {  	s0 =	rddreg [dreg:$0x0];
	s2 =	stileid.u32  }
0x149: {  	s1 =	rddreg [dreg:$0x1];
	p0 =	sne.s32 s2, $0x0  }
0x14a: {  	s3 =	rddreg [dreg:$0x2];
	[bflag:$0x3] =	sbarrier.arrive $0xFFFF;
	s2 =	simm.s32 @!p0 $0x1C05  }
0x14b: {  	[timem:s3], [sflag:s2] =	dma.local @!p0 [hbm:s0], s1  }
0x14c: {  	s0 =	simm.s32 @!p0 $0x5  }
0x14d: {  	_ =	swait.ge @!p0 [sflag:s0], s1  }
0x14e: {  	s1 =	ssub.s32 @!p0 $0x0, s1;
	[sflag:s0] =	ssyncset.done @!p0 $0x0  }
0x14f: {  	[sflag:s0] =	ssyncadd.s32 @!p0 s1  }
0x150: {  	[bflag:$0x3] =	sbarrier.arrive $0xFFFF  }
0x151: {  	_ =	shalt  }

</sc_bundles>
